<compile_context>
chip_gen: v7x
topology: tpu7x:2x2x1
jax: 0.10.2.dev20260603
libtpu: 0.0.44.dev20260713+nightly
codegen_flags: <defaults>
</compile_context>

<pallas_src>
import functools

import jax
import jax.numpy as jnp
from jax import lax
from jax.experimental import pallas as pl
from jax.experimental.pallas import tpu as pltpu
from jax.experimental.pallas import tpu_sc as plsc

T, H, F, E = 2048, 768, 1024, 8
BM = 256
TP = T * 2 + E * BM
NT = TP // BM
RW = 32
NR = TP // RW
NSC = 16
TOK_PER_TILE = T // NSC


def _router_body(x_ref, wgt_ref, logits_ref, post_ref, wt_ref, te_ref):
    x = x_ref[...]
    logits = jnp.dot(x, wgt_ref[...], preferred_element_type=jnp.float32)
    logits_ref[...] = logits
    m = jnp.max(logits, axis=1, keepdims=True)
    ex = jnp.exp(logits - m)
    p = ex / jnp.sum(ex, axis=1, keepdims=True)
    idx = lax.broadcasted_iota(jnp.int32, p.shape, 1)
    m1 = jnp.max(p, axis=1, keepdims=True)
    a1 = jnp.min(jnp.where(p == m1, idx, E), axis=1, keepdims=True)
    mask1 = idx == a1
    p2 = jnp.where(mask1, -1.0, p)
    m2 = jnp.max(p2, axis=1, keepdims=True)
    a2 = jnp.min(jnp.where(p2 == m2, idx, E), axis=1, keepdims=True)
    mask2 = idx == a2
    s = m1 + m2
    occ = jnp.where(mask1 | mask2, 1.0, 0.0)
    cum = occ
    k = 1
    while k < T:
        shifted = jnp.concatenate([jnp.zeros((k, E), jnp.float32), cum[:-k]], 0)
        cum = cum + shifted
        k *= 2
    total = cum[T - 1:T, :]
    cume = cum - occ
    pt = jnp.floor((total + (BM - 1)) / BM) * BM
    ei = lax.broadcasted_iota(jnp.int32, (E, E), 0)
    ej = lax.broadcasted_iota(jnp.int32, (E, E), 1)
    strict_lt = jnp.where(ei < ej, 1.0, 0.0)
    po = jnp.dot(pt, strict_lt, preferred_element_type=jnp.float32)
    pos = po + cume
    pos0 = jnp.sum(jnp.where(mask1, pos, 0.0), axis=1, keepdims=True)
    pos1 = jnp.sum(jnp.where(mask2, pos, 0.0), axis=1, keepdims=True)
    post_ref[0:1, :] = pos0.reshape(1, T).astype(jnp.int32)
    post_ref[1:2, :] = pos1.reshape(1, T).astype(jnp.int32)
    wt_ref[0:1, :] = (m1 / s).reshape(1, T)
    wt_ref[1:2, :] = (m2 / s).reshape(1, T)
    mb = (lax.broadcasted_iota(jnp.int32, (NT, E), 0) * BM).astype(jnp.float32)
    cnt = jnp.sum(jnp.where(jnp.broadcast_to(po, (NT, E)) <= mb, 1, 0),
                  axis=1, keepdims=True)
    te_ref[...] = (cnt - 1).reshape(1, NT)


def _iota16(off):
    return lax.broadcasted_iota(jnp.int32, (16,), 0) + off


def _dispatch_gather_body(post, wt, x, xs, sortw,
                          zbuf_i, zbuf_f, posbuf0, posbuf1, wbuf0, wbuf1,
                          tokbuf, idxbuf, rows_a, rows_b,
                          shared_tok, shared_w,
                          sem, scsem, gsem, wsem):
    c = lax.axis_index("c")
    sid = lax.axis_index("s")

    def zbody(i, carry):
        zbuf_i[pl.ds(i * 16, 16)] = jnp.zeros((16,), jnp.int32)
        zbuf_f[pl.ds(i * 16, 16)] = jnp.zeros((16,), jnp.float32)
        return carry

    lax.fori_loop(0, (TP // NSC) // 16, zbody, 0)
    zn = TP // NSC
    pltpu.sync_copy(zbuf_i, shared_tok.at[pl.ds(zn * sid, zn)])
    pltpu.sync_copy(zbuf_f, shared_w.at[pl.ds(zn * sid, zn)])

    base = sid * TOK_PER_TILE
    pltpu.sync_copy(post.at[0, pl.ds(base, TOK_PER_TILE)], posbuf0)
    pltpu.sync_copy(post.at[1, pl.ds(base, TOK_PER_TILE)], posbuf1)
    pltpu.sync_copy(wt.at[0, pl.ds(base, TOK_PER_TILE)], wbuf0)
    pltpu.sync_copy(wt.at[1, pl.ds(base, TOK_PER_TILE)], wbuf1)
    for k in range(TOK_PER_TILE // 16):
        tokbuf[pl.ds(16 * k, 16)] = _iota16(base + 16 * k)

    plsc.subcore_barrier()
    copies = [
        pltpu.async_copy(tokbuf, shared_tok.at[posbuf0], scsem, add=True),
        pltpu.async_copy(tokbuf, shared_tok.at[posbuf1], scsem, add=True),
        pltpu.async_copy(wbuf0, shared_w.at[posbuf0], scsem, add=True),
        pltpu.async_copy(wbuf1, shared_w.at[posbuf1], scsem, add=True),
    ]
    for cp in copies:
        cp.wait()
    plsc.subcore_barrier()

    n_share = TP // 256

    @pl.when(sid < n_share // 2)
    def _writeback_gather():
        share = 2 * sid + c
        e0 = 256 * share
        pltpu.sync_copy(shared_w.at[pl.ds(e0, 256)],
                        sortw.at[pl.ds(e0, 256)])
        pltpu.sync_copy(shared_tok.at[pl.ds(e0, 256)], idxbuf)
        bufs = [rows_a, rows_b]
        gcp = [None] * 4
        wcp = [None] * 4
        gcp[0] = pltpu.async_copy(x.at[idxbuf.at[pl.ds(0, 64)]], rows_a, gsem)
        gcp[1] = pltpu.async_copy(x.at[idxbuf.at[pl.ds(64, 64)]], rows_b, gsem)
        for ch in range(4):
            gcp[ch].wait()
            wcp[ch] = pltpu.async_copy(
                bufs[ch % 2], xs.at[pl.ds(e0 + 64 * ch, 64), :], wsem)
            if ch + 2 < 4:
                wcp[ch].wait()
                gcp[ch + 2] = pltpu.async_copy(
                    x.at[idxbuf.at[pl.ds(64 * (ch + 2), 64)]],
                    bufs[ch % 2], gsem)
        wcp[2].wait()
        wcp[3].wait()


def _moe_body(te_ref, xs_ref, w1_ref, w3_ref, w2_ref, sw_ref, out_ref):
    x = xs_ref[...].astype(jnp.bfloat16)
    w1 = w1_ref[0].astype(jnp.bfloat16)
    w3 = w3_ref[0].astype(jnp.bfloat16)
    w2 = w2_ref[0].astype(jnp.bfloat16)
    gate = jnp.dot(x, w1.T, preferred_element_type=jnp.float32)
    up = jnp.dot(x, w3.T, preferred_element_type=jnp.float32)
    act = (gate * jax.nn.sigmoid(gate) * up).astype(jnp.bfloat16)
    y = jnp.dot(act, w2.T, preferred_element_type=jnp.float32)
    out_ref[...] = y * sw_ref[0]


def _combine_body(post, ysw, out, i0, i1, buf_a, buf_b, sem, gsem, wsem):
    c = lax.axis_index("c")
    sid = lax.axis_index("s")

    @pl.when(sid < 8)
    def _do():
        share = 2 * sid + c
        base = 128 * share
        stage = [
            pltpu.async_copy(post.at[0, pl.ds(base, 128)], i0, sem),
            pltpu.async_copy(post.at[1, pl.ds(base, 128)], i1, sem),
        ]
        for cp in stage:
            cp.wait()
        for u in range(2):
            ga = pltpu.async_copy(ysw.at[i0.at[pl.ds(64 * u, 64)]], buf_a, gsem)
            gb = pltpu.async_copy(ysw.at[i1.at[pl.ds(64 * u, 64)]], buf_b, gsem)
            ga.wait()
            gb.wait()

            def body(r, carry):
                for cc in range(H // 16):
                    buf_a[r, pl.ds(16 * cc, 16)] = (
                        buf_a[r, pl.ds(16 * cc, 16)]
                        + buf_b[r, pl.ds(16 * cc, 16)])
                return carry

            lax.fori_loop(0, 64, body, 0)
            pltpu.sync_copy(buf_a, out.at[pl.ds(base + 64 * u, 64), :])


def kernel(hidden_states, Wg, W1, W3, W2):
    b, s, h = hidden_states.shape
    x = hidden_states.reshape(T, H)

    router = pl.pallas_call(
        _router_body,
        out_shape=[
            jax.ShapeDtypeStruct((T, E), jnp.float32),
            jax.ShapeDtypeStruct((2, T), jnp.int32),
            jax.ShapeDtypeStruct((2, T), jnp.float32),
            jax.ShapeDtypeStruct((1, NT), jnp.int32),
        ],
    )
    router_logits, post, wt, te2d = router(x, Wg.T)

    mesh = plsc.VectorSubcoreMesh(core_axis_name="c", subcore_axis_name="s")
    dispatch = functools.partial(
        pl.kernel,
        out_type=[
            jax.ShapeDtypeStruct((TP, H), jnp.float32),
            jax.ShapeDtypeStruct((TP,), jnp.float32),
        ],
        mesh=mesh,
        scratch_types=[
            pltpu.VMEM((TP // NSC,), jnp.int32),
            pltpu.VMEM((TP // NSC,), jnp.float32),
            pltpu.VMEM((TOK_PER_TILE,), jnp.int32),
            pltpu.VMEM((TOK_PER_TILE,), jnp.int32),
            pltpu.VMEM((TOK_PER_TILE,), jnp.float32),
            pltpu.VMEM((TOK_PER_TILE,), jnp.float32),
            pltpu.VMEM((TOK_PER_TILE,), jnp.int32),
            pltpu.VMEM((256,), jnp.int32),
            pltpu.VMEM((64, H), jnp.float32),
            pltpu.VMEM((64, H), jnp.float32),
            pltpu.VMEM_SHARED((TP,), jnp.int32),
            pltpu.VMEM_SHARED((TP,), jnp.float32),
            pltpu.SemaphoreType.DMA,
            pltpu.SemaphoreType.DMA,
            pltpu.SemaphoreType.DMA,
            pltpu.SemaphoreType.DMA,
        ],
    )(_dispatch_gather_body)
    xs, sortw = dispatch(post, wt, x)

    moe = pl.pallas_call(
        _moe_body,
        grid_spec=pltpu.PrefetchScalarGridSpec(
            num_scalar_prefetch=1,
            grid=(NT,),
            in_specs=[
                pl.BlockSpec((BM, H), lambda m, te: (m, 0)),
                pl.BlockSpec((1, F, H), lambda m, te: (te[m], 0, 0)),
                pl.BlockSpec((1, F, H), lambda m, te: (te[m], 0, 0)),
                pl.BlockSpec((1, H, F), lambda m, te: (te[m], 0, 0)),
                pl.BlockSpec((1, BM, 1), lambda m, te: (m, 0, 0)),
            ],
            out_specs=pl.BlockSpec((BM, H), lambda m, te: (m, 0)),
        ),
        out_shape=jax.ShapeDtypeStruct((TP, H), jnp.float32),
        compiler_params=pltpu.CompilerParams(
            dimension_semantics=("arbitrary",),
        ),
    )
    ysw = moe(te2d.reshape(NT), xs, W1, W3, W2, sortw.reshape(NT, BM, 1))

    combine = functools.partial(
        pl.kernel,
        out_type=jax.ShapeDtypeStruct((T, H), jnp.float32),
        mesh=mesh,
        scratch_types=[
            pltpu.VMEM((128,), jnp.int32),
            pltpu.VMEM((128,), jnp.int32),
            pltpu.VMEM((64, H), jnp.float32),
            pltpu.VMEM((64, H), jnp.float32),
            pltpu.SemaphoreType.DMA,
            pltpu.SemaphoreType.DMA,
            pltpu.SemaphoreType.DMA,
        ],
    )(_combine_body)
    out = combine(post, ysw)
    return out.reshape(b, s, h), router_logits

# --- scband reference (transcript-rebuilt; emitter-appended) ---
"""Pipeline reference for scband-flash-mixtral-layer-78331613545179 (READ-ONLY COPY).

The authoritative reference and input builder live on the scoring server;
editing this copy changes nothing except your own understanding.
"""

import jax, jax.numpy as jnp
import numpy as np

B, S, H, F, E, K = 1, 2048, 768, 1024, 8, 2

def setup_inputs(seed: int = 0) -> dict:
    key = jax.random.key(seed)
    ks = jax.random.split(key, 5)
    hidden_states = jax.random.normal(ks[0], (B, S, H), dtype=jnp.float32)
    Wg = jax.random.normal(ks[1], (E, H), dtype=jnp.float32) * 0.02   # router gate (FastLinear, no bias)
    W1 = jax.random.normal(ks[2], (E, F, H), dtype=jnp.float32) * 0.02  # per-expert gate_proj (w1)
    W3 = jax.random.normal(ks[3], (E, F, H), dtype=jnp.float32) * 0.02  # per-expert up_proj (w3)
    W2 = jax.random.normal(ks[4], (E, H, F), dtype=jnp.float32) * 0.02  # per-expert down_proj (w2)
    return {"hidden_states": hidden_states, "Wg": Wg, "W1": W1, "W3": W3, "W2": W2}

def reference(hidden_states, Wg, W1, W3, W2):
    b, s, h = hidden_states.shape
    x = hidden_states.reshape(-1, h)                       # [T, H]
    router_logits = x @ Wg.T                               # [T, E]
    routing_probs = jax.nn.softmax(router_logits.astype(jnp.float32), axis=1)
    routing_weights, selected_experts = jax.lax.top_k(routing_probs, K)  # [T, K]
    routing_weights = routing_weights / jnp.sum(routing_weights, axis=-1, keepdims=True)
    routing_weights = routing_weights.astype(x.dtype)
    # dense combine weights: zeros except at selected experts (full-capacity MoE, no dropping)
    onehot = jax.nn.one_hot(selected_experts, Wg.shape[0], dtype=x.dtype)  # [T, K, E]
    dense_w = jnp.einsum('tk,tke->te', routing_weights, onehot)            # [T, E]
    gate = jnp.einsum('td,efd->tef', x, W1)               # [T, E, F]
    up = jnp.einsum('td,efd->tef', x, W3)                 # [T, E, F]
    act = jax.nn.silu(gate) * up                          # SwiGLU
    y = jnp.einsum('tef,edf->ted', act, W2)               # [T, E, H]
    out = jnp.einsum('ted,te->td', y, dense_w)            # weighted combine (scatter-add equivalent)
    final_hidden_states = out.reshape(b, s, h)
    return final_hidden_states, router_logits

if __name__ == "__main__":
    import jax
    _d = setup_inputs()
    print(jax.jit(kernel)(*tuple(_d.values())))

</pallas_src>

<mosaic_0001>
#map = affine_map<(d0, d1) -> (0, 0)>
module attributes {stable_mosaic.version = 14 : i64} {
  func.func @_combine_body(%arg0: i32, %arg1: i32, %arg2: memref<2x2048xi32, #tpu.memory_space<hbm>>, %arg3: memref<6144x768xf32, #tpu.memory_space<hbm>>, %arg4: memref<2048x768xf32, #tpu.memory_space<hbm>>, %arg5: memref<128xi32, #tpu.memory_space<vmem>>, %arg6: memref<128xi32, #tpu.memory_space<vmem>>, %arg7: memref<64x768xf32, #tpu.memory_space<vmem>>, %arg8: memref<64x768xf32, #tpu.memory_space<vmem>>, %arg9: memref<!tpu.dma_semaphore, #tpu.memory_space<semaphore_mem>>, %arg10: memref<!tpu.dma_semaphore, #tpu.memory_space<semaphore_mem>>, %arg11: memref<!tpu.dma_semaphore, #tpu.memory_space<semaphore_mem>>) attributes {dimension_semantics = [#tpu.dimension_semantics<core_parallel>, #tpu.dimension_semantics<subcore_parallel>], iteration_bounds = array<i64: 2, 16>, scalar_prefetch = 0 : i64, scratch_operands = 7 : i64, tpu.core_type = #tpu.core_type<sc_vector_subcore>, window_params = [{transform_indices = #map}, {transform_indices = #map}, {transform_indices = #map}]} {
    %lt3A = arith.constant 8 : i32
    %lt3A_0 = arith.cmpi slt, %arg1, %lt3A : i32
    %convert_element_type3A = arith.extui %lt3A_0 : i1 to i32
    %cond3A = arith.constant 0 : i32
    %cond3A_1 = arith.cmpi ne, %convert_element_type3A, %cond3A : i32
    scf.if %cond3A_1 {
      %mul3A = arith.constant 2 : i32
      %mul3A_2 = arith.muli %mul3A, %arg1 : i32
      %add3A = arith.addi %mul3A_2, %arg0 : i32
      %mul3A_3 = arith.constant 128 : i32
      %mul3A_4 = arith.muli %mul3A_3, %add3A : i32
      %dma_start3A = arith.constant 0 : i32
      %dma_start3A_5 = tpu.memref_slice %arg2[%dma_start3A, %mul3A_4] : memref<2x2048xi32, #tpu.memory_space<hbm>> -> memref<1x128xi32, #tpu.memory_space<hbm>>
      %dma_start3A_6 = tpu.memref_squeeze %dma_start3A_5 : memref<1x128xi32, #tpu.memory_space<hbm>> -> memref<128xi32, #tpu.memory_space<hbm>>
      %dma_start3A_7 = tpu.memref_slice %arg2[%dma_start3A, %mul3A_4] : memref<2x2048xi32, #tpu.memory_space<hbm>> -> memref<1x128xi32, #tpu.memory_space<hbm>>
      %dma_start3A_8 = tpu.memref_squeeze %dma_start3A_7 : memref<1x128xi32, #tpu.memory_space<hbm>> -> memref<128xi32, #tpu.memory_space<hbm>>
      tpu.enqueue_dma source(%dma_start3A_8 : memref<128xi32, #tpu.memory_space<hbm>>) target(%arg5 : memref<128xi32, #tpu.memory_space<vmem>>) target_semaphore(%arg9 : memref<!tpu.dma_semaphore, #tpu.memory_space<semaphore_mem>>)
      %dma_start3A_9 = arith.constant 1 : i32
      %dma_start3A_10 = tpu.memref_slice %arg2[%dma_start3A_9, %mul3A_4] : memref<2x2048xi32, #tpu.memory_space<hbm>> -> memref<1x128xi32, #tpu.memory_space<hbm>>
      %dma_start3A_11 = tpu.memref_squeeze %dma_start3A_10 : memref<1x128xi32, #tpu.memory_space<hbm>> -> memref<128xi32, #tpu.memory_space<hbm>>
      %dma_start3A_12 = tpu.memref_slice %arg2[%dma_start3A_9, %mul3A_4] : memref<2x2048xi32, #tpu.memory_space<hbm>> -> memref<1x128xi32, #tpu.memory_space<hbm>>
      %dma_start3A_13 = tpu.memref_squeeze %dma_start3A_12 : memref<1x128xi32, #tpu.memory_space<hbm>> -> memref<128xi32, #tpu.memory_space<hbm>>
      tpu.enqueue_dma source(%dma_start3A_13 : memref<128xi32, #tpu.memory_space<hbm>>) target(%arg6 : memref<128xi32, #tpu.memory_space<vmem>>) target_semaphore(%arg9 : memref<!tpu.dma_semaphore, #tpu.memory_space<semaphore_mem>>)
      %dma_wait3A = arith.constant 0 : i32
      %dma_wait3A_14 = tpu.memref_slice %arg2[%dma_wait3A, %mul3A_4] : memref<2x2048xi32, #tpu.memory_space<hbm>> -> memref<1x128xi32, #tpu.memory_space<hbm>>
      %dma_wait3A_15 = tpu.memref_squeeze %dma_wait3A_14 : memref<1x128xi32, #tpu.memory_space<hbm>> -> memref<128xi32, #tpu.memory_space<hbm>>
      %dma_wait3A_16 = tpu.memref_slice %arg2[%dma_wait3A, %mul3A_4] : memref<2x2048xi32, #tpu.memory_space<hbm>> -> memref<1x128xi32, #tpu.memory_space<hbm>>
      %dma_wait3A_17 = tpu.memref_squeeze %dma_wait3A_16 : memref<1x128xi32, #tpu.memory_space<hbm>> -> memref<128xi32, #tpu.memory_space<hbm>>
      tpu.wait_dma2 semaphore(%arg9 : memref<!tpu.dma_semaphore, #tpu.memory_space<semaphore_mem>>) src(%dma_wait3A_17 : memref<128xi32, #tpu.memory_space<hbm>>) dst(%arg5 : memref<128xi32, #tpu.memory_space<vmem>>)
      %dma_wait3A_18 = arith.constant 1 : i32
      %dma_wait3A_19 = tpu.memref_slice %arg2[%dma_wait3A_18, %mul3A_4] : memref<2x2048xi32, #tpu.memory_space<hbm>> -> memref<1x128xi32, #tpu.memory_space<hbm>>
      %dma_wait3A_20 = tpu.memref_squeeze %dma_wait3A_19 : memref<1x128xi32, #tpu.memory_space<hbm>> -> memref<128xi32, #tpu.memory_space<hbm>>
      %dma_wait3A_21 = tpu.memref_slice %arg2[%dma_wait3A_18, %mul3A_4] : memref<2x2048xi32, #tpu.memory_space<hbm>> -> memref<1x128xi32, #tpu.memory_space<hbm>>
      %dma_wait3A_22 = tpu.memref_squeeze %dma_wait3A_21 : memref<1x128xi32, #tpu.memory_space<hbm>> -> memref<128xi32, #tpu.memory_space<hbm>>
      tpu.wait_dma2 semaphore(%arg9 : memref<!tpu.dma_semaphore, #tpu.memory_space<semaphore_mem>>) src(%dma_wait3A_22 : memref<128xi32, #tpu.memory_space<hbm>>) dst(%arg6 : memref<128xi32, #tpu.memory_space<vmem>>)
      %dma_start3A_23 = arith.constant 0 : i32
      %dma_start3A_24 = tpu.memref_slice %arg5[%dma_start3A_23] : memref<128xi32, #tpu.memory_space<vmem>> -> memref<64xi32, #tpu.memory_space<vmem>>
      %dma_start3A_25 = arith.constant 0 : i32
      %dma_start3A_26 = arith.constant 0 : i32
      %dma_start3A_27 = tpu.memref_slice %arg3[%dma_start3A_25, %dma_start3A_26] : memref<6144x768xf32, #tpu.memory_space<hbm>> -> memref<6144x768xf32, #tpu.memory_space<hbm>>
      tpu.enqueue_indirect_dma source(%dma_start3A_27 : memref<6144x768xf32, #tpu.memory_space<hbm>>) target(%arg7 : memref<64x768xf32, #tpu.memory_space<vmem>>) offsets(%dma_start3A_24 : memref<64xi32, #tpu.memory_space<vmem>>) semaphore(%arg10 : memref<!tpu.dma_semaphore, #tpu.memory_space<semaphore_mem>>)
      %dma_start3A_28 = arith.constant 0 : i32
      %dma_start3A_29 = tpu.memref_slice %arg6[%dma_start3A_28] : memref<128xi32, #tpu.memory_space<vmem>> -> memref<64xi32, #tpu.memory_space<vmem>>
      %dma_start3A_30 = arith.constant 0 : i32
      %dma_start3A_31 = arith.constant 0 : i32
      %dma_start3A_32 = tpu.memref_slice %arg3[%dma_start3A_30, %dma_start3A_31] : memref<6144x768xf32, #tpu.memory_space<hbm>> -> memref<6144x768xf32, #tpu.memory_space<hbm>>
      tpu.enqueue_indirect_dma source(%dma_start3A_32 : memref<6144x768xf32, #tpu.memory_space<hbm>>) target(%arg8 : memref<64x768xf32, #tpu.memory_space<vmem>>) offsets(%dma_start3A_29 : memref<64xi32, #tpu.memory_space<vmem>>) semaphore(%arg10 : memref<!tpu.dma_semaphore, #tpu.memory_space<semaphore_mem>>)
      %dma_wait3A_33 = arith.constant 0 : i32
      %dma_wait3A_34 = tpu.memref_slice %arg5[%dma_wait3A_33] : memref<128xi32, #tpu.memory_space<vmem>> -> memref<64xi32, #tpu.memory_space<vmem>>
      %dma_wait3A_35 = arith.constant 0 : i32
      %dma_wait3A_36 = arith.constant 0 : i32
      %dma_wait3A_37 = tpu.memref_slice %arg3[%dma_wait3A_35, %dma_wait3A_36] : memref<6144x768xf32, #tpu.memory_space<hbm>> -> memref<6144x768xf32, #tpu.memory_space<hbm>>
      tpu.wait_indirect_dma semaphore(%arg10 : memref<!tpu.dma_semaphore, #tpu.memory_space<semaphore_mem>>) src(%dma_wait3A_37 : memref<6144x768xf32, #tpu.memory_space<hbm>>) dst(%arg7 : memref<64x768xf32, #tpu.memory_space<vmem>>)
      %dma_wait3A_38 = arith.constant 0 : i32
      %dma_wait3A_39 = tpu.memref_slice %arg6[%dma_wait3A_38] : memref<128xi32, #tpu.memory_space<vmem>> -> memref<64xi32, #tpu.memory_space<vmem>>
      %dma_wait3A_40 = arith.constant 0 : i32
      %dma_wait3A_41 = arith.constant 0 : i32
      %dma_wait3A_42 = tpu.memref_slice %arg3[%dma_wait3A_40, %dma_wait3A_41] : memref<6144x768xf32, #tpu.memory_space<hbm>> -> memref<6144x768xf32, #tpu.memory_space<hbm>>
      tpu.wait_indirect_dma semaphore(%arg10 : memref<!tpu.dma_semaphore, #tpu.memory_space<semaphore_mem>>) src(%dma_wait3A_42 : memref<6144x768xf32, #tpu.memory_space<hbm>>) dst(%arg8 : memref<64x768xf32, #tpu.memory_space<vmem>>)
      %scan3A = arith.constant 0 : i32
      %scan3A_43 = arith.constant 0 : i32
      %scan3A_44 = arith.constant 64 : i32
      %scan3A_45 = arith.addi %scan3A_43, %scan3A_44 : i32
      %scan3A_46 = arith.constant 1 : i32
      scf.for %scan3A_78 = %scan3A_43 to %scan3A_45 step %scan3A_46  : i32 {
        %get3A = arith.index_cast %scan3A_78 : i32 to index
        %get3A_79 = arith.constant 0 : index
        %get3A_80 = tpu.vector_load %arg7[%get3A, %get3A_79] {strides = array<i32>} : memref<64x768xf32, #tpu.memory_space<vmem>>, vector<1x16xf32>,
        %get3A_81 = vector.shape_cast %get3A_80 : vector<1x16xf32> to vector<16xf32>
        %get3A_82 = arith.index_cast %scan3A_78 : i32 to index
        %get3A_83 = arith.constant 0 : index
        %get3A_84 = tpu.vector_load %arg8[%get3A_82, %get3A_83] {strides = array<i32>} : memref<64x768xf32, #tpu.memory_space<vmem>>, vector<1x16xf32>,
        %get3A_85 = vector.shape_cast %get3A_84 : vector<1x16xf32> to vector<16xf32>
        %add3A_86 = arith.addf %get3A_81, %get3A_85 : vector<16xf32>
        %swap3A = arith.index_cast %scan3A_78 : i32 to index
        %swap3A_87 = arith.constant 0 : index
        %swap3A_88 = tpu.vector_load %arg7[%swap3A, %swap3A_87] {strides = array<i32>} : memref<64x768xf32, #tpu.memory_space<vmem>>, vector<1x16xf32>,
        %swap3A_89 = vector.shape_cast %swap3A_88 : vector<1x16xf32> to vector<16xf32>
        %swap3A_90 = vector.shape_cast %add3A_86 : vector<16xf32> to vector<1x16xf32>
        tpu.vector_store %arg7[%swap3A, %swap3A_87], %swap3A_90 {strides = array<i32>} : memref<64x768xf32, #tpu.memory_space<vmem>>, vector<1x16xf32>,
        %get3A_91 = arith.index_cast %scan3A_78 : i32 to index
        %get3A_92 = arith.constant 16 : index
        %get3A_93 = tpu.vector_load %arg7[%get3A_91, %get3A_92] {strides = array<i32>} : memref<64x768xf32, #tpu.memory_space<vmem>>, vector<1x16xf32>,
        %get3A_94 = vector.shape_cast %get3A_93 : vector<1x16xf32> to vector<16xf32>
        %get3A_95 = arith.index_cast %scan3A_78 : i32 to index
        %get3A_96 = arith.constant 16 : index
        %get3A_97 = tpu.vector_load %arg8[%get3A_95, %get3A_96] {strides = array<i32>} : memref<64x768xf32, #tpu.memory_space<vmem>>, vector<1x16xf32>,
        %get3A_98 = vector.shape_cast %get3A_97 : vector<1x16xf32> to vector<16xf32>
        %add3A_99 = arith.addf %get3A_94, %get3A_98 : vector<16xf32>
        %swap3A_100 = arith.index_cast %scan3A_78 : i32 to index
        %swap3A_101 = arith.constant 16 : index
        %swap3A_102 = tpu.vector_load %arg7[%swap3A_100, %swap3A_101] {strides = array<i32>} : memref<64x768xf32, #tpu.memory_space<vmem>>, vector<1x16xf32>,
        %swap3A_103 = vector.shape_cast %swap3A_102 : vector<1x16xf32> to vector<16xf32>
        %swap3A_104 = vector.shape_cast %add3A_99 : vector<16xf32> to vector<1x16xf32>
        tpu.vector_store %arg7[%swap3A_100, %swap3A_101], %swap3A_104 {strides = array<i32>} : memref<64x768xf32, #tpu.memory_space<vmem>>, vector<1x16xf32>,
        %get3A_105 = arith.index_cast %scan3A_78 : i32 to index
        %get3A_106 = arith.constant 32 : index
        %get3A_107 = tpu.vector_load %arg7[%get3A_105, %get3A_106] {strides = array<i32>} : memref<64x768xf32, #tpu.memory_space<vmem>>, vector<1x16xf32>,
        %get3A_108 = vector.shape_cast %get3A_107 : vector<1x16xf32> to vector<16xf32>
        %get3A_109 = arith.index_cast %scan3A_78 : i32 to index
        %get3A_110 = arith.constant 32 : index
        %get3A_111 = tpu.vector_load %arg8[%get3A_109, %get3A_110] {strides = array<i32>} : memref<64x768xf32, #tpu.memory_space<vmem>>, vector<1x16xf32>,
        %get3A_112 = vector.shape_cast %get3A_111 : vector<1x16xf32> to vector<16xf32>
        %add3A_113 = arith.addf %get3A_108, %get3A_112 : vector<16xf32>
        %swap3A_114 = arith.index_cast %scan3A_78 : i32 to index
        %swap3A_115 = arith.constant 32 : index
        %swap3A_116 = tpu.vector_load %arg7[%swap3A_114, %swap3A_115] {strides = array<i32>} : memref<64x768xf32, #tpu.memory_space<vmem>>, vector<1x16xf32>,
        %swap3A_117 = vector.shape_cast %swap3A_116 : vector<1x16xf32> to vector<16xf32>
        %swap3A_118 = vector.shape_cast %add3A_113 : vector<16xf32> to vector<1x16xf32>
        tpu.vector_store %arg7[%swap3A_114, %swap3A_115], %swap3A_118 {strides = array<i32>} : memref<64x768xf32, #tpu.memory_space<vmem>>, vector<1x16xf32>,
        %get3A_119 = arith.index_cast %scan3A_78 : i32 to index
        %get3A_120 = arith.constant 48 : index
        %get3A_121 = tpu.vector_load %arg7[%get3A_119, %get3A_120] {strides = array<i32>} : memref<64x768xf32, #tpu.memory_space<vmem>>, vector<1x16xf32>,
        %get3A_122 = vector.shape_cast %get3A_121 : vector<1x16xf32> to vector<16xf32>
        %get3A_123 = arith.index_cast %scan3A_78 : i32 to index
        %get3A_124 = arith.constant 48 : index
        %get3A_125 = tpu.vector_load %arg8[%get3A_123, %get3A_124] {strides = array<i32>} : memref<64x768xf32, #tpu.memory_space<vmem>>, vector<1x16xf32>,
        %get3A_126 = vector.shape_cast %get3A_125 : vector<1x16xf32> to vector<16xf32>
        %add3A_127 = arith.addf %get3A_122, %get3A_126 : vector<16xf32>
        %swap3A_128 = arith.index_cast %scan3A_78 : i32 to index
        %swap3A_129 = arith.constant 48 : index
        %swap3A_130 = tpu.vector_load %arg7[%swap3A_128, %swap3A_129] {strides = array<i32>} : memref<64x768xf32, #tpu.memory_space<vmem>>, vector<1x16xf32>,
        %swap3A_131 = vector.shape_cast %swap3A_130 : vector<1x16xf32> to vector<16xf32>
        %swap3A_132 = vector.shape_cast %add3A_127 : vector<16xf32> to vector<1x16xf32>
        tpu.vector_store %arg7[%swap3A_128, %swap3A_129], %swap3A_132 {strides = array<i32>} : memref<64x768xf32, #tpu.memory_space<vmem>>, vector<1x16xf32>,
        %get3A_133 = arith.index_cast %scan3A_78 : i32 to index
        %get3A_134 = arith.constant 64 : index
        %get3A_135 = tpu.vector_load %arg7[%get3A_133, %get3A_134] {strides = array<i32>} : memref<64x768xf32, #tpu.memory_space<vmem>>, vector<1x16xf32>,
        %get3A_136 = vector.shape_cast %get3A_135 : vector<1x16xf32> to vector<16xf32>
        %get3A_137 = arith.index_cast %scan3A_78 : i32 to index
        %get3A_138 = arith.constant 64 : index
        %get3A_139 = tpu.vector_load %arg8[%get3A_137, %get3A_138] {strides = array<i32>} : memref<64x768xf32, #tpu.memory_space<vmem>>, vector<1x16xf32>,
        %get3A_140 = vector.shape_cast %get3A_139 : vector<1x16xf32> to vector<16xf32>
        %add3A_141 = arith.addf %get3A_136, %get3A_140 : vector<16xf32>
        %swap3A_142 = arith.index_cast %scan3A_78 : i32 to index
        %swap3A_143 = arith.constant 64 : index
        %swap3A_144 = tpu.vector_load %arg7[%swap3A_142, %swap3A_143] {strides = array<i32>} : memref<64x768xf32, #tpu.memory_space<vmem>>, vector<1x16xf32>,
        %swap3A_145 = vector.shape_cast %swap3A_144 : vector<1x16xf32> to vector<16xf32>
        %swap3A_146 = vector.shape_cast %add3A_141 : vector<16xf32> to vector<1x16xf32>
        tpu.vector_store %arg7[%swap3A_142, %swap3A_143], %swap3A_146 {strides = array<i32>} : memref<64x768xf32, #tpu.memory_space<vmem>>, vector<1x16xf32>,
        %get3A_147 = arith.index_cast %scan3A_78 : i32 to index
        %get3A_148 = arith.constant 80 : index
        %get3A_149 = tpu.vector_load %arg7[%get3A_147, %get3A_148] {strides = array<i32>} : memref<64x768xf32, #tpu.memory_space<vmem>>, vector<1x16xf32>,
        %get3A_150 = vector.shape_cast %get3A_149 : vector<1x16xf32> to vector<16xf32>
        %get3A_151 = arith.index_cast %scan3A_78 : i32 to index
        %get3A_152 = arith.constant 80 : index
        %get3A_153 = tpu.vector_load %arg8[%get3A_151, %get3A_152] {strides = array<i32>} : memref<64x768xf32, #tpu.memory_space<vmem>>, vector<1x16xf32>,
        %get3A_154 = vector.shape_cast %get3A_153 : vector<1x16xf32> to vector<16xf32>
        %add3A_155 = arith.addf %get3A_150, %get3A_154 : vector<16xf32>
        %swap3A_156 = arith.index_cast %scan3A_78 : i32 to index
        %swap3A_157 = arith.constant 80 : index
        %swap3A_158 = tpu.vector_load %arg7[%swap3A_156, %swap3A_157] {strides = array<i32>} : memref<64x768xf32, #tpu.memory_space<vmem>>, vector<1x16xf32>,
        %swap3A_159 = vector.shape_cast %swap3A_158 : vector<1x16xf32> to vector<16xf32>
        %swap3A_160 = vector.shape_cast %add3A_155 : vector<16xf32> to vector<1x16xf32>
        tpu.vector_store %arg7[%swap3A_156, %swap3A_157], %swap3A_160 {strides = array<i32>} : memref<64x768xf32, #tpu.memory_space<vmem>>, vector<1x16xf32>,
        %get3A_161 = arith.index_cast %scan3A_78 : i32 to index
        %get3A_162 = arith.constant 96 : index
        %get3A_163 = tpu.vector_load %arg7[%get3A_161, %get3A_162] {strides = array<i32>} : memref<64x768xf32, #tpu.memory_space<vmem>>, vector<1x16xf32>,
        %get3A_164 = vector.shape_cast %get3A_163 : vector<1x16xf32> to vector<16xf32>
        %get3A_165 = arith.index_cast %scan3A_78 : i32 to index
        %get3A_166 = arith.constant 96 : index
        %get3A_167 = tpu.vector_load %arg8[%get3A_165, %get3A_166] {strides = array<i32>} : memref<64x768xf32, #tpu.memory_space<vmem>>, vector<1x16xf32>,
        %get3A_168 = vector.shape_cast %get3A_167 : vector<1x16xf32> to vector<16xf32>
        %add3A_169 = arith.addf %get3A_164, %get3A_168 : vector<16xf32>
        %swap3A_170 = arith.index_cast %scan3A_78 : i32 to index
        %swap3A_171 = arith.constant 96 : index
        %swap3A_172 = tpu.vector_load %arg7[%swap3A_170, %swap3A_171] {strides = array<i32>} : memref<64x768xf32, #tpu.memory_space<vmem>>, vector<1x16xf32>,
        %swap3A_173 = vector.shape_cast %swap3A_172 : vector<1x16xf32> to vector<16xf32>
        %swap3A_174 = vector.shape_cast %add3A_169 : vector<16xf32> to vector<1x16xf32>
        tpu.vector_store %arg7[%swap3A_170, %swap3A_171], %swap3A_174 {strides = array<i32>} : memref<64x768xf32, #tpu.memory_space<vmem>>, vector<1x16xf32>,
        %get3A_175 = arith.index_cast %scan3A_78 : i32 to index
        %get3A_176 = arith.constant 112 : index
        %get3A_177 = tpu.vector_load %arg7[%get3A_175, %get3A_176] {strides = array<i32>} : memref<64x768xf32, #tpu.memory_space<vmem>>, vector<1x16xf32>,
        %get3A_178 = vector.shape_cast %get3A_177 : vector<1x16xf32> to vector<16xf32>
        %get3A_179 = arith.index_cast %scan3A_78 : i32 to index
        %get3A_180 = arith.constant 112 : index
        %get3A_181 = tpu.vector_load %arg8[%get3A_179, %get3A_180] {strides = array<i32>} : memref<64x768xf32, #tpu.memory_space<vmem>>, vector<1x16xf32>,
        %get3A_182 = vector.shape_cast %get3A_181 : vector<1x16xf32> to vector<16xf32>
        %add3A_183 = arith.addf %get3A_178, %get3A_182 : vector<16xf32>
        %swap3A_184 = arith.index_cast %scan3A_78 : i32 to index
        %swap3A_185 = arith.constant 112 : index
        %swap3A_186 = tpu.vector_load %arg7[%swap3A_184, %swap3A_185] {strides = array<i32>} : memref<64x768xf32, #tpu.memory_space<vmem>>, vector<1x16xf32>,
        %swap3A_187 = vector.shape_cast %swap3A_186 : vector<1x16xf32> to vector<16xf32>
        %swap3A_188 = vector.shape_cast %add3A_183 : vector<16xf32> to vector<1x16xf32>
        tpu.vector_store %arg7[%swap3A_184, %swap3A_185], %swap3A_188 {strides = array<i32>} : memref<64x768xf32, #tpu.memory_space<vmem>>, vector<1x16xf32>,
        %get3A_189 = arith.index_cast %scan3A_78 : i32 to index
        %get3A_190 = arith.constant 128 : index
        %get3A_191 = tpu.vector_load %arg7[%get3A_189, %get3A_190] {strides = array<i32>} : memref<64x768xf32, #tpu.memory_space<vmem>>, vector<1x16xf32>,
        %get3A_192 = vector.shape_cast %get3A_191 : vector<1x16xf32> to vector<16xf32>
        %get3A_193 = arith.index_cast %scan3A_78 : i32 to index
        %get3A_194 = arith.constant 128 : index
        %get3A_195 = tpu.vector_load %arg8[%get3A_193, %get3A_194] {strides = array<i32>} : memref<64x768xf32, #tpu.memory_space<vmem>>, vector<1x16xf32>,
        %get3A_196 = vector.shape_cast %get3A_195 : vector<1x16xf32> to vector<16xf32>
        %add3A_197 = arith.addf %get3A_192, %get3A_196 : vector<16xf32>
        %swap3A_198 = arith.index_cast %scan3A_78 : i32 to index
        %swap3A_199 = arith.constant 128 : index
        %swap3A_200 = tpu.vector_load %arg7[%swap3A_198, %swap3A_199] {strides = array<i32>} : memref<64x768xf32, #tpu.memory_space<vmem>>, vector<1x16xf32>,
        %swap3A_201 = vector.shape_cast %swap3A_200 : vector<1x16xf32> to vector<16xf32>
        %swap3A_202 = vector.shape_cast %add3A_197 : vector<16xf32> to vector<1x16xf32>
        tpu.vector_store %arg7[%swap3A_198, %swap3A_199], %swap3A_202 {strides = array<i32>} : memref<64x768xf32, #tpu.memory_space<vmem>>, vector<1x16xf32>,
        %get3A_203 = arith.index_cast %scan3A_78 : i32 to index
        %get3A_204 = arith.constant 144 : index
        %get3A_205 = tpu.vector_load %arg7[%get3A_203, %get3A_204] {strides = array<i32>} : memref<64x768xf32, #tpu.memory_space<vmem>>, vector<1x16xf32>,
        %get3A_206 = vector.shape_cast %get3A_205 : vector<1x16xf32> to vector<16xf32>
        %get3A_207 = arith.index_cast %scan3A_78 : i32 to index
        %get3A_208 = arith.constant 144 : index
        %get3A_209 = tpu.vector_load %arg8[%get3A_207, %get3A_208] {strides = array<i32>} : memref<64x768xf32, #tpu.memory_space<vmem>>, vector<1x16xf32>,
        %get3A_210 = vector.shape_cast %get3A_209 : vector<1x16xf32> to vector<16xf32>
        %add3A_211 = arith.addf %get3A_206, %get3A_210 : vector<16xf32>
        %swap3A_212 = arith.index_cast %scan3A_78 : i32 to index
        %swap3A_213 = arith.constant 144 : index
        %swap3A_214 = tpu.vector_load %arg7[%swap3A_212, %swap3A_213] {strides = array<i32>} : memref<64x768xf32, #tpu.memory_space<vmem>>, vector<1x16xf32>,
        %swap3A_215 = vector.shape_cast %swap3A_214 : vector<1x16xf32> to vector<16xf32>
        %swap3A_216 = vector.shape_cast %add3A_211 : vector<16xf32> to vector<1x16xf32>
        tpu.vector_store %arg7[%swap3A_212, %swap3A_213], %swap3A_216 {strides = array<i32>} : memref<64x768xf32, #tpu.memory_space<vmem>>, vector<1x16xf32>,
        %get3A_217 = arith.index_cast %scan3A_78 : i32 to index
        %get3A_218 = arith.constant 160 : index
        %get3A_219 = tpu.vector_load %arg7[%get3A_217, %get3A_218] {strides = array<i32>} : memref<64x768xf32, #tpu.memory_space<vmem>>, vector<1x16xf32>,
        %get3A_220 = vector.shape_cast %get3A_219 : vector<1x16xf32> to vector<16xf32>
        %get3A_221 = arith.index_cast %scan3A_78 : i32 to index
        %get3A_222 = arith.constant 160 : index
        %get3A_223 = tpu.vector_load %arg8[%get3A_221, %get3A_222] {strides = array<i32>} : memref<64x768xf32, #tpu.memory_space<vmem>>, vector<1x16xf32>,
        %get3A_224 = vector.shape_cast %get3A_223 : vector<1x16xf32> to vector<16xf32>
        %add3A_225 = arith.addf %get3A_220, %get3A_224 : vector<16xf32>
        %swap3A_226 = arith.index_cast %scan3A_78 : i32 to index
        %swap3A_227 = arith.constant 160 : index
        %swap3A_228 = tpu.vector_load %arg7[%swap3A_226, %swap3A_227] {strides = array<i32>} : memref<64x768xf32, #tpu.memory_space<vmem>>, vector<1x16xf32>,
        %swap3A_229 = vector.shape_cast %swap3A_228 : vector<1x16xf32> to vector<16xf32>
        %swap3A_230 = vector.shape_cast %add3A_225 : vector<16xf32> to vector<1x16xf32>
        tpu.vector_store %arg7[%swap3A_226, %swap3A_227], %swap3A_230 {strides = array<i32>} : memref<64x768xf32, #tpu.memory_space<vmem>>, vector<1x16xf32>,
        %get3A_231 = arith.index_cast %scan3A_78 : i32 to index
        %get3A_232 = arith.constant 176 : index
        %get3A_233 = tpu.vector_load %arg7[%get3A_231, %get3A_232] {strides = array<i32>} : memref<64x768xf32, #tpu.memory_space<vmem>>, vector<1x16xf32>,
        %get3A_234 = vector.shape_cast %get3A_233 : vector<1x16xf32> to vector<16xf32>
        %get3A_235 = arith.index_cast %scan3A_78 : i32 to index
        %get3A_236 = arith.constant 176 : index
        %get3A_237 = tpu.vector_load %arg8[%get3A_235, %get3A_236] {strides = array<i32>} : memref<64x768xf32, #tpu.memory_space<vmem>>, vector<1x16xf32>,
        %get3A_238 = vector.shape_cast %get3A_237 : vector<1x16xf32> to vector<16xf32>
        %add3A_239 = arith.addf %get3A_234, %get3A_238 : vector<16xf32>
        %swap3A_240 = arith.index_cast %scan3A_78 : i32 to index
        %swap3A_241 = arith.constant 176 : index
        %swap3A_242 = tpu.vector_load %arg7[%swap3A_240, %swap3A_241] {strides = array<i32>} : memref<64x768xf32, #tpu.memory_space<vmem>>, vector<1x16xf32>,
        %swap3A_243 = vector.shape_cast %swap3A_242 : vector<1x16xf32> to vector<16xf32>
        %swap3A_244 = vector.shape_cast %add3A_239 : vector<16xf32> to vector<1x16xf32>
        tpu.vector_store %arg7[%swap3A_240, %swap3A_241], %swap3A_244 {strides = array<i32>} : memref<64x768xf32, #tpu.memory_space<vmem>>, vector<1x16xf32>,
        %get3A_245 = arith.index_cast %scan3A_78 : i32 to index
        %get3A_246 = arith.constant 192 : index
        %get3A_247 = tpu.vector_load %arg7[%get3A_245, %get3A_246] {strides = array<i32>} : memref<64x768xf32, #tpu.memory_space<vmem>>, vector<1x16xf32>,
        %get3A_248 = vector.shape_cast %get3A_247 : vector<1x16xf32> to vector<16xf32>
        %get3A_249 = arith.index_cast %scan3A_78 : i32 to index
        %get3A_250 = arith.constant 192 : index
        %get3A_251 = tpu.vector_load %arg8[%get3A_249, %get3A_250] {strides = array<i32>} : memref<64x768xf32, #tpu.memory_space<vmem>>, vector<1x16xf32>,
        %get3A_252 = vector.shape_cast %get3A_251 : vector<1x16xf32> to vector<16xf32>
        %add3A_253 = arith.addf %get3A_248, %get3A_252 : vector<16xf32>
        %swap3A_254 = arith.index_cast %scan3A_78 : i32 to index
        %swap3A_255 = arith.constant 192 : index
        %swap3A_256 = tpu.vector_load %arg7[%swap3A_254, %swap3A_255] {strides = array<i32>} : memref<64x768xf32, #tpu.memory_space<vmem>>, vector<1x16xf32>,
        %swap3A_257 = vector.shape_cast %swap3A_256 : vector<1x16xf32> to vector<16xf32>
        %swap3A_258 = vector.shape_cast %add3A_253 : vector<16xf32> to vector<1x16xf32>
        tpu.vector_store %arg7[%swap3A_254, %swap3A_255], %swap3A_258 {strides = array<i32>} : memref<64x768xf32, #tpu.memory_space<vmem>>, vector<1x16xf32>,
        %get3A_259 = arith.index_cast %scan3A_78 : i32 to index
        %get3A_260 = arith.constant 208 : index
        %get3A_261 = tpu.vector_load %arg7[%get3A_259, %get3A_260] {strides = array<i32>} : memref<64x768xf32, #tpu.memory_space<vmem>>, vector<1x16xf32>,
        %get3A_262 = vector.shape_cast %get3A_261 : vector<1x16xf32> to vector<16xf32>
        %get3A_263 = arith.index_cast %scan3A_78 : i32 to index
        %get3A_264 = arith.constant 208 : index
        %get3A_265 = tpu.vector_load %arg8[%get3A_263, %get3A_264] {strides = array<i32>} : memref<64x768xf32, #tpu.memory_space<vmem>>, vector<1x16xf32>,
        %get3A_266 = vector.shape_cast %get3A_265 : vector<1x16xf32> to vector<16xf32>
        %add3A_267 = arith.addf %get3A_262, %get3A_266 : vector<16xf32>
        %swap3A_268 = arith.index_cast %scan3A_78 : i32 to index
        %swap3A_269 = arith.constant 208 : index
        %swap3A_270 = tpu.vector_load %arg7[%swap3A_268, %swap3A_269] {strides = array<i32>} : memref<64x768xf32, #tpu.memory_space<vmem>>, vector<1x16xf32>,
        %swap3A_271 = vector.shape_cast %swap3A_270 : vector<1x16xf32> to vector<16xf32>
        %swap3A_272 = vector.shape_cast %add3A_267 : vector<16xf32> to vector<1x16xf32>
        tpu.vector_store %arg7[%swap3A_268, %swap3A_269], %swap3A_272 {strides = array<i32>} : memref<64x768xf32, #tpu.memory_space<vmem>>, vector<1x16xf32>,
        %get3A_273 = arith.index_cast %scan3A_78 : i32 to index
        %get3A_274 = arith.constant 224 : index
        %get3A_275 = tpu.vector_load %arg7[%get3A_273, %get3A_274] {strides = array<i32>} : memref<64x768xf32, #tpu.memory_space<vmem>>, vector<1x16xf32>,
        %get3A_276 = vector.shape_cast %get3A_275 : vector<1x16xf32> to vector<16xf32>
        %get3A_277 = arith.index_cast %scan3A_78 : i32 to index
        %get3A_278 = arith.constant 224 : index
        %get3A_279 = tpu.vector_load %arg8[%get3A_277, %get3A_278] {strides = array<i32>} : memref<64x768xf32, #tpu.memory_space<vmem>>, vector<1x16xf32>,
        %get3A_280 = vector.shape_cast %get3A_279 : vector<1x16xf32> to vector<16xf32>
        %add3A_281 = arith.addf %get3A_276, %get3A_280 : vector<16xf32>
        %swap3A_282 = arith.index_cast %scan3A_78 : i32 to index
        %swap3A_283 = arith.constant 224 : index
        %swap3A_284 = tpu.vector_load %arg7[%swap3A_282, %swap3A_283] {strides = array<i32>} : memref<64x768xf32, #tpu.memory_space<vmem>>, vector<1x16xf32>,
        %swap3A_285 = vector.shape_cast %swap3A_284 : vector<1x16xf32> to vector<16xf32>
        %swap3A_286 = vector.shape_cast %add3A_281 : vector<16xf32> to vector<1x16xf32>
        tpu.vector_store %arg7[%swap3A_282, %swap3A_283], %swap3A_286 {strides = array<i32>} : memref<64x768xf32, #tpu.memory_space<vmem>>, vector<1x16xf32>,
        %get3A_287 = arith.index_cast %scan3A_78 : i32 to index
        %get3A_288 = arith.constant 240 : index
        %get3A_289 = tpu.vector_load %arg7[%get3A_287, %get3A_288] {strides = array<i32>} : memref<64x768xf32, #tpu.memory_space<vmem>>, vector<1x16xf32>,
        %get3A_290 = vector.shape_cast %get3A_289 : vector<1x16xf32> to vector<16xf32>
        %get3A_291 = arith.index_cast %scan3A_78 : i32 to index
        %get3A_292 = arith.constant 240 : index
        %get3A_293 = tpu.vector_load %arg8[%get3A_291, %get3A_292] {strides = array<i32>} : memref<64x768xf32, #tpu.memory_space<vmem>>, vector<1x16xf32>,
        %get3A_294 = vector.shape_cast %get3A_293 : vector<1x16xf32> to vector<16xf32>
        %add3A_295 = arith.addf %get3A_290, %get3A_294 : vector<16xf32>
        %swap3A_296 = arith.index_cast %scan3A_78 : i32 to index
        %swap3A_297 = arith.constant 240 : index
        %swap3A_298 = tpu.vector_load %arg7[%swap3A_296, %swap3A_297] {strides = array<i32>} : memref<64x768xf32, #tpu.memory_space<vmem>>, vector<1x16xf32>,
        %swap3A_299 = vector.shape_cast %swap3A_298 : vector<1x16xf32> to vector<16xf32>
        %swap3A_300 = vector.shape_cast %add3A_295 : vector<16xf32> to vector<1x16xf32>
        tpu.vector_store %arg7[%swap3A_296, %swap3A_297], %swap3A_300 {strides = array<i32>} : memref<64x768xf32, #tpu.memory_space<vmem>>, vector<1x16xf32>,
        %get3A_301 = arith.index_cast %scan3A_78 : i32 to index
        %get3A_302 = arith.constant 256 : index
        %get3A_303 = tpu.vector_load %arg7[%get3A_301, %get3A_302] {strides = array<i32>} : memref<64x768xf32, #tpu.memory_space<vmem>>, vector<1x16xf32>,
        %get3A_304 = vector.shape_cast %get3A_303 : vector<1x16xf32> to vector<16xf32>
        %get3A_305 = arith.index_cast %scan3A_78 : i32 to index
        %get3A_306 = arith.constant 256 : index
        %get3A_307 = tpu.vector_load %arg8[%get3A_305, %get3A_306] {strides = array<i32>} : memref<64x768xf32, #tpu.memory_space<vmem>>, vector<1x16xf32>,
        %get3A_308 = vector.shape_cast %get3A_307 : vector<1x16xf32> to vector<16xf32>
        %add3A_309 = arith.addf %get3A_304, %get3A_308 : vector<16xf32>
        %swap3A_310 = arith.index_cast %scan3A_78 : i32 to index
        %swap3A_311 = arith.constant 256 : index
        %swap3A_312 = tpu.vector_load %arg7[%swap3A_310, %swap3A_311] {strides = array<i32>} : memref<64x768xf32, #tpu.memory_space<vmem>>, vector<1x16xf32>,
        %swap3A_313 = vector.shape_cast %swap3A_312 : vector<1x16xf32> to vector<16xf32>
        %swap3A_314 = vector.shape_cast %add3A_309 : vector<16xf32> to vector<1x16xf32>
        tpu.vector_store %arg7[%swap3A_310, %swap3A_311], %swap3A_314 {strides = array<i32>} : memref<64x768xf32, #tpu.memory_space<vmem>>, vector<1x16xf32>,
        %get3A_315 = arith.index_cast %scan3A_78 : i32 to index
        %get3A_316 = arith.constant 272 : index
        %get3A_317 = tpu.vector_load %arg7[%get3A_315, %get3A_316] {strides = array<i32>} : memref<64x768xf32, #tpu.memory_space<vmem>>, vector<1x16xf32>,
        %get3A_318 = vector.shape_cast %get3A_317 : vector<1x16xf32> to vector<16xf32>
        %get3A_319 = arith.index_cast %scan3A_78 : i32 to index
        %get3A_320 = arith.constant 272 : index
        %get3A_321 = tpu.vector_load %arg8[%get3A_319, %get3A_320] {strides = array<i32>} : memref<64x768xf32, #tpu.memory_space<vmem>>, vector<1x16xf32>,
        %get3A_322 = vector.shape_cast %get3A_321 : vector<1x16xf32> to vector<16xf32>
        %add3A_323 = arith.addf %get3A_318, %get3A_322 : vector<16xf32>
        %swap3A_324 = arith.index_cast %scan3A_78 : i32 to index
        %swap3A_325 = arith.constant 272 : index
        %swap3A_326 = tpu.vector_load %arg7[%swap3A_324, %swap3A_325] {strides = array<i32>} : memref<64x768xf32, #tpu.memory_space<vmem>>, vector<1x16xf32>,
        %swap3A_327 = vector.shape_cast %swap3A_326 : vector<1x16xf32> to vector<16xf32>
        %swap3A_328 = vector.shape_cast %add3A_323 : vector<16xf32> to vector<1x16xf32>
        tpu.vector_store %arg7[%swap3A_324, %swap3A_325], %swap3A_328 {strides = array<i32>} : memref<64x768xf32, #tpu.memory_space<vmem>>, vector<1x16xf32>,
        %get3A_329 = arith.index_cast %scan3A_78 : i32 to index
        %get3A_330 = arith.constant 288 : index
        %get3A_331 = tpu.vector_load %arg7[%get3A_329, %get3A_330] {strides = array<i32>} : memref<64x768xf32, #tpu.memory_space<vmem>>, vector<1x16xf32>,
        %get3A_332 = vector.shape_cast %get3A_331 : vector<1x16xf32> to vector<16xf32>
        %get3A_333 = arith.index_cast %scan3A_78 : i32 to index
        %get3A_334 = arith.constant 288 : index
        %get3A_335 = tpu.vector_load %arg8[%get3A_333, %get3A_334] {strides = array<i32>} : memref<64x768xf32, #tpu.memory_space<vmem>>, vector<1x16xf32>,
        %get3A_336 = vector.shape_cast %get3A_335 : vector<1x16xf32> to vector<16xf32>
        %add3A_337 = arith.addf %get3A_332, %get3A_336 : vector<16xf32>
        %swap3A_338 = arith.index_cast %scan3A_78 : i32 to index
        %swap3A_339 = arith.constant 288 : index
        %swap3A_340 = tpu.vector_load %arg7[%swap3A_338, %swap3A_339] {strides = array<i32>} : memref<64x768xf32, #tpu.memory_space<vmem>>, vector<1x16xf32>,
        %swap3A_341 = vector.shape_cast %swap3A_340 : vector<1x16xf32> to vector<16xf32>
        %swap3A_342 = vector.shape_cast %add3A_337 : vector<16xf32> to vector<1x16xf32>
        tpu.vector_store %arg7[%swap3A_338, %swap3A_339], %swap3A_342 {strides = array<i32>} : memref<64x768xf32, #tpu.memory_space<vmem>>, vector<1x16xf32>,
        %get3A_343 = arith.index_cast %scan3A_78 : i32 to index
        %get3A_344 = arith.constant 304 : index
        %get3A_345 = tpu.vector_load %arg7[%get3A_343, %get3A_344] {strides = array<i32>} : memref<64x768xf32, #tpu.memory_space<vmem>>, vector<1x16xf32>,
        %get3A_346 = vector.shape_cast %get3A_345 : vector<1x16xf32> to vector<16xf32>
        %get3A_347 = arith.index_cast %scan3A_78 : i32 to index
        %get3A_348 = arith.constant 304 : index
        %get3A_349 = tpu.vector_load %arg8[%get3A_347, %get3A_348] {strides = array<i32>} : memref<64x768xf32, #tpu.memory_space<vmem>>, vector<1x16xf32>,
        %get3A_350 = vector.shape_cast %get3A_349 : vector<1x16xf32> to vector<16xf32>
        %add3A_351 = arith.addf %get3A_346, %get3A_350 : vector<16xf32>
        %swap3A_352 = arith.index_cast %scan3A_78 : i32 to index
        %swap3A_353 = arith.constant 304 : index
        %swap3A_354 = tpu.vector_load %arg7[%swap3A_352, %swap3A_353] {strides = array<i32>} : memref<64x768xf32, #tpu.memory_space<vmem>>, vector<1x16xf32>,
        %swap3A_355 = vector.shape_cast %swap3A_354 : vector<1x16xf32> to vector<16xf32>
        %swap3A_356 = vector.shape_cast %add3A_351 : vector<16xf32> to vector<1x16xf32>
        tpu.vector_store %arg7[%swap3A_352, %swap3A_353], %swap3A_356 {strides = array<i32>} : memref<64x768xf32, #tpu.memory_space<vmem>>, vector<1x16xf32>,
        %get3A_357 = arith.index_cast %scan3A_78 : i32 to index
        %get3A_358 = arith.constant 320 : index
        %get3A_359 = tpu.vector_load %arg7[%get3A_357, %get3A_358] {strides = array<i32>} : memref<64x768xf32, #tpu.memory_space<vmem>>, vector<1x16xf32>,
        %get3A_360 = vector.shape_cast %get3A_359 : vector<1x16xf32> to vector<16xf32>
        %get3A_361 = arith.index_cast %scan3A_78 : i32 to index
        %get3A_362 = arith.constant 320 : index
        %get3A_363 = tpu.vector_load %arg8[%get3A_361, %get3A_362] {strides = array<i32>} : memref<64x768xf32, #tpu.memory_space<vmem>>, vector<1x16xf32>,
        %get3A_364 = vector.shape_cast %get3A_363 : vector<1x16xf32> to vector<16xf32>
        %add3A_365 = arith.addf %get3A_360, %get3A_364 : vector<16xf32>
        %swap3A_366 = arith.index_cast %scan3A_78 : i32 to index
        %swap3A_367 = arith.constant 320 : index
        %swap3A_368 = tpu.vector_load %arg7[%swap3A_366, %swap3A_367] {strides = array<i32>} : memref<64x768xf32, #tpu.memory_space<vmem>>, vector<1x16xf32>,
        %swap3A_369 = vector.shape_cast %swap3A_368 : vector<1x16xf32> to vector<16xf32>
        %swap3A_370 = vector.shape_cast %add3A_365 : vector<16xf32> to vector<1x16xf32>
        tpu.vector_store %arg7[%swap3A_366, %swap3A_367], %swap3A_370 {strides = array<i32>} : memref<64x768xf32, #tpu.memory_space<vmem>>, vector<1x16xf32>,
        %get3A_371 = arith.index_cast %scan3A_78 : i32 to index
        %get3A_372 = arith.constant 336 : index
        %get3A_373 = tpu.vector_load %arg7[%get3A_371, %get3A_372] {strides = array<i32>} : memref<64x768xf32, #tpu.memory_space<vmem>>, vector<1x16xf32>,
        %get3A_374 = vector.shape_cast %get3A_373 : vector<1x16xf32> to vector<16xf32>
        %get3A_375 = arith.index_cast %scan3A_78 : i32 to index
        %get3A_376 = arith.constant 336 : index
        %get3A_377 = tpu.vector_load %arg8[%get3A_375, %get3A_376] {strides = array<i32>} : memref<64x768xf32, #tpu.memory_space<vmem>>, vector<1x16xf32>,
        %get3A_378 = vector.shape_cast %get3A_377 : vector<1x16xf32> to vector<16xf32>
        %add3A_379 = arith.addf %get3A_374, %get3A_378 : vector<16xf32>
        %swap3A_380 = arith.index_cast %scan3A_78 : i32 to index
        %swap3A_381 = arith.constant 336 : index
        %swap3A_382 = tpu.vector_load %arg7[%swap3A_380, %swap3A_381] {strides = array<i32>} : memref<64x768xf32, #tpu.memory_space<vmem>>, vector<1x16xf32>,
        %swap3A_383 = vector.shape_cast %swap3A_382 : vector<1x16xf32> to vector<16xf32>
        %swap3A_384 = vector.shape_cast %add3A_379 : vector<16xf32> to vector<1x16xf32>
        tpu.vector_store %arg7[%swap3A_380, %swap3A_381], %swap3A_384 {strides = array<i32>} : memref<64x768xf32, #tpu.memory_space<vmem>>, vector<1x16xf32>,
        %get3A_385 = arith.index_cast %scan3A_78 : i32 to index
        %get3A_386 = arith.constant 352 : index
        %get3A_387 = tpu.vector_load %arg7[%get3A_385, %get3A_386] {strides = array<i32>} : memref<64x768xf32, #tpu.memory_space<vmem>>, vector<1x16xf32>,
        %get3A_388 = vector.shape_cast %get3A_387 : vector<1x16xf32> to vector<16xf32>
        %get3A_389 = arith.index_cast %scan3A_78 : i32 to index
        %get3A_390 = arith.constant 352 : index
        %get3A_391 = tpu.vector_load %arg8[%get3A_389, %get3A_390] {strides = array<i32>} : memref<64x768xf32, #tpu.memory_space<vmem>>, vector<1x16xf32>,
        %get3A_392 = vector.shape_cast %get3A_391 : vector<1x16xf32> to vector<16xf32>
        %add3A_393 = arith.addf %get3A_388, %get3A_392 : vector<16xf32>
        %swap3A_394 = arith.index_cast %scan3A_78 : i32 to index
        %swap3A_395 = arith.constant 352 : index
        %swap3A_396 = tpu.vector_load %arg7[%swap3A_394, %swap3A_395] {strides = array<i32>} : memref<64x768xf32, #tpu.memory_space<vmem>>, vector<1x16xf32>,
        %swap3A_397 = vector.shape_cast %swap3A_396 : vector<1x16xf32> to vector<16xf32>
        %swap3A_398 = vector.shape_cast %add3A_393 : vector<16xf32> to vector<1x16xf32>
        tpu.vector_store %arg7[%swap3A_394, %swap3A_395], %swap3A_398 {strides = array<i32>} : memref<64x768xf32, #tpu.memory_space<vmem>>, vector<1x16xf32>,
        %get3A_399 = arith.index_cast %scan3A_78 : i32 to index
        %get3A_400 = arith.constant 368 : index
        %get3A_401 = tpu.vector_load %arg7[%get3A_399, %get3A_400] {strides = array<i32>} : memref<64x768xf32, #tpu.memory_space<vmem>>, vector<1x16xf32>,
        %get3A_402 = vector.shape_cast %get3A_401 : vector<1x16xf32> to vector<16xf32>
        %get3A_403 = arith.index_cast %scan3A_78 : i32 to index
        %get3A_404 = arith.constant 368 : index
        %get3A_405 = tpu.vector_load %arg8[%get3A_403, %get3A_404] {strides = array<i32>} : memref<64x768xf32, #tpu.memory_space<vmem>>, vector<1x16xf32>,
        %get3A_406 = vector.shape_cast %get3A_405 : vector<1x16xf32> to vector<16xf32>
        %add3A_407 = arith.addf %get3A_402, %get3A_406 : vector<16xf32>
        %swap3A_408 = arith.index_cast %scan3A_78 : i32 to index
        %swap3A_409 = arith.constant 368 : index
        %swap3A_410 = tpu.vector_load %arg7[%swap3A_408, %swap3A_409] {strides = array<i32>} : memref<64x768xf32, #tpu.memory_space<vmem>>, vector<1x16xf32>,
        %swap3A_411 = vector.shape_cast %swap3A_410 : vector<1x16xf32> to vector<16xf32>
        %swap3A_412 = vector.shape_cast %add3A_407 : vector<16xf32> to vector<1x16xf32>
        tpu.vector_store %arg7[%swap3A_408, %swap3A_409], %swap3A_412 {strides = array<i32>} : memref<64x768xf32, #tpu.memory_space<vmem>>, vector<1x16xf32>,
        %get3A_413 = arith.index_cast %scan3A_78 : i32 to index
        %get3A_414 = arith.constant 384 : index
        %get3A_415 = tpu.vector_load %arg7[%get3A_413, %get3A_414] {strides = array<i32>} : memref<64x768xf32, #tpu.memory_space<vmem>>, vector<1x16xf32>,
        %get3A_416 = vector.shape_cast %get3A_415 : vector<1x16xf32> to vector<16xf32>
        %get3A_417 = arith.index_cast %scan3A_78 : i32 to index
        %get3A_418 = arith.constant 384 : index
        %get3A_419 = tpu.vector_load %arg8[%get3A_417, %get3A_418] {strides = array<i32>} : memref<64x768xf32, #tpu.memory_space<vmem>>, vector<1x16xf32>,
        %get3A_420 = vector.shape_cast %get3A_419 : vector<1x16xf32> to vector<16xf32>
        %add3A_421 = arith.addf %get3A_416, %get3A_420 : vector<16xf32>
        %swap3A_422 = arith.index_cast %scan3A_78 : i32 to index
        %swap3A_423 = arith.constant 384 : index
        %swap3A_424 = tpu.vector_load %arg7[%swap3A_422, %swap3A_423] {strides = array<i32>} : memref<64x768xf32, #tpu.memory_space<vmem>>, vector<1x16xf32>,
        %swap3A_425 = vector.shape_cast %swap3A_424 : vector<1x16xf32> to vector<16xf32>
        %swap3A_426 = vector.shape_cast %add3A_421 : vector<16xf32> to vector<1x16xf32>
        tpu.vector_store %arg7[%swap3A_422, %swap3A_423], %swap3A_426 {strides = array<i32>} : memref<64x768xf32, #tpu.memory_space<vmem>>, vector<1x16xf32>,
        %get3A_427 = arith.index_cast %scan3A_78 : i32 to index
        %get3A_428 = arith.constant 400 : index
        %get3A_429 = tpu.vector_load %arg7[%get3A_427, %get3A_428] {strides = array<i32>} : memref<64x768xf32, #tpu.memory_space<vmem>>, vector<1x16xf32>,
        %get3A_430 = vector.shape_cast %get3A_429 : vector<1x16xf32> to vector<16xf32>
        %get3A_431 = arith.index_cast %scan3A_78 : i32 to index
        %get3A_432 = arith.constant 400 : index
        %get3A_433 = tpu.vector_load %arg8[%get3A_431, %get3A_432] {strides = array<i32>} : memref<64x768xf32, #tpu.memory_space<vmem>>, vector<1x16xf32>,
        %get3A_434 = vector.shape_cast %get3A_433 : vector<1x16xf32> to vector<16xf32>
        %add3A_435 = arith.addf %get3A_430, %get3A_434 : vector<16xf32>
        %swap3A_436 = arith.index_cast %scan3A_78 : i32 to index
        %swap3A_437 = arith.constant 400 : index
        %swap3A_438 = tpu.vector_load %arg7[%swap3A_436, %swap3A_437] {strides = array<i32>} : memref<64x768xf32, #tpu.memory_space<vmem>>, vector<1x16xf32>,
        %swap3A_439 = vector.shape_cast %swap3A_438 : vector<1x16xf32> to vector<16xf32>
        %swap3A_440 = vector.shape_cast %add3A_435 : vector<16xf32> to vector<1x16xf32>
        tpu.vector_store %arg7[%swap3A_436, %swap3A_437], %swap3A_440 {strides = array<i32>} : memref<64x768xf32, #tpu.memory_space<vmem>>, vector<1x16xf32>,
        %get3A_441 = arith.index_cast %scan3A_78 : i32 to index
        %get3A_442 = arith.constant 416 : index
        %get3A_443 = tpu.vector_load %arg7[%get3A_441, %get3A_442] {strides = array<i32>} : memref<64x768xf32, #tpu.memory_space<vmem>>, vector<1x16xf32>,
        %get3A_444 = vector.shape_cast %get3A_443 : vector<1x16xf32> to vector<16xf32>
        %get3A_445 = arith.index_cast %scan3A_78 : i32 to index
        %get3A_446 = arith.constant 416 : index
        %get3A_447 = tpu.vector_load %arg8[%get3A_445, %get3A_446] {strides = array<i32>} : memref<64x768xf32, #tpu.memory_space<vmem>>, vector<1x16xf32>,
        %get3A_448 = vector.shape_cast %get3A_447 : vector<1x16xf32> to vector<16xf32>
        %add3A_449 = arith.addf %get3A_444, %get3A_448 : vector<16xf32>
        %swap3A_450 = arith.index_cast %scan3A_78 : i32 to index
        %swap3A_451 = arith.constant 416 : index
        %swap3A_452 = tpu.vector_load %arg7[%swap3A_450, %swap3A_451] {strides = array<i32>} : memref<64x768xf32, #tpu.memory_space<vmem>>, vector<1x16xf32>,
        %swap3A_453 = vector.shape_cast %swap3A_452 : vector<1x16xf32> to vector<16xf32>
        %swap3A_454 = vector.shape_cast %add3A_449 : vector<16xf32> to vector<1x16xf32>
        tpu.vector_store %arg7[%swap3A_450, %swap3A_451], %swap3A_454 {strides = array<i32>} : memref<64x768xf32, #tpu.memory_space<vmem>>, vector<1x16xf32>,
        %get3A_455 = arith.index_cast %scan3A_78 : i32 to index
        %get3A_456 = arith.constant 432 : index
        %get3A_457 = tpu.vector_load %arg7[%get3A_455, %get3A_456] {strides = array<i32>} : memref<64x768xf32, #tpu.memory_space<vmem>>, vector<1x16xf32>,
        %get3A_458 = vector.shape_cast %get3A_457 : vector<1x16xf32> to vector<16xf32>
        %get3A_459 = arith.index_cast %scan3A_78 : i32 to index
        %get3A_460 = arith.constant 432 : index
        %get3A_461 = tpu.vector_load %arg8[%get3A_459, %get3A_460] {strides = array<i32>} : memref<64x768xf32, #tpu.memory_space<vmem>>, vector<1x16xf32>,
        %get3A_462 = vector.shape_cast %get3A_461 : vector<1x16xf32> to vector<16xf32>
        %add3A_463 = arith.addf %get3A_458, %get3A_462 : vector<16xf32>
        %swap3A_464 = arith.index_cast %scan3A_78 : i32 to index
        %swap3A_465 = arith.constant 432 : index
        %swap3A_466 = tpu.vector_load %arg7[%swap3A_464, %swap3A_465] {strides = array<i32>} : memref<64x768xf32, #tpu.memory_space<vmem>>, vector<1x16xf32>,
        %swap3A_467 = vector.shape_cast %swap3A_466 : vector<1x16xf32> to vector<16xf32>
        %swap3A_468 = vector.shape_cast %add3A_463 : vector<16xf32> to vector<1x16xf32>
        tpu.vector_store %arg7[%swap3A_464, %swap3A_465], %swap3A_468 {strides = array<i32>} : memref<64x768xf32, #tpu.memory_space<vmem>>, vector<1x16xf32>,
        %get3A_469 = arith.index_cast %scan3A_78 : i32 to index
        %get3A_470 = arith.constant 448 : index
        %get3A_471 = tpu.vector_load %arg7[%get3A_469, %get3A_470] {strides = array<i32>} : memref<64x768xf32, #tpu.memory_space<vmem>>, vector<1x16xf32>,
        %get3A_472 = vector.shape_cast %get3A_471 : vector<1x16xf32> to vector<16xf32>
        %get3A_473 = arith.index_cast %scan3A_78 : i32 to index
        %get3A_474 = arith.constant 448 : index
        %get3A_475 = tpu.vector_load %arg8[%get3A_473, %get3A_474] {strides = array<i32>} : memref<64x768xf32, #tpu.memory_space<vmem>>, vector<1x16xf32>,
        %get3A_476 = vector.shape_cast %get3A_475 : vector<1x16xf32> to vector<16xf32>
        %add3A_477 = arith.addf %get3A_472, %get3A_476 : vector<16xf32>
        %swap3A_478 = arith.index_cast %scan3A_78 : i32 to index
        %swap3A_479 = arith.constant 448 : index
        %swap3A_480 = tpu.vector_load %arg7[%swap3A_478, %swap3A_479] {strides = array<i32>} : memref<64x768xf32, #tpu.memory_space<vmem>>, vector<1x16xf32>,
        %swap3A_481 = vector.shape_cast %swap3A_480 : vector<1x16xf32> to vector<16xf32>
        %swap3A_482 = vector.shape_cast %add3A_477 : vector<16xf32> to vector<1x16xf32>
        tpu.vector_store %arg7[%swap3A_478, %swap3A_479], %swap3A_482 {strides = array<i32>} : memref<64x768xf32, #tpu.memory_space<vmem>>, vector<1x16xf32>,
        %get3A_483 = arith.index_cast %scan3A_78 : i32 to index
        %get3A_484 = arith.constant 464 : index
        %get3A_485 = tpu.vector_load %arg7[%get3A_483, %get3A_484] {strides = array<i32>} : memref<64x768xf32, #tpu.memory_space<vmem>>, vector<1x16xf32>,
        %get3A_486 = vector.shape_cast %get3A_485 : vector<1x16xf32> to vector<16xf32>
        %get3A_487 = arith.index_cast %scan3A_78 : i32 to index
        %get3A_488 = arith.constant 464 : index
        %get3A_489 = tpu.vector_load %arg8[%get3A_487, %get3A_488] {strides = array<i32>} : memref<64x768xf32, #tpu.memory_space<vmem>>, vector<1x16xf32>,
        %get3A_490 = vector.shape_cast %get3A_489 : vector<1x16xf32> to vector<16xf32>
        %add3A_491 = arith.addf %get3A_486, %get3A_490 : vector<16xf32>
        %swap3A_492 = arith.index_cast %scan3A_78 : i32 to index
        %swap3A_493 = arith.constant 464 : index
        %swap3A_494 = tpu.vector_load %arg7[%swap3A_492, %swap3A_493] {strides = array<i32>} : memref<64x768xf32, #tpu.memory_space<vmem>>, vector<1x16xf32>,
        %swap3A_495 = vector.shape_cast %swap3A_494 : vector<1x16xf32> to vector<16xf32>
        %swap3A_496 = vector.shape_cast %add3A_491 : vector<16xf32> to vector<1x16xf32>
        tpu.vector_store %arg7[%swap3A_492, %swap3A_493], %swap3A_496 {strides = array<i32>} : memref<64x768xf32, #tpu.memory_space<vmem>>, vector<1x16xf32>,
        %get3A_497 = arith.index_cast %scan3A_78 : i32 to index
        %get3A_498 = arith.constant 480 : index
        %get3A_499 = tpu.vector_load %arg7[%get3A_497, %get3A_498] {strides = array<i32>} : memref<64x768xf32, #tpu.memory_space<vmem>>, vector<1x16xf32>,
        %get3A_500 = vector.shape_cast %get3A_499 : vector<1x16xf32> to vector<16xf32>
        %get3A_501 = arith.index_cast %scan3A_78 : i32 to index
        %get3A_502 = arith.constant 480 : index
        %get3A_503 = tpu.vector_load %arg8[%get3A_501, %get3A_502] {strides = array<i32>} : memref<64x768xf32, #tpu.memory_space<vmem>>, vector<1x16xf32>,
        %get3A_504 = vector.shape_cast %get3A_503 : vector<1x16xf32> to vector<16xf32>
        %add3A_505 = arith.addf %get3A_500, %get3A_504 : vector<16xf32>
        %swap3A_506 = arith.index_cast %scan3A_78 : i32 to index
        %swap3A_507 = arith.constant 480 : index
        %swap3A_508 = tpu.vector_load %arg7[%swap3A_506, %swap3A_507] {strides = array<i32>} : memref<64x768xf32, #tpu.memory_space<vmem>>, vector<1x16xf32>,
        %swap3A_509 = vector.shape_cast %swap3A_508 : vector<1x16xf32> to vector<16xf32>
        %swap3A_510 = vector.shape_cast %add3A_505 : vector<16xf32> to vector<1x16xf32>
        tpu.vector_store %arg7[%swap3A_506, %swap3A_507], %swap3A_510 {strides = array<i32>} : memref<64x768xf32, #tpu.memory_space<vmem>>, vector<1x16xf32>,
        %get3A_511 = arith.index_cast %scan3A_78 : i32 to index
        %get3A_512 = arith.constant 496 : index
        %get3A_513 = tpu.vector_load %arg7[%get3A_511, %get3A_512] {strides = array<i32>} : memref<64x768xf32, #tpu.memory_space<vmem>>, vector<1x16xf32>,
        %get3A_514 = vector.shape_cast %get3A_513 : vector<1x16xf32> to vector<16xf32>
        %get3A_515 = arith.index_cast %scan3A_78 : i32 to index
        %get3A_516 = arith.constant 496 : index
        %get3A_517 = tpu.vector_load %arg8[%get3A_515, %get3A_516] {strides = array<i32>} : memref<64x768xf32, #tpu.memory_space<vmem>>, vector<1x16xf32>,
        %get3A_518 = vector.shape_cast %get3A_517 : vector<1x16xf32> to vector<16xf32>
        %add3A_519 = arith.addf %get3A_514, %get3A_518 : vector<16xf32>
        %swap3A_520 = arith.index_cast %scan3A_78 : i32 to index
        %swap3A_521 = arith.constant 496 : index
        %swap3A_522 = tpu.vector_load %arg7[%swap3A_520, %swap3A_521] {strides = array<i32>} : memref<64x768xf32, #tpu.memory_space<vmem>>, vector<1x16xf32>,
        %swap3A_523 = vector.shape_cast %swap3A_522 : vector<1x16xf32> to vector<16xf32>
        %swap3A_524 = vector.shape_cast %add3A_519 : vector<16xf32> to vector<1x16xf32>
        tpu.vector_store %arg7[%swap3A_520, %swap3A_521], %swap3A_524 {strides = array<i32>} : memref<64x768xf32, #tpu.memory_space<vmem>>, vector<1x16xf32>,
        %get3A_525 = arith.index_cast %scan3A_78 : i32 to index
        %get3A_526 = arith.constant 512 : index
        %get3A_527 = tpu.vector_load %arg7[%get3A_525, %get3A_526] {strides = array<i32>} : memref<64x768xf32, #tpu.memory_space<vmem>>, vector<1x16xf32>,
        %get3A_528 = vector.shape_cast %get3A_527 : vector<1x16xf32> to vector<16xf32>
        %get3A_529 = arith.index_cast %scan3A_78 : i32 to index
        %get3A_530 = arith.constant 512 : index
        %get3A_531 = tpu.vector_load %arg8[%get3A_529, %get3A_530] {strides = array<i32>} : memref<64x768xf32, #tpu.memory_space<vmem>>, vector<1x16xf32>,
        %get3A_532 = vector.shape_cast %get3A_531 : vector<1x16xf32> to vector<16xf32>
        %add3A_533 = arith.addf %get3A_528, %get3A_532 : vector<16xf32>
        %swap3A_534 = arith.index_cast %scan3A_78 : i32 to index
        %swap3A_535 = arith.constant 512 : index
        %swap3A_536 = tpu.vector_load %arg7[%swap3A_534, %swap3A_535] {strides = array<i32>} : memref<64x768xf32, #tpu.memory_space<vmem>>, vector<1x16xf32>,
        %swap3A_537 = vector.shape_cast %swap3A_536 : vector<1x16xf32> to vector<16xf32>
        %swap3A_538 = vector.shape_cast %add3A_533 : vector<16xf32> to vector<1x16xf32>
        tpu.vector_store %arg7[%swap3A_534, %swap3A_535], %swap3A_538 {strides = array<i32>} : memref<64x768xf32, #tpu.memory_space<vmem>>, vector<1x16xf32>,
        %get3A_539 = arith.index_cast %scan3A_78 : i32 to index
        %get3A_540 = arith.constant 528 : index
        %get3A_541 = tpu.vector_load %arg7[%get3A_539, %get3A_540] {strides = array<i32>} : memref<64x768xf32, #tpu.memory_space<vmem>>, vector<1x16xf32>,
        %get3A_542 = vector.shape_cast %get3A_541 : vector<1x16xf32> to vector<16xf32>
        %get3A_543 = arith.index_cast %scan3A_78 : i32 to index
        %get3A_544 = arith.constant 528 : index
        %get3A_545 = tpu.vector_load %arg8[%get3A_543, %get3A_544] {strides = array<i32>} : memref<64x768xf32, #tpu.memory_space<vmem>>, vector<1x16xf32>,
        %get3A_546 = vector.shape_cast %get3A_545 : vector<1x16xf32> to vector<16xf32>
        %add3A_547 = arith.addf %get3A_542, %get3A_546 : vector<16xf32>
        %swap3A_548 = arith.index_cast %scan3A_78 : i32 to index
        %swap3A_549 = arith.constant 528 : index
        %swap3A_550 = tpu.vector_load %arg7[%swap3A_548, %swap3A_549] {strides = array<i32>} : memref<64x768xf32, #tpu.memory_space<vmem>>, vector<1x16xf32>,
        %swap3A_551 = vector.shape_cast %swap3A_550 : vector<1x16xf32> to vector<16xf32>
        %swap3A_552 = vector.shape_cast %add3A_547 : vector<16xf32> to vector<1x16xf32>
        tpu.vector_store %arg7[%swap3A_548, %swap3A_549], %swap3A_552 {strides = array<i32>} : memref<64x768xf32, #tpu.memory_space<vmem>>, vector<1x16xf32>,
        %get3A_553 = arith.index_cast %scan3A_78 : i32 to index
        %get3A_554 = arith.constant 544 : index
        %get3A_555 = tpu.vector_load %arg7[%get3A_553, %get3A_554] {strides = array<i32>} : memref<64x768xf32, #tpu.memory_space<vmem>>, vector<1x16xf32>,
        %get3A_556 = vector.shape_cast %get3A_555 : vector<1x16xf32> to vector<16xf32>
        %get3A_557 = arith.index_cast %scan3A_78 : i32 to index
        %get3A_558 = arith.constant 544 : index
        %get3A_559 = tpu.vector_load %arg8[%get3A_557, %get3A_558] {strides = array<i32>} : memref<64x768xf32, #tpu.memory_space<vmem>>, vector<1x16xf32>,
        %get3A_560 = vector.shape_cast %get3A_559 : vector<1x16xf32> to vector<16xf32>
        %add3A_561 = arith.addf %get3A_556, %get3A_560 : vector<16xf32>
        %swap3A_562 = arith.index_cast %scan3A_78 : i32 to index
        %swap3A_563 = arith.constant 544 : index
        %swap3A_564 = tpu.vector_load %arg7[%swap3A_562, %swap3A_563] {strides = array<i32>} : memref<64x768xf32, #tpu.memory_space<vmem>>, vector<1x16xf32>,
        %swap3A_565 = vector.shape_cast %swap3A_564 : vector<1x16xf32> to vector<16xf32>
        %swap3A_566 = vector.shape_cast %add3A_561 : vector<16xf32> to vector<1x16xf32>
        tpu.vector_store %arg7[%swap3A_562, %swap3A_563], %swap3A_566 {strides = array<i32>} : memref<64x768xf32, #tpu.memory_space<vmem>>, vector<1x16xf32>,
        %get3A_567 = arith.index_cast %scan3A_78 : i32 to index
        %get3A_568 = arith.constant 560 : index
        %get3A_569 = tpu.vector_load %arg7[%get3A_567, %get3A_568] {strides = array<i32>} : memref<64x768xf32, #tpu.memory_space<vmem>>, vector<1x16xf32>,
        %get3A_570 = vector.shape_cast %get3A_569 : vector<1x16xf32> to vector<16xf32>
        %get3A_571 = arith.index_cast %scan3A_78 : i32 to index
        %get3A_572 = arith.constant 560 : index
        %get3A_573 = tpu.vector_load %arg8[%get3A_571, %get3A_572] {strides = array<i32>} : memref<64x768xf32, #tpu.memory_space<vmem>>, vector<1x16xf32>,
        %get3A_574 = vector.shape_cast %get3A_573 : vector<1x16xf32> to vector<16xf32>
        %add3A_575 = arith.addf %get3A_570, %get3A_574 : vector<16xf32>
        %swap3A_576 = arith.index_cast %scan3A_78 : i32 to index
        %swap3A_577 = arith.constant 560 : index
        %swap3A_578 = tpu.vector_load %arg7[%swap3A_576, %swap3A_577] {strides = array<i32>} : memref<64x768xf32, #tpu.memory_space<vmem>>, vector<1x16xf32>,
        %swap3A_579 = vector.shape_cast %swap3A_578 : vector<1x16xf32> to vector<16xf32>
        %swap3A_580 = vector.shape_cast %add3A_575 : vector<16xf32> to vector<1x16xf32>
        tpu.vector_store %arg7[%swap3A_576, %swap3A_577], %swap3A_580 {strides = array<i32>} : memref<64x768xf32, #tpu.memory_space<vmem>>, vector<1x16xf32>,
        %get3A_581 = arith.index_cast %scan3A_78 : i32 to index
        %get3A_582 = arith.constant 576 : index
        %get3A_583 = tpu.vector_load %arg7[%get3A_581, %get3A_582] {strides = array<i32>} : memref<64x768xf32, #tpu.memory_space<vmem>>, vector<1x16xf32>,
        %get3A_584 = vector.shape_cast %get3A_583 : vector<1x16xf32> to vector<16xf32>
        %get3A_585 = arith.index_cast %scan3A_78 : i32 to index
        %get3A_586 = arith.constant 576 : index
        %get3A_587 = tpu.vector_load %arg8[%get3A_585, %get3A_586] {strides = array<i32>} : memref<64x768xf32, #tpu.memory_space<vmem>>, vector<1x16xf32>,
        %get3A_588 = vector.shape_cast %get3A_587 : vector<1x16xf32> to vector<16xf32>
        %add3A_589 = arith.addf %get3A_584, %get3A_588 : vector<16xf32>
        %swap3A_590 = arith.index_cast %scan3A_78 : i32 to index
        %swap3A_591 = arith.constant 576 : index
        %swap3A_592 = tpu.vector_load %arg7[%swap3A_590, %swap3A_591] {strides = array<i32>} : memref<64x768xf32, #tpu.memory_space<vmem>>, vector<1x16xf32>,
        %swap3A_593 = vector.shape_cast %swap3A_592 : vector<1x16xf32> to vector<16xf32>
        %swap3A_594 = vector.shape_cast %add3A_589 : vector<16xf32> to vector<1x16xf32>
        tpu.vector_store %arg7[%swap3A_590, %swap3A_591], %swap3A_594 {strides = array<i32>} : memref<64x768xf32, #tpu.memory_space<vmem>>, vector<1x16xf32>,
        %get3A_595 = arith.index_cast %scan3A_78 : i32 to index
        %get3A_596 = arith.constant 592 : index
        %get3A_597 = tpu.vector_load %arg7[%get3A_595, %get3A_596] {strides = array<i32>} : memref<64x768xf32, #tpu.memory_space<vmem>>, vector<1x16xf32>,
        %get3A_598 = vector.shape_cast %get3A_597 : vector<1x16xf32> to vector<16xf32>
        %get3A_599 = arith.index_cast %scan3A_78 : i32 to index
        %get3A_600 = arith.constant 592 : index
        %get3A_601 = tpu.vector_load %arg8[%get3A_599, %get3A_600] {strides = array<i32>} : memref<64x768xf32, #tpu.memory_space<vmem>>, vector<1x16xf32>,
        %get3A_602 = vector.shape_cast %get3A_601 : vector<1x16xf32> to vector<16xf32>
        %add3A_603 = arith.addf %get3A_598, %get3A_602 : vector<16xf32>
        %swap3A_604 = arith.index_cast %scan3A_78 : i32 to index
        %swap3A_605 = arith.constant 592 : index
        %swap3A_606 = tpu.vector_load %arg7[%swap3A_604, %swap3A_605] {strides = array<i32>} : memref<64x768xf32, #tpu.memory_space<vmem>>, vector<1x16xf32>,
        %swap3A_607 = vector.shape_cast %swap3A_606 : vector<1x16xf32> to vector<16xf32>
        %swap3A_608 = vector.shape_cast %add3A_603 : vector<16xf32> to vector<1x16xf32>
        tpu.vector_store %arg7[%swap3A_604, %swap3A_605], %swap3A_608 {strides = array<i32>} : memref<64x768xf32, #tpu.memory_space<vmem>>, vector<1x16xf32>,
        %get3A_609 = arith.index_cast %scan3A_78 : i32 to index
        %get3A_610 = arith.constant 608 : index
        %get3A_611 = tpu.vector_load %arg7[%get3A_609, %get3A_610] {strides = array<i32>} : memref<64x768xf32, #tpu.memory_space<vmem>>, vector<1x16xf32>,
        %get3A_612 = vector.shape_cast %get3A_611 : vector<1x16xf32> to vector<16xf32>
        %get3A_613 = arith.index_cast %scan3A_78 : i32 to index
        %get3A_614 = arith.constant 608 : index
        %get3A_615 = tpu.vector_load %arg8[%get3A_613, %get3A_614] {strides = array<i32>} : memref<64x768xf32, #tpu.memory_space<vmem>>, vector<1x16xf32>,
        %get3A_616 = vector.shape_cast %get3A_615 : vector<1x16xf32> to vector<16xf32>
        %add3A_617 = arith.addf %get3A_612, %get3A_616 : vector<16xf32>
        %swap3A_618 = arith.index_cast %scan3A_78 : i32 to index
        %swap3A_619 = arith.constant 608 : index
        %swap3A_620 = tpu.vector_load %arg7[%swap3A_618, %swap3A_619] {strides = array<i32>} : memref<64x768xf32, #tpu.memory_space<vmem>>, vector<1x16xf32>,
        %swap3A_621 = vector.shape_cast %swap3A_620 : vector<1x16xf32> to vector<16xf32>
        %swap3A_622 = vector.shape_cast %add3A_617 : vector<16xf32> to vector<1x16xf32>
        tpu.vector_store %arg7[%swap3A_618, %swap3A_619], %swap3A_622 {strides = array<i32>} : memref<64x768xf32, #tpu.memory_space<vmem>>, vector<1x16xf32>,
        %get3A_623 = arith.index_cast %scan3A_78 : i32 to index
        %get3A_624 = arith.constant 624 : index
        %get3A_625 = tpu.vector_load %arg7[%get3A_623, %get3A_624] {strides = array<i32>} : memref<64x768xf32, #tpu.memory_space<vmem>>, vector<1x16xf32>,
        %get3A_626 = vector.shape_cast %get3A_625 : vector<1x16xf32> to vector<16xf32>
        %get3A_627 = arith.index_cast %scan3A_78 : i32 to index
        %get3A_628 = arith.constant 624 : index
        %get3A_629 = tpu.vector_load %arg8[%get3A_627, %get3A_628] {strides = array<i32>} : memref<64x768xf32, #tpu.memory_space<vmem>>, vector<1x16xf32>,
        %get3A_630 = vector.shape_cast %get3A_629 : vector<1x16xf32> to vector<16xf32>
        %add3A_631 = arith.addf %get3A_626, %get3A_630 : vector<16xf32>
        %swap3A_632 = arith.index_cast %scan3A_78 : i32 to index
        %swap3A_633 = arith.constant 624 : index
        %swap3A_634 = tpu.vector_load %arg7[%swap3A_632, %swap3A_633] {strides = array<i32>} : memref<64x768xf32, #tpu.memory_space<vmem>>, vector<1x16xf32>,
        %swap3A_635 = vector.shape_cast %swap3A_634 : vector<1x16xf32> to vector<16xf32>
        %swap3A_636 = vector.shape_cast %add3A_631 : vector<16xf32> to vector<1x16xf32>
        tpu.vector_store %arg7[%swap3A_632, %swap3A_633], %swap3A_636 {strides = array<i32>} : memref<64x768xf32, #tpu.memory_space<vmem>>, vector<1x16xf32>,
        %get3A_637 = arith.index_cast %scan3A_78 : i32 to index
        %get3A_638 = arith.constant 640 : index
        %get3A_639 = tpu.vector_load %arg7[%get3A_637, %get3A_638] {strides = array<i32>} : memref<64x768xf32, #tpu.memory_space<vmem>>, vector<1x16xf32>,
        %get3A_640 = vector.shape_cast %get3A_639 : vector<1x16xf32> to vector<16xf32>
        %get3A_641 = arith.index_cast %scan3A_78 : i32 to index
        %get3A_642 = arith.constant 640 : index
        %get3A_643 = tpu.vector_load %arg8[%get3A_641, %get3A_642] {strides = array<i32>} : memref<64x768xf32, #tpu.memory_space<vmem>>, vector<1x16xf32>,
        %get3A_644 = vector.shape_cast %get3A_643 : vector<1x16xf32> to vector<16xf32>
        %add3A_645 = arith.addf %get3A_640, %get3A_644 : vector<16xf32>
        %swap3A_646 = arith.index_cast %scan3A_78 : i32 to index
        %swap3A_647 = arith.constant 640 : index
        %swap3A_648 = tpu.vector_load %arg7[%swap3A_646, %swap3A_647] {strides = array<i32>} : memref<64x768xf32, #tpu.memory_space<vmem>>, vector<1x16xf32>,
        %swap3A_649 = vector.shape_cast %swap3A_648 : vector<1x16xf32> to vector<16xf32>
        %swap3A_650 = vector.shape_cast %add3A_645 : vector<16xf32> to vector<1x16xf32>
        tpu.vector_store %arg7[%swap3A_646, %swap3A_647], %swap3A_650 {strides = array<i32>} : memref<64x768xf32, #tpu.memory_space<vmem>>, vector<1x16xf32>,
        %get3A_651 = arith.index_cast %scan3A_78 : i32 to index
        %get3A_652 = arith.constant 656 : index
        %get3A_653 = tpu.vector_load %arg7[%get3A_651, %get3A_652] {strides = array<i32>} : memref<64x768xf32, #tpu.memory_space<vmem>>, vector<1x16xf32>,
        %get3A_654 = vector.shape_cast %get3A_653 : vector<1x16xf32> to vector<16xf32>
        %get3A_655 = arith.index_cast %scan3A_78 : i32 to index
        %get3A_656 = arith.constant 656 : index
        %get3A_657 = tpu.vector_load %arg8[%get3A_655, %get3A_656] {strides = array<i32>} : memref<64x768xf32, #tpu.memory_space<vmem>>, vector<1x16xf32>,
        %get3A_658 = vector.shape_cast %get3A_657 : vector<1x16xf32> to vector<16xf32>
        %add3A_659 = arith.addf %get3A_654, %get3A_658 : vector<16xf32>
        %swap3A_660 = arith.index_cast %scan3A_78 : i32 to index
        %swap3A_661 = arith.constant 656 : index
        %swap3A_662 = tpu.vector_load %arg7[%swap3A_660, %swap3A_661] {strides = array<i32>} : memref<64x768xf32, #tpu.memory_space<vmem>>, vector<1x16xf32>,
        %swap3A_663 = vector.shape_cast %swap3A_662 : vector<1x16xf32> to vector<16xf32>
        %swap3A_664 = vector.shape_cast %add3A_659 : vector<16xf32> to vector<1x16xf32>
        tpu.vector_store %arg7[%swap3A_660, %swap3A_661], %swap3A_664 {strides = array<i32>} : memref<64x768xf32, #tpu.memory_space<vmem>>, vector<1x16xf32>,
        %get3A_665 = arith.index_cast %scan3A_78 : i32 to index
        %get3A_666 = arith.constant 672 : index
        %get3A_667 = tpu.vector_load %arg7[%get3A_665, %get3A_666] {strides = array<i32>} : memref<64x768xf32, #tpu.memory_space<vmem>>, vector<1x16xf32>,
        %get3A_668 = vector.shape_cast %get3A_667 : vector<1x16xf32> to vector<16xf32>
        %get3A_669 = arith.index_cast %scan3A_78 : i32 to index
        %get3A_670 = arith.constant 672 : index
        %get3A_671 = tpu.vector_load %arg8[%get3A_669, %get3A_670] {strides = array<i32>} : memref<64x768xf32, #tpu.memory_space<vmem>>, vector<1x16xf32>,
        %get3A_672 = vector.shape_cast %get3A_671 : vector<1x16xf32> to vector<16xf32>
        %add3A_673 = arith.addf %get3A_668, %get3A_672 : vector<16xf32>
        %swap3A_674 = arith.index_cast %scan3A_78 : i32 to index
        %swap3A_675 = arith.constant 672 : index
        %swap3A_676 = tpu.vector_load %arg7[%swap3A_674, %swap3A_675] {strides = array<i32>} : memref<64x768xf32, #tpu.memory_space<vmem>>, vector<1x16xf32>,
        %swap3A_677 = vector.shape_cast %swap3A_676 : vector<1x16xf32> to vector<16xf32>
        %swap3A_678 = vector.shape_cast %add3A_673 : vector<16xf32> to vector<1x16xf32>
        tpu.vector_store %arg7[%swap3A_674, %swap3A_675], %swap3A_678 {strides = array<i32>} : memref<64x768xf32, #tpu.memory_space<vmem>>, vector<1x16xf32>,
        %get3A_679 = arith.index_cast %scan3A_78 : i32 to index
        %get3A_680 = arith.constant 688 : index
        %get3A_681 = tpu.vector_load %arg7[%get3A_679, %get3A_680] {strides = array<i32>} : memref<64x768xf32, #tpu.memory_space<vmem>>, vector<1x16xf32>,
        %get3A_682 = vector.shape_cast %get3A_681 : vector<1x16xf32> to vector<16xf32>
        %get3A_683 = arith.index_cast %scan3A_78 : i32 to index
        %get3A_684 = arith.constant 688 : index
        %get3A_685 = tpu.vector_load %arg8[%get3A_683, %get3A_684] {strides = array<i32>} : memref<64x768xf32, #tpu.memory_space<vmem>>, vector<1x16xf32>,
        %get3A_686 = vector.shape_cast %get3A_685 : vector<1x16xf32> to vector<16xf32>
        %add3A_687 = arith.addf %get3A_682, %get3A_686 : vector<16xf32>
        %swap3A_688 = arith.index_cast %scan3A_78 : i32 to index
        %swap3A_689 = arith.constant 688 : index
        %swap3A_690 = tpu.vector_load %arg7[%swap3A_688, %swap3A_689] {strides = array<i32>} : memref<64x768xf32, #tpu.memory_space<vmem>>, vector<1x16xf32>,
        %swap3A_691 = vector.shape_cast %swap3A_690 : vector<1x16xf32> to vector<16xf32>
        %swap3A_692 = vector.shape_cast %add3A_687 : vector<16xf32> to vector<1x16xf32>
        tpu.vector_store %arg7[%swap3A_688, %swap3A_689], %swap3A_692 {strides = array<i32>} : memref<64x768xf32, #tpu.memory_space<vmem>>, vector<1x16xf32>,
        %get3A_693 = arith.index_cast %scan3A_78 : i32 to index
        %get3A_694 = arith.constant 704 : index
        %get3A_695 = tpu.vector_load %arg7[%get3A_693, %get3A_694] {strides = array<i32>} : memref<64x768xf32, #tpu.memory_space<vmem>>, vector<1x16xf32>,
        %get3A_696 = vector.shape_cast %get3A_695 : vector<1x16xf32> to vector<16xf32>
        %get3A_697 = arith.index_cast %scan3A_78 : i32 to index
        %get3A_698 = arith.constant 704 : index
        %get3A_699 = tpu.vector_load %arg8[%get3A_697, %get3A_698] {strides = array<i32>} : memref<64x768xf32, #tpu.memory_space<vmem>>, vector<1x16xf32>,
        %get3A_700 = vector.shape_cast %get3A_699 : vector<1x16xf32> to vector<16xf32>
        %add3A_701 = arith.addf %get3A_696, %get3A_700 : vector<16xf32>
        %swap3A_702 = arith.index_cast %scan3A_78 : i32 to index
        %swap3A_703 = arith.constant 704 : index
        %swap3A_704 = tpu.vector_load %arg7[%swap3A_702, %swap3A_703] {strides = array<i32>} : memref<64x768xf32, #tpu.memory_space<vmem>>, vector<1x16xf32>,
        %swap3A_705 = vector.shape_cast %swap3A_704 : vector<1x16xf32> to vector<16xf32>
        %swap3A_706 = vector.shape_cast %add3A_701 : vector<16xf32> to vector<1x16xf32>
        tpu.vector_store %arg7[%swap3A_702, %swap3A_703], %swap3A_706 {strides = array<i32>} : memref<64x768xf32, #tpu.memory_space<vmem>>, vector<1x16xf32>,
        %get3A_707 = arith.index_cast %scan3A_78 : i32 to index
        %get3A_708 = arith.constant 720 : index
        %get3A_709 = tpu.vector_load %arg7[%get3A_707, %get3A_708] {strides = array<i32>} : memref<64x768xf32, #tpu.memory_space<vmem>>, vector<1x16xf32>,
        %get3A_710 = vector.shape_cast %get3A_709 : vector<1x16xf32> to vector<16xf32>
        %get3A_711 = arith.index_cast %scan3A_78 : i32 to index
        %get3A_712 = arith.constant 720 : index
        %get3A_713 = tpu.vector_load %arg8[%get3A_711, %get3A_712] {strides = array<i32>} : memref<64x768xf32, #tpu.memory_space<vmem>>, vector<1x16xf32>,
        %get3A_714 = vector.shape_cast %get3A_713 : vector<1x16xf32> to vector<16xf32>
        %add3A_715 = arith.addf %get3A_710, %get3A_714 : vector<16xf32>
        %swap3A_716 = arith.index_cast %scan3A_78 : i32 to index
        %swap3A_717 = arith.constant 720 : index
        %swap3A_718 = tpu.vector_load %arg7[%swap3A_716, %swap3A_717] {strides = array<i32>} : memref<64x768xf32, #tpu.memory_space<vmem>>, vector<1x16xf32>,
        %swap3A_719 = vector.shape_cast %swap3A_718 : vector<1x16xf32> to vector<16xf32>
        %swap3A_720 = vector.shape_cast %add3A_715 : vector<16xf32> to vector<1x16xf32>
        tpu.vector_store %arg7[%swap3A_716, %swap3A_717], %swap3A_720 {strides = array<i32>} : memref<64x768xf32, #tpu.memory_space<vmem>>, vector<1x16xf32>,
        %get3A_721 = arith.index_cast %scan3A_78 : i32 to index
        %get3A_722 = arith.constant 736 : index
        %get3A_723 = tpu.vector_load %arg7[%get3A_721, %get3A_722] {strides = array<i32>} : memref<64x768xf32, #tpu.memory_space<vmem>>, vector<1x16xf32>,
        %get3A_724 = vector.shape_cast %get3A_723 : vector<1x16xf32> to vector<16xf32>
        %get3A_725 = arith.index_cast %scan3A_78 : i32 to index
        %get3A_726 = arith.constant 736 : index
        %get3A_727 = tpu.vector_load %arg8[%get3A_725, %get3A_726] {strides = array<i32>} : memref<64x768xf32, #tpu.memory_space<vmem>>, vector<1x16xf32>,
        %get3A_728 = vector.shape_cast %get3A_727 : vector<1x16xf32> to vector<16xf32>
        %add3A_729 = arith.addf %get3A_724, %get3A_728 : vector<16xf32>
        %swap3A_730 = arith.index_cast %scan3A_78 : i32 to index
        %swap3A_731 = arith.constant 736 : index
        %swap3A_732 = tpu.vector_load %arg7[%swap3A_730, %swap3A_731] {strides = array<i32>} : memref<64x768xf32, #tpu.memory_space<vmem>>, vector<1x16xf32>,
        %swap3A_733 = vector.shape_cast %swap3A_732 : vector<1x16xf32> to vector<16xf32>
        %swap3A_734 = vector.shape_cast %add3A_729 : vector<16xf32> to vector<1x16xf32>
        tpu.vector_store %arg7[%swap3A_730, %swap3A_731], %swap3A_734 {strides = array<i32>} : memref<64x768xf32, #tpu.memory_space<vmem>>, vector<1x16xf32>,
        %get3A_735 = arith.index_cast %scan3A_78 : i32 to index
        %get3A_736 = arith.constant 752 : index
        %get3A_737 = tpu.vector_load %arg7[%get3A_735, %get3A_736] {strides = array<i32>} : memref<64x768xf32, #tpu.memory_space<vmem>>, vector<1x16xf32>,
        %get3A_738 = vector.shape_cast %get3A_737 : vector<1x16xf32> to vector<16xf32>
        %get3A_739 = arith.index_cast %scan3A_78 : i32 to index
        %get3A_740 = arith.constant 752 : index
        %get3A_741 = tpu.vector_load %arg8[%get3A_739, %get3A_740] {strides = array<i32>} : memref<64x768xf32, #tpu.memory_space<vmem>>, vector<1x16xf32>,
        %get3A_742 = vector.shape_cast %get3A_741 : vector<1x16xf32> to vector<16xf32>
        %add3A_743 = arith.addf %get3A_738, %get3A_742 : vector<16xf32>
        %swap3A_744 = arith.index_cast %scan3A_78 : i32 to index
        %swap3A_745 = arith.constant 752 : index
        %swap3A_746 = tpu.vector_load %arg7[%swap3A_744, %swap3A_745] {strides = array<i32>} : memref<64x768xf32, #tpu.memory_space<vmem>>, vector<1x16xf32>,
        %swap3A_747 = vector.shape_cast %swap3A_746 : vector<1x16xf32> to vector<16xf32>
        %swap3A_748 = vector.shape_cast %add3A_743 : vector<16xf32> to vector<1x16xf32>
        tpu.vector_store %arg7[%swap3A_744, %swap3A_745], %swap3A_748 {strides = array<i32>} : memref<64x768xf32, #tpu.memory_space<vmem>>, vector<1x16xf32>,
      }
      %scan3A_47 = arith.constant 64 : i32
      %add3A_48 = arith.constant 0 : i32
      %add3A_49 = arith.addi %mul3A_4, %add3A_48 : i32
      "tpu.region"() ({
        %run_scoped3A = tpu.sem_alloc : memref<!tpu.dma_semaphore, #tpu.memory_space<semaphore_mem>>
        %dma_start3A_78 = arith.constant 0 : i32
        %dma_start3A_79 = tpu.memref_slice %arg4[%add3A_49, %dma_start3A_78] : memref<2048x768xf32, #tpu.memory_space<hbm>> -> memref<64x768xf32, #tpu.memory_space<hbm>>
        %dma_start3A_80 = arith.constant 0 : i32
        %dma_start3A_81 = tpu.memref_slice %arg4[%add3A_49, %dma_start3A_80] : memref<2048x768xf32, #tpu.memory_space<hbm>> -> memref<64x768xf32, #tpu.memory_space<hbm>>
        tpu.enqueue_dma source(%arg7 : memref<64x768xf32, #tpu.memory_space<vmem>>) target(%dma_start3A_81 : memref<64x768xf32, #tpu.memory_space<hbm>>) target_semaphore(%run_scoped3A : memref<!tpu.dma_semaphore, #tpu.memory_space<semaphore_mem>>)
        %dma_wait3A_82 = arith.constant 0 : i32
        %dma_wait3A_83 = tpu.memref_slice %arg4[%add3A_49, %dma_wait3A_82] : memref<2048x768xf32, #tpu.memory_space<hbm>> -> memref<64x768xf32, #tpu.memory_space<hbm>>
        %dma_wait3A_84 = arith.constant 0 : i32
        %dma_wait3A_85 = tpu.memref_slice %arg4[%add3A_49, %dma_wait3A_84] : memref<2048x768xf32, #tpu.memory_space<hbm>> -> memref<64x768xf32, #tpu.memory_space<hbm>>
        tpu.wait_dma2 semaphore(%run_scoped3A : memref<!tpu.dma_semaphore, #tpu.memory_space<semaphore_mem>>) src(%arg7 : memref<64x768xf32, #tpu.memory_space<vmem>>) dst(%dma_wait3A_85 : memref<64x768xf32, #tpu.memory_space<hbm>>)
        tpu.yield
      }) : () -> ()
      %dma_start3A_50 = arith.constant 64 : i32
      %dma_start3A_51 = tpu.memref_slice %arg5[%dma_start3A_50] : memref<128xi32, #tpu.memory_space<vmem>> -> memref<64xi32, #tpu.memory_space<vmem>>
      %dma_start3A_52 = arith.constant 0 : i32
      %dma_start3A_53 = arith.constant 0 : i32
      %dma_start3A_54 = tpu.memref_slice %arg3[%dma_start3A_52, %dma_start3A_53] : memref<6144x768xf32, #tpu.memory_space<hbm>> -> memref<6144x768xf32, #tpu.memory_space<hbm>>
      tpu.enqueue_indirect_dma source(%dma_start3A_54 : memref<6144x768xf32, #tpu.memory_space<hbm>>) target(%arg7 : memref<64x768xf32, #tpu.memory_space<vmem>>) offsets(%dma_start3A_51 : memref<64xi32, #tpu.memory_space<vmem>>) semaphore(%arg10 : memref<!tpu.dma_semaphore, #tpu.memory_space<semaphore_mem>>)
      %dma_start3A_55 = arith.constant 64 : i32
      %dma_start3A_56 = tpu.memref_slice %arg6[%dma_start3A_55] : memref<128xi32, #tpu.memory_space<vmem>> -> memref<64xi32, #tpu.memory_space<vmem>>
      %dma_start3A_57 = arith.constant 0 : i32
      %dma_start3A_58 = arith.constant 0 : i32
      %dma_start3A_59 = tpu.memref_slice %arg3[%dma_start3A_57, %dma_start3A_58] : memref<6144x768xf32, #tpu.memory_space<hbm>> -> memref<6144x768xf32, #tpu.memory_space<hbm>>
      tpu.enqueue_indirect_dma source(%dma_start3A_59 : memref<6144x768xf32, #tpu.memory_space<hbm>>) target(%arg8 : memref<64x768xf32, #tpu.memory_space<vmem>>) offsets(%dma_start3A_56 : memref<64xi32, #tpu.memory_space<vmem>>) semaphore(%arg10 : memref<!tpu.dma_semaphore, #tpu.memory_space<semaphore_mem>>)
      %dma_wait3A_60 = arith.constant 64 : i32
      %dma_wait3A_61 = tpu.memref_slice %arg5[%dma_wait3A_60] : memref<128xi32, #tpu.memory_space<vmem>> -> memref<64xi32, #tpu.memory_space<vmem>>
      %dma_wait3A_62 = arith.constant 0 : i32
      %dma_wait3A_63 = arith.constant 0 : i32
      %dma_wait3A_64 = tpu.memref_slice %arg3[%dma_wait3A_62, %dma_wait3A_63] : memref<6144x768xf32, #tpu.memory_space<hbm>> -> memref<6144x768xf32, #tpu.memory_space<hbm>>
      tpu.wait_indirect_dma semaphore(%arg10 : memref<!tpu.dma_semaphore, #tpu.memory_space<semaphore_mem>>) src(%dma_wait3A_64 : memref<6144x768xf32, #tpu.memory_space<hbm>>) dst(%arg7 : memref<64x768xf32, #tpu.memory_space<vmem>>)
      %dma_wait3A_65 = arith.constant 64 : i32
      %dma_wait3A_66 = tpu.memref_slice %arg6[%dma_wait3A_65] : memref<128xi32, #tpu.memory_space<vmem>> -> memref<64xi32, #tpu.memory_space<vmem>>
      %dma_wait3A_67 = arith.constant 0 : i32
      %dma_wait3A_68 = arith.constant 0 : i32
      %dma_wait3A_69 = tpu.memref_slice %arg3[%dma_wait3A_67, %dma_wait3A_68] : memref<6144x768xf32, #tpu.memory_space<hbm>> -> memref<6144x768xf32, #tpu.memory_space<hbm>>
      tpu.wait_indirect_dma semaphore(%arg10 : memref<!tpu.dma_semaphore, #tpu.memory_space<semaphore_mem>>) src(%dma_wait3A_69 : memref<6144x768xf32, #tpu.memory_space<hbm>>) dst(%arg8 : memref<64x768xf32, #tpu.memory_space<vmem>>)
      %scan3A_70 = arith.constant 0 : i32
      %scan3A_71 = arith.constant 0 : i32
      %scan3A_72 = arith.constant 64 : i32
      %scan3A_73 = arith.addi %scan3A_71, %scan3A_72 : i32
      %scan3A_74 = arith.constant 1 : i32
      scf.for %scan3A_78 = %scan3A_71 to %scan3A_73 step %scan3A_74  : i32 {
        %get3A = arith.index_cast %scan3A_78 : i32 to index
        %get3A_79 = arith.constant 0 : index
        %get3A_80 = tpu.vector_load %arg7[%get3A, %get3A_79] {strides = array<i32>} : memref<64x768xf32, #tpu.memory_space<vmem>>, vector<1x16xf32>,
        %get3A_81 = vector.shape_cast %get3A_80 : vector<1x16xf32> to vector<16xf32>
        %get3A_82 = arith.index_cast %scan3A_78 : i32 to index
        %get3A_83 = arith.constant 0 : index
        %get3A_84 = tpu.vector_load %arg8[%get3A_82, %get3A_83] {strides = array<i32>} : memref<64x768xf32, #tpu.memory_space<vmem>>, vector<1x16xf32>,
        %get3A_85 = vector.shape_cast %get3A_84 : vector<1x16xf32> to vector<16xf32>
        %add3A_86 = arith.addf %get3A_81, %get3A_85 : vector<16xf32>
        %swap3A = arith.index_cast %scan3A_78 : i32 to index
        %swap3A_87 = arith.constant 0 : index
        %swap3A_88 = tpu.vector_load %arg7[%swap3A, %swap3A_87] {strides = array<i32>} : memref<64x768xf32, #tpu.memory_space<vmem>>, vector<1x16xf32>,
        %swap3A_89 = vector.shape_cast %swap3A_88 : vector<1x16xf32> to vector<16xf32>
        %swap3A_90 = vector.shape_cast %add3A_86 : vector<16xf32> to vector<1x16xf32>
        tpu.vector_store %arg7[%swap3A, %swap3A_87], %swap3A_90 {strides = array<i32>} : memref<64x768xf32, #tpu.memory_space<vmem>>, vector<1x16xf32>,
        %get3A_91 = arith.index_cast %scan3A_78 : i32 to index
        %get3A_92 = arith.constant 16 : index
        %get3A_93 = tpu.vector_load %arg7[%get3A_91, %get3A_92] {strides = array<i32>} : memref<64x768xf32, #tpu.memory_space<vmem>>, vector<1x16xf32>,
        %get3A_94 = vector.shape_cast %get3A_93 : vector<1x16xf32> to vector<16xf32>
        %get3A_95 = arith.index_cast %scan3A_78 : i32 to index
        %get3A_96 = arith.constant 16 : index
        %get3A_97 = tpu.vector_load %arg8[%get3A_95, %get3A_96] {strides = array<i32>} : memref<64x768xf32, #tpu.memory_space<vmem>>, vector<1x16xf32>,
        %get3A_98 = vector.shape_cast %get3A_97 : vector<1x16xf32> to vector<16xf32>
        %add3A_99 = arith.addf %get3A_94, %get3A_98 : vector<16xf32>
        %swap3A_100 = arith.index_cast %scan3A_78 : i32 to index
        %swap3A_101 = arith.constant 16 : index
        %swap3A_102 = tpu.vector_load %arg7[%swap3A_100, %swap3A_101] {strides = array<i32>} : memref<64x768xf32, #tpu.memory_space<vmem>>, vector<1x16xf32>,
        %swap3A_103 = vector.shape_cast %swap3A_102 : vector<1x16xf32> to vector<16xf32>
        %swap3A_104 = vector.shape_cast %add3A_99 : vector<16xf32> to vector<1x16xf32>
        tpu.vector_store %arg7[%swap3A_100, %swap3A_101], %swap3A_104 {strides = array<i32>} : memref<64x768xf32, #tpu.memory_space<vmem>>, vector<1x16xf32>,
        %get3A_105 = arith.index_cast %scan3A_78 : i32 to index
        %get3A_106 = arith.constant 32 : index
        %get3A_107 = tpu.vector_load %arg7[%get3A_105, %get3A_106] {strides = array<i32>} : memref<64x768xf32, #tpu.memory_space<vmem>>, vector<1x16xf32>,
        %get3A_108 = vector.shape_cast %get3A_107 : vector<1x16xf32> to vector<16xf32>
        %get3A_109 = arith.index_cast %scan3A_78 : i32 to index
        %get3A_110 = arith.constant 32 : index
        %get3A_111 = tpu.vector_load %arg8[%get3A_109, %get3A_110] {strides = array<i32>} : memref<64x768xf32, #tpu.memory_space<vmem>>, vector<1x16xf32>,
        %get3A_112 = vector.shape_cast %get3A_111 : vector<1x16xf32> to vector<16xf32>
        %add3A_113 = arith.addf %get3A_108, %get3A_112 : vector<16xf32>
        %swap3A_114 = arith.index_cast %scan3A_78 : i32 to index
        %swap3A_115 = arith.constant 32 : index
        %swap3A_116 = tpu.vector_load %arg7[%swap3A_114, %swap3A_115] {strides = array<i32>} : memref<64x768xf32, #tpu.memory_space<vmem>>, vector<1x16xf32>,
        %swap3A_117 = vector.shape_cast %swap3A_116 : vector<1x16xf32> to vector<16xf32>
        %swap3A_118 = vector.shape_cast %add3A_113 : vector<16xf32> to vector<1x16xf32>
        tpu.vector_store %arg7[%swap3A_114, %swap3A_115], %swap3A_118 {strides = array<i32>} : memref<64x768xf32, #tpu.memory_space<vmem>>, vector<1x16xf32>,
        %get3A_119 = arith.index_cast %scan3A_78 : i32 to index
        %get3A_120 = arith.constant 48 : index
        %get3A_121 = tpu.vector_load %arg7[%get3A_119, %get3A_120] {strides = array<i32>} : memref<64x768xf32, #tpu.memory_space<vmem>>, vector<1x16xf32>,
        %get3A_122 = vector.shape_cast %get3A_121 : vector<1x16xf32> to vector<16xf32>
        %get3A_123 = arith.index_cast %scan3A_78 : i32 to index
        %get3A_124 = arith.constant 48 : index
        %get3A_125 = tpu.vector_load %arg8[%get3A_123, %get3A_124] {strides = array<i32>} : memref<64x768xf32, #tpu.memory_space<vmem>>, vector<1x16xf32>,
        %get3A_126 = vector.shape_cast %get3A_125 : vector<1x16xf32> to vector<16xf32>
        %add3A_127 = arith.addf %get3A_122, %get3A_126 : vector<16xf32>
        %swap3A_128 = arith.index_cast %scan3A_78 : i32 to index
        %swap3A_129 = arith.constant 48 : index
        %swap3A_130 = tpu.vector_load %arg7[%swap3A_128, %swap3A_129] {strides = array<i32>} : memref<64x768xf32, #tpu.memory_space<vmem>>, vector<1x16xf32>,
        %swap3A_131 = vector.shape_cast %swap3A_130 : vector<1x16xf32> to vector<16xf32>
        %swap3A_132 = vector.shape_cast %add3A_127 : vector<16xf32> to vector<1x16xf32>
        tpu.vector_store %arg7[%swap3A_128, %swap3A_129], %swap3A_132 {strides = array<i32>} : memref<64x768xf32, #tpu.memory_space<vmem>>, vector<1x16xf32>,
        %get3A_133 = arith.index_cast %scan3A_78 : i32 to index
        %get3A_134 = arith.constant 64 : index
        %get3A_135 = tpu.vector_load %arg7[%get3A_133, %get3A_134] {strides = array<i32>} : memref<64x768xf32, #tpu.memory_space<vmem>>, vector<1x16xf32>,
        %get3A_136 = vector.shape_cast %get3A_135 : vector<1x16xf32> to vector<16xf32>
        %get3A_137 = arith.index_cast %scan3A_78 : i32 to index
        %get3A_138 = arith.constant 64 : index
        %get3A_139 = tpu.vector_load %arg8[%get3A_137, %get3A_138] {strides = array<i32>} : memref<64x768xf32, #tpu.memory_space<vmem>>, vector<1x16xf32>,
        %get3A_140 = vector.shape_cast %get3A_139 : vector<1x16xf32> to vector<16xf32>
        %add3A_141 = arith.addf %get3A_136, %get3A_140 : vector<16xf32>
        %swap3A_142 = arith.index_cast %scan3A_78 : i32 to index
        %swap3A_143 = arith.constant 64 : index
        %swap3A_144 = tpu.vector_load %arg7[%swap3A_142, %swap3A_143] {strides = array<i32>} : memref<64x768xf32, #tpu.memory_space<vmem>>, vector<1x16xf32>,
        %swap3A_145 = vector.shape_cast %swap3A_144 : vector<1x16xf32> to vector<16xf32>
        %swap3A_146 = vector.shape_cast %add3A_141 : vector<16xf32> to vector<1x16xf32>
        tpu.vector_store %arg7[%swap3A_142, %swap3A_143], %swap3A_146 {strides = array<i32>} : memref<64x768xf32, #tpu.memory_space<vmem>>, vector<1x16xf32>,
        %get3A_147 = arith.index_cast %scan3A_78 : i32 to index
        %get3A_148 = arith.constant 80 : index
        %get3A_149 = tpu.vector_load %arg7[%get3A_147, %get3A_148] {strides = array<i32>} : memref<64x768xf32, #tpu.memory_space<vmem>>, vector<1x16xf32>,
        %get3A_150 = vector.shape_cast %get3A_149 : vector<1x16xf32> to vector<16xf32>
        %get3A_151 = arith.index_cast %scan3A_78 : i32 to index
        %get3A_152 = arith.constant 80 : index
        %get3A_153 = tpu.vector_load %arg8[%get3A_151, %get3A_152] {strides = array<i32>} : memref<64x768xf32, #tpu.memory_space<vmem>>, vector<1x16xf32>,
        %get3A_154 = vector.shape_cast %get3A_153 : vector<1x16xf32> to vector<16xf32>
        %add3A_155 = arith.addf %get3A_150, %get3A_154 : vector<16xf32>
        %swap3A_156 = arith.index_cast %scan3A_78 : i32 to index
        %swap3A_157 = arith.constant 80 : index
        %swap3A_158 = tpu.vector_load %arg7[%swap3A_156, %swap3A_157] {strides = array<i32>} : memref<64x768xf32, #tpu.memory_space<vmem>>, vector<1x16xf32>,
        %swap3A_159 = vector.shape_cast %swap3A_158 : vector<1x16xf32> to vector<16xf32>
        %swap3A_160 = vector.shape_cast %add3A_155 : vector<16xf32> to vector<1x16xf32>
        tpu.vector_store %arg7[%swap3A_156, %swap3A_157], %swap3A_160 {strides = array<i32>} : memref<64x768xf32, #tpu.memory_space<vmem>>, vector<1x16xf32>,
        %get3A_161 = arith.index_cast %scan3A_78 : i32 to index
        %get3A_162 = arith.constant 96 : index
        %get3A_163 = tpu.vector_load %arg7[%get3A_161, %get3A_162] {strides = array<i32>} : memref<64x768xf32, #tpu.memory_space<vmem>>, vector<1x16xf32>,
        %get3A_164 = vector.shape_cast %get3A_163 : vector<1x16xf32> to vector<16xf32>
        %get3A_165 = arith.index_cast %scan3A_78 : i32 to index
        %get3A_166 = arith.constant 96 : index
        %get3A_167 = tpu.vector_load %arg8[%get3A_165, %get3A_166] {strides = array<i32>} : memref<64x768xf32, #tpu.memory_space<vmem>>, vector<1x16xf32>,
        %get3A_168 = vector.shape_cast %get3A_167 : vector<1x16xf32> to vector<16xf32>
        %add3A_169 = arith.addf %get3A_164, %get3A_168 : vector<16xf32>
        %swap3A_170 = arith.index_cast %scan3A_78 : i32 to index
        %swap3A_171 = arith.constant 96 : index
        %swap3A_172 = tpu.vector_load %arg7[%swap3A_170, %swap3A_171] {strides = array<i32>} : memref<64x768xf32, #tpu.memory_space<vmem>>, vector<1x16xf32>,
        %swap3A_173 = vector.shape_cast %swap3A_172 : vector<1x16xf32> to vector<16xf32>
        %swap3A_174 = vector.shape_cast %add3A_169 : vector<16xf32> to vector<1x16xf32>
        tpu.vector_store %arg7[%swap3A_170, %swap3A_171], %swap3A_174 {strides = array<i32>} : memref<64x768xf32, #tpu.memory_space<vmem>>, vector<1x16xf32>,
        %get3A_175 = arith.index_cast %scan3A_78 : i32 to index
        %get3A_176 = arith.constant 112 : index
        %get3A_177 = tpu.vector_load %arg7[%get3A_175, %get3A_176] {strides = array<i32>} : memref<64x768xf32, #tpu.memory_space<vmem>>, vector<1x16xf32>,
        %get3A_178 = vector.shape_cast %get3A_177 : vector<1x16xf32> to vector<16xf32>
        %get3A_179 = arith.index_cast %scan3A_78 : i32 to index
        %get3A_180 = arith.constant 112 : index
        %get3A_181 = tpu.vector_load %arg8[%get3A_179, %get3A_180] {strides = array<i32>} : memref<64x768xf32, #tpu.memory_space<vmem>>, vector<1x16xf32>,
        %get3A_182 = vector.shape_cast %get3A_181 : vector<1x16xf32> to vector<16xf32>
        %add3A_183 = arith.addf %get3A_178, %get3A_182 : vector<16xf32>
        %swap3A_184 = arith.index_cast %scan3A_78 : i32 to index
        %swap3A_185 = arith.constant 112 : index
        %swap3A_186 = tpu.vector_load %arg7[%swap3A_184, %swap3A_185] {strides = array<i32>} : memref<64x768xf32, #tpu.memory_space<vmem>>, vector<1x16xf32>,
        %swap3A_187 = vector.shape_cast %swap3A_186 : vector<1x16xf32> to vector<16xf32>
        %swap3A_188 = vector.shape_cast %add3A_183 : vector<16xf32> to vector<1x16xf32>
        tpu.vector_store %arg7[%swap3A_184, %swap3A_185], %swap3A_188 {strides = array<i32>} : memref<64x768xf32, #tpu.memory_space<vmem>>, vector<1x16xf32>,
        %get3A_189 = arith.index_cast %scan3A_78 : i32 to index
        %get3A_190 = arith.constant 128 : index
        %get3A_191 = tpu.vector_load %arg7[%get3A_189, %get3A_190] {strides = array<i32>} : memref<64x768xf32, #tpu.memory_space<vmem>>, vector<1x16xf32>,
        %get3A_192 = vector.shape_cast %get3A_191 : vector<1x16xf32> to vector<16xf32>
        %get3A_193 = arith.index_cast %scan3A_78 : i32 to index
        %get3A_194 = arith.constant 128 : index
        %get3A_195 = tpu.vector_load %arg8[%get3A_193, %get3A_194] {strides = array<i32>} : memref<64x768xf32, #tpu.memory_space<vmem>>, vector<1x16xf32>,
        %get3A_196 = vector.shape_cast %get3A_195 : vector<1x16xf32> to vector<16xf32>
        %add3A_197 = arith.addf %get3A_192, %get3A_196 : vector<16xf32>
        %swap3A_198 = arith.index_cast %scan3A_78 : i32 to index
        %swap3A_199 = arith.constant 128 : index
        %swap3A_200 = tpu.vector_load %arg7[%swap3A_198, %swap3A_199] {strides = array<i32>} : memref<64x768xf32, #tpu.memory_space<vmem>>, vector<1x16xf32>,
        %swap3A_201 = vector.shape_cast %swap3A_200 : vector<1x16xf32> to vector<16xf32>
        %swap3A_202 = vector.shape_cast %add3A_197 : vector<16xf32> to vector<1x16xf32>
        tpu.vector_store %arg7[%swap3A_198, %swap3A_199], %swap3A_202 {strides = array<i32>} : memref<64x768xf32, #tpu.memory_space<vmem>>, vector<1x16xf32>,
        %get3A_203 = arith.index_cast %scan3A_78 : i32 to index
        %get3A_204 = arith.constant 144 : index
        %get3A_205 = tpu.vector_load %arg7[%get3A_203, %get3A_204] {strides = array<i32>} : memref<64x768xf32, #tpu.memory_space<vmem>>, vector<1x16xf32>,
        %get3A_206 = vector.shape_cast %get3A_205 : vector<1x16xf32> to vector<16xf32>
        %get3A_207 = arith.index_cast %scan3A_78 : i32 to index
        %get3A_208 = arith.constant 144 : index
        %get3A_209 = tpu.vector_load %arg8[%get3A_207, %get3A_208] {strides = array<i32>} : memref<64x768xf32, #tpu.memory_space<vmem>>, vector<1x16xf32>,
        %get3A_210 = vector.shape_cast %get3A_209 : vector<1x16xf32> to vector<16xf32>
        %add3A_211 = arith.addf %get3A_206, %get3A_210 : vector<16xf32>
        %swap3A_212 = arith.index_cast %scan3A_78 : i32 to index
        %swap3A_213 = arith.constant 144 : index
        %swap3A_214 = tpu.vector_load %arg7[%swap3A_212, %swap3A_213] {strides = array<i32>} : memref<64x768xf32, #tpu.memory_space<vmem>>, vector<1x16xf32>,
        %swap3A_215 = vector.shape_cast %swap3A_214 : vector<1x16xf32> to vector<16xf32>
        %swap3A_216 = vector.shape_cast %add3A_211 : vector<16xf32> to vector<1x16xf32>
        tpu.vector_store %arg7[%swap3A_212, %swap3A_213], %swap3A_216 {strides = array<i32>} : memref<64x768xf32, #tpu.memory_space<vmem>>, vector<1x16xf32>,
        %get3A_217 = arith.index_cast %scan3A_78 : i32 to index
        %get3A_218 = arith.constant 160 : index
        %get3A_219 = tpu.vector_load %arg7[%get3A_217, %get3A_218] {strides = array<i32>} : memref<64x768xf32, #tpu.memory_space<vmem>>, vector<1x16xf32>,
        %get3A_220 = vector.shape_cast %get3A_219 : vector<1x16xf32> to vector<16xf32>
        %get3A_221 = arith.index_cast %scan3A_78 : i32 to index
        %get3A_222 = arith.constant 160 : index
        %get3A_223 = tpu.vector_load %arg8[%get3A_221, %get3A_222] {strides = array<i32>} : memref<64x768xf32, #tpu.memory_space<vmem>>, vector<1x16xf32>,
        %get3A_224 = vector.shape_cast %get3A_223 : vector<1x16xf32> to vector<16xf32>
        %add3A_225 = arith.addf %get3A_220, %get3A_224 : vector<16xf32>
        %swap3A_226 = arith.index_cast %scan3A_78 : i32 to index
        %swap3A_227 = arith.constant 160 : index
        %swap3A_228 = tpu.vector_load %arg7[%swap3A_226, %swap3A_227] {strides = array<i32>} : memref<64x768xf32, #tpu.memory_space<vmem>>, vector<1x16xf32>,
        %swap3A_229 = vector.shape_cast %swap3A_228 : vector<1x16xf32> to vector<16xf32>
        %swap3A_230 = vector.shape_cast %add3A_225 : vector<16xf32> to vector<1x16xf32>
        tpu.vector_store %arg7[%swap3A_226, %swap3A_227], %swap3A_230 {strides = array<i32>} : memref<64x768xf32, #tpu.memory_space<vmem>>, vector<1x16xf32>,
        %get3A_231 = arith.index_cast %scan3A_78 : i32 to index
        %get3A_232 = arith.constant 176 : index
        %get3A_233 = tpu.vector_load %arg7[%get3A_231, %get3A_232] {strides = array<i32>} : memref<64x768xf32, #tpu.memory_space<vmem>>, vector<1x16xf32>,
        %get3A_234 = vector.shape_cast %get3A_233 : vector<1x16xf32> to vector<16xf32>
        %get3A_235 = arith.index_cast %scan3A_78 : i32 to index
        %get3A_236 = arith.constant 176 : index
        %get3A_237 = tpu.vector_load %arg8[%get3A_235, %get3A_236] {strides = array<i32>} : memref<64x768xf32, #tpu.memory_space<vmem>>, vector<1x16xf32>,
        %get3A_238 = vector.shape_cast %get3A_237 : vector<1x16xf32> to vector<16xf32>
        %add3A_239 = arith.addf %get3A_234, %get3A_238 : vector<16xf32>
        %swap3A_240 = arith.index_cast %scan3A_78 : i32 to index
        %swap3A_241 = arith.constant 176 : index
        %swap3A_242 = tpu.vector_load %arg7[%swap3A_240, %swap3A_241] {strides = array<i32>} : memref<64x768xf32, #tpu.memory_space<vmem>>, vector<1x16xf32>,
        %swap3A_243 = vector.shape_cast %swap3A_242 : vector<1x16xf32> to vector<16xf32>
        %swap3A_244 = vector.shape_cast %add3A_239 : vector<16xf32> to vector<1x16xf32>
        tpu.vector_store %arg7[%swap3A_240, %swap3A_241], %swap3A_244 {strides = array<i32>} : memref<64x768xf32, #tpu.memory_space<vmem>>, vector<1x16xf32>,
        %get3A_245 = arith.index_cast %scan3A_78 : i32 to index
        %get3A_246 = arith.constant 192 : index
        %get3A_247 = tpu.vector_load %arg7[%get3A_245, %get3A_246] {strides = array<i32>} : memref<64x768xf32, #tpu.memory_space<vmem>>, vector<1x16xf32>,
        %get3A_248 = vector.shape_cast %get3A_247 : vector<1x16xf32> to vector<16xf32>
        %get3A_249 = arith.index_cast %scan3A_78 : i32 to index
        %get3A_250 = arith.constant 192 : index
        %get3A_251 = tpu.vector_load %arg8[%get3A_249, %get3A_250] {strides = array<i32>} : memref<64x768xf32, #tpu.memory_space<vmem>>, vector<1x16xf32>,
        %get3A_252 = vector.shape_cast %get3A_251 : vector<1x16xf32> to vector<16xf32>
        %add3A_253 = arith.addf %get3A_248, %get3A_252 : vector<16xf32>
        %swap3A_254 = arith.index_cast %scan3A_78 : i32 to index
        %swap3A_255 = arith.constant 192 : index
        %swap3A_256 = tpu.vector_load %arg7[%swap3A_254, %swap3A_255] {strides = array<i32>} : memref<64x768xf32, #tpu.memory_space<vmem>>, vector<1x16xf32>,
        %swap3A_257 = vector.shape_cast %swap3A_256 : vector<1x16xf32> to vector<16xf32>
        %swap3A_258 = vector.shape_cast %add3A_253 : vector<16xf32> to vector<1x16xf32>
        tpu.vector_store %arg7[%swap3A_254, %swap3A_255], %swap3A_258 {strides = array<i32>} : memref<64x768xf32, #tpu.memory_space<vmem>>, vector<1x16xf32>,
        %get3A_259 = arith.index_cast %scan3A_78 : i32 to index
        %get3A_260 = arith.constant 208 : index
        %get3A_261 = tpu.vector_load %arg7[%get3A_259, %get3A_260] {strides = array<i32>} : memref<64x768xf32, #tpu.memory_space<vmem>>, vector<1x16xf32>,
        %get3A_262 = vector.shape_cast %get3A_261 : vector<1x16xf32> to vector<16xf32>
        %get3A_263 = arith.index_cast %scan3A_78 : i32 to index
        %get3A_264 = arith.constant 208 : index
        %get3A_265 = tpu.vector_load %arg8[%get3A_263, %get3A_264] {strides = array<i32>} : memref<64x768xf32, #tpu.memory_space<vmem>>, vector<1x16xf32>,
        %get3A_266 = vector.shape_cast %get3A_265 : vector<1x16xf32> to vector<16xf32>
        %add3A_267 = arith.addf %get3A_262, %get3A_266 : vector<16xf32>
        %swap3A_268 = arith.index_cast %scan3A_78 : i32 to index
        %swap3A_269 = arith.constant 208 : index
        %swap3A_270 = tpu.vector_load %arg7[%swap3A_268, %swap3A_269] {strides = array<i32>} : memref<64x768xf32, #tpu.memory_space<vmem>>, vector<1x16xf32>,
        %swap3A_271 = vector.shape_cast %swap3A_270 : vector<1x16xf32> to vector<16xf32>
        %swap3A_272 = vector.shape_cast %add3A_267 : vector<16xf32> to vector<1x16xf32>
        tpu.vector_store %arg7[%swap3A_268, %swap3A_269], %swap3A_272 {strides = array<i32>} : memref<64x768xf32, #tpu.memory_space<vmem>>, vector<1x16xf32>,
        %get3A_273 = arith.index_cast %scan3A_78 : i32 to index
        %get3A_274 = arith.constant 224 : index
        %get3A_275 = tpu.vector_load %arg7[%get3A_273, %get3A_274] {strides = array<i32>} : memref<64x768xf32, #tpu.memory_space<vmem>>, vector<1x16xf32>,
        %get3A_276 = vector.shape_cast %get3A_275 : vector<1x16xf32> to vector<16xf32>
        %get3A_277 = arith.index_cast %scan3A_78 : i32 to index
        %get3A_278 = arith.constant 224 : index
        %get3A_279 = tpu.vector_load %arg8[%get3A_277, %get3A_278] {strides = array<i32>} : memref<64x768xf32, #tpu.memory_space<vmem>>, vector<1x16xf32>,
        %get3A_280 = vector.shape_cast %get3A_279 : vector<1x16xf32> to vector<16xf32>
        %add3A_281 = arith.addf %get3A_276, %get3A_280 : vector<16xf32>
        %swap3A_282 = arith.index_cast %scan3A_78 : i32 to index
        %swap3A_283 = arith.constant 224 : index
        %swap3A_284 = tpu.vector_load %arg7[%swap3A_282, %swap3A_283] {strides = array<i32>} : memref<64x768xf32, #tpu.memory_space<vmem>>, vector<1x16xf32>,
        %swap3A_285 = vector.shape_cast %swap3A_284 : vector<1x16xf32> to vector<16xf32>
        %swap3A_286 = vector.shape_cast %add3A_281 : vector<16xf32> to vector<1x16xf32>
        tpu.vector_store %arg7[%swap3A_282, %swap3A_283], %swap3A_286 {strides = array<i32>} : memref<64x768xf32, #tpu.memory_space<vmem>>, vector<1x16xf32>,
        %get3A_287 = arith.index_cast %scan3A_78 : i32 to index
        %get3A_288 = arith.constant 240 : index
        %get3A_289 = tpu.vector_load %arg7[%get3A_287, %get3A_288] {strides = array<i32>} : memref<64x768xf32, #tpu.memory_space<vmem>>, vector<1x16xf32>,
        %get3A_290 = vector.shape_cast %get3A_289 : vector<1x16xf32> to vector<16xf32>
        %get3A_291 = arith.index_cast %scan3A_78 : i32 to index
        %get3A_292 = arith.constant 240 : index
        %get3A_293 = tpu.vector_load %arg8[%get3A_291, %get3A_292] {strides = array<i32>} : memref<64x768xf32, #tpu.memory_space<vmem>>, vector<1x16xf32>,
        %get3A_294 = vector.shape_cast %get3A_293 : vector<1x16xf32> to vector<16xf32>
        %add3A_295 = arith.addf %get3A_290, %get3A_294 : vector<16xf32>
        %swap3A_296 = arith.index_cast %scan3A_78 : i32 to index
        %swap3A_297 = arith.constant 240 : index
        %swap3A_298 = tpu.vector_load %arg7[%swap3A_296, %swap3A_297] {strides = array<i32>} : memref<64x768xf32, #tpu.memory_space<vmem>>, vector<1x16xf32>,
        %swap3A_299 = vector.shape_cast %swap3A_298 : vector<1x16xf32> to vector<16xf32>
        %swap3A_300 = vector.shape_cast %add3A_295 : vector<16xf32> to vector<1x16xf32>
        tpu.vector_store %arg7[%swap3A_296, %swap3A_297], %swap3A_300 {strides = array<i32>} : memref<64x768xf32, #tpu.memory_space<vmem>>, vector<1x16xf32>,
        %get3A_301 = arith.index_cast %scan3A_78 : i32 to index
        %get3A_302 = arith.constant 256 : index
        %get3A_303 = tpu.vector_load %arg7[%get3A_301, %get3A_302] {strides = array<i32>} : memref<64x768xf32, #tpu.memory_space<vmem>>, vector<1x16xf32>,
        %get3A_304 = vector.shape_cast %get3A_303 : vector<1x16xf32> to vector<16xf32>
        %get3A_305 = arith.index_cast %scan3A_78 : i32 to index
        %get3A_306 = arith.constant 256 : index
        %get3A_307 = tpu.vector_load %arg8[%get3A_305, %get3A_306] {strides = array<i32>} : memref<64x768xf32, #tpu.memory_space<vmem>>, vector<1x16xf32>,
        %get3A_308 = vector.shape_cast %get3A_307 : vector<1x16xf32> to vector<16xf32>
        %add3A_309 = arith.addf %get3A_304, %get3A_308 : vector<16xf32>
        %swap3A_310 = arith.index_cast %scan3A_78 : i32 to index
        %swap3A_311 = arith.constant 256 : index
        %swap3A_312 = tpu.vector_load %arg7[%swap3A_310, %swap3A_311] {strides = array<i32>} : memref<64x768xf32, #tpu.memory_space<vmem>>, vector<1x16xf32>,
        %swap3A_313 = vector.shape_cast %swap3A_312 : vector<1x16xf32> to vector<16xf32>
        %swap3A_314 = vector.shape_cast %add3A_309 : vector<16xf32> to vector<1x16xf32>
        tpu.vector_store %arg7[%swap3A_310, %swap3A_311], %swap3A_314 {strides = array<i32>} : memref<64x768xf32, #tpu.memory_space<vmem>>, vector<1x16xf32>,
        %get3A_315 = arith.index_cast %scan3A_78 : i32 to index
        %get3A_316 = arith.constant 272 : index
        %get3A_317 = tpu.vector_load %arg7[%get3A_315, %get3A_316] {strides = array<i32>} : memref<64x768xf32, #tpu.memory_space<vmem>>, vector<1x16xf32>,
        %get3A_318 = vector.shape_cast %get3A_317 : vector<1x16xf32> to vector<16xf32>
        %get3A_319 = arith.index_cast %scan3A_78 : i32 to index
        %get3A_320 = arith.constant 272 : index
        %get3A_321 = tpu.vector_load %arg8[%get3A_319, %get3A_320] {strides = array<i32>} : memref<64x768xf32, #tpu.memory_space<vmem>>, vector<1x16xf32>,
        %get3A_322 = vector.shape_cast %get3A_321 : vector<1x16xf32> to vector<16xf32>
        %add3A_323 = arith.addf %get3A_318, %get3A_322 : vector<16xf32>
        %swap3A_324 = arith.index_cast %scan3A_78 : i32 to index
        %swap3A_325 = arith.constant 272 : index
        %swap3A_326 = tpu.vector_load %arg7[%swap3A_324, %swap3A_325] {strides = array<i32>} : memref<64x768xf32, #tpu.memory_space<vmem>>, vector<1x16xf32>,
        %swap3A_327 = vector.shape_cast %swap3A_326 : vector<1x16xf32> to vector<16xf32>
        %swap3A_328 = vector.shape_cast %add3A_323 : vector<16xf32> to vector<1x16xf32>
        tpu.vector_store %arg7[%swap3A_324, %swap3A_325], %swap3A_328 {strides = array<i32>} : memref<64x768xf32, #tpu.memory_space<vmem>>, vector<1x16xf32>,
        %get3A_329 = arith.index_cast %scan3A_78 : i32 to index
        %get3A_330 = arith.constant 288 : index
        %get3A_331 = tpu.vector_load %arg7[%get3A_329, %get3A_330] {strides = array<i32>} : memref<64x768xf32, #tpu.memory_space<vmem>>, vector<1x16xf32>,
        %get3A_332 = vector.shape_cast %get3A_331 : vector<1x16xf32> to vector<16xf32>
        %get3A_333 = arith.index_cast %scan3A_78 : i32 to index
        %get3A_334 = arith.constant 288 : index
        %get3A_335 = tpu.vector_load %arg8[%get3A_333, %get3A_334] {strides = array<i32>} : memref<64x768xf32, #tpu.memory_space<vmem>>, vector<1x16xf32>,
        %get3A_336 = vector.shape_cast %get3A_335 : vector<1x16xf32> to vector<16xf32>
        %add3A_337 = arith.addf %get3A_332, %get3A_336 : vector<16xf32>
        %swap3A_338 = arith.index_cast %scan3A_78 : i32 to index
        %swap3A_339 = arith.constant 288 : index
        %swap3A_340 = tpu.vector_load %arg7[%swap3A_338, %swap3A_339] {strides = array<i32>} : memref<64x768xf32, #tpu.memory_space<vmem>>, vector<1x16xf32>,
        %swap3A_341 = vector.shape_cast %swap3A_340 : vector<1x16xf32> to vector<16xf32>
        %swap3A_342 = vector.shape_cast %add3A_337 : vector<16xf32> to vector<1x16xf32>
        tpu.vector_store %arg7[%swap3A_338, %swap3A_339], %swap3A_342 {strides = array<i32>} : memref<64x768xf32, #tpu.memory_space<vmem>>, vector<1x16xf32>,
        %get3A_343 = arith.index_cast %scan3A_78 : i32 to index
        %get3A_344 = arith.constant 304 : index
        %get3A_345 = tpu.vector_load %arg7[%get3A_343, %get3A_344] {strides = array<i32>} : memref<64x768xf32, #tpu.memory_space<vmem>>, vector<1x16xf32>,
        %get3A_346 = vector.shape_cast %get3A_345 : vector<1x16xf32> to vector<16xf32>
        %get3A_347 = arith.index_cast %scan3A_78 : i32 to index
        %get3A_348 = arith.constant 304 : index
        %get3A_349 = tpu.vector_load %arg8[%get3A_347, %get3A_348] {strides = array<i32>} : memref<64x768xf32, #tpu.memory_space<vmem>>, vector<1x16xf32>,
        %get3A_350 = vector.shape_cast %get3A_349 : vector<1x16xf32> to vector<16xf32>
        %add3A_351 = arith.addf %get3A_346, %get3A_350 : vector<16xf32>
        %swap3A_352 = arith.index_cast %scan3A_78 : i32 to index
        %swap3A_353 = arith.constant 304 : index
        %swap3A_354 = tpu.vector_load %arg7[%swap3A_352, %swap3A_353] {strides = array<i32>} : memref<64x768xf32, #tpu.memory_space<vmem>>, vector<1x16xf32>,
        %swap3A_355 = vector.shape_cast %swap3A_354 : vector<1x16xf32> to vector<16xf32>
        %swap3A_356 = vector.shape_cast %add3A_351 : vector<16xf32> to vector<1x16xf32>
        tpu.vector_store %arg7[%swap3A_352, %swap3A_353], %swap3A_356 {strides = array<i32>} : memref<64x768xf32, #tpu.memory_space<vmem>>, vector<1x16xf32>,
        %get3A_357 = arith.index_cast %scan3A_78 : i32 to index
        %get3A_358 = arith.constant 320 : index
        %get3A_359 = tpu.vector_load %arg7[%get3A_357, %get3A_358] {strides = array<i32>} : memref<64x768xf32, #tpu.memory_space<vmem>>, vector<1x16xf32>,
        %get3A_360 = vector.shape_cast %get3A_359 : vector<1x16xf32> to vector<16xf32>
        %get3A_361 = arith.index_cast %scan3A_78 : i32 to index
        %get3A_362 = arith.constant 320 : index
        %get3A_363 = tpu.vector_load %arg8[%get3A_361, %get3A_362] {strides = array<i32>} : memref<64x768xf32, #tpu.memory_space<vmem>>, vector<1x16xf32>,
        %get3A_364 = vector.shape_cast %get3A_363 : vector<1x16xf32> to vector<16xf32>
        %add3A_365 = arith.addf %get3A_360, %get3A_364 : vector<16xf32>
        %swap3A_366 = arith.index_cast %scan3A_78 : i32 to index
        %swap3A_367 = arith.constant 320 : index
        %swap3A_368 = tpu.vector_load %arg7[%swap3A_366, %swap3A_367] {strides = array<i32>} : memref<64x768xf32, #tpu.memory_space<vmem>>, vector<1x16xf32>,
        %swap3A_369 = vector.shape_cast %swap3A_368 : vector<1x16xf32> to vector<16xf32>
        %swap3A_370 = vector.shape_cast %add3A_365 : vector<16xf32> to vector<1x16xf32>
        tpu.vector_store %arg7[%swap3A_366, %swap3A_367], %swap3A_370 {strides = array<i32>} : memref<64x768xf32, #tpu.memory_space<vmem>>, vector<1x16xf32>,
        %get3A_371 = arith.index_cast %scan3A_78 : i32 to index
        %get3A_372 = arith.constant 336 : index
        %get3A_373 = tpu.vector_load %arg7[%get3A_371, %get3A_372] {strides = array<i32>} : memref<64x768xf32, #tpu.memory_space<vmem>>, vector<1x16xf32>,
        %get3A_374 = vector.shape_cast %get3A_373 : vector<1x16xf32> to vector<16xf32>
        %get3A_375 = arith.index_cast %scan3A_78 : i32 to index
        %get3A_376 = arith.constant 336 : index
        %get3A_377 = tpu.vector_load %arg8[%get3A_375, %get3A_376] {strides = array<i32>} : memref<64x768xf32, #tpu.memory_space<vmem>>, vector<1x16xf32>,
        %get3A_378 = vector.shape_cast %get3A_377 : vector<1x16xf32> to vector<16xf32>
        %add3A_379 = arith.addf %get3A_374, %get3A_378 : vector<16xf32>
        %swap3A_380 = arith.index_cast %scan3A_78 : i32 to index
        %swap3A_381 = arith.constant 336 : index
        %swap3A_382 = tpu.vector_load %arg7[%swap3A_380, %swap3A_381] {strides = array<i32>} : memref<64x768xf32, #tpu.memory_space<vmem>>, vector<1x16xf32>,
        %swap3A_383 = vector.shape_cast %swap3A_382 : vector<1x16xf32> to vector<16xf32>
        %swap3A_384 = vector.shape_cast %add3A_379 : vector<16xf32> to vector<1x16xf32>
        tpu.vector_store %arg7[%swap3A_380, %swap3A_381], %swap3A_384 {strides = array<i32>} : memref<64x768xf32, #tpu.memory_space<vmem>>, vector<1x16xf32>,
        %get3A_385 = arith.index_cast %scan3A_78 : i32 to index
        %get3A_386 = arith.constant 352 : index
        %get3A_387 = tpu.vector_load %arg7[%get3A_385, %get3A_386] {strides = array<i32>} : memref<64x768xf32, #tpu.memory_space<vmem>>, vector<1x16xf32>,
        %get3A_388 = vector.shape_cast %get3A_387 : vector<1x16xf32> to vector<16xf32>
        %get3A_389 = arith.index_cast %scan3A_78 : i32 to index
        %get3A_390 = arith.constant 352 : index
        %get3A_391 = tpu.vector_load %arg8[%get3A_389, %get3A_390] {strides = array<i32>} : memref<64x768xf32, #tpu.memory_space<vmem>>, vector<1x16xf32>,
        %get3A_392 = vector.shape_cast %get3A_391 : vector<1x16xf32> to vector<16xf32>
        %add3A_393 = arith.addf %get3A_388, %get3A_392 : vector<16xf32>
        %swap3A_394 = arith.index_cast %scan3A_78 : i32 to index
        %swap3A_395 = arith.constant 352 : index
        %swap3A_396 = tpu.vector_load %arg7[%swap3A_394, %swap3A_395] {strides = array<i32>} : memref<64x768xf32, #tpu.memory_space<vmem>>, vector<1x16xf32>,
        %swap3A_397 = vector.shape_cast %swap3A_396 : vector<1x16xf32> to vector<16xf32>
        %swap3A_398 = vector.shape_cast %add3A_393 : vector<16xf32> to vector<1x16xf32>
        tpu.vector_store %arg7[%swap3A_394, %swap3A_395], %swap3A_398 {strides = array<i32>} : memref<64x768xf32, #tpu.memory_space<vmem>>, vector<1x16xf32>,
        %get3A_399 = arith.index_cast %scan3A_78 : i32 to index
        %get3A_400 = arith.constant 368 : index
        %get3A_401 = tpu.vector_load %arg7[%get3A_399, %get3A_400] {strides = array<i32>} : memref<64x768xf32, #tpu.memory_space<vmem>>, vector<1x16xf32>,
        %get3A_402 = vector.shape_cast %get3A_401 : vector<1x16xf32> to vector<16xf32>
        %get3A_403 = arith.index_cast %scan3A_78 : i32 to index
        %get3A_404 = arith.constant 368 : index
        %get3A_405 = tpu.vector_load %arg8[%get3A_403, %get3A_404] {strides = array<i32>} : memref<64x768xf32, #tpu.memory_space<vmem>>, vector<1x16xf32>,
        %get3A_406 = vector.shape_cast %get3A_405 : vector<1x16xf32> to vector<16xf32>
        %add3A_407 = arith.addf %get3A_402, %get3A_406 : vector<16xf32>
        %swap3A_408 = arith.index_cast %scan3A_78 : i32 to index
        %swap3A_409 = arith.constant 368 : index
        %swap3A_410 = tpu.vector_load %arg7[%swap3A_408, %swap3A_409] {strides = array<i32>} : memref<64x768xf32, #tpu.memory_space<vmem>>, vector<1x16xf32>,
        %swap3A_411 = vector.shape_cast %swap3A_410 : vector<1x16xf32> to vector<16xf32>
        %swap3A_412 = vector.shape_cast %add3A_407 : vector<16xf32> to vector<1x16xf32>
        tpu.vector_store %arg7[%swap3A_408, %swap3A_409], %swap3A_412 {strides = array<i32>} : memref<64x768xf32, #tpu.memory_space<vmem>>, vector<1x16xf32>,
        %get3A_413 = arith.index_cast %scan3A_78 : i32 to index
        %get3A_414 = arith.constant 384 : index
        %get3A_415 = tpu.vector_load %arg7[%get3A_413, %get3A_414] {strides = array<i32>} : memref<64x768xf32, #tpu.memory_space<vmem>>, vector<1x16xf32>,
        %get3A_416 = vector.shape_cast %get3A_415 : vector<1x16xf32> to vector<16xf32>
        %get3A_417 = arith.index_cast %scan3A_78 : i32 to index
        %get3A_418 = arith.constant 384 : index
        %get3A_419 = tpu.vector_load %arg8[%get3A_417, %get3A_418] {strides = array<i32>} : memref<64x768xf32, #tpu.memory_space<vmem>>, vector<1x16xf32>,
        %get3A_420 = vector.shape_cast %get3A_419 : vector<1x16xf32> to vector<16xf32>
        %add3A_421 = arith.addf %get3A_416, %get3A_420 : vector<16xf32>
        %swap3A_422 = arith.index_cast %scan3A_78 : i32 to index
        %swap3A_423 = arith.constant 384 : index
        %swap3A_424 = tpu.vector_load %arg7[%swap3A_422, %swap3A_423] {strides = array<i32>} : memref<64x768xf32, #tpu.memory_space<vmem>>, vector<1x16xf32>,
        %swap3A_425 = vector.shape_cast %swap3A_424 : vector<1x16xf32> to vector<16xf32>
        %swap3A_426 = vector.shape_cast %add3A_421 : vector<16xf32> to vector<1x16xf32>
        tpu.vector_store %arg7[%swap3A_422, %swap3A_423], %swap3A_426 {strides = array<i32>} : memref<64x768xf32, #tpu.memory_space<vmem>>, vector<1x16xf32>,
        %get3A_427 = arith.index_cast %scan3A_78 : i32 to index
        %get3A_428 = arith.constant 400 : index
        %get3A_429 = tpu.vector_load %arg7[%get3A_427, %get3A_428] {strides = array<i32>} : memref<64x768xf32, #tpu.memory_space<vmem>>, vector<1x16xf32>,
        %get3A_430 = vector.shape_cast %get3A_429 : vector<1x16xf32> to vector<16xf32>
        %get3A_431 = arith.index_cast %scan3A_78 : i32 to index
        %get3A_432 = arith.constant 400 : index
        %get3A_433 = tpu.vector_load %arg8[%get3A_431, %get3A_432] {strides = array<i32>} : memref<64x768xf32, #tpu.memory_space<vmem>>, vector<1x16xf32>,
        %get3A_434 = vector.shape_cast %get3A_433 : vector<1x16xf32> to vector<16xf32>
        %add3A_435 = arith.addf %get3A_430, %get3A_434 : vector<16xf32>
        %swap3A_436 = arith.index_cast %scan3A_78 : i32 to index
        %swap3A_437 = arith.constant 400 : index
        %swap3A_438 = tpu.vector_load %arg7[%swap3A_436, %swap3A_437] {strides = array<i32>} : memref<64x768xf32, #tpu.memory_space<vmem>>, vector<1x16xf32>,
        %swap3A_439 = vector.shape_cast %swap3A_438 : vector<1x16xf32> to vector<16xf32>
        %swap3A_440 = vector.shape_cast %add3A_435 : vector<16xf32> to vector<1x16xf32>
        tpu.vector_store %arg7[%swap3A_436, %swap3A_437], %swap3A_440 {strides = array<i32>} : memref<64x768xf32, #tpu.memory_space<vmem>>, vector<1x16xf32>,
        %get3A_441 = arith.index_cast %scan3A_78 : i32 to index
        %get3A_442 = arith.constant 416 : index
        %get3A_443 = tpu.vector_load %arg7[%get3A_441, %get3A_442] {strides = array<i32>} : memref<64x768xf32, #tpu.memory_space<vmem>>, vector<1x16xf32>,
        %get3A_444 = vector.shape_cast %get3A_443 : vector<1x16xf32> to vector<16xf32>
        %get3A_445 = arith.index_cast %scan3A_78 : i32 to index
        %get3A_446 = arith.constant 416 : index
        %get3A_447 = tpu.vector_load %arg8[%get3A_445, %get3A_446] {strides = array<i32>} : memref<64x768xf32, #tpu.memory_space<vmem>>, vector<1x16xf32>,
        %get3A_448 = vector.shape_cast %get3A_447 : vector<1x16xf32> to vector<16xf32>
        %add3A_449 = arith.addf %get3A_444, %get3A_448 : vector<16xf32>
        %swap3A_450 = arith.index_cast %scan3A_78 : i32 to index
        %swap3A_451 = arith.constant 416 : index
        %swap3A_452 = tpu.vector_load %arg7[%swap3A_450, %swap3A_451] {strides = array<i32>} : memref<64x768xf32, #tpu.memory_space<vmem>>, vector<1x16xf32>,
        %swap3A_453 = vector.shape_cast %swap3A_452 : vector<1x16xf32> to vector<16xf32>
        %swap3A_454 = vector.shape_cast %add3A_449 : vector<16xf32> to vector<1x16xf32>
        tpu.vector_store %arg7[%swap3A_450, %swap3A_451], %swap3A_454 {strides = array<i32>} : memref<64x768xf32, #tpu.memory_space<vmem>>, vector<1x16xf32>,
        %get3A_455 = arith.index_cast %scan3A_78 : i32 to index
        %get3A_456 = arith.constant 432 : index
        %get3A_457 = tpu.vector_load %arg7[%get3A_455, %get3A_456] {strides = array<i32>} : memref<64x768xf32, #tpu.memory_space<vmem>>, vector<1x16xf32>,
        %get3A_458 = vector.shape_cast %get3A_457 : vector<1x16xf32> to vector<16xf32>
        %get3A_459 = arith.index_cast %scan3A_78 : i32 to index
        %get3A_460 = arith.constant 432 : index
        %get3A_461 = tpu.vector_load %arg8[%get3A_459, %get3A_460] {strides = array<i32>} : memref<64x768xf32, #tpu.memory_space<vmem>>, vector<1x16xf32>,
        %get3A_462 = vector.shape_cast %get3A_461 : vector<1x16xf32> to vector<16xf32>
        %add3A_463 = arith.addf %get3A_458, %get3A_462 : vector<16xf32>
        %swap3A_464 = arith.index_cast %scan3A_78 : i32 to index
        %swap3A_465 = arith.constant 432 : index
        %swap3A_466 = tpu.vector_load %arg7[%swap3A_464, %swap3A_465] {strides = array<i32>} : memref<64x768xf32, #tpu.memory_space<vmem>>, vector<1x16xf32>,
        %swap3A_467 = vector.shape_cast %swap3A_466 : vector<1x16xf32> to vector<16xf32>
        %swap3A_468 = vector.shape_cast %add3A_463 : vector<16xf32> to vector<1x16xf32>
        tpu.vector_store %arg7[%swap3A_464, %swap3A_465], %swap3A_468 {strides = array<i32>} : memref<64x768xf32, #tpu.memory_space<vmem>>, vector<1x16xf32>,
        %get3A_469 = arith.index_cast %scan3A_78 : i32 to index
        %get3A_470 = arith.constant 448 : index
        %get3A_471 = tpu.vector_load %arg7[%get3A_469, %get3A_470] {strides = array<i32>} : memref<64x768xf32, #tpu.memory_space<vmem>>, vector<1x16xf32>,
        %get3A_472 = vector.shape_cast %get3A_471 : vector<1x16xf32> to vector<16xf32>
        %get3A_473 = arith.index_cast %scan3A_78 : i32 to index
        %get3A_474 = arith.constant 448 : index
        %get3A_475 = tpu.vector_load %arg8[%get3A_473, %get3A_474] {strides = array<i32>} : memref<64x768xf32, #tpu.memory_space<vmem>>, vector<1x16xf32>,
        %get3A_476 = vector.shape_cast %get3A_475 : vector<1x16xf32> to vector<16xf32>
        %add3A_477 = arith.addf %get3A_472, %get3A_476 : vector<16xf32>
        %swap3A_478 = arith.index_cast %scan3A_78 : i32 to index
        %swap3A_479 = arith.constant 448 : index
        %swap3A_480 = tpu.vector_load %arg7[%swap3A_478, %swap3A_479] {strides = array<i32>} : memref<64x768xf32, #tpu.memory_space<vmem>>, vector<1x16xf32>,
        %swap3A_481 = vector.shape_cast %swap3A_480 : vector<1x16xf32> to vector<16xf32>
        %swap3A_482 = vector.shape_cast %add3A_477 : vector<16xf32> to vector<1x16xf32>
        tpu.vector_store %arg7[%swap3A_478, %swap3A_479], %swap3A_482 {strides = array<i32>} : memref<64x768xf32, #tpu.memory_space<vmem>>, vector<1x16xf32>,
        %get3A_483 = arith.index_cast %scan3A_78 : i32 to index
        %get3A_484 = arith.constant 464 : index
        %get3A_485 = tpu.vector_load %arg7[%get3A_483, %get3A_484] {strides = array<i32>} : memref<64x768xf32, #tpu.memory_space<vmem>>, vector<1x16xf32>,
        %get3A_486 = vector.shape_cast %get3A_485 : vector<1x16xf32> to vector<16xf32>
        %get3A_487 = arith.index_cast %scan3A_78 : i32 to index
        %get3A_488 = arith.constant 464 : index
        %get3A_489 = tpu.vector_load %arg8[%get3A_487, %get3A_488] {strides = array<i32>} : memref<64x768xf32, #tpu.memory_space<vmem>>, vector<1x16xf32>,
        %get3A_490 = vector.shape_cast %get3A_489 : vector<1x16xf32> to vector<16xf32>
        %add3A_491 = arith.addf %get3A_486, %get3A_490 : vector<16xf32>
        %swap3A_492 = arith.index_cast %scan3A_78 : i32 to index
        %swap3A_493 = arith.constant 464 : index
        %swap3A_494 = tpu.vector_load %arg7[%swap3A_492, %swap3A_493] {strides = array<i32>} : memref<64x768xf32, #tpu.memory_space<vmem>>, vector<1x16xf32>,
        %swap3A_495 = vector.shape_cast %swap3A_494 : vector<1x16xf32> to vector<16xf32>
        %swap3A_496 = vector.shape_cast %add3A_491 : vector<16xf32> to vector<1x16xf32>
        tpu.vector_store %arg7[%swap3A_492, %swap3A_493], %swap3A_496 {strides = array<i32>} : memref<64x768xf32, #tpu.memory_space<vmem>>, vector<1x16xf32>,
        %get3A_497 = arith.index_cast %scan3A_78 : i32 to index
        %get3A_498 = arith.constant 480 : index
        %get3A_499 = tpu.vector_load %arg7[%get3A_497, %get3A_498] {strides = array<i32>} : memref<64x768xf32, #tpu.memory_space<vmem>>, vector<1x16xf32>,
        %get3A_500 = vector.shape_cast %get3A_499 : vector<1x16xf32> to vector<16xf32>
        %get3A_501 = arith.index_cast %scan3A_78 : i32 to index
        %get3A_502 = arith.constant 480 : index
        %get3A_503 = tpu.vector_load %arg8[%get3A_501, %get3A_502] {strides = array<i32>} : memref<64x768xf32, #tpu.memory_space<vmem>>, vector<1x16xf32>,
        %get3A_504 = vector.shape_cast %get3A_503 : vector<1x16xf32> to vector<16xf32>
        %add3A_505 = arith.addf %get3A_500, %get3A_504 : vector<16xf32>
        %swap3A_506 = arith.index_cast %scan3A_78 : i32 to index
        %swap3A_507 = arith.constant 480 : index
        %swap3A_508 = tpu.vector_load %arg7[%swap3A_506, %swap3A_507] {strides = array<i32>} : memref<64x768xf32, #tpu.memory_space<vmem>>, vector<1x16xf32>,
        %swap3A_509 = vector.shape_cast %swap3A_508 : vector<1x16xf32> to vector<16xf32>
        %swap3A_510 = vector.shape_cast %add3A_505 : vector<16xf32> to vector<1x16xf32>
        tpu.vector_store %arg7[%swap3A_506, %swap3A_507], %swap3A_510 {strides = array<i32>} : memref<64x768xf32, #tpu.memory_space<vmem>>, vector<1x16xf32>,
        %get3A_511 = arith.index_cast %scan3A_78 : i32 to index
        %get3A_512 = arith.constant 496 : index
        %get3A_513 = tpu.vector_load %arg7[%get3A_511, %get3A_512] {strides = array<i32>} : memref<64x768xf32, #tpu.memory_space<vmem>>, vector<1x16xf32>,
        %get3A_514 = vector.shape_cast %get3A_513 : vector<1x16xf32> to vector<16xf32>
        %get3A_515 = arith.index_cast %scan3A_78 : i32 to index
        %get3A_516 = arith.constant 496 : index
        %get3A_517 = tpu.vector_load %arg8[%get3A_515, %get3A_516] {strides = array<i32>} : memref<64x768xf32, #tpu.memory_space<vmem>>, vector<1x16xf32>,
        %get3A_518 = vector.shape_cast %get3A_517 : vector<1x16xf32> to vector<16xf32>
        %add3A_519 = arith.addf %get3A_514, %get3A_518 : vector<16xf32>
        %swap3A_520 = arith.index_cast %scan3A_78 : i32 to index
        %swap3A_521 = arith.constant 496 : index
        %swap3A_522 = tpu.vector_load %arg7[%swap3A_520, %swap3A_521] {strides = array<i32>} : memref<64x768xf32, #tpu.memory_space<vmem>>, vector<1x16xf32>,
        %swap3A_523 = vector.shape_cast %swap3A_522 : vector<1x16xf32> to vector<16xf32>
        %swap3A_524 = vector.shape_cast %add3A_519 : vector<16xf32> to vector<1x16xf32>
        tpu.vector_store %arg7[%swap3A_520, %swap3A_521], %swap3A_524 {strides = array<i32>} : memref<64x768xf32, #tpu.memory_space<vmem>>, vector<1x16xf32>,
        %get3A_525 = arith.index_cast %scan3A_78 : i32 to index
        %get3A_526 = arith.constant 512 : index
        %get3A_527 = tpu.vector_load %arg7[%get3A_525, %get3A_526] {strides = array<i32>} : memref<64x768xf32, #tpu.memory_space<vmem>>, vector<1x16xf32>,
        %get3A_528 = vector.shape_cast %get3A_527 : vector<1x16xf32> to vector<16xf32>
        %get3A_529 = arith.index_cast %scan3A_78 : i32 to index
        %get3A_530 = arith.constant 512 : index
        %get3A_531 = tpu.vector_load %arg8[%get3A_529, %get3A_530] {strides = array<i32>} : memref<64x768xf32, #tpu.memory_space<vmem>>, vector<1x16xf32>,
        %get3A_532 = vector.shape_cast %get3A_531 : vector<1x16xf32> to vector<16xf32>
        %add3A_533 = arith.addf %get3A_528, %get3A_532 : vector<16xf32>
        %swap3A_534 = arith.index_cast %scan3A_78 : i32 to index
        %swap3A_535 = arith.constant 512 : index
        %swap3A_536 = tpu.vector_load %arg7[%swap3A_534, %swap3A_535] {strides = array<i32>} : memref<64x768xf32, #tpu.memory_space<vmem>>, vector<1x16xf32>,
        %swap3A_537 = vector.shape_cast %swap3A_536 : vector<1x16xf32> to vector<16xf32>
        %swap3A_538 = vector.shape_cast %add3A_533 : vector<16xf32> to vector<1x16xf32>
        tpu.vector_store %arg7[%swap3A_534, %swap3A_535], %swap3A_538 {strides = array<i32>} : memref<64x768xf32, #tpu.memory_space<vmem>>, vector<1x16xf32>,
        %get3A_539 = arith.index_cast %scan3A_78 : i32 to index
        %get3A_540 = arith.constant 528 : index
        %get3A_541 = tpu.vector_load %arg7[%get3A_539, %get3A_540] {strides = array<i32>} : memref<64x768xf32, #tpu.memory_space<vmem>>, vector<1x16xf32>,
        %get3A_542 = vector.shape_cast %get3A_541 : vector<1x16xf32> to vector<16xf32>
        %get3A_543 = arith.index_cast %scan3A_78 : i32 to index
        %get3A_544 = arith.constant 528 : index
        %get3A_545 = tpu.vector_load %arg8[%get3A_543, %get3A_544] {strides = array<i32>} : memref<64x768xf32, #tpu.memory_space<vmem>>, vector<1x16xf32>,
        %get3A_546 = vector.shape_cast %get3A_545 : vector<1x16xf32> to vector<16xf32>
        %add3A_547 = arith.addf %get3A_542, %get3A_546 : vector<16xf32>
        %swap3A_548 = arith.index_cast %scan3A_78 : i32 to index
        %swap3A_549 = arith.constant 528 : index
        %swap3A_550 = tpu.vector_load %arg7[%swap3A_548, %swap3A_549] {strides = array<i32>} : memref<64x768xf32, #tpu.memory_space<vmem>>, vector<1x16xf32>,
        %swap3A_551 = vector.shape_cast %swap3A_550 : vector<1x16xf32> to vector<16xf32>
        %swap3A_552 = vector.shape_cast %add3A_547 : vector<16xf32> to vector<1x16xf32>
        tpu.vector_store %arg7[%swap3A_548, %swap3A_549], %swap3A_552 {strides = array<i32>} : memref<64x768xf32, #tpu.memory_space<vmem>>, vector<1x16xf32>,
        %get3A_553 = arith.index_cast %scan3A_78 : i32 to index
        %get3A_554 = arith.constant 544 : index
        %get3A_555 = tpu.vector_load %arg7[%get3A_553, %get3A_554] {strides = array<i32>} : memref<64x768xf32, #tpu.memory_space<vmem>>, vector<1x16xf32>,
        %get3A_556 = vector.shape_cast %get3A_555 : vector<1x16xf32> to vector<16xf32>
        %get3A_557 = arith.index_cast %scan3A_78 : i32 to index
        %get3A_558 = arith.constant 544 : index
        %get3A_559 = tpu.vector_load %arg8[%get3A_557, %get3A_558] {strides = array<i32>} : memref<64x768xf32, #tpu.memory_space<vmem>>, vector<1x16xf32>,
        %get3A_560 = vector.shape_cast %get3A_559 : vector<1x16xf32> to vector<16xf32>
        %add3A_561 = arith.addf %get3A_556, %get3A_560 : vector<16xf32>
        %swap3A_562 = arith.index_cast %scan3A_78 : i32 to index
        %swap3A_563 = arith.constant 544 : index
        %swap3A_564 = tpu.vector_load %arg7[%swap3A_562, %swap3A_563] {strides = array<i32>} : memref<64x768xf32, #tpu.memory_space<vmem>>, vector<1x16xf32>,
        %swap3A_565 = vector.shape_cast %swap3A_564 : vector<1x16xf32> to vector<16xf32>
        %swap3A_566 = vector.shape_cast %add3A_561 : vector<16xf32> to vector<1x16xf32>
        tpu.vector_store %arg7[%swap3A_562, %swap3A_563], %swap3A_566 {strides = array<i32>} : memref<64x768xf32, #tpu.memory_space<vmem>>, vector<1x16xf32>,
        %get3A_567 = arith.index_cast %scan3A_78 : i32 to index
        %get3A_568 = arith.constant 560 : index
        %get3A_569 = tpu.vector_load %arg7[%get3A_567, %get3A_568] {strides = array<i32>} : memref<64x768xf32, #tpu.memory_space<vmem>>, vector<1x16xf32>,
        %get3A_570 = vector.shape_cast %get3A_569 : vector<1x16xf32> to vector<16xf32>
        %get3A_571 = arith.index_cast %scan3A_78 : i32 to index
        %get3A_572 = arith.constant 560 : index
        %get3A_573 = tpu.vector_load %arg8[%get3A_571, %get3A_572] {strides = array<i32>} : memref<64x768xf32, #tpu.memory_space<vmem>>, vector<1x16xf32>,
        %get3A_574 = vector.shape_cast %get3A_573 : vector<1x16xf32> to vector<16xf32>
        %add3A_575 = arith.addf %get3A_570, %get3A_574 : vector<16xf32>
        %swap3A_576 = arith.index_cast %scan3A_78 : i32 to index
        %swap3A_577 = arith.constant 560 : index
        %swap3A_578 = tpu.vector_load %arg7[%swap3A_576, %swap3A_577] {strides = array<i32>} : memref<64x768xf32, #tpu.memory_space<vmem>>, vector<1x16xf32>,
        %swap3A_579 = vector.shape_cast %swap3A_578 : vector<1x16xf32> to vector<16xf32>
        %swap3A_580 = vector.shape_cast %add3A_575 : vector<16xf32> to vector<1x16xf32>
        tpu.vector_store %arg7[%swap3A_576, %swap3A_577], %swap3A_580 {strides = array<i32>} : memref<64x768xf32, #tpu.memory_space<vmem>>, vector<1x16xf32>,
        %get3A_581 = arith.index_cast %scan3A_78 : i32 to index
        %get3A_582 = arith.constant 576 : index
        %get3A_583 = tpu.vector_load %arg7[%get3A_581, %get3A_582] {strides = array<i32>} : memref<64x768xf32, #tpu.memory_space<vmem>>, vector<1x16xf32>,
        %get3A_584 = vector.shape_cast %get3A_583 : vector<1x16xf32> to vector<16xf32>
        %get3A_585 = arith.index_cast %scan3A_78 : i32 to index
        %get3A_586 = arith.constant 576 : index
        %get3A_587 = tpu.vector_load %arg8[%get3A_585, %get3A_586] {strides = array<i32>} : memref<64x768xf32, #tpu.memory_space<vmem>>, vector<1x16xf32>,
        %get3A_588 = vector.shape_cast %get3A_587 : vector<1x16xf32> to vector<16xf32>
        %add3A_589 = arith.addf %get3A_584, %get3A_588 : vector<16xf32>
        %swap3A_590 = arith.index_cast %scan3A_78 : i32 to index
        %swap3A_591 = arith.constant 576 : index
        %swap3A_592 = tpu.vector_load %arg7[%swap3A_590, %swap3A_591] {strides = array<i32>} : memref<64x768xf32, #tpu.memory_space<vmem>>, vector<1x16xf32>,
        %swap3A_593 = vector.shape_cast %swap3A_592 : vector<1x16xf32> to vector<16xf32>
        %swap3A_594 = vector.shape_cast %add3A_589 : vector<16xf32> to vector<1x16xf32>
        tpu.vector_store %arg7[%swap3A_590, %swap3A_591], %swap3A_594 {strides = array<i32>} : memref<64x768xf32, #tpu.memory_space<vmem>>, vector<1x16xf32>,
        %get3A_595 = arith.index_cast %scan3A_78 : i32 to index
        %get3A_596 = arith.constant 592 : index
        %get3A_597 = tpu.vector_load %arg7[%get3A_595, %get3A_596] {strides = array<i32>} : memref<64x768xf32, #tpu.memory_space<vmem>>, vector<1x16xf32>,
        %get3A_598 = vector.shape_cast %get3A_597 : vector<1x16xf32> to vector<16xf32>
        %get3A_599 = arith.index_cast %scan3A_78 : i32 to index
        %get3A_600 = arith.constant 592 : index
        %get3A_601 = tpu.vector_load %arg8[%get3A_599, %get3A_600] {strides = array<i32>} : memref<64x768xf32, #tpu.memory_space<vmem>>, vector<1x16xf32>,
        %get3A_602 = vector.shape_cast %get3A_601 : vector<1x16xf32> to vector<16xf32>
        %add3A_603 = arith.addf %get3A_598, %get3A_602 : vector<16xf32>
        %swap3A_604 = arith.index_cast %scan3A_78 : i32 to index
        %swap3A_605 = arith.constant 592 : index
        %swap3A_606 = tpu.vector_load %arg7[%swap3A_604, %swap3A_605] {strides = array<i32>} : memref<64x768xf32, #tpu.memory_space<vmem>>, vector<1x16xf32>,
        %swap3A_607 = vector.shape_cast %swap3A_606 : vector<1x16xf32> to vector<16xf32>
        %swap3A_608 = vector.shape_cast %add3A_603 : vector<16xf32> to vector<1x16xf32>
        tpu.vector_store %arg7[%swap3A_604, %swap3A_605], %swap3A_608 {strides = array<i32>} : memref<64x768xf32, #tpu.memory_space<vmem>>, vector<1x16xf32>,
        %get3A_609 = arith.index_cast %scan3A_78 : i32 to index
        %get3A_610 = arith.constant 608 : index
        %get3A_611 = tpu.vector_load %arg7[%get3A_609, %get3A_610] {strides = array<i32>} : memref<64x768xf32, #tpu.memory_space<vmem>>, vector<1x16xf32>,
        %get3A_612 = vector.shape_cast %get3A_611 : vector<1x16xf32> to vector<16xf32>
        %get3A_613 = arith.index_cast %scan3A_78 : i32 to index
        %get3A_614 = arith.constant 608 : index
        %get3A_615 = tpu.vector_load %arg8[%get3A_613, %get3A_614] {strides = array<i32>} : memref<64x768xf32, #tpu.memory_space<vmem>>, vector<1x16xf32>,
        %get3A_616 = vector.shape_cast %get3A_615 : vector<1x16xf32> to vector<16xf32>
        %add3A_617 = arith.addf %get3A_612, %get3A_616 : vector<16xf32>
        %swap3A_618 = arith.index_cast %scan3A_78 : i32 to index
        %swap3A_619 = arith.constant 608 : index
        %swap3A_620 = tpu.vector_load %arg7[%swap3A_618, %swap3A_619] {strides = array<i32>} : memref<64x768xf32, #tpu.memory_space<vmem>>, vector<1x16xf32>,
        %swap3A_621 = vector.shape_cast %swap3A_620 : vector<1x16xf32> to vector<16xf32>
        %swap3A_622 = vector.shape_cast %add3A_617 : vector<16xf32> to vector<1x16xf32>
        tpu.vector_store %arg7[%swap3A_618, %swap3A_619], %swap3A_622 {strides = array<i32>} : memref<64x768xf32, #tpu.memory_space<vmem>>, vector<1x16xf32>,
        %get3A_623 = arith.index_cast %scan3A_78 : i32 to index
        %get3A_624 = arith.constant 624 : index
        %get3A_625 = tpu.vector_load %arg7[%get3A_623, %get3A_624] {strides = array<i32>} : memref<64x768xf32, #tpu.memory_space<vmem>>, vector<1x16xf32>,
        %get3A_626 = vector.shape_cast %get3A_625 : vector<1x16xf32> to vector<16xf32>
        %get3A_627 = arith.index_cast %scan3A_78 : i32 to index
        %get3A_628 = arith.constant 624 : index
        %get3A_629 = tpu.vector_load %arg8[%get3A_627, %get3A_628] {strides = array<i32>} : memref<64x768xf32, #tpu.memory_space<vmem>>, vector<1x16xf32>,
        %get3A_630 = vector.shape_cast %get3A_629 : vector<1x16xf32> to vector<16xf32>
        %add3A_631 = arith.addf %get3A_626, %get3A_630 : vector<16xf32>
        %swap3A_632 = arith.index_cast %scan3A_78 : i32 to index
        %swap3A_633 = arith.constant 624 : index
        %swap3A_634 = tpu.vector_load %arg7[%swap3A_632, %swap3A_633] {strides = array<i32>} : memref<64x768xf32, #tpu.memory_space<vmem>>, vector<1x16xf32>,
        %swap3A_635 = vector.shape_cast %swap3A_634 : vector<1x16xf32> to vector<16xf32>
        %swap3A_636 = vector.shape_cast %add3A_631 : vector<16xf32> to vector<1x16xf32>
        tpu.vector_store %arg7[%swap3A_632, %swap3A_633], %swap3A_636 {strides = array<i32>} : memref<64x768xf32, #tpu.memory_space<vmem>>, vector<1x16xf32>,
        %get3A_637 = arith.index_cast %scan3A_78 : i32 to index
        %get3A_638 = arith.constant 640 : index
        %get3A_639 = tpu.vector_load %arg7[%get3A_637, %get3A_638] {strides = array<i32>} : memref<64x768xf32, #tpu.memory_space<vmem>>, vector<1x16xf32>,
        %get3A_640 = vector.shape_cast %get3A_639 : vector<1x16xf32> to vector<16xf32>
        %get3A_641 = arith.index_cast %scan3A_78 : i32 to index
        %get3A_642 = arith.constant 640 : index
        %get3A_643 = tpu.vector_load %arg8[%get3A_641, %get3A_642] {strides = array<i32>} : memref<64x768xf32, #tpu.memory_space<vmem>>, vector<1x16xf32>,
        %get3A_644 = vector.shape_cast %get3A_643 : vector<1x16xf32> to vector<16xf32>
        %add3A_645 = arith.addf %get3A_640, %get3A_644 : vector<16xf32>
        %swap3A_646 = arith.index_cast %scan3A_78 : i32 to index
        %swap3A_647 = arith.constant 640 : index
        %swap3A_648 = tpu.vector_load %arg7[%swap3A_646, %swap3A_647] {strides = array<i32>} : memref<64x768xf32, #tpu.memory_space<vmem>>, vector<1x16xf32>,
        %swap3A_649 = vector.shape_cast %swap3A_648 : vector<1x16xf32> to vector<16xf32>
        %swap3A_650 = vector.shape_cast %add3A_645 : vector<16xf32> to vector<1x16xf32>
        tpu.vector_store %arg7[%swap3A_646, %swap3A_647], %swap3A_650 {strides = array<i32>} : memref<64x768xf32, #tpu.memory_space<vmem>>, vector<1x16xf32>,
        %get3A_651 = arith.index_cast %scan3A_78 : i32 to index
        %get3A_652 = arith.constant 656 : index
        %get3A_653 = tpu.vector_load %arg7[%get3A_651, %get3A_652] {strides = array<i32>} : memref<64x768xf32, #tpu.memory_space<vmem>>, vector<1x16xf32>,
        %get3A_654 = vector.shape_cast %get3A_653 : vector<1x16xf32> to vector<16xf32>
        %get3A_655 = arith.index_cast %scan3A_78 : i32 to index
        %get3A_656 = arith.constant 656 : index
        %get3A_657 = tpu.vector_load %arg8[%get3A_655, %get3A_656] {strides = array<i32>} : memref<64x768xf32, #tpu.memory_space<vmem>>, vector<1x16xf32>,
        %get3A_658 = vector.shape_cast %get3A_657 : vector<1x16xf32> to vector<16xf32>
        %add3A_659 = arith.addf %get3A_654, %get3A_658 : vector<16xf32>
        %swap3A_660 = arith.index_cast %scan3A_78 : i32 to index
        %swap3A_661 = arith.constant 656 : index
        %swap3A_662 = tpu.vector_load %arg7[%swap3A_660, %swap3A_661] {strides = array<i32>} : memref<64x768xf32, #tpu.memory_space<vmem>>, vector<1x16xf32>,
        %swap3A_663 = vector.shape_cast %swap3A_662 : vector<1x16xf32> to vector<16xf32>
        %swap3A_664 = vector.shape_cast %add3A_659 : vector<16xf32> to vector<1x16xf32>
        tpu.vector_store %arg7[%swap3A_660, %swap3A_661], %swap3A_664 {strides = array<i32>} : memref<64x768xf32, #tpu.memory_space<vmem>>, vector<1x16xf32>,
        %get3A_665 = arith.index_cast %scan3A_78 : i32 to index
        %get3A_666 = arith.constant 672 : index
        %get3A_667 = tpu.vector_load %arg7[%get3A_665, %get3A_666] {strides = array<i32>} : memref<64x768xf32, #tpu.memory_space<vmem>>, vector<1x16xf32>,
        %get3A_668 = vector.shape_cast %get3A_667 : vector<1x16xf32> to vector<16xf32>
        %get3A_669 = arith.index_cast %scan3A_78 : i32 to index
        %get3A_670 = arith.constant 672 : index
        %get3A_671 = tpu.vector_load %arg8[%get3A_669, %get3A_670] {strides = array<i32>} : memref<64x768xf32, #tpu.memory_space<vmem>>, vector<1x16xf32>,
        %get3A_672 = vector.shape_cast %get3A_671 : vector<1x16xf32> to vector<16xf32>
        %add3A_673 = arith.addf %get3A_668, %get3A_672 : vector<16xf32>
        %swap3A_674 = arith.index_cast %scan3A_78 : i32 to index
        %swap3A_675 = arith.constant 672 : index
        %swap3A_676 = tpu.vector_load %arg7[%swap3A_674, %swap3A_675] {strides = array<i32>} : memref<64x768xf32, #tpu.memory_space<vmem>>, vector<1x16xf32>,
        %swap3A_677 = vector.shape_cast %swap3A_676 : vector<1x16xf32> to vector<16xf32>
        %swap3A_678 = vector.shape_cast %add3A_673 : vector<16xf32> to vector<1x16xf32>
        tpu.vector_store %arg7[%swap3A_674, %swap3A_675], %swap3A_678 {strides = array<i32>} : memref<64x768xf32, #tpu.memory_space<vmem>>, vector<1x16xf32>,
        %get3A_679 = arith.index_cast %scan3A_78 : i32 to index
        %get3A_680 = arith.constant 688 : index
        %get3A_681 = tpu.vector_load %arg7[%get3A_679, %get3A_680] {strides = array<i32>} : memref<64x768xf32, #tpu.memory_space<vmem>>, vector<1x16xf32>,
        %get3A_682 = vector.shape_cast %get3A_681 : vector<1x16xf32> to vector<16xf32>
        %get3A_683 = arith.index_cast %scan3A_78 : i32 to index
        %get3A_684 = arith.constant 688 : index
        %get3A_685 = tpu.vector_load %arg8[%get3A_683, %get3A_684] {strides = array<i32>} : memref<64x768xf32, #tpu.memory_space<vmem>>, vector<1x16xf32>,
        %get3A_686 = vector.shape_cast %get3A_685 : vector<1x16xf32> to vector<16xf32>
        %add3A_687 = arith.addf %get3A_682, %get3A_686 : vector<16xf32>
        %swap3A_688 = arith.index_cast %scan3A_78 : i32 to index
        %swap3A_689 = arith.constant 688 : index
        %swap3A_690 = tpu.vector_load %arg7[%swap3A_688, %swap3A_689] {strides = array<i32>} : memref<64x768xf32, #tpu.memory_space<vmem>>, vector<1x16xf32>,
        %swap3A_691 = vector.shape_cast %swap3A_690 : vector<1x16xf32> to vector<16xf32>
        %swap3A_692 = vector.shape_cast %add3A_687 : vector<16xf32> to vector<1x16xf32>
        tpu.vector_store %arg7[%swap3A_688, %swap3A_689], %swap3A_692 {strides = array<i32>} : memref<64x768xf32, #tpu.memory_space<vmem>>, vector<1x16xf32>,
        %get3A_693 = arith.index_cast %scan3A_78 : i32 to index
        %get3A_694 = arith.constant 704 : index
        %get3A_695 = tpu.vector_load %arg7[%get3A_693, %get3A_694] {strides = array<i32>} : memref<64x768xf32, #tpu.memory_space<vmem>>, vector<1x16xf32>,
        %get3A_696 = vector.shape_cast %get3A_695 : vector<1x16xf32> to vector<16xf32>
        %get3A_697 = arith.index_cast %scan3A_78 : i32 to index
        %get3A_698 = arith.constant 704 : index
        %get3A_699 = tpu.vector_load %arg8[%get3A_697, %get3A_698] {strides = array<i32>} : memref<64x768xf32, #tpu.memory_space<vmem>>, vector<1x16xf32>,
        %get3A_700 = vector.shape_cast %get3A_699 : vector<1x16xf32> to vector<16xf32>
        %add3A_701 = arith.addf %get3A_696, %get3A_700 : vector<16xf32>
        %swap3A_702 = arith.index_cast %scan3A_78 : i32 to index
        %swap3A_703 = arith.constant 704 : index
        %swap3A_704 = tpu.vector_load %arg7[%swap3A_702, %swap3A_703] {strides = array<i32>} : memref<64x768xf32, #tpu.memory_space<vmem>>, vector<1x16xf32>,
        %swap3A_705 = vector.shape_cast %swap3A_704 : vector<1x16xf32> to vector<16xf32>
        %swap3A_706 = vector.shape_cast %add3A_701 : vector<16xf32> to vector<1x16xf32>
        tpu.vector_store %arg7[%swap3A_702, %swap3A_703], %swap3A_706 {strides = array<i32>} : memref<64x768xf32, #tpu.memory_space<vmem>>, vector<1x16xf32>,
        %get3A_707 = arith.index_cast %scan3A_78 : i32 to index
        %get3A_708 = arith.constant 720 : index
        %get3A_709 = tpu.vector_load %arg7[%get3A_707, %get3A_708] {strides = array<i32>} : memref<64x768xf32, #tpu.memory_space<vmem>>, vector<1x16xf32>,
        %get3A_710 = vector.shape_cast %get3A_709 : vector<1x16xf32> to vector<16xf32>
        %get3A_711 = arith.index_cast %scan3A_78 : i32 to index
        %get3A_712 = arith.constant 720 : index
        %get3A_713 = tpu.vector_load %arg8[%get3A_711, %get3A_712] {strides = array<i32>} : memref<64x768xf32, #tpu.memory_space<vmem>>, vector<1x16xf32>,
        %get3A_714 = vector.shape_cast %get3A_713 : vector<1x16xf32> to vector<16xf32>
        %add3A_715 = arith.addf %get3A_710, %get3A_714 : vector<16xf32>
        %swap3A_716 = arith.index_cast %scan3A_78 : i32 to index
        %swap3A_717 = arith.constant 720 : index
        %swap3A_718 = tpu.vector_load %arg7[%swap3A_716, %swap3A_717] {strides = array<i32>} : memref<64x768xf32, #tpu.memory_space<vmem>>, vector<1x16xf32>,
        %swap3A_719 = vector.shape_cast %swap3A_718 : vector<1x16xf32> to vector<16xf32>
        %swap3A_720 = vector.shape_cast %add3A_715 : vector<16xf32> to vector<1x16xf32>
        tpu.vector_store %arg7[%swap3A_716, %swap3A_717], %swap3A_720 {strides = array<i32>} : memref<64x768xf32, #tpu.memory_space<vmem>>, vector<1x16xf32>,
        %get3A_721 = arith.index_cast %scan3A_78 : i32 to index
        %get3A_722 = arith.constant 736 : index
        %get3A_723 = tpu.vector_load %arg7[%get3A_721, %get3A_722] {strides = array<i32>} : memref<64x768xf32, #tpu.memory_space<vmem>>, vector<1x16xf32>,
        %get3A_724 = vector.shape_cast %get3A_723 : vector<1x16xf32> to vector<16xf32>
        %get3A_725 = arith.index_cast %scan3A_78 : i32 to index
        %get3A_726 = arith.constant 736 : index
        %get3A_727 = tpu.vector_load %arg8[%get3A_725, %get3A_726] {strides = array<i32>} : memref<64x768xf32, #tpu.memory_space<vmem>>, vector<1x16xf32>,
        %get3A_728 = vector.shape_cast %get3A_727 : vector<1x16xf32> to vector<16xf32>
        %add3A_729 = arith.addf %get3A_724, %get3A_728 : vector<16xf32>
        %swap3A_730 = arith.index_cast %scan3A_78 : i32 to index
        %swap3A_731 = arith.constant 736 : index
        %swap3A_732 = tpu.vector_load %arg7[%swap3A_730, %swap3A_731] {strides = array<i32>} : memref<64x768xf32, #tpu.memory_space<vmem>>, vector<1x16xf32>,
        %swap3A_733 = vector.shape_cast %swap3A_732 : vector<1x16xf32> to vector<16xf32>
        %swap3A_734 = vector.shape_cast %add3A_729 : vector<16xf32> to vector<1x16xf32>
        tpu.vector_store %arg7[%swap3A_730, %swap3A_731], %swap3A_734 {strides = array<i32>} : memref<64x768xf32, #tpu.memory_space<vmem>>, vector<1x16xf32>,
        %get3A_735 = arith.index_cast %scan3A_78 : i32 to index
        %get3A_736 = arith.constant 752 : index
        %get3A_737 = tpu.vector_load %arg7[%get3A_735, %get3A_736] {strides = array<i32>} : memref<64x768xf32, #tpu.memory_space<vmem>>, vector<1x16xf32>,
        %get3A_738 = vector.shape_cast %get3A_737 : vector<1x16xf32> to vector<16xf32>
        %get3A_739 = arith.index_cast %scan3A_78 : i32 to index
        %get3A_740 = arith.constant 752 : index
        %get3A_741 = tpu.vector_load %arg8[%get3A_739, %get3A_740] {strides = array<i32>} : memref<64x768xf32, #tpu.memory_space<vmem>>, vector<1x16xf32>,
        %get3A_742 = vector.shape_cast %get3A_741 : vector<1x16xf32> to vector<16xf32>
        %add3A_743 = arith.addf %get3A_738, %get3A_742 : vector<16xf32>
        %swap3A_744 = arith.index_cast %scan3A_78 : i32 to index
        %swap3A_745 = arith.constant 752 : index
        %swap3A_746 = tpu.vector_load %arg7[%swap3A_744, %swap3A_745] {strides = array<i32>} : memref<64x768xf32, #tpu.memory_space<vmem>>, vector<1x16xf32>,
        %swap3A_747 = vector.shape_cast %swap3A_746 : vector<1x16xf32> to vector<16xf32>
        %swap3A_748 = vector.shape_cast %add3A_743 : vector<16xf32> to vector<1x16xf32>
        tpu.vector_store %arg7[%swap3A_744, %swap3A_745], %swap3A_748 {strides = array<i32>} : memref<64x768xf32, #tpu.memory_space<vmem>>, vector<1x16xf32>,
      }
      %scan3A_75 = arith.constant 64 : i32
      %add3A_76 = arith.constant 64 : i32
      %add3A_77 = arith.addi %mul3A_4, %add3A_76 : i32
      "tpu.region"() ({
        %run_scoped3A = tpu.sem_alloc : memref<!tpu.dma_semaphore, #tpu.memory_space<semaphore_mem>>
        %dma_start3A_78 = arith.constant 0 : i32
        %dma_start3A_79 = tpu.memref_slice %arg4[%add3A_77, %dma_start3A_78] : memref<2048x768xf32, #tpu.memory_space<hbm>> -> memref<64x768xf32, #tpu.memory_space<hbm>>
        %dma_start3A_80 = arith.constant 0 : i32
        %dma_start3A_81 = tpu.memref_slice %arg4[%add3A_77, %dma_start3A_80] : memref<2048x768xf32, #tpu.memory_space<hbm>> -> memref<64x768xf32, #tpu.memory_space<hbm>>
        tpu.enqueue_dma source(%arg7 : memref<64x768xf32, #tpu.memory_space<vmem>>) target(%dma_start3A_81 : memref<64x768xf32, #tpu.memory_space<hbm>>) target_semaphore(%run_scoped3A : memref<!tpu.dma_semaphore, #tpu.memory_space<semaphore_mem>>)
        %dma_wait3A_82 = arith.constant 0 : i32
        %dma_wait3A_83 = tpu.memref_slice %arg4[%add3A_77, %dma_wait3A_82] : memref<2048x768xf32, #tpu.memory_space<hbm>> -> memref<64x768xf32, #tpu.memory_space<hbm>>
        %dma_wait3A_84 = arith.constant 0 : i32
        %dma_wait3A_85 = tpu.memref_slice %arg4[%add3A_77, %dma_wait3A_84] : memref<2048x768xf32, #tpu.memory_space<hbm>> -> memref<64x768xf32, #tpu.memory_space<hbm>>
        tpu.wait_dma2 semaphore(%run_scoped3A : memref<!tpu.dma_semaphore, #tpu.memory_space<semaphore_mem>>) src(%arg7 : memref<64x768xf32, #tpu.memory_space<vmem>>) dst(%dma_wait3A_85 : memref<64x768xf32, #tpu.memory_space<hbm>>)
        tpu.yield
      }) : () -> ()
    } else {
    }
    return
  }
}

#map = affine_map<(d0, d1) -> (0, 0)>
#map1 = affine_map<(d0, d1) -> (0)>
module attributes {stable_mosaic.version = 14 : i64} {
  func.func @_dispatch_gather_body(%arg0: i32, %arg1: i32, %arg2: memref<2x2048xi32, #tpu.memory_space<hbm>>, %arg3: memref<2x2048xf32, #tpu.memory_space<hbm>>, %arg4: memref<2048x768xf32, #tpu.memory_space<hbm>>, %arg5: memref<6144x768xf32, #tpu.memory_space<hbm>>, %arg6: memref<6144xf32, #tpu.memory_space<hbm>>, %arg7: memref<384xi32, #tpu.memory_space<vmem>>, %arg8: memref<384xf32, #tpu.memory_space<vmem>>, %arg9: memref<128xi32, #tpu.memory_space<vmem>>, %arg10: memref<128xi32, #tpu.memory_space<vmem>>, %arg11: memref<128xf32, #tpu.memory_space<vmem>>, %arg12: memref<128xf32, #tpu.memory_space<vmem>>, %arg13: memref<128xi32, #tpu.memory_space<vmem>>, %arg14: memref<256xi32, #tpu.memory_space<vmem>>, %arg15: memref<64x768xf32, #tpu.memory_space<vmem>>, %arg16: memref<64x768xf32, #tpu.memory_space<vmem>>, %arg17: memref<6144xi32, #tpu.memory_space<vmem_shared>>, %arg18: memref<6144xf32, #tpu.memory_space<vmem_shared>>, %arg19: memref<!tpu.dma_semaphore, #tpu.memory_space<semaphore_mem>>, %arg20: memref<!tpu.dma_semaphore, #tpu.memory_space<semaphore_mem>>, %arg21: memref<!tpu.dma_semaphore, #tpu.memory_space<semaphore_mem>>, %arg22: memref<!tpu.dma_semaphore, #tpu.memory_space<semaphore_mem>>) attributes {dimension_semantics = [#tpu.dimension_semantics<core_parallel>, #tpu.dimension_semantics<subcore_parallel>], iteration_bounds = array<i64: 2, 16>, scalar_prefetch = 0 : i64, scratch_operands = 16 : i64, tpu.core_type = #tpu.core_type<sc_vector_subcore>, window_params = [{transform_indices = #map}, {transform_indices = #map}, {transform_indices = #map}, {transform_indices = #map}, {transform_indices = #map1}]} {
    %scan3A = arith.constant 0 : i32
    %scan3A_0 = arith.constant 0 : i32
    %scan3A_1 = arith.constant 24 : i32
    %scan3A_2 = arith.addi %scan3A_0, %scan3A_1 : i32
    %scan3A_3 = arith.constant 1 : i32
    scf.for %scan3A_99 = %scan3A_0 to %scan3A_2 step %scan3A_3  : i32 {
      %broadcast_in_dim3A = arith.constant 0 : i32
      %broadcast_in_dim3A_100 = vector.broadcast %broadcast_in_dim3A : i32 to vector<16xi32>
      %mul3A_101 = arith.constant 16 : i32
      %mul3A_102 = arith.muli %scan3A_99, %mul3A_101 : i32
      %swap3A_103 = arith.index_cast %mul3A_102 : i32 to index
      %swap3A_104 = tpu.vector_load %arg7[%swap3A_103] {strides = array<i32>} : memref<384xi32, #tpu.memory_space<vmem>>, vector<16xi32>,
      %swap3A_105 = vector.shape_cast %swap3A_104 : vector<16xi32> to vector<16xi32>
      %swap3A_106 = vector.shape_cast %broadcast_in_dim3A_100 : vector<16xi32> to vector<16xi32>
      tpu.vector_store %arg7[%swap3A_103], %swap3A_106 {strides = array<i32>} : memref<384xi32, #tpu.memory_space<vmem>>, vector<16xi32>,
      %broadcast_in_dim3A_107 = arith.constant 0.000000e+00 : f32
      %broadcast_in_dim3A_108 = vector.broadcast %broadcast_in_dim3A_107 : f32 to vector<16xf32>
      %mul3A_109 = arith.constant 16 : i32
      %mul3A_110 = arith.muli %scan3A_99, %mul3A_109 : i32
      %swap3A_111 = arith.index_cast %mul3A_110 : i32 to index
      %swap3A_112 = tpu.vector_load %arg8[%swap3A_111] {strides = array<i32>} : memref<384xf32, #tpu.memory_space<vmem>>, vector<16xf32>,
      %swap3A_113 = vector.shape_cast %swap3A_112 : vector<16xf32> to vector<16xf32>
      %swap3A_114 = vector.shape_cast %broadcast_in_dim3A_108 : vector<16xf32> to vector<16xf32>
      tpu.vector_store %arg8[%swap3A_111], %swap3A_114 {strides = array<i32>} : memref<384xf32, #tpu.memory_space<vmem>>, vector<16xf32>,
    }
    %scan3A_4 = arith.constant 24 : i32
    %mul3A = arith.constant 384 : i32
    %mul3A_5 = arith.muli %mul3A, %arg1 : i32
    "tpu.region"() ({
      %run_scoped3A_99 = tpu.sem_alloc : memref<!tpu.dma_semaphore, #tpu.memory_space<semaphore_mem>>
      %dma_start3A_100 = tpu.memref_slice %arg17[%mul3A_5] : memref<6144xi32, #tpu.memory_space<vmem_shared>> -> memref<384xi32, #tpu.memory_space<vmem_shared>>
      %dma_start3A_101 = tpu.memref_slice %arg17[%mul3A_5] : memref<6144xi32, #tpu.memory_space<vmem_shared>> -> memref<384xi32, #tpu.memory_space<vmem_shared>>
      tpu.enqueue_dma source(%arg7 : memref<384xi32, #tpu.memory_space<vmem>>) target(%dma_start3A_101 : memref<384xi32, #tpu.memory_space<vmem_shared>>) target_semaphore(%run_scoped3A_99 : memref<!tpu.dma_semaphore, #tpu.memory_space<semaphore_mem>>)
      %dma_wait3A_102 = tpu.memref_slice %arg17[%mul3A_5] : memref<6144xi32, #tpu.memory_space<vmem_shared>> -> memref<384xi32, #tpu.memory_space<vmem_shared>>
      %dma_wait3A_103 = tpu.memref_slice %arg17[%mul3A_5] : memref<6144xi32, #tpu.memory_space<vmem_shared>> -> memref<384xi32, #tpu.memory_space<vmem_shared>>
      tpu.wait_dma2 semaphore(%run_scoped3A_99 : memref<!tpu.dma_semaphore, #tpu.memory_space<semaphore_mem>>) src(%arg7 : memref<384xi32, #tpu.memory_space<vmem>>) dst(%dma_wait3A_103 : memref<384xi32, #tpu.memory_space<vmem_shared>>)
      tpu.yield
    }) : () -> ()
    %mul3A_6 = arith.constant 384 : i32
    %mul3A_7 = arith.muli %mul3A_6, %arg1 : i32
    "tpu.region"() ({
      %run_scoped3A_99 = tpu.sem_alloc : memref<!tpu.dma_semaphore, #tpu.memory_space<semaphore_mem>>
      %dma_start3A_100 = tpu.memref_slice %arg18[%mul3A_7] : memref<6144xf32, #tpu.memory_space<vmem_shared>> -> memref<384xf32, #tpu.memory_space<vmem_shared>>
      %dma_start3A_101 = tpu.memref_slice %arg18[%mul3A_7] : memref<6144xf32, #tpu.memory_space<vmem_shared>> -> memref<384xf32, #tpu.memory_space<vmem_shared>>
      tpu.enqueue_dma source(%arg8 : memref<384xf32, #tpu.memory_space<vmem>>) target(%dma_start3A_101 : memref<384xf32, #tpu.memory_space<vmem_shared>>) target_semaphore(%run_scoped3A_99 : memref<!tpu.dma_semaphore, #tpu.memory_space<semaphore_mem>>)
      %dma_wait3A_102 = tpu.memref_slice %arg18[%mul3A_7] : memref<6144xf32, #tpu.memory_space<vmem_shared>> -> memref<384xf32, #tpu.memory_space<vmem_shared>>
      %dma_wait3A_103 = tpu.memref_slice %arg18[%mul3A_7] : memref<6144xf32, #tpu.memory_space<vmem_shared>> -> memref<384xf32, #tpu.memory_space<vmem_shared>>
      tpu.wait_dma2 semaphore(%run_scoped3A_99 : memref<!tpu.dma_semaphore, #tpu.memory_space<semaphore_mem>>) src(%arg8 : memref<384xf32, #tpu.memory_space<vmem>>) dst(%dma_wait3A_103 : memref<384xf32, #tpu.memory_space<vmem_shared>>)
      tpu.yield
    }) : () -> ()
    %mul3A_8 = arith.constant 128 : i32
    %mul3A_9 = arith.muli %arg1, %mul3A_8 : i32
    %run_scoped3A = arith.constant 0 : i32
    "tpu.region"() ({
      %run_scoped3A_99 = tpu.sem_alloc : memref<!tpu.dma_semaphore, #tpu.memory_space<semaphore_mem>>
      %dma_start3A_100 = tpu.memref_slice %arg2[%run_scoped3A, %mul3A_9] : memref<2x2048xi32, #tpu.memory_space<hbm>> -> memref<1x128xi32, #tpu.memory_space<hbm>>
      %dma_start3A_101 = tpu.memref_squeeze %dma_start3A_100 : memref<1x128xi32, #tpu.memory_space<hbm>> -> memref<128xi32, #tpu.memory_space<hbm>>
      %dma_start3A_102 = tpu.memref_slice %arg2[%run_scoped3A, %mul3A_9] : memref<2x2048xi32, #tpu.memory_space<hbm>> -> memref<1x128xi32, #tpu.memory_space<hbm>>
      %dma_start3A_103 = tpu.memref_squeeze %dma_start3A_102 : memref<1x128xi32, #tpu.memory_space<hbm>> -> memref<128xi32, #tpu.memory_space<hbm>>
      tpu.enqueue_dma source(%dma_start3A_103 : memref<128xi32, #tpu.memory_space<hbm>>) target(%arg9 : memref<128xi32, #tpu.memory_space<vmem>>) target_semaphore(%run_scoped3A_99 : memref<!tpu.dma_semaphore, #tpu.memory_space<semaphore_mem>>)
      %dma_wait3A_104 = tpu.memref_slice %arg2[%run_scoped3A, %mul3A_9] : memref<2x2048xi32, #tpu.memory_space<hbm>> -> memref<1x128xi32, #tpu.memory_space<hbm>>
      %dma_wait3A_105 = tpu.memref_squeeze %dma_wait3A_104 : memref<1x128xi32, #tpu.memory_space<hbm>> -> memref<128xi32, #tpu.memory_space<hbm>>
      %dma_wait3A_106 = tpu.memref_slice %arg2[%run_scoped3A, %mul3A_9] : memref<2x2048xi32, #tpu.memory_space<hbm>> -> memref<1x128xi32, #tpu.memory_space<hbm>>
      %dma_wait3A_107 = tpu.memref_squeeze %dma_wait3A_106 : memref<1x128xi32, #tpu.memory_space<hbm>> -> memref<128xi32, #tpu.memory_space<hbm>>
      tpu.wait_dma2 semaphore(%run_scoped3A_99 : memref<!tpu.dma_semaphore, #tpu.memory_space<semaphore_mem>>) src(%dma_wait3A_107 : memref<128xi32, #tpu.memory_space<hbm>>) dst(%arg9 : memref<128xi32, #tpu.memory_space<vmem>>)
      tpu.yield
    }) : () -> ()
    %run_scoped3A_10 = arith.constant 1 : i32
    "tpu.region"() ({
      %run_scoped3A_99 = tpu.sem_alloc : memref<!tpu.dma_semaphore, #tpu.memory_space<semaphore_mem>>
      %dma_start3A_100 = tpu.memref_slice %arg2[%run_scoped3A_10, %mul3A_9] : memref<2x2048xi32, #tpu.memory_space<hbm>> -> memref<1x128xi32, #tpu.memory_space<hbm>>
      %dma_start3A_101 = tpu.memref_squeeze %dma_start3A_100 : memref<1x128xi32, #tpu.memory_space<hbm>> -> memref<128xi32, #tpu.memory_space<hbm>>
      %dma_start3A_102 = tpu.memref_slice %arg2[%run_scoped3A_10, %mul3A_9] : memref<2x2048xi32, #tpu.memory_space<hbm>> -> memref<1x128xi32, #tpu.memory_space<hbm>>
      %dma_start3A_103 = tpu.memref_squeeze %dma_start3A_102 : memref<1x128xi32, #tpu.memory_space<hbm>> -> memref<128xi32, #tpu.memory_space<hbm>>
      tpu.enqueue_dma source(%dma_start3A_103 : memref<128xi32, #tpu.memory_space<hbm>>) target(%arg10 : memref<128xi32, #tpu.memory_space<vmem>>) target_semaphore(%run_scoped3A_99 : memref<!tpu.dma_semaphore, #tpu.memory_space<semaphore_mem>>)
      %dma_wait3A_104 = tpu.memref_slice %arg2[%run_scoped3A_10, %mul3A_9] : memref<2x2048xi32, #tpu.memory_space<hbm>> -> memref<1x128xi32, #tpu.memory_space<hbm>>
      %dma_wait3A_105 = tpu.memref_squeeze %dma_wait3A_104 : memref<1x128xi32, #tpu.memory_space<hbm>> -> memref<128xi32, #tpu.memory_space<hbm>>
      %dma_wait3A_106 = tpu.memref_slice %arg2[%run_scoped3A_10, %mul3A_9] : memref<2x2048xi32, #tpu.memory_space<hbm>> -> memref<1x128xi32, #tpu.memory_space<hbm>>
      %dma_wait3A_107 = tpu.memref_squeeze %dma_wait3A_106 : memref<1x128xi32, #tpu.memory_space<hbm>> -> memref<128xi32, #tpu.memory_space<hbm>>
      tpu.wait_dma2 semaphore(%run_scoped3A_99 : memref<!tpu.dma_semaphore, #tpu.memory_space<semaphore_mem>>) src(%dma_wait3A_107 : memref<128xi32, #tpu.memory_space<hbm>>) dst(%arg10 : memref<128xi32, #tpu.memory_space<vmem>>)
      tpu.yield
    }) : () -> ()
    %run_scoped3A_11 = arith.constant 0 : i32
    "tpu.region"() ({
      %run_scoped3A_99 = tpu.sem_alloc : memref<!tpu.dma_semaphore, #tpu.memory_space<semaphore_mem>>
      %dma_start3A_100 = tpu.memref_slice %arg3[%run_scoped3A_11, %mul3A_9] : memref<2x2048xf32, #tpu.memory_space<hbm>> -> memref<1x128xf32, #tpu.memory_space<hbm>>
      %dma_start3A_101 = tpu.memref_squeeze %dma_start3A_100 : memref<1x128xf32, #tpu.memory_space<hbm>> -> memref<128xf32, #tpu.memory_space<hbm>>
      %dma_start3A_102 = tpu.memref_slice %arg3[%run_scoped3A_11, %mul3A_9] : memref<2x2048xf32, #tpu.memory_space<hbm>> -> memref<1x128xf32, #tpu.memory_space<hbm>>
      %dma_start3A_103 = tpu.memref_squeeze %dma_start3A_102 : memref<1x128xf32, #tpu.memory_space<hbm>> -> memref<128xf32, #tpu.memory_space<hbm>>
      tpu.enqueue_dma source(%dma_start3A_103 : memref<128xf32, #tpu.memory_space<hbm>>) target(%arg11 : memref<128xf32, #tpu.memory_space<vmem>>) target_semaphore(%run_scoped3A_99 : memref<!tpu.dma_semaphore, #tpu.memory_space<semaphore_mem>>)
      %dma_wait3A_104 = tpu.memref_slice %arg3[%run_scoped3A_11, %mul3A_9] : memref<2x2048xf32, #tpu.memory_space<hbm>> -> memref<1x128xf32, #tpu.memory_space<hbm>>
      %dma_wait3A_105 = tpu.memref_squeeze %dma_wait3A_104 : memref<1x128xf32, #tpu.memory_space<hbm>> -> memref<128xf32, #tpu.memory_space<hbm>>
      %dma_wait3A_106 = tpu.memref_slice %arg3[%run_scoped3A_11, %mul3A_9] : memref<2x2048xf32, #tpu.memory_space<hbm>> -> memref<1x128xf32, #tpu.memory_space<hbm>>
      %dma_wait3A_107 = tpu.memref_squeeze %dma_wait3A_106 : memref<1x128xf32, #tpu.memory_space<hbm>> -> memref<128xf32, #tpu.memory_space<hbm>>
      tpu.wait_dma2 semaphore(%run_scoped3A_99 : memref<!tpu.dma_semaphore, #tpu.memory_space<semaphore_mem>>) src(%dma_wait3A_107 : memref<128xf32, #tpu.memory_space<hbm>>) dst(%arg11 : memref<128xf32, #tpu.memory_space<vmem>>)
      tpu.yield
    }) : () -> ()
    %run_scoped3A_12 = arith.constant 1 : i32
    "tpu.region"() ({
      %run_scoped3A_99 = tpu.sem_alloc : memref<!tpu.dma_semaphore, #tpu.memory_space<semaphore_mem>>
      %dma_start3A_100 = tpu.memref_slice %arg3[%run_scoped3A_12, %mul3A_9] : memref<2x2048xf32, #tpu.memory_space<hbm>> -> memref<1x128xf32, #tpu.memory_space<hbm>>
      %dma_start3A_101 = tpu.memref_squeeze %dma_start3A_100 : memref<1x128xf32, #tpu.memory_space<hbm>> -> memref<128xf32, #tpu.memory_space<hbm>>
      %dma_start3A_102 = tpu.memref_slice %arg3[%run_scoped3A_12, %mul3A_9] : memref<2x2048xf32, #tpu.memory_space<hbm>> -> memref<1x128xf32, #tpu.memory_space<hbm>>
      %dma_start3A_103 = tpu.memref_squeeze %dma_start3A_102 : memref<1x128xf32, #tpu.memory_space<hbm>> -> memref<128xf32, #tpu.memory_space<hbm>>
      tpu.enqueue_dma source(%dma_start3A_103 : memref<128xf32, #tpu.memory_space<hbm>>) target(%arg12 : memref<128xf32, #tpu.memory_space<vmem>>) target_semaphore(%run_scoped3A_99 : memref<!tpu.dma_semaphore, #tpu.memory_space<semaphore_mem>>)
      %dma_wait3A_104 = tpu.memref_slice %arg3[%run_scoped3A_12, %mul3A_9] : memref<2x2048xf32, #tpu.memory_space<hbm>> -> memref<1x128xf32, #tpu.memory_space<hbm>>
      %dma_wait3A_105 = tpu.memref_squeeze %dma_wait3A_104 : memref<1x128xf32, #tpu.memory_space<hbm>> -> memref<128xf32, #tpu.memory_space<hbm>>
      %dma_wait3A_106 = tpu.memref_slice %arg3[%run_scoped3A_12, %mul3A_9] : memref<2x2048xf32, #tpu.memory_space<hbm>> -> memref<1x128xf32, #tpu.memory_space<hbm>>
      %dma_wait3A_107 = tpu.memref_squeeze %dma_wait3A_106 : memref<1x128xf32, #tpu.memory_space<hbm>> -> memref<128xf32, #tpu.memory_space<hbm>>
      tpu.wait_dma2 semaphore(%run_scoped3A_99 : memref<!tpu.dma_semaphore, #tpu.memory_space<semaphore_mem>>) src(%dma_wait3A_107 : memref<128xf32, #tpu.memory_space<hbm>>) dst(%arg12 : memref<128xf32, #tpu.memory_space<vmem>>)
      tpu.yield
    }) : () -> ()
    %add3A = arith.constant 0 : i32
    %add3A_13 = arith.addi %mul3A_9, %add3A : i32
    %iota3A = tpu.iota {dimensions = array<i32: 0>} : vector<16xi32>
    %add3A_14 = vector.broadcast %add3A_13 : i32 to vector<16xi32>
    %add3A_15 = arith.addi %iota3A, %add3A_14 : vector<16xi32>
    %swap3A = arith.constant 0 : index
    %swap3A_16 = tpu.vector_load %arg13[%swap3A] {strides = array<i32>} : memref<128xi32, #tpu.memory_space<vmem>>, vector<16xi32>,
    %swap3A_17 = vector.shape_cast %swap3A_16 : vector<16xi32> to vector<16xi32>
    %swap3A_18 = vector.shape_cast %add3A_15 : vector<16xi32> to vector<16xi32>
    tpu.vector_store %arg13[%swap3A], %swap3A_18 {strides = array<i32>} : memref<128xi32, #tpu.memory_space<vmem>>, vector<16xi32>,
    %add3A_19 = arith.constant 16 : i32
    %add3A_20 = arith.addi %mul3A_9, %add3A_19 : i32
    %iota3A_21 = tpu.iota {dimensions = array<i32: 0>} : vector<16xi32>
    %add3A_22 = vector.broadcast %add3A_20 : i32 to vector<16xi32>
    %add3A_23 = arith.addi %iota3A_21, %add3A_22 : vector<16xi32>
    %swap3A_24 = arith.constant 16 : index
    %swap3A_25 = tpu.vector_load %arg13[%swap3A_24] {strides = array<i32>} : memref<128xi32, #tpu.memory_space<vmem>>, vector<16xi32>,
    %swap3A_26 = vector.shape_cast %swap3A_25 : vector<16xi32> to vector<16xi32>
    %swap3A_27 = vector.shape_cast %add3A_23 : vector<16xi32> to vector<16xi32>
    tpu.vector_store %arg13[%swap3A_24], %swap3A_27 {strides = array<i32>} : memref<128xi32, #tpu.memory_space<vmem>>, vector<16xi32>,
    %add3A_28 = arith.constant 32 : i32
    %add3A_29 = arith.addi %mul3A_9, %add3A_28 : i32
    %iota3A_30 = tpu.iota {dimensions = array<i32: 0>} : vector<16xi32>
    %add3A_31 = vector.broadcast %add3A_29 : i32 to vector<16xi32>
    %add3A_32 = arith.addi %iota3A_30, %add3A_31 : vector<16xi32>
    %swap3A_33 = arith.constant 32 : index
    %swap3A_34 = tpu.vector_load %arg13[%swap3A_33] {strides = array<i32>} : memref<128xi32, #tpu.memory_space<vmem>>, vector<16xi32>,
    %swap3A_35 = vector.shape_cast %swap3A_34 : vector<16xi32> to vector<16xi32>
    %swap3A_36 = vector.shape_cast %add3A_32 : vector<16xi32> to vector<16xi32>
    tpu.vector_store %arg13[%swap3A_33], %swap3A_36 {strides = array<i32>} : memref<128xi32, #tpu.memory_space<vmem>>, vector<16xi32>,
    %add3A_37 = arith.constant 48 : i32
    %add3A_38 = arith.addi %mul3A_9, %add3A_37 : i32
    %iota3A_39 = tpu.iota {dimensions = array<i32: 0>} : vector<16xi32>
    %add3A_40 = vector.broadcast %add3A_38 : i32 to vector<16xi32>
    %add3A_41 = arith.addi %iota3A_39, %add3A_40 : vector<16xi32>
    %swap3A_42 = arith.constant 48 : index
    %swap3A_43 = tpu.vector_load %arg13[%swap3A_42] {strides = array<i32>} : memref<128xi32, #tpu.memory_space<vmem>>, vector<16xi32>,
    %swap3A_44 = vector.shape_cast %swap3A_43 : vector<16xi32> to vector<16xi32>
    %swap3A_45 = vector.shape_cast %add3A_41 : vector<16xi32> to vector<16xi32>
    tpu.vector_store %arg13[%swap3A_42], %swap3A_45 {strides = array<i32>} : memref<128xi32, #tpu.memory_space<vmem>>, vector<16xi32>,
    %add3A_46 = arith.constant 64 : i32
    %add3A_47 = arith.addi %mul3A_9, %add3A_46 : i32
    %iota3A_48 = tpu.iota {dimensions = array<i32: 0>} : vector<16xi32>
    %add3A_49 = vector.broadcast %add3A_47 : i32 to vector<16xi32>
    %add3A_50 = arith.addi %iota3A_48, %add3A_49 : vector<16xi32>
    %swap3A_51 = arith.constant 64 : index
    %swap3A_52 = tpu.vector_load %arg13[%swap3A_51] {strides = array<i32>} : memref<128xi32, #tpu.memory_space<vmem>>, vector<16xi32>,
    %swap3A_53 = vector.shape_cast %swap3A_52 : vector<16xi32> to vector<16xi32>
    %swap3A_54 = vector.shape_cast %add3A_50 : vector<16xi32> to vector<16xi32>
    tpu.vector_store %arg13[%swap3A_51], %swap3A_54 {strides = array<i32>} : memref<128xi32, #tpu.memory_space<vmem>>, vector<16xi32>,
    %add3A_55 = arith.constant 80 : i32
    %add3A_56 = arith.addi %mul3A_9, %add3A_55 : i32
    %iota3A_57 = tpu.iota {dimensions = array<i32: 0>} : vector<16xi32>
    %add3A_58 = vector.broadcast %add3A_56 : i32 to vector<16xi32>
    %add3A_59 = arith.addi %iota3A_57, %add3A_58 : vector<16xi32>
    %swap3A_60 = arith.constant 80 : index
    %swap3A_61 = tpu.vector_load %arg13[%swap3A_60] {strides = array<i32>} : memref<128xi32, #tpu.memory_space<vmem>>, vector<16xi32>,
    %swap3A_62 = vector.shape_cast %swap3A_61 : vector<16xi32> to vector<16xi32>
    %swap3A_63 = vector.shape_cast %add3A_59 : vector<16xi32> to vector<16xi32>
    tpu.vector_store %arg13[%swap3A_60], %swap3A_63 {strides = array<i32>} : memref<128xi32, #tpu.memory_space<vmem>>, vector<16xi32>,
    %add3A_64 = arith.constant 96 : i32
    %add3A_65 = arith.addi %mul3A_9, %add3A_64 : i32
    %iota3A_66 = tpu.iota {dimensions = array<i32: 0>} : vector<16xi32>
    %add3A_67 = vector.broadcast %add3A_65 : i32 to vector<16xi32>
    %add3A_68 = arith.addi %iota3A_66, %add3A_67 : vector<16xi32>
    %swap3A_69 = arith.constant 96 : index
    %swap3A_70 = tpu.vector_load %arg13[%swap3A_69] {strides = array<i32>} : memref<128xi32, #tpu.memory_space<vmem>>, vector<16xi32>,
    %swap3A_71 = vector.shape_cast %swap3A_70 : vector<16xi32> to vector<16xi32>
    %swap3A_72 = vector.shape_cast %add3A_68 : vector<16xi32> to vector<16xi32>
    tpu.vector_store %arg13[%swap3A_69], %swap3A_72 {strides = array<i32>} : memref<128xi32, #tpu.memory_space<vmem>>, vector<16xi32>,
    %add3A_73 = arith.constant 112 : i32
    %add3A_74 = arith.addi %mul3A_9, %add3A_73 : i32
    %iota3A_75 = tpu.iota {dimensions = array<i32: 0>} : vector<16xi32>
    %add3A_76 = vector.broadcast %add3A_74 : i32 to vector<16xi32>
    %add3A_77 = arith.addi %iota3A_75, %add3A_76 : vector<16xi32>
    %swap3A_78 = arith.constant 112 : index
    %swap3A_79 = tpu.vector_load %arg13[%swap3A_78] {strides = array<i32>} : memref<128xi32, #tpu.memory_space<vmem>>, vector<16xi32>,
    %swap3A_80 = vector.shape_cast %swap3A_79 : vector<16xi32> to vector<16xi32>
    %swap3A_81 = vector.shape_cast %add3A_77 : vector<16xi32> to vector<16xi32>
    tpu.vector_store %arg13[%swap3A_78], %swap3A_81 {strides = array<i32>} : memref<128xi32, #tpu.memory_space<vmem>>, vector<16xi32>,
    %barrier3A = arith.constant 0 : index
    tpu.barrier barrier_id(%barrier3A)
    %dma_start3A = arith.constant 0 : i32
    %dma_start3A_82 = tpu.memref_slice %arg17[%dma_start3A] : memref<6144xi32, #tpu.memory_space<vmem_shared>> -> memref<6144xi32, #tpu.memory_space<vmem_shared>>
    tpu.enqueue_indirect_dma source(%arg13 : memref<128xi32, #tpu.memory_space<vmem>>) target(%dma_start3A_82 : memref<6144xi32, #tpu.memory_space<vmem_shared>>) offsets(%arg9 : memref<128xi32, #tpu.memory_space<vmem>>) semaphore(%arg20 : memref<!tpu.dma_semaphore, #tpu.memory_space<semaphore_mem>>) {add = true}
    %dma_start3A_83 = arith.constant 0 : i32
    %dma_start3A_84 = tpu.memref_slice %arg17[%dma_start3A_83] : memref<6144xi32, #tpu.memory_space<vmem_shared>> -> memref<6144xi32, #tpu.memory_space<vmem_shared>>
    tpu.enqueue_indirect_dma source(%arg13 : memref<128xi32, #tpu.memory_space<vmem>>) target(%dma_start3A_84 : memref<6144xi32, #tpu.memory_space<vmem_shared>>) offsets(%arg10 : memref<128xi32, #tpu.memory_space<vmem>>) semaphore(%arg20 : memref<!tpu.dma_semaphore, #tpu.memory_space<semaphore_mem>>) {add = true}
    %dma_start3A_85 = arith.constant 0 : i32
    %dma_start3A_86 = tpu.memref_slice %arg18[%dma_start3A_85] : memref<6144xf32, #tpu.memory_space<vmem_shared>> -> memref<6144xf32, #tpu.memory_space<vmem_shared>>
    tpu.enqueue_indirect_dma source(%arg11 : memref<128xf32, #tpu.memory_space<vmem>>) target(%dma_start3A_86 : memref<6144xf32, #tpu.memory_space<vmem_shared>>) offsets(%arg9 : memref<128xi32, #tpu.memory_space<vmem>>) semaphore(%arg20 : memref<!tpu.dma_semaphore, #tpu.memory_space<semaphore_mem>>) {add = true}
    %dma_start3A_87 = arith.constant 0 : i32
    %dma_start3A_88 = tpu.memref_slice %arg18[%dma_start3A_87] : memref<6144xf32, #tpu.memory_space<vmem_shared>> -> memref<6144xf32, #tpu.memory_space<vmem_shared>>
    tpu.enqueue_indirect_dma source(%arg12 : memref<128xf32, #tpu.memory_space<vmem>>) target(%dma_start3A_88 : memref<6144xf32, #tpu.memory_space<vmem_shared>>) offsets(%arg10 : memref<128xi32, #tpu.memory_space<vmem>>) semaphore(%arg20 : memref<!tpu.dma_semaphore, #tpu.memory_space<semaphore_mem>>) {add = true}
    %dma_wait3A = arith.constant 0 : i32
    %dma_wait3A_89 = tpu.memref_slice %arg17[%dma_wait3A] : memref<6144xi32, #tpu.memory_space<vmem_shared>> -> memref<6144xi32, #tpu.memory_space<vmem_shared>>
    tpu.wait_indirect_dma semaphore(%arg20 : memref<!tpu.dma_semaphore, #tpu.memory_space<semaphore_mem>>) src(%arg13 : memref<128xi32, #tpu.memory_space<vmem>>) dst(%dma_wait3A_89 : memref<6144xi32, #tpu.memory_space<vmem_shared>>)
    %dma_wait3A_90 = arith.constant 0 : i32
    %dma_wait3A_91 = tpu.memref_slice %arg17[%dma_wait3A_90] : memref<6144xi32, #tpu.memory_space<vmem_shared>> -> memref<6144xi32, #tpu.memory_space<vmem_shared>>
    tpu.wait_indirect_dma semaphore(%arg20 : memref<!tpu.dma_semaphore, #tpu.memory_space<semaphore_mem>>) src(%arg13 : memref<128xi32, #tpu.memory_space<vmem>>) dst(%dma_wait3A_91 : memref<6144xi32, #tpu.memory_space<vmem_shared>>)
    %dma_wait3A_92 = arith.constant 0 : i32
    %dma_wait3A_93 = tpu.memref_slice %arg18[%dma_wait3A_92] : memref<6144xf32, #tpu.memory_space<vmem_shared>> -> memref<6144xf32, #tpu.memory_space<vmem_shared>>
    tpu.wait_indirect_dma semaphore(%arg20 : memref<!tpu.dma_semaphore, #tpu.memory_space<semaphore_mem>>) src(%arg11 : memref<128xf32, #tpu.memory_space<vmem>>) dst(%dma_wait3A_93 : memref<6144xf32, #tpu.memory_space<vmem_shared>>)
    %dma_wait3A_94 = arith.constant 0 : i32
    %dma_wait3A_95 = tpu.memref_slice %arg18[%dma_wait3A_94] : memref<6144xf32, #tpu.memory_space<vmem_shared>> -> memref<6144xf32, #tpu.memory_space<vmem_shared>>
    tpu.wait_indirect_dma semaphore(%arg20 : memref<!tpu.dma_semaphore, #tpu.memory_space<semaphore_mem>>) src(%arg12 : memref<128xf32, #tpu.memory_space<vmem>>) dst(%dma_wait3A_95 : memref<6144xf32, #tpu.memory_space<vmem_shared>>)
    %barrier3A_96 = arith.constant 0 : index
    tpu.barrier barrier_id(%barrier3A_96)
    %lt3A = arith.constant 12 : i32
    %lt3A_97 = arith.cmpi slt, %arg1, %lt3A : i32
    %convert_element_type3A = arith.extui %lt3A_97 : i1 to i32
    %cond3A = arith.constant 0 : i32
    %cond3A_98 = arith.cmpi ne, %convert_element_type3A, %cond3A : i32
    scf.if %cond3A_98 {
      %mul3A_99 = arith.constant 2 : i32
      %mul3A_100 = arith.muli %mul3A_99, %arg1 : i32
      %add3A_101 = arith.addi %mul3A_100, %arg0 : i32
      %mul3A_102 = arith.constant 256 : i32
      %mul3A_103 = arith.muli %mul3A_102, %add3A_101 : i32
      "tpu.region"() ({
        %run_scoped3A_184 = tpu.sem_alloc : memref<!tpu.dma_semaphore, #tpu.memory_space<semaphore_mem>>
        %dma_start3A_185 = tpu.memref_slice %arg6[%mul3A_103] : memref<6144xf32, #tpu.memory_space<hbm>> -> memref<256xf32, #tpu.memory_space<hbm>>
        %dma_start3A_186 = tpu.memref_slice %arg18[%mul3A_103] : memref<6144xf32, #tpu.memory_space<vmem_shared>> -> memref<256xf32, #tpu.memory_space<vmem_shared>>
        tpu.enqueue_dma source(%dma_start3A_186 : memref<256xf32, #tpu.memory_space<vmem_shared>>) target(%dma_start3A_185 : memref<256xf32, #tpu.memory_space<hbm>>) target_semaphore(%run_scoped3A_184 : memref<!tpu.dma_semaphore, #tpu.memory_space<semaphore_mem>>)
        %dma_wait3A_187 = tpu.memref_slice %arg6[%mul3A_103] : memref<6144xf32, #tpu.memory_space<hbm>> -> memref<256xf32, #tpu.memory_space<hbm>>
        %dma_wait3A_188 = tpu.memref_slice %arg18[%mul3A_103] : memref<6144xf32, #tpu.memory_space<vmem_shared>> -> memref<256xf32, #tpu.memory_space<vmem_shared>>
        tpu.wait_dma2 semaphore(%run_scoped3A_184 : memref<!tpu.dma_semaphore, #tpu.memory_space<semaphore_mem>>) src(%dma_wait3A_188 : memref<256xf32, #tpu.memory_space<vmem_shared>>) dst(%dma_wait3A_187 : memref<256xf32, #tpu.memory_space<hbm>>)
        tpu.yield
      }) : () -> ()
      "tpu.region"() ({
        %run_scoped3A_184 = tpu.sem_alloc : memref<!tpu.dma_semaphore, #tpu.memory_space<semaphore_mem>>
        %dma_start3A_185 = tpu.memref_slice %arg17[%mul3A_103] : memref<6144xi32, #tpu.memory_space<vmem_shared>> -> memref<256xi32, #tpu.memory_space<vmem_shared>>
        %dma_start3A_186 = tpu.memref_slice %arg17[%mul3A_103] : memref<6144xi32, #tpu.memory_space<vmem_shared>> -> memref<256xi32, #tpu.memory_space<vmem_shared>>
        tpu.enqueue_dma source(%dma_start3A_186 : memref<256xi32, #tpu.memory_space<vmem_shared>>) target(%arg14 : memref<256xi32, #tpu.memory_space<vmem>>) target_semaphore(%run_scoped3A_184 : memref<!tpu.dma_semaphore, #tpu.memory_space<semaphore_mem>>)
        %dma_wait3A_187 = tpu.memref_slice %arg17[%mul3A_103] : memref<6144xi32, #tpu.memory_space<vmem_shared>> -> memref<256xi32, #tpu.memory_space<vmem_shared>>
        %dma_wait3A_188 = tpu.memref_slice %arg17[%mul3A_103] : memref<6144xi32, #tpu.memory_space<vmem_shared>> -> memref<256xi32, #tpu.memory_space<vmem_shared>>
        tpu.wait_dma2 semaphore(%run_scoped3A_184 : memref<!tpu.dma_semaphore, #tpu.memory_space<semaphore_mem>>) src(%dma_wait3A_188 : memref<256xi32, #tpu.memory_space<vmem_shared>>) dst(%arg14 : memref<256xi32, #tpu.memory_space<vmem>>)
        tpu.yield
      }) : () -> ()
      %dma_start3A_104 = arith.constant 0 : i32
      %dma_start3A_105 = tpu.memref_slice %arg14[%dma_start3A_104] : memref<256xi32, #tpu.memory_space<vmem>> -> memref<64xi32, #tpu.memory_space<vmem>>
      %dma_start3A_106 = arith.constant 0 : i32
      %dma_start3A_107 = arith.constant 0 : i32
      %dma_start3A_108 = tpu.memref_slice %arg4[%dma_start3A_106, %dma_start3A_107] : memref<2048x768xf32, #tpu.memory_space<hbm>> -> memref<2048x768xf32, #tpu.memory_space<hbm>>
      tpu.enqueue_indirect_dma source(%dma_start3A_108 : memref<2048x768xf32, #tpu.memory_space<hbm>>) target(%arg15 : memref<64x768xf32, #tpu.memory_space<vmem>>) offsets(%dma_start3A_105 : memref<64xi32, #tpu.memory_space<vmem>>) semaphore(%arg21 : memref<!tpu.dma_semaphore, #tpu.memory_space<semaphore_mem>>)
      %dma_start3A_109 = arith.constant 64 : i32
      %dma_start3A_110 = tpu.memref_slice %arg14[%dma_start3A_109] : memref<256xi32, #tpu.memory_space<vmem>> -> memref<64xi32, #tpu.memory_space<vmem>>
      %dma_start3A_111 = arith.constant 0 : i32
      %dma_start3A_112 = arith.constant 0 : i32
      %dma_start3A_113 = tpu.memref_slice %arg4[%dma_start3A_111, %dma_start3A_112] : memref<2048x768xf32, #tpu.memory_space<hbm>> -> memref<2048x768xf32, #tpu.memory_space<hbm>>
      tpu.enqueue_indirect_dma source(%dma_start3A_113 : memref<2048x768xf32, #tpu.memory_space<hbm>>) target(%arg16 : memref<64x768xf32, #tpu.memory_space<vmem>>) offsets(%dma_start3A_110 : memref<64xi32, #tpu.memory_space<vmem>>) semaphore(%arg21 : memref<!tpu.dma_semaphore, #tpu.memory_space<semaphore_mem>>)
      %dma_wait3A_114 = arith.constant 0 : i32
      %dma_wait3A_115 = tpu.memref_slice %arg14[%dma_wait3A_114] : memref<256xi32, #tpu.memory_space<vmem>> -> memref<64xi32, #tpu.memory_space<vmem>>
      %dma_wait3A_116 = arith.constant 0 : i32
      %dma_wait3A_117 = arith.constant 0 : i32
      %dma_wait3A_118 = tpu.memref_slice %arg4[%dma_wait3A_116, %dma_wait3A_117] : memref<2048x768xf32, #tpu.memory_space<hbm>> -> memref<2048x768xf32, #tpu.memory_space<hbm>>
      tpu.wait_indirect_dma semaphore(%arg21 : memref<!tpu.dma_semaphore, #tpu.memory_space<semaphore_mem>>) src(%dma_wait3A_118 : memref<2048x768xf32, #tpu.memory_space<hbm>>) dst(%arg15 : memref<64x768xf32, #tpu.memory_space<vmem>>)
      %add3A_119 = arith.constant 0 : i32
      %add3A_120 = arith.addi %mul3A_103, %add3A_119 : i32
      %dma_start3A_121 = arith.constant 0 : i32
      %dma_start3A_122 = tpu.memref_slice %arg5[%add3A_120, %dma_start3A_121] : memref<6144x768xf32, #tpu.memory_space<hbm>> -> memref<64x768xf32, #tpu.memory_space<hbm>>
      %dma_start3A_123 = arith.constant 0 : i32
      %dma_start3A_124 = tpu.memref_slice %arg5[%add3A_120, %dma_start3A_123] : memref<6144x768xf32, #tpu.memory_space<hbm>> -> memref<64x768xf32, #tpu.memory_space<hbm>>
      tpu.enqueue_dma source(%arg15 : memref<64x768xf32, #tpu.memory_space<vmem>>) target(%dma_start3A_124 : memref<64x768xf32, #tpu.memory_space<hbm>>) target_semaphore(%arg22 : memref<!tpu.dma_semaphore, #tpu.memory_space<semaphore_mem>>)
      %dma_wait3A_125 = arith.constant 0 : i32
      %dma_wait3A_126 = tpu.memref_slice %arg5[%add3A_120, %dma_wait3A_125] : memref<6144x768xf32, #tpu.memory_space<hbm>> -> memref<64x768xf32, #tpu.memory_space<hbm>>
      %dma_wait3A_127 = arith.constant 0 : i32
      %dma_wait3A_128 = tpu.memref_slice %arg5[%add3A_120, %dma_wait3A_127] : memref<6144x768xf32, #tpu.memory_space<hbm>> -> memref<64x768xf32, #tpu.memory_space<hbm>>
      tpu.wait_dma2 semaphore(%arg22 : memref<!tpu.dma_semaphore, #tpu.memory_space<semaphore_mem>>) src(%arg15 : memref<64x768xf32, #tpu.memory_space<vmem>>) dst(%dma_wait3A_128 : memref<64x768xf32, #tpu.memory_space<hbm>>)
      %dma_start3A_129 = arith.constant 128 : i32
      %dma_start3A_130 = tpu.memref_slice %arg14[%dma_start3A_129] : memref<256xi32, #tpu.memory_space<vmem>> -> memref<64xi32, #tpu.memory_space<vmem>>
      %dma_start3A_131 = arith.constant 0 : i32
      %dma_start3A_132 = arith.constant 0 : i32
      %dma_start3A_133 = tpu.memref_slice %arg4[%dma_start3A_131, %dma_start3A_132] : memref<2048x768xf32, #tpu.memory_space<hbm>> -> memref<2048x768xf32, #tpu.memory_space<hbm>>
      tpu.enqueue_indirect_dma source(%dma_start3A_133 : memref<2048x768xf32, #tpu.memory_space<hbm>>) target(%arg15 : memref<64x768xf32, #tpu.memory_space<vmem>>) offsets(%dma_start3A_130 : memref<64xi32, #tpu.memory_space<vmem>>) semaphore(%arg21 : memref<!tpu.dma_semaphore, #tpu.memory_space<semaphore_mem>>)
      %dma_wait3A_134 = arith.constant 64 : i32
      %dma_wait3A_135 = tpu.memref_slice %arg14[%dma_wait3A_134] : memref<256xi32, #tpu.memory_space<vmem>> -> memref<64xi32, #tpu.memory_space<vmem>>
      %dma_wait3A_136 = arith.constant 0 : i32
      %dma_wait3A_137 = arith.constant 0 : i32
      %dma_wait3A_138 = tpu.memref_slice %arg4[%dma_wait3A_136, %dma_wait3A_137] : memref<2048x768xf32, #tpu.memory_space<hbm>> -> memref<2048x768xf32, #tpu.memory_space<hbm>>
      tpu.wait_indirect_dma semaphore(%arg21 : memref<!tpu.dma_semaphore, #tpu.memory_space<semaphore_mem>>) src(%dma_wait3A_138 : memref<2048x768xf32, #tpu.memory_space<hbm>>) dst(%arg16 : memref<64x768xf32, #tpu.memory_space<vmem>>)
      %add3A_139 = arith.constant 64 : i32
      %add3A_140 = arith.addi %mul3A_103, %add3A_139 : i32
      %dma_start3A_141 = arith.constant 0 : i32
      %dma_start3A_142 = tpu.memref_slice %arg5[%add3A_140, %dma_start3A_141] : memref<6144x768xf32, #tpu.memory_space<hbm>> -> memref<64x768xf32, #tpu.memory_space<hbm>>
      %dma_start3A_143 = arith.constant 0 : i32
      %dma_start3A_144 = tpu.memref_slice %arg5[%add3A_140, %dma_start3A_143] : memref<6144x768xf32, #tpu.memory_space<hbm>> -> memref<64x768xf32, #tpu.memory_space<hbm>>
      tpu.enqueue_dma source(%arg16 : memref<64x768xf32, #tpu.memory_space<vmem>>) target(%dma_start3A_144 : memref<64x768xf32, #tpu.memory_space<hbm>>) target_semaphore(%arg22 : memref<!tpu.dma_semaphore, #tpu.memory_space<semaphore_mem>>)
      %dma_wait3A_145 = arith.constant 0 : i32
      %dma_wait3A_146 = tpu.memref_slice %arg5[%add3A_140, %dma_wait3A_145] : memref<6144x768xf32, #tpu.memory_space<hbm>> -> memref<64x768xf32, #tpu.memory_space<hbm>>
      %dma_wait3A_147 = arith.constant 0 : i32
      %dma_wait3A_148 = tpu.memref_slice %arg5[%add3A_140, %dma_wait3A_147] : memref<6144x768xf32, #tpu.memory_space<hbm>> -> memref<64x768xf32, #tpu.memory_space<hbm>>
      tpu.wait_dma2 semaphore(%arg22 : memref<!tpu.dma_semaphore, #tpu.memory_space<semaphore_mem>>) src(%arg16 : memref<64x768xf32, #tpu.memory_space<vmem>>) dst(%dma_wait3A_148 : memref<64x768xf32, #tpu.memory_space<hbm>>)
      %dma_start3A_149 = arith.constant 192 : i32
      %dma_start3A_150 = tpu.memref_slice %arg14[%dma_start3A_149] : memref<256xi32, #tpu.memory_space<vmem>> -> memref<64xi32, #tpu.memory_space<vmem>>
      %dma_start3A_151 = arith.constant 0 : i32
      %dma_start3A_152 = arith.constant 0 : i32
      %dma_start3A_153 = tpu.memref_slice %arg4[%dma_start3A_151, %dma_start3A_152] : memref<2048x768xf32, #tpu.memory_space<hbm>> -> memref<2048x768xf32, #tpu.memory_space<hbm>>
      tpu.enqueue_indirect_dma source(%dma_start3A_153 : memref<2048x768xf32, #tpu.memory_space<hbm>>) target(%arg16 : memref<64x768xf32, #tpu.memory_space<vmem>>) offsets(%dma_start3A_150 : memref<64xi32, #tpu.memory_space<vmem>>) semaphore(%arg21 : memref<!tpu.dma_semaphore, #tpu.memory_space<semaphore_mem>>)
      %dma_wait3A_154 = arith.constant 128 : i32
      %dma_wait3A_155 = tpu.memref_slice %arg14[%dma_wait3A_154] : memref<256xi32, #tpu.memory_space<vmem>> -> memref<64xi32, #tpu.memory_space<vmem>>
      %dma_wait3A_156 = arith.constant 0 : i32
      %dma_wait3A_157 = arith.constant 0 : i32
      %dma_wait3A_158 = tpu.memref_slice %arg4[%dma_wait3A_156, %dma_wait3A_157] : memref<2048x768xf32, #tpu.memory_space<hbm>> -> memref<2048x768xf32, #tpu.memory_space<hbm>>
      tpu.wait_indirect_dma semaphore(%arg21 : memref<!tpu.dma_semaphore, #tpu.memory_space<semaphore_mem>>) src(%dma_wait3A_158 : memref<2048x768xf32, #tpu.memory_space<hbm>>) dst(%arg15 : memref<64x768xf32, #tpu.memory_space<vmem>>)
      %add3A_159 = arith.constant 128 : i32
      %add3A_160 = arith.addi %mul3A_103, %add3A_159 : i32
      %dma_start3A_161 = arith.constant 0 : i32
      %dma_start3A_162 = tpu.memref_slice %arg5[%add3A_160, %dma_start3A_161] : memref<6144x768xf32, #tpu.memory_space<hbm>> -> memref<64x768xf32, #tpu.memory_space<hbm>>
      %dma_start3A_163 = arith.constant 0 : i32
      %dma_start3A_164 = tpu.memref_slice %arg5[%add3A_160, %dma_start3A_163] : memref<6144x768xf32, #tpu.memory_space<hbm>> -> memref<64x768xf32, #tpu.memory_space<hbm>>
      tpu.enqueue_dma source(%arg15 : memref<64x768xf32, #tpu.memory_space<vmem>>) target(%dma_start3A_164 : memref<64x768xf32, #tpu.memory_space<hbm>>) target_semaphore(%arg22 : memref<!tpu.dma_semaphore, #tpu.memory_space<semaphore_mem>>)
      %dma_wait3A_165 = arith.constant 192 : i32
      %dma_wait3A_166 = tpu.memref_slice %arg14[%dma_wait3A_165] : memref<256xi32, #tpu.memory_space<vmem>> -> memref<64xi32, #tpu.memory_space<vmem>>
      %dma_wait3A_167 = arith.constant 0 : i32
      %dma_wait3A_168 = arith.constant 0 : i32
      %dma_wait3A_169 = tpu.memref_slice %arg4[%dma_wait3A_167, %dma_wait3A_168] : memref<2048x768xf32, #tpu.memory_space<hbm>> -> memref<2048x768xf32, #tpu.memory_space<hbm>>
      tpu.wait_indirect_dma semaphore(%arg21 : memref<!tpu.dma_semaphore, #tpu.memory_space<semaphore_mem>>) src(%dma_wait3A_169 : memref<2048x768xf32, #tpu.memory_space<hbm>>) dst(%arg16 : memref<64x768xf32, #tpu.memory_space<vmem>>)
      %add3A_170 = arith.constant 192 : i32
      %add3A_171 = arith.addi %mul3A_103, %add3A_170 : i32
      %dma_start3A_172 = arith.constant 0 : i32
      %dma_start3A_173 = tpu.memref_slice %arg5[%add3A_171, %dma_start3A_172] : memref<6144x768xf32, #tpu.memory_space<hbm>> -> memref<64x768xf32, #tpu.memory_space<hbm>>
      %dma_start3A_174 = arith.constant 0 : i32
      %dma_start3A_175 = tpu.memref_slice %arg5[%add3A_171, %dma_start3A_174] : memref<6144x768xf32, #tpu.memory_space<hbm>> -> memref<64x768xf32, #tpu.memory_space<hbm>>
      tpu.enqueue_dma source(%arg16 : memref<64x768xf32, #tpu.memory_space<vmem>>) target(%dma_start3A_175 : memref<64x768xf32, #tpu.memory_space<hbm>>) target_semaphore(%arg22 : memref<!tpu.dma_semaphore, #tpu.memory_space<semaphore_mem>>)
      %dma_wait3A_176 = arith.constant 0 : i32
      %dma_wait3A_177 = tpu.memref_slice %arg5[%add3A_160, %dma_wait3A_176] : memref<6144x768xf32, #tpu.memory_space<hbm>> -> memref<64x768xf32, #tpu.memory_space<hbm>>
      %dma_wait3A_178 = arith.constant 0 : i32
      %dma_wait3A_179 = tpu.memref_slice %arg5[%add3A_160, %dma_wait3A_178] : memref<6144x768xf32, #tpu.memory_space<hbm>> -> memref<64x768xf32, #tpu.memory_space<hbm>>
      tpu.wait_dma2 semaphore(%arg22 : memref<!tpu.dma_semaphore, #tpu.memory_space<semaphore_mem>>) src(%arg15 : memref<64x768xf32, #tpu.memory_space<vmem>>) dst(%dma_wait3A_179 : memref<64x768xf32, #tpu.memory_space<hbm>>)
      %dma_wait3A_180 = arith.constant 0 : i32
      %dma_wait3A_181 = tpu.memref_slice %arg5[%add3A_171, %dma_wait3A_180] : memref<6144x768xf32, #tpu.memory_space<hbm>> -> memref<64x768xf32, #tpu.memory_space<hbm>>
      %dma_wait3A_182 = arith.constant 0 : i32
      %dma_wait3A_183 = tpu.memref_slice %arg5[%add3A_171, %dma_wait3A_182] : memref<6144x768xf32, #tpu.memory_space<hbm>> -> memref<64x768xf32, #tpu.memory_space<hbm>>
      tpu.wait_dma2 semaphore(%arg22 : memref<!tpu.dma_semaphore, #tpu.memory_space<semaphore_mem>>) src(%arg16 : memref<64x768xf32, #tpu.memory_space<vmem>>) dst(%dma_wait3A_183 : memref<64x768xf32, #tpu.memory_space<hbm>>)
    } else {
    }
    return
  }
}

module attributes {stable_mosaic.version = 14 : i64} {
  func.func @_moe_body(%arg0: i32, %arg1: memref<24xi32, #tpu.memory_space<smem>>, %arg2: memref<256x768xf32, #tpu.memory_space<vmem>>, %arg3: memref<1x1024x768xf32, #tpu.memory_space<vmem>>, %arg4: memref<1x1024x768xf32, #tpu.memory_space<vmem>>, %arg5: memref<1x768x1024xf32, #tpu.memory_space<vmem>>, %arg6: memref<1x256x1xf32, #tpu.memory_space<vmem>>, %arg7: memref<256x768xf32, #tpu.memory_space<vmem>>) attributes {dimension_semantics = [#tpu.dimension_semantics<arbitrary>], iteration_bounds = array<i64: 24>, scalar_prefetch = 1 : i64, scratch_operands = 0 : i64, tpu.core_type = #tpu.core_type<tc>, window_params = [{transform_indices = @transform_0, window_bounds = array<i64: 256, 768>}, {transform_indices = @transform_1, window_bounds = array<i64: 1, 1024, 768>}, {transform_indices = @transform_2, window_bounds = array<i64: 1, 1024, 768>}, {transform_indices = @transform_3, window_bounds = array<i64: 1, 768, 1024>}, {transform_indices = @transform_4, window_bounds = array<i64: 1, 256, 1>}, {transform_indices = @transform_5, window_bounds = array<i64: 256, 768>}]} {
    %get3A = arith.constant 0 : index
    %get3A_0 = arith.constant 0 : index
    %get3A_1 = vector.load %arg2[%get3A, %get3A_0] : memref<256x768xf32, #tpu.memory_space<vmem>>, vector<256x768xf32>
    %convert_element_type3A = arith.truncf %get3A_1 : vector<256x768xf32> to vector<256x768xbf16>
    %get3A_2 = arith.constant 0 : index
    %get3A_3 = arith.constant 0 : index
    %get3A_4 = arith.constant 0 : index
    %get3A_5 = vector.load %arg3[%get3A_2, %get3A_3, %get3A_4] : memref<1x1024x768xf32, #tpu.memory_space<vmem>>, vector<1x1024x768xf32>
    %get3A_6 = vector.shape_cast %get3A_5 : vector<1x1024x768xf32> to vector<1024x768xf32>
    %convert_element_type3A_7 = arith.truncf %get3A_6 : vector<1024x768xf32> to vector<1024x768xbf16>
    %get3A_8 = arith.constant 0 : index
    %get3A_9 = arith.constant 0 : index
    %get3A_10 = arith.constant 0 : index
    %get3A_11 = vector.load %arg4[%get3A_8, %get3A_9, %get3A_10] : memref<1x1024x768xf32, #tpu.memory_space<vmem>>, vector<1x1024x768xf32>
    %get3A_12 = vector.shape_cast %get3A_11 : vector<1x1024x768xf32> to vector<1024x768xf32>
    %convert_element_type3A_13 = arith.truncf %get3A_12 : vector<1024x768xf32> to vector<1024x768xbf16>
    %get3A_14 = arith.constant 0 : index
    %get3A_15 = arith.constant 0 : index
    %get3A_16 = arith.constant 0 : index
    %get3A_17 = vector.load %arg5[%get3A_14, %get3A_15, %get3A_16] : memref<1x768x1024xf32, #tpu.memory_space<vmem>>, vector<1x768x1024xf32>
    %get3A_18 = vector.shape_cast %get3A_17 : vector<1x768x1024xf32> to vector<768x1024xf32>
    %convert_element_type3A_19 = arith.truncf %get3A_18 : vector<768x1024xf32> to vector<768x1024xbf16>
    %transpose3A = tpu.transpose %convert_element_type3A_7, [1, 0] : vector<1024x768xbf16> -> vector<768x1024xbf16>
    %dot_general3A = arith.constant dense<0.000000e+00> : vector<256x1024xf32>
    %dot_general3A_20 = tpu.matmul %convert_element_type3A, %transpose3A, %dot_general3A {dimension_numbers = #tpu.dot_dimension_numbers<[1], [0], [0], [1], [0, 0, 1, 1], [], []>, transpose_lhs_hint = false} : vector<256x768xbf16>, vector<768x1024xbf16>, vector<256x1024xf32> -> vector<256x1024xf32>
    %transpose3A_21 = tpu.transpose %convert_element_type3A_13, [1, 0] : vector<1024x768xbf16> -> vector<768x1024xbf16>
    %dot_general3A_22 = arith.constant dense<0.000000e+00> : vector<256x1024xf32>
    %dot_general3A_23 = tpu.matmul %convert_element_type3A, %transpose3A_21, %dot_general3A_22 {dimension_numbers = #tpu.dot_dimension_numbers<[1], [0], [0], [1], [0, 0, 1, 1], [], []>, transpose_lhs_hint = false} : vector<256x768xbf16>, vector<768x1024xbf16>, vector<256x1024xf32> -> vector<256x1024xf32>
    %logistic3A = arith.negf %dot_general3A_20 : vector<256x1024xf32>
    %logistic3A_24 = math.exp %logistic3A : vector<256x1024xf32>
    %logistic3A_25 = arith.constant 1.000000e+00 : f32
    %logistic3A_26 = vector.broadcast %logistic3A_25 : f32 to vector<256x1024xf32>
    %logistic3A_27 = arith.addf %logistic3A_26, %logistic3A_24 : vector<256x1024xf32>
    %logistic3A_28 = arith.divf %logistic3A_26, %logistic3A_27 : vector<256x1024xf32>
    %mul3A = arith.mulf %dot_general3A_20, %logistic3A_28 : vector<256x1024xf32>
    %mul3A_29 = arith.mulf %mul3A, %dot_general3A_23 : vector<256x1024xf32>
    %convert_element_type3A_30 = arith.truncf %mul3A_29 : vector<256x1024xf32> to vector<256x1024xbf16>
    %transpose3A_31 = tpu.transpose %convert_element_type3A_19, [1, 0] : vector<768x1024xbf16> -> vector<1024x768xbf16>
    %dot_general3A_32 = arith.constant dense<0.000000e+00> : vector<256x768xf32>
    %dot_general3A_33 = tpu.matmul %convert_element_type3A_30, %transpose3A_31, %dot_general3A_32 {dimension_numbers = #tpu.dot_dimension_numbers<[1], [0], [0], [1], [0, 0, 1, 1], [], []>, transpose_lhs_hint = false} : vector<256x1024xbf16>, vector<1024x768xbf16>, vector<256x768xf32> -> vector<256x768xf32>
    %get3A_34 = arith.constant 0 : index
    %get3A_35 = arith.constant 0 : index
    %get3A_36 = arith.constant 0 : index
    %get3A_37 = vector.load %arg6[%get3A_34, %get3A_35, %get3A_36] : memref<1x256x1xf32, #tpu.memory_space<vmem>>, vector<1x256x1xf32>
    %get3A_38 = vector.shape_cast %get3A_37 : vector<1x256x1xf32> to vector<256x1xf32>
    %mul3A_39 = vector.broadcast %get3A_38 : vector<256x1xf32> to vector<256x768xf32>
    %mul3A_40 = arith.mulf %dot_general3A_33, %mul3A_39 : vector<256x768xf32>
    %swap3A = arith.constant 0 : index
    %swap3A_41 = arith.constant 0 : index
    %swap3A_42 = vector.load %arg7[%swap3A, %swap3A_41] : memref<256x768xf32, #tpu.memory_space<vmem>>, vector<256x768xf32>
    tpu.vector_store %arg7[%swap3A, %swap3A_41], %mul3A_40 {strides = array<i32>} : memref<256x768xf32, #tpu.memory_space<vmem>>, vector<256x768xf32>,
    return
  }
  func.func @transform_0(%arg0: i32, %arg1: memref<24xi32, #tpu.memory_space<smem>>) -> (i32, i32) {
    %c0_i32 = arith.constant 0 : i32
    %c0_i32_0 = arith.constant 0 : i32
    return %arg0, %c0_i32 : i32, i32
  }
  func.func @transform_1(%arg0: i32, %arg1: memref<24xi32, #tpu.memory_space<smem>>) -> (i32, i32, i32) {
    %get3A = arith.index_cast %arg0 : i32 to index
    %get3A_0 = memref.load %arg1[%get3A] : memref<24xi32, #tpu.memory_space<smem>>
    %c0_i32 = arith.constant 0 : i32
    %c0_i32_1 = arith.constant 0 : i32
    %c0_i32_2 = arith.constant 0 : i32
    return %get3A_0, %c0_i32, %c0_i32_1 : i32, i32, i32
  }
  func.func @transform_2(%arg0: i32, %arg1: memref<24xi32, #tpu.memory_space<smem>>) -> (i32, i32, i32) {
    %get3A = arith.index_cast %arg0 : i32 to index
    %get3A_0 = memref.load %arg1[%get3A] : memref<24xi32, #tpu.memory_space<smem>>
    %c0_i32 = arith.constant 0 : i32
    %c0_i32_1 = arith.constant 0 : i32
    %c0_i32_2 = arith.constant 0 : i32
    return %get3A_0, %c0_i32, %c0_i32_1 : i32, i32, i32
  }
  func.func @transform_3(%arg0: i32, %arg1: memref<24xi32, #tpu.memory_space<smem>>) -> (i32, i32, i32) {
    %get3A = arith.index_cast %arg0 : i32 to index
    %get3A_0 = memref.load %arg1[%get3A] : memref<24xi32, #tpu.memory_space<smem>>
    %c0_i32 = arith.constant 0 : i32
    %c0_i32_1 = arith.constant 0 : i32
    %c0_i32_2 = arith.constant 0 : i32
    return %get3A_0, %c0_i32, %c0_i32_1 : i32, i32, i32
  }
  func.func @transform_4(%arg0: i32, %arg1: memref<24xi32, #tpu.memory_space<smem>>) -> (i32, i32, i32) {
    %c0_i32 = arith.constant 0 : i32
    %c0_i32_0 = arith.constant 0 : i32
    %c0_i32_1 = arith.constant 0 : i32
    return %arg0, %c0_i32, %c0_i32_0 : i32, i32, i32
  }
  func.func @transform_5(%arg0: i32, %arg1: memref<24xi32, #tpu.memory_space<smem>>) -> (i32, i32) {
    %c0_i32 = arith.constant 0 : i32
    %c0_i32_0 = arith.constant 0 : i32
    return %arg0, %c0_i32 : i32, i32
  }
}

module attributes {stable_mosaic.version = 14 : i64} {
  func.func @_router_body(%arg0: memref<2048x768xf32, #tpu.memory_space<vmem>>, %arg1: memref<768x8xf32, #tpu.memory_space<vmem>>, %arg2: memref<2048x8xf32, #tpu.memory_space<vmem>>, %arg3: memref<2x2048xi32, #tpu.memory_space<vmem>>, %arg4: memref<2x2048xf32, #tpu.memory_space<vmem>>, %arg5: memref<1x24xi32, #tpu.memory_space<vmem>>) attributes {dimension_semantics = [], scalar_prefetch = 0 : i64, scratch_operands = 0 : i64, tpu.core_type = #tpu.core_type<tc>} {
    %get3A = arith.constant 0 : index
    %get3A_0 = arith.constant 0 : index
    %get3A_1 = vector.load %arg0[%get3A, %get3A_0] : memref<2048x768xf32, #tpu.memory_space<vmem>>, vector<2048x768xf32>
    %get3A_2 = arith.constant 0 : index
    %get3A_3 = arith.constant 0 : index
    %get3A_4 = vector.load %arg1[%get3A_2, %get3A_3] : memref<768x8xf32, #tpu.memory_space<vmem>>, vector<768x8xf32>
    %dot_general3A = arith.constant dense<0.000000e+00> : vector<2048x8xf32>
    %dot_general3A_5 = tpu.matmul %get3A_1, %get3A_4, %dot_general3A {dimension_numbers = #tpu.dot_dimension_numbers<[1], [0], [0], [1], [0, 0, 1, 1], [], []>, transpose_lhs_hint = false} : vector<2048x768xf32>, vector<768x8xf32>, vector<2048x8xf32> -> vector<2048x8xf32>
    %swap3A = arith.constant 0 : index
    %swap3A_6 = arith.constant 0 : index
    %swap3A_7 = vector.load %arg2[%swap3A, %swap3A_6] : memref<2048x8xf32, #tpu.memory_space<vmem>>, vector<2048x8xf32>
    tpu.vector_store %arg2[%swap3A, %swap3A_6], %dot_general3A_5 {strides = array<i32>} : memref<2048x8xf32, #tpu.memory_space<vmem>>, vector<2048x8xf32>,
    %reduce_max3A = arith.constant dense<0xFF800000> : vector<2048xf32>
    %reduce_max3A_8 = vector.multi_reduction <maximumf>, %dot_general3A_5, %reduce_max3A [1] : vector<2048x8xf32> to vector<2048xf32>
    %broadcast_in_dim3A = vector.shape_cast %reduce_max3A_8 : vector<2048xf32> to vector<2048x1xf32>
    %sub3A = vector.broadcast %broadcast_in_dim3A : vector<2048x1xf32> to vector<2048x8xf32>
    %sub3A_9 = arith.subf %dot_general3A_5, %sub3A : vector<2048x8xf32>
    %exp3A = math.exp %sub3A_9 : vector<2048x8xf32>
    %reduce_sum3A = arith.constant dense<0.000000e+00> : vector<2048xf32>
    %reduce_sum3A_10 = vector.multi_reduction <add>, %exp3A, %reduce_sum3A [1] : vector<2048x8xf32> to vector<2048xf32>
    %broadcast_in_dim3A_11 = vector.shape_cast %reduce_sum3A_10 : vector<2048xf32> to vector<2048x1xf32>
    %div3A = vector.broadcast %broadcast_in_dim3A_11 : vector<2048x1xf32> to vector<2048x8xf32>
    %div3A_12 = arith.divf %exp3A, %div3A : vector<2048x8xf32>
    %iota3A = tpu.iota {dimensions = array<i32: 1>} : vector<2048x8xi32>
    %reduce_max3A_13 = arith.constant dense<0xFF800000> : vector<2048xf32>
    %reduce_max3A_14 = vector.multi_reduction <maximumf>, %div3A_12, %reduce_max3A_13 [1] : vector<2048x8xf32> to vector<2048xf32>
    %broadcast_in_dim3A_15 = vector.shape_cast %reduce_max3A_14 : vector<2048xf32> to vector<2048x1xf32>
    %eq3A = vector.broadcast %broadcast_in_dim3A_15 : vector<2048x1xf32> to vector<2048x8xf32>
    %eq3A_16 = arith.cmpf oeq, %div3A_12, %eq3A : vector<2048x8xf32>
    %jit3A = arith.constant 8 : i32
    %broadcast_in_dim3A_17 = vector.broadcast %jit3A : i32 to vector<2048x8xi32>
    %select_n3A = arith.select %eq3A_16, %iota3A, %broadcast_in_dim3A_17 : vector<2048x8xi1>, vector<2048x8xi32>
    %reduce_min3A = arith.constant dense<2147483647> : vector<2048xi32>
    %reduce_min3A_18 = vector.multi_reduction <minsi>, %select_n3A, %reduce_min3A [1] : vector<2048x8xi32> to vector<2048xi32>
    %broadcast_in_dim3A_19 = vector.shape_cast %reduce_min3A_18 : vector<2048xi32> to vector<2048x1xi32>
    %eq3A_20 = vector.broadcast %broadcast_in_dim3A_19 : vector<2048x1xi32> to vector<2048x8xi32>
    %eq3A_21 = arith.cmpi eq, %iota3A, %eq3A_20 : vector<2048x8xi32>
    %jit3A_22 = arith.constant -1.000000e+00 : f32
    %broadcast_in_dim3A_23 = vector.broadcast %jit3A_22 : f32 to vector<2048x8xf32>
    %select_n3A_24 = arith.select %eq3A_21, %broadcast_in_dim3A_23, %div3A_12 : vector<2048x8xi1>, vector<2048x8xf32>
    %reduce_max3A_25 = arith.constant dense<0xFF800000> : vector<2048xf32>
    %reduce_max3A_26 = vector.multi_reduction <maximumf>, %select_n3A_24, %reduce_max3A_25 [1] : vector<2048x8xf32> to vector<2048xf32>
    %broadcast_in_dim3A_27 = vector.shape_cast %reduce_max3A_26 : vector<2048xf32> to vector<2048x1xf32>
    %eq3A_28 = vector.broadcast %broadcast_in_dim3A_27 : vector<2048x1xf32> to vector<2048x8xf32>
    %eq3A_29 = arith.cmpf oeq, %select_n3A_24, %eq3A_28 : vector<2048x8xf32>
    %jit3A_30 = arith.constant 8 : i32
    %broadcast_in_dim3A_31 = vector.broadcast %jit3A_30 : i32 to vector<2048x8xi32>
    %select_n3A_32 = arith.select %eq3A_29, %iota3A, %broadcast_in_dim3A_31 : vector<2048x8xi1>, vector<2048x8xi32>
    %reduce_min3A_33 = arith.constant dense<2147483647> : vector<2048xi32>
    %reduce_min3A_34 = vector.multi_reduction <minsi>, %select_n3A_32, %reduce_min3A_33 [1] : vector<2048x8xi32> to vector<2048xi32>
    %broadcast_in_dim3A_35 = vector.shape_cast %reduce_min3A_34 : vector<2048xi32> to vector<2048x1xi32>
    %eq3A_36 = vector.broadcast %broadcast_in_dim3A_35 : vector<2048x1xi32> to vector<2048x8xi32>
    %eq3A_37 = arith.cmpi eq, %iota3A, %eq3A_36 : vector<2048x8xi32>
    %add3A = arith.addf %broadcast_in_dim3A_15, %broadcast_in_dim3A_27 : vector<2048x1xf32>
    %or3A = arith.ori %eq3A_21, %eq3A_37 : vector<2048x8xi1>
    %jit3A_38 = arith.constant 1.000000e+00 : f32
    %jit3A_39 = arith.constant 0.000000e+00 : f32
    %broadcast_in_dim3A_40 = vector.broadcast %jit3A_38 : f32 to vector<2048x8xf32>
    %broadcast_in_dim3A_41 = vector.broadcast %jit3A_39 : f32 to vector<2048x8xf32>
    %select_n3A_42 = arith.select %or3A, %broadcast_in_dim3A_40, %broadcast_in_dim3A_41 : vector<2048x8xi1>, vector<2048x8xf32>
    %broadcast_in_dim3A_43 = arith.constant 0.000000e+00 : f32
    %broadcast_in_dim3A_44 = vector.broadcast %broadcast_in_dim3A_43 : f32 to vector<1x8xf32>
    %slice3A = vector.extract_strided_slice %select_n3A_42 {offsets = [0, 0], sizes = [2047, 8], strides = [1, 1]} : vector<2048x8xf32> to vector<2047x8xf32>
    %concatenate3A = tpu.concatenate %broadcast_in_dim3A_44, %slice3A in 0 : vector<1x8xf32>, vector<2047x8xf32> -> vector<2048x8xf32>
    %add3A_45 = arith.addf %select_n3A_42, %concatenate3A : vector<2048x8xf32>
    %broadcast_in_dim3A_46 = arith.constant 0.000000e+00 : f32
    %broadcast_in_dim3A_47 = vector.broadcast %broadcast_in_dim3A_46 : f32 to vector<2x8xf32>
    %slice3A_48 = vector.extract_strided_slice %add3A_45 {offsets = [0, 0], sizes = [2046, 8], strides = [1, 1]} : vector<2048x8xf32> to vector<2046x8xf32>
    %concatenate3A_49 = tpu.concatenate %broadcast_in_dim3A_47, %slice3A_48 in 0 : vector<2x8xf32>, vector<2046x8xf32> -> vector<2048x8xf32>
    %add3A_50 = arith.addf %add3A_45, %concatenate3A_49 : vector<2048x8xf32>
    %broadcast_in_dim3A_51 = arith.constant 0.000000e+00 : f32
    %broadcast_in_dim3A_52 = vector.broadcast %broadcast_in_dim3A_51 : f32 to vector<4x8xf32>
    %slice3A_53 = vector.extract_strided_slice %add3A_50 {offsets = [0, 0], sizes = [2044, 8], strides = [1, 1]} : vector<2048x8xf32> to vector<2044x8xf32>
    %concatenate3A_54 = tpu.concatenate %broadcast_in_dim3A_52, %slice3A_53 in 0 : vector<4x8xf32>, vector<2044x8xf32> -> vector<2048x8xf32>
    %add3A_55 = arith.addf %add3A_50, %concatenate3A_54 : vector<2048x8xf32>
    %broadcast_in_dim3A_56 = arith.constant 0.000000e+00 : f32
    %broadcast_in_dim3A_57 = vector.broadcast %broadcast_in_dim3A_56 : f32 to vector<8x8xf32>
    %slice3A_58 = vector.extract_strided_slice %add3A_55 {offsets = [0, 0], sizes = [2040, 8], strides = [1, 1]} : vector<2048x8xf32> to vector<2040x8xf32>
    %concatenate3A_59 = tpu.concatenate %broadcast_in_dim3A_57, %slice3A_58 in 0 : vector<8x8xf32>, vector<2040x8xf32> -> vector<2048x8xf32>
    %add3A_60 = arith.addf %add3A_55, %concatenate3A_59 : vector<2048x8xf32>
    %broadcast_in_dim3A_61 = arith.constant 0.000000e+00 : f32
    %broadcast_in_dim3A_62 = vector.broadcast %broadcast_in_dim3A_61 : f32 to vector<16x8xf32>
    %slice3A_63 = vector.extract_strided_slice %add3A_60 {offsets = [0, 0], sizes = [2032, 8], strides = [1, 1]} : vector<2048x8xf32> to vector<2032x8xf32>
    %concatenate3A_64 = tpu.concatenate %broadcast_in_dim3A_62, %slice3A_63 in 0 : vector<16x8xf32>, vector<2032x8xf32> -> vector<2048x8xf32>
    %add3A_65 = arith.addf %add3A_60, %concatenate3A_64 : vector<2048x8xf32>
    %broadcast_in_dim3A_66 = arith.constant 0.000000e+00 : f32
    %broadcast_in_dim3A_67 = vector.broadcast %broadcast_in_dim3A_66 : f32 to vector<32x8xf32>
    %slice3A_68 = vector.extract_strided_slice %add3A_65 {offsets = [0, 0], sizes = [2016, 8], strides = [1, 1]} : vector<2048x8xf32> to vector<2016x8xf32>
    %concatenate3A_69 = tpu.concatenate %broadcast_in_dim3A_67, %slice3A_68 in 0 : vector<32x8xf32>, vector<2016x8xf32> -> vector<2048x8xf32>
    %add3A_70 = arith.addf %add3A_65, %concatenate3A_69 : vector<2048x8xf32>
    %broadcast_in_dim3A_71 = arith.constant 0.000000e+00 : f32
    %broadcast_in_dim3A_72 = vector.broadcast %broadcast_in_dim3A_71 : f32 to vector<64x8xf32>
    %slice3A_73 = vector.extract_strided_slice %add3A_70 {offsets = [0, 0], sizes = [1984, 8], strides = [1, 1]} : vector<2048x8xf32> to vector<1984x8xf32>
    %concatenate3A_74 = tpu.concatenate %broadcast_in_dim3A_72, %slice3A_73 in 0 : vector<64x8xf32>, vector<1984x8xf32> -> vector<2048x8xf32>
    %add3A_75 = arith.addf %add3A_70, %concatenate3A_74 : vector<2048x8xf32>
    %broadcast_in_dim3A_76 = arith.constant 0.000000e+00 : f32
    %broadcast_in_dim3A_77 = vector.broadcast %broadcast_in_dim3A_76 : f32 to vector<128x8xf32>
    %slice3A_78 = vector.extract_strided_slice %add3A_75 {offsets = [0, 0], sizes = [1920, 8], strides = [1, 1]} : vector<2048x8xf32> to vector<1920x8xf32>
    %concatenate3A_79 = tpu.concatenate %broadcast_in_dim3A_77, %slice3A_78 in 0 : vector<128x8xf32>, vector<1920x8xf32> -> vector<2048x8xf32>
    %add3A_80 = arith.addf %add3A_75, %concatenate3A_79 : vector<2048x8xf32>
    %broadcast_in_dim3A_81 = arith.constant 0.000000e+00 : f32
    %broadcast_in_dim3A_82 = vector.broadcast %broadcast_in_dim3A_81 : f32 to vector<256x8xf32>
    %slice3A_83 = vector.extract_strided_slice %add3A_80 {offsets = [0, 0], sizes = [1792, 8], strides = [1, 1]} : vector<2048x8xf32> to vector<1792x8xf32>
    %concatenate3A_84 = tpu.concatenate %broadcast_in_dim3A_82, %slice3A_83 in 0 : vector<256x8xf32>, vector<1792x8xf32> -> vector<2048x8xf32>
    %add3A_85 = arith.addf %add3A_80, %concatenate3A_84 : vector<2048x8xf32>
    %broadcast_in_dim3A_86 = arith.constant 0.000000e+00 : f32
    %broadcast_in_dim3A_87 = vector.broadcast %broadcast_in_dim3A_86 : f32 to vector<512x8xf32>
    %slice3A_88 = vector.extract_strided_slice %add3A_85 {offsets = [0, 0], sizes = [1536, 8], strides = [1, 1]} : vector<2048x8xf32> to vector<1536x8xf32>
    %concatenate3A_89 = tpu.concatenate %broadcast_in_dim3A_87, %slice3A_88 in 0 : vector<512x8xf32>, vector<1536x8xf32> -> vector<2048x8xf32>
    %add3A_90 = arith.addf %add3A_85, %concatenate3A_89 : vector<2048x8xf32>
    %broadcast_in_dim3A_91 = arith.constant 0.000000e+00 : f32
    %broadcast_in_dim3A_92 = vector.broadcast %broadcast_in_dim3A_91 : f32 to vector<1024x8xf32>
    %slice3A_93 = vector.extract_strided_slice %add3A_90 {offsets = [0, 0], sizes = [1024, 8], strides = [1, 1]} : vector<2048x8xf32> to vector<1024x8xf32>
    %concatenate3A_94 = tpu.concatenate %broadcast_in_dim3A_92, %slice3A_93 in 0 : vector<1024x8xf32>, vector<1024x8xf32> -> vector<2048x8xf32>
    %add3A_95 = arith.addf %add3A_90, %concatenate3A_94 : vector<2048x8xf32>
    %slice3A_96 = vector.extract_strided_slice %add3A_95 {offsets = [2047, 0], sizes = [1, 8], strides = [1, 1]} : vector<2048x8xf32> to vector<1x8xf32>
    %sub3A_97 = arith.subf %add3A_95, %select_n3A_42 : vector<2048x8xf32>
    %add3A_98 = arith.constant 2.550000e+02 : f32
    %add3A_99 = vector.broadcast %add3A_98 : f32 to vector<1x8xf32>
    %add3A_100 = arith.addf %slice3A_96, %add3A_99 : vector<1x8xf32>
    %div3A_101 = arith.constant 2.560000e+02 : f32
    %div3A_102 = vector.broadcast %div3A_101 : f32 to vector<1x8xf32>
    %div3A_103 = arith.divf %add3A_100, %div3A_102 : vector<1x8xf32>
    %floor3A = math.floor %div3A_103 : vector<1x8xf32>
    %mul3A = arith.constant 2.560000e+02 : f32
    %mul3A_104 = vector.broadcast %mul3A : f32 to vector<1x8xf32>
    %mul3A_105 = arith.mulf %floor3A, %mul3A_104 : vector<1x8xf32>
    %iota3A_106 = tpu.iota {dimensions = array<i32: 0>} : vector<8x8xi32>
    %iota3A_107 = tpu.iota {dimensions = array<i32: 1>} : vector<8x8xi32>
    %lt3A = arith.cmpi slt, %iota3A_106, %iota3A_107 : vector<8x8xi32>
    %jit3A_108 = arith.constant 1.000000e+00 : f32
    %jit3A_109 = arith.constant 0.000000e+00 : f32
    %broadcast_in_dim3A_110 = vector.broadcast %jit3A_108 : f32 to vector<8x8xf32>
    %broadcast_in_dim3A_111 = vector.broadcast %jit3A_109 : f32 to vector<8x8xf32>
    %select_n3A_112 = arith.select %lt3A, %broadcast_in_dim3A_110, %broadcast_in_dim3A_111 : vector<8x8xi1>, vector<8x8xf32>
    %dot_general3A_113 = arith.constant dense<0.000000e+00> : vector<1x8xf32>
    %dot_general3A_114 = tpu.matmul %mul3A_105, %select_n3A_112, %dot_general3A_113 {dimension_numbers = #tpu.dot_dimension_numbers<[1], [0], [0], [1], [0, 0, 1, 1], [], []>, transpose_lhs_hint = false} : vector<1x8xf32>, vector<8x8xf32>, vector<1x8xf32> -> vector<1x8xf32>
    %add3A_115 = vector.broadcast %dot_general3A_114 : vector<1x8xf32> to vector<2048x8xf32>
    %add3A_116 = arith.addf %add3A_115, %sub3A_97 : vector<2048x8xf32>
    %jit3A_117 = arith.constant 0.000000e+00 : f32
    %broadcast_in_dim3A_118 = vector.broadcast %jit3A_117 : f32 to vector<2048x8xf32>
    %select_n3A_119 = arith.select %eq3A_21, %add3A_116, %broadcast_in_dim3A_118 : vector<2048x8xi1>, vector<2048x8xf32>
    %reduce_sum3A_120 = arith.constant dense<0.000000e+00> : vector<2048xf32>
    %reduce_sum3A_121 = vector.multi_reduction <add>, %select_n3A_119, %reduce_sum3A_120 [1] : vector<2048x8xf32> to vector<2048xf32>
    %broadcast_in_dim3A_122 = vector.shape_cast %reduce_sum3A_121 : vector<2048xf32> to vector<2048x1xf32>
    %jit3A_123 = arith.constant 0.000000e+00 : f32
    %broadcast_in_dim3A_124 = vector.broadcast %jit3A_123 : f32 to vector<2048x8xf32>
    %select_n3A_125 = arith.select %eq3A_37, %add3A_116, %broadcast_in_dim3A_124 : vector<2048x8xi1>, vector<2048x8xf32>
    %reduce_sum3A_126 = arith.constant dense<0.000000e+00> : vector<2048xf32>
    %reduce_sum3A_127 = vector.multi_reduction <add>, %select_n3A_125, %reduce_sum3A_126 [1] : vector<2048x8xf32> to vector<2048xf32>
    %broadcast_in_dim3A_128 = vector.shape_cast %reduce_sum3A_127 : vector<2048xf32> to vector<2048x1xf32>
    %reshape3A = vector.shape_cast %broadcast_in_dim3A_122 : vector<2048x1xf32> to vector<1x2048xf32>
    %convert_element_type3A = arith.fptosi %reshape3A : vector<1x2048xf32> to vector<1x2048xi32>
    %swap3A_129 = arith.constant 0 : index
    %swap3A_130 = arith.constant 0 : index
    %swap3A_131 = vector.load %arg3[%swap3A_129, %swap3A_130] : memref<2x2048xi32, #tpu.memory_space<vmem>>, vector<1x2048xi32>
    tpu.vector_store %arg3[%swap3A_129, %swap3A_130], %convert_element_type3A {strides = array<i32>} : memref<2x2048xi32, #tpu.memory_space<vmem>>, vector<1x2048xi32>,
    %reshape3A_132 = vector.shape_cast %broadcast_in_dim3A_128 : vector<2048x1xf32> to vector<1x2048xf32>
    %convert_element_type3A_133 = arith.fptosi %reshape3A_132 : vector<1x2048xf32> to vector<1x2048xi32>
    %swap3A_134 = arith.constant 1 : index
    %swap3A_135 = arith.constant 0 : index
    %swap3A_136 = vector.load %arg3[%swap3A_134, %swap3A_135] : memref<2x2048xi32, #tpu.memory_space<vmem>>, vector<1x2048xi32>
    tpu.vector_store %arg3[%swap3A_134, %swap3A_135], %convert_element_type3A_133 {strides = array<i32>} : memref<2x2048xi32, #tpu.memory_space<vmem>>, vector<1x2048xi32>,
    %div3A_137 = arith.divf %broadcast_in_dim3A_15, %add3A : vector<2048x1xf32>
    %reshape3A_138 = vector.shape_cast %div3A_137 : vector<2048x1xf32> to vector<1x2048xf32>
    %swap3A_139 = arith.constant 0 : index
    %swap3A_140 = arith.constant 0 : index
    %swap3A_141 = vector.load %arg4[%swap3A_139, %swap3A_140] : memref<2x2048xf32, #tpu.memory_space<vmem>>, vector<1x2048xf32>
    tpu.vector_store %arg4[%swap3A_139, %swap3A_140], %reshape3A_138 {strides = array<i32>} : memref<2x2048xf32, #tpu.memory_space<vmem>>, vector<1x2048xf32>,
    %div3A_142 = arith.divf %broadcast_in_dim3A_27, %add3A : vector<2048x1xf32>
    %reshape3A_143 = vector.shape_cast %div3A_142 : vector<2048x1xf32> to vector<1x2048xf32>
    %swap3A_144 = arith.constant 1 : index
    %swap3A_145 = arith.constant 0 : index
    %swap3A_146 = vector.load %arg4[%swap3A_144, %swap3A_145] : memref<2x2048xf32, #tpu.memory_space<vmem>>, vector<1x2048xf32>
    tpu.vector_store %arg4[%swap3A_144, %swap3A_145], %reshape3A_143 {strides = array<i32>} : memref<2x2048xf32, #tpu.memory_space<vmem>>, vector<1x2048xf32>,
    %iota3A_147 = tpu.iota {dimensions = array<i32: 0>} : vector<24x8xi32>
    %mul3A_148 = arith.constant 256 : i32
    %mul3A_149 = vector.broadcast %mul3A_148 : i32 to vector<24x8xi32>
    %mul3A_150 = arith.muli %iota3A_147, %mul3A_149 : vector<24x8xi32>
    %convert_element_type3A_151 = arith.sitofp %mul3A_150 : vector<24x8xi32> to vector<24x8xf32>
    %broadcast_in_dim3A_152 = vector.shape_cast %dot_general3A_114 : vector<1x8xf32> to vector<1x8xf32>
    %broadcast_in_dim3A_153 = vector.broadcast %broadcast_in_dim3A_152 : vector<1x8xf32> to vector<24x8xf32>
    %le3A = arith.cmpf ole, %broadcast_in_dim3A_153, %convert_element_type3A_151 : vector<24x8xf32>
    %jit3A_154 = arith.constant 1 : i32
    %jit3A_155 = arith.constant 0 : i32
    %broadcast_in_dim3A_156 = vector.broadcast %jit3A_154 : i32 to vector<24x8xi32>
    %broadcast_in_dim3A_157 = vector.broadcast %jit3A_155 : i32 to vector<24x8xi32>
    %select_n3A_158 = arith.select %le3A, %broadcast_in_dim3A_156, %broadcast_in_dim3A_157 : vector<24x8xi1>, vector<24x8xi32>
    %reduce_sum3A_159 = arith.constant dense<0> : vector<24xi32>
    %reduce_sum3A_160 = vector.multi_reduction <add>, %select_n3A_158, %reduce_sum3A_159 [1] : vector<24x8xi32> to vector<24xi32>
    %broadcast_in_dim3A_161 = vector.shape_cast %reduce_sum3A_160 : vector<24xi32> to vector<24x1xi32>
    %sub3A_162 = arith.constant 1 : i32
    %sub3A_163 = vector.broadcast %sub3A_162 : i32 to vector<24x1xi32>
    %sub3A_164 = arith.subi %broadcast_in_dim3A_161, %sub3A_163 : vector<24x1xi32>
    %reshape3A_165 = vector.shape_cast %sub3A_164 : vector<24x1xi32> to vector<1x24xi32>
    %swap3A_166 = arith.constant 0 : index
    %swap3A_167 = arith.constant 0 : index
    %swap3A_168 = vector.load %arg5[%swap3A_166, %swap3A_167] : memref<1x24xi32, #tpu.memory_space<vmem>>, vector<1x24xi32>
    tpu.vector_store %arg5[%swap3A_166, %swap3A_167], %reshape3A_165 {strides = array<i32>} : memref<1x24xi32, #tpu.memory_space<vmem>>, vector<1x24xi32>,
    return
  }
}

</mosaic_0001>

<sc_bundles>
// kernel: kernel.6.cloned.1.call-start
scs
__scs_entry_jumppad:
0x0: {  	(pc) =	sbr.rel $0x88, $3  }
0x1: {  	(tag) =	ssettag $0x0;
	lr =	simm.s32 $0x1  }
0x2: {  	[smem:$0x3F9C] =	sst lr;
	_ =	strace $0xD0000000  }
0x3: {  	_ = 	snop  }
0x4: {  	_ = 	snop  }
0x5: {  	_ = 	snop  }
0x6: {  	_ = 	snop  }
0x7: {  	_ = 	snop  }
__scs_overlays_trampoline_lowered:
0x8: {  	[smem:$0x3FAB] =	sst s0  }
0x9: {  	[smem:$0x3FAC] =	sst s1  }
0xa: {  	[smem:$0x3FAD] =	sst s2  }
0xb: {  	[smem:$0x3FAE] =	sst s3  }
0xc: {  	[smem:$0x3FAF] =	sst s4  }
0xd: {  	[smem:$0x3FB0] =	sst s5  }
0xe: {  	[smem:$0x3FB1] =	sst s6  }
0xf: {  	[smem:$0x3FB2] =	sst s7  }
0x10: {  	[smem:$0x3FB3] =	sst s8  }
0x11: {  	[smem:$0x3FB4] =	sst s9;
	s0 =	simm.s32 @!p0 $0x0  }
0x12: {  	s1 =	sld [smem:$0x3F9A];
	s0 =	simm.s32 @p0 $0x1  }
0x13: {  	[smem:$0x3FB5] =	sst s0;
	s0 =	simm.s32 @!p1 $0x0  }
0x14: {  	s2 =	sld [smem:$0x3F99];
	s0 =	simm.s32 @p1 $0x1  }
0x15: {  	[smem:$0x3FB6] =	sst s0;
	s0 =	simm.s32 @!p2 $0x0  }
0x16: {  	s3 =	sld [smem:$0x3FDB];
	s0 =	simm.s32 @p2 $0x1  }
0x17: {  	s4 =	simm.s32 $0x1BF5;
	[smem:$0x3FB8] =	sst s0  }
0x18: {  	s0 =	sld [smem:$0x3F9B];
	_ =	swait.ge [sflag:s4], $0x0  }
0x19: {  	s7 =	sld [smem:$0x3F9C]  }
0x1a: {  	s8 =	sadd.s32 $0xFFFFE003, lr  }
0x1b: {  	s9 =	sadd.s32 $0xFFFFFEF7, lr;
	s5 =	simm.s32 $0xFFFFFFFF;
	p2 =	slt.u32 s8, $0xFFFFF086  }
0x1c: {  	p1 =	slt.u32 s9, $0xF7A;
	s5 =	simm.s32 @!p2 $0x0  }
0x1d: {  	s5 =	simm.s32 @p1 $0x1;
	p0 =	seq.s32 s7, s2  }
0x1e: {  	s7 =	smul.u32 @!p0 $0xF7A, s2;
	p2 =	seq.s32 @!p0 s5, $0x0  }
0x1f: {  	s9 =	smul.u32 $0xF7A, s1;
	s8 =	simm.s32 @!p0 $0x1BF5;
	p2 =	por !p2, p0  }
0x20: {  	[sflag:s8] =	ssyncset.s32 @!p0 $0xFFFFF086;
	s6 =	sadd.s32 @!p0 s3, s7;
	s7 =	simm.s32 @!p0 $0x108  }
0x21: {  	s3 =	sadd.s32 s3, s9;
	s6 =	sadd.s32 @!p0 $0x88, s6;
	s7 =	simm.s32 @p2 $0x1082  }
0x22: {  	[simem:s7], [sflag:s8] =	dma.local @!p0 [hbm:s6], $0xF7A  }
0x23: {  	s9 =	sor.u32 $0xD0000000, s2;
	s6 =	simm.s32 $0x108;
	_ =	swait.ge @!p0 [sflag:s8], $0x0  }
0x24: {  	s3 =	sadd.s32 $0x88, s3;
	s6 =	simm.s32 @!p1 $0x1082;
	[sflag:s4] =	ssyncset.s32 $0xFFFFF086  }
0x25: {  	[simem:s6], [sflag:s4] =	dma.local [hbm:s3], $0xF7A  }
0x26: {  	[smem:$0x3F9C] =	sst s1;
	(tag) =	ssettag s2;
	_ =	strace s9  }
0x27: {  	s1 =	sld [smem:$0x3FAC]  }
0x28: {  	s2 =	sld [smem:$0x3FAD]  }
0x29: {  	s4 =	sld [smem:$0x3FAF]  }
0x2a: {  	p0 =	seq.s32 s5, $0x0;
	s5 =	sld [smem:$0x3FB0]  }
0x2b: {  	s6 =	sld [smem:$0x3FB1]  }
0x2c: {  	s7 =	sld [smem:$0x3FB2]  }
0x2d: {  	s3 =	simm.s32 $0x108;
	s8 =	sld [smem:$0x3FB3]  }
0x2e: {  	s3 =	simm.s32 @!p0 $0x1082;
	s9 =	sld [smem:$0x3FB4]  }
0x2f: {  	lr =	sadd.s32 s0, s3;
	s0 =	sld [smem:$0x3FAB]  }
0x30: {  	s3 =	sld [smem:$0x3FAE]  }
0x31: {  	[smem:$0x3FB7] =	sst s10  }
0x32: {  	s10 =	sld [smem:$0x3FB5];
	_ =	sdelay $0x3  }
0x33: {  	p0 =	seq.s32 s10, $0x1;
	s10 =	sld [smem:$0x3FB7];
	_ =	sdelay $0x3  }
0x34: {  	[smem:$0x3FB7] =	sst s10  }
0x35: {  	s10 =	sld [smem:$0x3FB6];
	_ =	sdelay $0x3  }
0x36: {  	p1 =	seq.s32 s10, $0x1;
	s10 =	sld [smem:$0x3FB7];
	_ =	sdelay $0x3  }
0x37: {  	[smem:$0x3FB7] =	sst s10  }
0x38: {  	s10 =	sld [smem:$0x3FB8]  }
0x39: {  	_ = 	snop;
	(pc) =	sbr.ind lr, $3  }
0x3a: {  	_ = 	snop  }
0x3b: {  	_ = 	snop  }
0x3c: {  	p2 =	seq.s32 s10, $0x1;
	s10 =	sld [smem:$0x3FB7]  }
0x3d: {  	_ =	shalt  }
0x3e: {  	_ =	shalt  }
0x3f: {  	_ =	shalt  }
0x40: {  	_ =	shalt  }
0x41: {  	_ =	shalt  }
0x42: {  	_ =	shalt  }
0x43: {  	_ =	shalt  }
0x44: {  	_ =	shalt  }
0x45: {  	_ =	shalt  }
0x46: {  	_ =	shalt  }
0x47: {  	_ =	shalt  }
0x48: {  	_ =	shalt  }
0x49: {  	_ =	shalt  }
0x4a: {  	_ =	shalt  }
0x4b: {  	_ =	shalt  }
0x4c: {  	_ =	shalt  }
0x4d: {  	_ =	shalt  }
0x4e: {  	_ =	shalt  }
0x4f: {  	_ =	shalt  }
0x50: {  	_ =	shalt  }
0x51: {  	_ =	shalt  }
0x52: {  	_ =	shalt  }
0x53: {  	_ =	shalt  }
0x54: {  	_ =	shalt  }
0x55: {  	_ =	shalt  }
0x56: {  	_ =	shalt  }
0x57: {  	_ =	shalt  }
0x58: {  	_ =	shalt  }
0x59: {  	_ =	shalt  }
0x5a: {  	_ =	shalt  }
0x5b: {  	_ =	shalt  }
0x5c: {  	_ =	shalt  }
0x5d: {  	_ =	shalt  }
0x5e: {  	_ =	shalt  }
0x5f: {  	_ =	shalt  }
0x60: {  	_ =	shalt  }
0x61: {  	_ =	shalt  }
0x62: {  	_ =	shalt  }
0x63: {  	_ =	shalt  }
0x64: {  	_ =	shalt  }
0x65: {  	_ =	shalt  }
0x66: {  	_ =	shalt  }
0x67: {  	_ =	shalt  }
0x68: {  	_ =	shalt  }
0x69: {  	_ =	shalt  }
0x6a: {  	_ =	shalt  }
0x6b: {  	_ =	shalt  }
0x6c: {  	_ =	shalt  }
0x6d: {  	_ =	shalt  }
0x6e: {  	_ =	shalt  }
0x6f: {  	_ =	shalt  }
0x70: {  	_ =	shalt  }
0x71: {  	_ =	shalt  }
0x72: {  	_ =	shalt  }
0x73: {  	_ =	shalt  }
0x74: {  	_ =	shalt  }
0x75: {  	_ =	shalt  }
0x76: {  	_ =	shalt  }
0x77: {  	_ =	shalt  }
0x78: {  	_ =	shalt  }
0x79: {  	_ =	shalt  }
0x7a: {  	_ =	shalt  }
0x7b: {  	_ =	shalt  }
0x7c: {  	_ =	shalt  }
0x7d: {  	_ =	shalt  }
0x7e: {  	_ =	shalt  }
0x7f: {  	_ =	shalt  }
0x80: {  	_ =	shalt  }
0x81: {  	_ =	shalt  }
0x82: {  	_ =	shalt  }
0x83: {  	_ =	shalt  }
0x84: {  	_ =	shalt  }
0x85: {  	_ =	shalt  }
0x86: {  	_ =	shalt  }
0x87: {  	_ =	shalt  }
.Lfunc_end0:
.L_simem_size_0:
called_computation_lowered:
.L_overlay_start_0:
0x88: {  	s2 =	sld [smem:$0x3FD9]  }
0x89: {  	s3 =	sld [smem:$0x3FFE];
	_ =	sdelay $0x1  }
0x8a: {  	s1 =	srdreg.scid  }
0x8b: {  	s0 =	sand.u32 $0x1, s1  }
0x8c: {  	s14 =	sshll.u32 s0, $0xA;
	s2 =	sadd.s32 s3, s2  }
0x8d: {  	s2 =	sadd.s32 s2, s14  }
0x8e: {  	[smem:$0x3FC3] =	sst s2  }
0x8f: {  	_ = 	snop  }
0x90: {  	s2 =	sld [smem:$0x3FD0];
	_ =	sdelay $0x2  }
0x91: {  	s4 =	simm.s32 $0xA;
	s5 =	simm.s32 $0x10;
	s15 =	sld [smem:$0x3FC9]  }
0x92: {  	[smem:s5], [sflag:s4] =	dma.local [hbm:s2], $0x1  }
0x93: {  	_ =	swait.eq [sflag:s4], $0x1  }
0x94: {  	[sflag:s4] =	ssyncset.done $0x0  }
0x95: {  	s16 =	sld [smem:$0x10];
	[sflag:s4] =	ssyncadd.s32 $0xFFFFFFFF  }
0x96: {  	s17 =	sld [smem:$0x11];
	(tm) =	ssettm $0x1  }
0x97: {  	s18 =	sld [smem:$0x3FFB];
	_ =	sdelay $0x3  }
0x98: {  	_ =	strace s18  }
0x99: {  	s5 =	sld [smem:$0x3FFC];
	_ =	sdelay $0x3  }
0x9a: {  	_ =	strace s5  }
0x9b: {  	s5 =	sld [smem:$0x3FFD];
	_ =	sdelay $0x3  }
0x9c: {  	_ =	strace s5  }
0x9d: {  	_ =	strace $0x8FFFFFFF  }
0x9e: {  	s19 =	sld [smem:$0x3FDB];
	_ =	sdelay $0x1  }
0x9f: {  	s6 =	simm.s32 $_scs_section_size  }
0xa0: {  	s7 =	simm.s32 $_size__tile_overlayer_lowered;
	s8 =	simm.s32 $_tile_overlayer_lowered  }
0xa1: {  	s22 =	simm.s32 $0x1BFF;
	s21 =	sshll.u32 s8, $0x1;
	s5 =	sadd.s32 s6, s19  }
0xa2: {  	s9 =	simm.s32 $0x0;
	s20 =	sshll.u32 s7, $0x1;
	s7 =	sadd.s32 s21, s5  }
0xa3: {  	[timem:s9], [sflag:s22] =	dma.local [hbm:s7], s20  }
0xa4: {  	_ =	swait.ge [sflag:s22], s20  }
0xa5: {  	s6 =	ssub.s32 $0x0, s20;
	[sflag:s22] =	ssyncset.done $0x0  }
0xa6: {  	[sflag:s22] =	ssyncadd.s32 s6;
	_ =	sdelay $0x1  }
0xa7: {  	s23 =	simm.s32 $0x1B8B  }
0xa8: {  	_ =	swait.ge [sflag:s23], $0x1  }
0xa9: {  	[sflag:s23] =	ssyncset.done $0x0  }
0xaa: {  	s25 =	simm.s32 $0x1B8E;
	s24 =	sld [smem:$0x3FFE];
	[sflag:s23] =	ssyncadd.s32 $0xFFFFFFFF  }
0xab: {  	s26 =	simm.s32 $execute0_lowered;
	[smem:$0x3FD2] =	sst s25  }
0xac: {  	s7 =	sshll.u32 s26, $0x1;
	_ =	strace $0x80000046;
	[dreg:$0x1] =	wrdreg $0xFFFFFFFF  }
0xad: {  	s28 =	simm.s32 $_size_execute0_lowered;
	s5 =	sadd.s32 s5, s7;
	[dreg:$0x0] =	wrdreg $0x0  }
0xae: {  	s7 =	sshll.u32 s28, $0x1;
	[dreg:$0x2] =	wrdreg s5  }
0xaf: {  	[dreg:$0x3] =	wrdreg s7  }
0xb0: {  	[dreg:$0x4] =	wrdreg $0xC0  }
0xb1: {  	_ =	task [dreg:s9], $0x5FFFF  }
0xb2: {  	[dreg:$0x1] =	wrdreg $0xFFFFFFFF  }
0xb3: {  	[dreg:$0x0] =	wrdreg $0x60  }
0xb4: {  	[dreg:$0x2] =	wrdreg s24  }
0xb5: {  	[dreg:$0x3] =	wrdreg s16  }
0xb6: {  	[dreg:$0x4] =	wrdreg s15  }
0xb7: {  	[dreg:$0x5] =	wrdreg s17  }
0xb8: {  	[dreg:$0x6] =	wrdreg $0x186800  }
0xb9: {  	[dreg:$0x7] =	wrdreg $0x188000  }
0xba: {  	[dreg:$0x8] =	wrdreg $0x9  }
0xbb: {  	_ =	task.clear_ibuf [dreg:s9], $0x9FFFF;
	_ =	strace $0x90000046  }
0xbc: {  	s29 =	simm.s32 $0x9;
	_ =	strace $0x80000048  }
0xbd: {  	_ =	swait.ge [sflag:s29], $0x1  }
0xbe: {  	[sflag:s29] =	ssyncadd.s32 $0xFFFFFFFF  }
0xbf: {  	_ =	strace $0x90000048  }
0xc0: {  	_ =	sfence  }
0xc1: {  	s30 =	sld [smem:$0x0];
	_ =	sdelay $0x2  }
0xc2: {  	s31 =	sshll.u32 s1, $0xD;
	s1 =	sshrl.u32 s1, $0x2  }
0xc3: {  	s3 =	sand.u32 $0x4000, s31;
	s1 =	sadd.s32 s1, s30  }
0xc4: {  	s0 =	sor.u32 s3, s0;
	s1 =	sshll.u32 s1, $0x11  }
0xc5: {  	s0 =	sor.u32 s1, s0  }
0xc6: {  	s0 =	sadd.s32 $0x8F2B, s0  }
0xc7: {  	[sflag:s0] =	ssyncadd.remote.s32 $0x1  }
0xc8: {  	_ =	sfence.sel $0xFFFF  }
0xc9: {  	[dreg:$0x0] =	wrdreg $0xFFFFFFFF;
	(pc) =	sbr.abs _section_cstart, $3  }
0xca: {  	[dreg:$0x1] =	wrdreg $0xFFFFFFFF  }
0xcb: {  	_ =	task.clear_ibuf [dreg:s9], $0x2FFFF;
	_ =	strace $0x9FFFFFFF  }
0xcc: {  	(tm) =	ssettm $0x7FFFFFFF  }
0xcd: {  	_ =	shalt  }
tec
execute0_lowered:
.L_overlay_start_1:
0x0: {  	(tag) =	ssettag $0x1  }
0x1: {  	s0 =	rddreg [dreg:$0x0]  }
0x2: {  	s4 =	rddreg [dreg:$0x1]  }
0x3: {  	s1 =	rddreg [dreg:$0x2]  }
0x4: {  	s17 =	rddreg [dreg:$0x3]  }
0x5: {  	s2 =	rddreg [dreg:$0x4]  }
0x6: {  	s3 =	rddreg [dreg:$0x5];
	s6 =	srdreg.scid;
	s5 =	simm.s32 $0x0  }
0x7: {  	s24 =	stileid.u32;
	s28 =	simm.s32 $0x480;
	s30 =	simm.s32 $0x500  }
0x8: {  	s31 =	simm.s32 $0x1;
	s29 =	simm.s32 $0x6680;
	s10 =	sand.u32 $0x1, s6  }
0x9: {  	[smem:$0x7FF] =	sst s5;
	s8 =	smul.u32 $0x180, s24;
	s9 =	sadd.s32 $0x1600, s0  }
0xa: {  	s0 =	sadd.s32 $0x1800, s0;
	s11 =	sshll.u32 s24, $0x5;
	s12 =	sshll.u32 s24, $0x7  }
0xb: {  	s14 =	sshll.u32 s24, $0x9;
	p0 =	sgt.u32 s24, $0xB;
	s6 =	ssub.s32 $0x2, s10  }
0xc: {  	_ =	strace $0x80000047;
	s13 =	sor.u32 $0x10, s11;
	s15 =	sshll.u32 s10, $0x8  }
0xd: {  	s10 =	sadd.s32 s4, s11;
	s18 =	sor.u32 $0x10, s12;
	s21 =	sor.u32 $0x20, s12  }
0xe: {  	v12 =	vlaneseq.u32;
	s16 =	sor.u32 $0x50, s12;
	s7 =	sshrl.u32 s6, $0x1;
	s25 =	sor.u32 s15, s14  }
0xf: {  	s14 =	sor.u32 $0x30, s12;
	s15 =	sor.u32 $0x40, s12;
	v1 =	vor.u32 s18, v12;
	s18 =	simm.s32 $0x2  }
0x10: {  	v5 =	vor.u32 s16, v12;
	s16 =	simm.s32 $0x2E80;
	s19 =	ssub.s32 s6, s7;
	s6 =	sadd.s32 s8, s2  }
0x11: {  	s7 =	sadd.s32 s8, s3;
	s8 =	sadd.s32 s9, s11;
	s9 =	sadd.s32 s9, s13  }
0x12: {  	s11 =	sadd.s32 s4, s13;
	s20 =	sshrl.u32 s25, $0x3;
	s13 =	sor.u32 $0x60, s12  }
0x13: {  	s26 =	sadd.s32 s25, s3;
	s4 =	sadd.s32 s25, s2;
	s25 =	sor.u32 $0x70, s12  }
0x14: {  	v0 =	vor.u32 s12, v12;
	v4 =	vor.u32 s15, v12;
	s12 =	simm.s32 $0x3;
	s15 =	simm.s32 $0x2680;
	s22 =	smul.u32 $0x1800, s20  }
0x15: {  	v3 =	vor.u32 s14, v12;
	s14 =	simm.s32 $0xC680;
	s23 =	smul.u32 $0x300, s20;
	s17 =	sadd.s32 s17, s20  }
0x16: {  	[dreg:$0x8] =	wrdreg s4;
	s24 =	sshrl.u32 s26, $0x3;
	s20 =	sadd.s32 $0x200, s1  }
0x17: {  	s4 =	simm.s32 $0x380;
	[dreg:$0x7] =	wrdreg s17;
	s22 =	sshrl.u32 s22, $0x3  }
0x18: {  	[dreg:$0xc] =	wrdreg s24;
	s23 =	sadd.s32 s0, s23;
	s0 =	sadd.s32 s0, s22  }
.Ltmp0:
0x19: {  	[dreg:$0x9] =	wrdreg s23;
	s26 =	sadd.s32 $0x1800, s23;
	(pc) =	sbr.rel .LBB2_1-.Ltmp0, $4  }
0x1a: {  	v7 =	vor.u32 s25, v12;
	s25 =	simm.s32 $0x5E80;
	s17 =	sadd.s32 $0x3000, s0;
	[dreg:$0xd] =	wrdreg s26  }
0x1b: {  	v8 =	vimm.s32 $0x0;
	v9 =	vimm.f32 $0.0e+00;
	v11 =	vshrl.u32 v12, $0x3;
	s24 =	simm.s32 $0x80;
	s0 =	sadd.s32 $0x4800, s0;
	[dreg:$0xa] =	wrdreg s17  }
0x1c: {  	vm0 =	vmmov $0xffff;
	v10 =	vand.u32 $0x7, v12;
	v11 =	vmul.u32 $0x8, v11;
	s22 =	simm.s32 $0x4;
	s26 =	simm.s32 $0x400;
	[dreg:$0xb] =	wrdreg s0  }
0x1d: {  	v2 =	vor.u32 s21, v12;
	v6 =	vor.u32 s13, v12;
	v12 =	vor.u32 $0x8, v12;
	s17 =	smax.u32 s19, $0x1;
	s19 =	sadd.s32 $0x100, s1;
	s0 =	simm.s32 $0x300  }
.LBB2_3:
0x1e: {  	s17 =	sadd.s32 $0xFFFFFFFF, s17  }
0x1f: {  	p1 =	sne.s32 s17, $0x0  }
.Ltmp1:
0x20: {  	_ = 	snop;
	(pc) =	sbr.rel @!p1 .LBB2_4-.Ltmp1, $1  }
0x21: {  	_ =	sdelay $0x3  }
.LBB2_1:
0x22: {  	[tilespmem:$0x0] =	vst v8  }
0x23: {  	[tilespmem:$0x180] =	vst v9  }
0x24: {  	[tilespmem:$0x10] =	vst v8  }
0x25: {  	[tilespmem:$0x190] =	vst v9  }
0x26: {  	[tilespmem:$0x20] =	vst v8  }
0x27: {  	[tilespmem:$0x1A0] =	vst v9  }
0x28: {  	[tilespmem:$0x30] =	vst v8  }
0x29: {  	[tilespmem:$0x1B0] =	vst v9  }
0x2a: {  	[tilespmem:$0x40] =	vst v8  }
0x2b: {  	[tilespmem:$0x1C0] =	vst v9  }
0x2c: {  	[tilespmem:$0x50] =	vst v8  }
0x2d: {  	[tilespmem:$0x1D0] =	vst v9  }
0x2e: {  	[tilespmem:$0x60] =	vst v8  }
0x2f: {  	[tilespmem:$0x1E0] =	vst v9  }
0x30: {  	[tilespmem:$0x70] =	vst v8  }
0x31: {  	[tilespmem:$0x1F0] =	vst v9  }
0x32: {  	[tilespmem:$0x80] =	vst v8  }
0x33: {  	[tilespmem:$0x200] =	vst v9  }
0x34: {  	[tilespmem:$0x90] =	vst v8  }
0x35: {  	[tilespmem:$0x210] =	vst v9  }
0x36: {  	[tilespmem:$0xA0] =	vst v8  }
0x37: {  	[tilespmem:$0x220] =	vst v9  }
0x38: {  	[tilespmem:$0xB0] =	vst v8  }
0x39: {  	[tilespmem:$0x230] =	vst v9  }
0x3a: {  	[tilespmem:$0xC0] =	vst v8  }
0x3b: {  	[tilespmem:$0x240] =	vst v9  }
0x3c: {  	[tilespmem:$0xD0] =	vst v8  }
0x3d: {  	[tilespmem:$0x250] =	vst v9  }
0x3e: {  	[tilespmem:$0xE0] =	vst v8  }
0x3f: {  	[tilespmem:$0x260] =	vst v9  }
0x40: {  	[tilespmem:$0xF0] =	vst v8  }
0x41: {  	[tilespmem:$0x270] =	vst v9  }
0x42: {  	[tilespmem:$0x100] =	vst v8  }
0x43: {  	[tilespmem:$0x280] =	vst v9  }
0x44: {  	[tilespmem:$0x110] =	vst v8  }
0x45: {  	[tilespmem:$0x290] =	vst v9  }
0x46: {  	[tilespmem:$0x120] =	vst v8  }
0x47: {  	[tilespmem:$0x2A0] =	vst v9  }
0x48: {  	[tilespmem:$0x130] =	vst v8  }
0x49: {  	[tilespmem:$0x2B0] =	vst v9  }
0x4a: {  	[tilespmem:$0x140] =	vst v8  }
0x4b: {  	[tilespmem:$0x2C0] =	vst v9  }
0x4c: {  	[tilespmem:$0x150] =	vst v8  }
0x4d: {  	[tilespmem:$0x2D0] =	vst v9  }
0x4e: {  	[tilespmem:$0x160] =	vst v8  }
0x4f: {  	[tilespmem:$0x2E0] =	vst v9  }
0x50: {  	[tilespmem:$0x170] =	vst v8  }
0x51: {  	[tilespmem:$0x2F0] =	vst v9  }
0x52: {  	[spmem:s6] =	stream.linear.scatter [tilespmem:s5], [sflag:$0x4], $0x180, $0x38;
	[tilespmem:$0x18980] =	vst v63  }
0x53: {  	_ =	swait.ge [sflag:s22], $0x180  }
0x54: {  	[sflag:s22] =	ssyncset.done $0x0  }
0x55: {  	s13 =	simm.s32 $0x180;
	[sflag:s22] =	ssyncadd.s32 $0xFFFFFE80  }
0x56: {  	[spmem:s7] =	stream.linear.scatter [tilespmem:s13], [sflag:$0x4], $0x180, $0x38;
	[tilespmem:$0x18980] =	vst v63  }
0x57: {  	_ =	swait.ge [sflag:s22], $0x180  }
0x58: {  	[sflag:s22] =	ssyncset.done $0x0  }
0x59: {  	[sflag:s22] =	ssyncadd.s32 $0xFFFFFE80  }
0x5a: {  	[tilespmem:s0], [sflag:$0x4] =	stream.linear.gather [hbm4b:s8+s5], $0x80, $0x38;
	[tilespmem:$0x18980] =	vst v63  }
0x5b: {  	_ =	swait.ge [sflag:s22], $0x80  }
0x5c: {  	[sflag:s22] =	ssyncset.done $0x0  }
0x5d: {  	[sflag:s22] =	ssyncadd.s32 $0xFFFFFF80  }
0x5e: {  	[tilespmem:s4], [sflag:$0x4] =	stream.linear.gather [hbm4b:s9+s5], $0x80, $0x38;
	[tilespmem:$0x18980] =	vst v63  }
0x5f: {  	_ =	swait.ge [sflag:s22], $0x80  }
0x60: {  	[sflag:s22] =	ssyncset.done $0x0  }
0x61: {  	[sflag:s22] =	ssyncadd.s32 $0xFFFFFF80  }
0x62: {  	[tilespmem:s26], [sflag:$0x4] =	stream.linear.gather [hbm4b:s10+s5], $0x80, $0x38;
	[tilespmem:$0x18980] =	vst v63  }
0x63: {  	_ =	swait.ge [sflag:s22], $0x80  }
0x64: {  	[sflag:s22] =	ssyncset.done $0x0  }
0x65: {  	[sflag:s22] =	ssyncadd.s32 $0xFFFFFF80  }
0x66: {  	[tilespmem:s28], [sflag:$0x4] =	stream.linear.gather [hbm4b:s11+s5], $0x80, $0x38;
	[tilespmem:$0x18980] =	vst v63  }
0x67: {  	_ =	swait.ge [sflag:s22], $0x80  }
0x68: {  	[sflag:s22] =	ssyncset.done $0x0  }
0x69: {  	[sflag:s22] =	ssyncadd.s32 $0xFFFFFF80  }
0x6a: {  	[tilespmem:$0x500] =	vst v0  }
0x6b: {  	[tilespmem:$0x510] =	vst v1  }
0x6c: {  	[tilespmem:$0x520] =	vst v2  }
0x6d: {  	[tilespmem:$0x530] =	vst v3  }
0x6e: {  	[tilespmem:$0x540] =	vst v4  }
0x6f: {  	[tilespmem:$0x550] =	vst v5  }
0x70: {  	[tilespmem:$0x560] =	vst v6  }
0x71: {  	[tilespmem:$0x570] =	vst v7  }
0x72: {  	[bflag:$0x0] =	sbarrier.arrive $0xFFFF  }
0x73: {  	[spmem:s2] =	stream.indirect.scatter.add.s32 [tilespmem:s30], [sflag:$0x1], $0x1, s0, s24, $0xb8;
	[tilespmem:$0x18980] =	vst v63  }
0x74: {  	_ = 	snop  }
0x75: {  	[spmem:s2] =	stream.indirect.scatter.add.s32 [tilespmem:s30], [sflag:$0x1], $0x1, s4, s24, $0xb8;
	[tilespmem:$0x18980] =	vst v63  }
0x76: {  	_ = 	snop  }
0x77: {  	[spmem:s3] =	stream.indirect.scatter.add.f32 [tilespmem:s26], [sflag:$0x1], $0x1, s0, s24, $0xb8;
	[tilespmem:$0x18980] =	vst v63  }
0x78: {  	_ = 	snop  }
0x79: {  	[spmem:s3] =	stream.indirect.scatter.add.f32 [tilespmem:s28], [sflag:$0x1], $0x1, s4, s24, $0xb8;
	[tilespmem:$0x18980] =	vst v63  }
0x7a: {  	_ =	swait.ge [sflag:s31], $0x80  }
0x7b: {  	[sflag:s31] =	ssyncset.done $0x0  }
0x7c: {  	[sflag:s31] =	ssyncadd.s32 $0xFFFFFF80  }
0x7d: {  	_ =	swait.ge [sflag:s31], $0x80  }
0x7e: {  	[sflag:s31] =	ssyncset.done $0x0  }
0x7f: {  	[sflag:s31] =	ssyncadd.s32 $0xFFFFFF80  }
0x80: {  	_ =	swait.ge [sflag:s31], $0x80  }
0x81: {  	[sflag:s31] =	ssyncset.done $0x0  }
0x82: {  	[sflag:s31] =	ssyncadd.s32 $0xFFFFFF80  }
.Ltmp2:
0x83: {  	_ =	swait.ge [sflag:s31], $0x80;
	(pc) =	sbr.rel @p0 .LBB2_3-.Ltmp2, $3  }
0x84: {  	[sflag:s31] =	ssyncset.done $0x0  }
0x85: {  	[sflag:s31] =	ssyncadd.s32 $0xFFFFFF80  }
0x86: {  	[bflag:$0x0] =	sbarrier.arrive $0xFFFF;
	_ =	sdelay $0x1  }
0x87: {  	s23 =	stileid.u32  }
0x88: {  	s21 =	rddreg [dreg:$0x7];
	s23 =	sshll.u32 s23, $0x6  }
0x89: {  	s13 =	rddreg [dreg:$0xc];
	s23 =	sor.u32 $0x1C04, s23  }
0x8a: {  	[hbm:s21], [sflag:s23] =	dma.local [spmem:s13], $0x20  }
0x8b: {  	_ =	swait.ge [sflag:s22], $0x20  }
0x8c: {  	[sflag:s22] =	ssyncset.done $0x0  }
0x8d: {  	s4 =	simm.s32 $0x580;
	s0 =	rddreg [dreg:$0x8];
	[sflag:s22] =	ssyncadd.s32 $0xFFFFFFE0  }
0x8e: {  	[tilespmem:s4], [sflag:$0x4] =	stream.linear.gather [spmem:s0], $0x100, $0x38;
	[tilespmem:$0x18980] =	vst v63  }
0x8f: {  	_ =	swait.ge [sflag:s22], $0x100  }
0x90: {  	[sflag:s22] =	ssyncset.done $0x0  }
0x91: {  	[sflag:s22] =	ssyncadd.s32 $0xFFFFFF00  }
0x92: {  	v13 =	vld [tilespmem:$0x580];
	_ =	sdelay $0x4  }
0x93: {  	v14 =	vshrl.u32 v13, $0x3  }
0x94: {  	v14 =	vmul.u32 $0x30, v14  }
0x95: {  	v13 =	vand.u32 $0x7, v13  }
0x96: {  	v13 =	vor.u32 v13, v14  }
0x97: {  	v14 =	vperm.xlane v13, v10;
	_ =	sdelay $0x1  }
0x98: {  	v14 =	vadd.s32 v11, v14;
	_ =	sdelay $0x3  }
0x99: {  	s0 =	simm.s32 $0x680;
	v13 =	vperm.xlane v13, v12  }
0x9a: {  	[tilespmem:s0], [sflag:$0x2] =	stream.indirect_vreg.gather [hbm4b:s1+s5], $0x80, v14, vm0, $0xb8;
	[tilespmem:$0x18980] =	vst v63  }
0x9b: {  	s13 =	simm.s32 $0xE80;
	v13 =	vadd.s32 v11, v13  }
0x9c: {  	[tilespmem:s13], [sflag:$0x2] =	stream.indirect_vreg.gather [hbm4b:s19+s5], $0x80, v14, vm0, $0xb8;
	[tilespmem:$0x18980] =	vst v63  }
0x9d: {  	s23 =	simm.s32 $0x1680  }
0x9e: {  	[tilespmem:s23], [sflag:$0x2] =	stream.indirect_vreg.gather [hbm4b:s20+s5], $0x80, v14, vm0, $0xb8;
	[tilespmem:$0x18980] =	vst v63  }
0x9f: {  	s24 =	simm.s32 $0x1E80  }
0xa0: {  	[tilespmem:s24], [sflag:$0x2] =	stream.indirect_vreg.gather [hbm4b:s1+s5], $0x80, v13, vm0, $0xb8;
	[tilespmem:$0x18980] =	vst v63  }
0xa1: {  	_ = 	snop  }
0xa2: {  	[tilespmem:s15], [sflag:$0x2] =	stream.indirect_vreg.gather [hbm4b:s19+s5], $0x80, v13, vm0, $0xb8;
	[tilespmem:$0x18980] =	vst v63  }
0xa3: {  	_ = 	snop  }
0xa4: {  	[tilespmem:s16], [sflag:$0x2] =	stream.indirect_vreg.gather [hbm4b:s20+s5], $0x80, v13, vm0, $0xb8;
	[tilespmem:$0x18980] =	vst v63  }
0xa5: {  	v13 =	vld [tilespmem:$0x590];
	_ =	sdelay $0x4  }
0xa6: {  	v14 =	vshrl.u32 v13, $0x3  }
0xa7: {  	v14 =	vmul.u32 $0x30, v14  }
0xa8: {  	v13 =	vand.u32 $0x7, v13  }
0xa9: {  	v13 =	vor.u32 v13, v14  }
0xaa: {  	v14 =	vperm.xlane v13, v10;
	_ =	sdelay $0x1  }
0xab: {  	v14 =	vadd.s32 v11, v14;
	_ =	sdelay $0x3  }
0xac: {  	s26 =	simm.s32 $0x3680;
	v13 =	vperm.xlane v13, v12  }
0xad: {  	[tilespmem:s26], [sflag:$0x2] =	stream.indirect_vreg.gather [hbm4b:s1+s5], $0x80, v14, vm0, $0xb8;
	[tilespmem:$0x18980] =	vst v63  }
0xae: {  	s28 =	simm.s32 $0x3E80;
	v13 =	vadd.s32 v11, v13  }
0xaf: {  	[tilespmem:s28], [sflag:$0x2] =	stream.indirect_vreg.gather [hbm4b:s19+s5], $0x80, v14, vm0, $0xb8;
	[tilespmem:$0x18980] =	vst v63  }
0xb0: {  	s30 =	simm.s32 $0x4680  }
0xb1: {  	[tilespmem:s30], [sflag:$0x2] =	stream.indirect_vreg.gather [hbm4b:s20+s5], $0x80, v14, vm0, $0xb8;
	[tilespmem:$0x18980] =	vst v63  }
0xb2: {  	s21 =	simm.s32 $0x4E80  }
0xb3: {  	[tilespmem:s21], [sflag:$0x2] =	stream.indirect_vreg.gather [hbm4b:s1+s5], $0x80, v13, vm0, $0xb8;
	[tilespmem:$0x18980] =	vst v63  }
0xb4: {  	s4 =	simm.s32 $0x5680  }
0xb5: {  	[tilespmem:s4], [sflag:$0x2] =	stream.indirect_vreg.gather [hbm4b:s19+s5], $0x80, v13, vm0, $0xb8;
	[tilespmem:$0x18980] =	vst v63  }
0xb6: {  	_ = 	snop  }
0xb7: {  	[tilespmem:s25], [sflag:$0x2] =	stream.indirect_vreg.gather [hbm4b:s20+s5], $0x80, v13, vm0, $0xb8;
	[tilespmem:$0x18980] =	vst v63  }
0xb8: {  	v13 =	vld [tilespmem:$0x5A0];
	_ =	sdelay $0x4  }
0xb9: {  	v14 =	vshrl.u32 v13, $0x3  }
0xba: {  	v14 =	vmul.u32 $0x30, v14  }
0xbb: {  	v13 =	vand.u32 $0x7, v13  }
0xbc: {  	v13 =	vor.u32 v13, v14  }
0xbd: {  	v14 =	vperm.xlane v13, v10;
	_ =	sdelay $0x1  }
0xbe: {  	v14 =	vadd.s32 v11, v14;
	_ =	sdelay $0x3  }
0xbf: {  	v13 =	vperm.xlane v13, v12  }
0xc0: {  	[tilespmem:s29], [sflag:$0x2] =	stream.indirect_vreg.gather [hbm4b:s1+s5], $0x80, v14, vm0, $0xb8;
	[tilespmem:$0x18980] =	vst v63  }
0xc1: {  	s4 =	simm.s32 $0x6E80;
	v13 =	vadd.s32 v11, v13  }
0xc2: {  	[tilespmem:s4], [sflag:$0x2] =	stream.indirect_vreg.gather [hbm4b:s19+s5], $0x80, v14, vm0, $0xb8;
	[tilespmem:$0x18980] =	vst v63  }
0xc3: {  	s21 =	simm.s32 $0x7680  }
0xc4: {  	[tilespmem:s21], [sflag:$0x2] =	stream.indirect_vreg.gather [hbm4b:s20+s5], $0x80, v14, vm0, $0xb8;
	[tilespmem:$0x18980] =	vst v63  }
0xc5: {  	s21 =	simm.s32 $0x7E80  }
0xc6: {  	[tilespmem:s21], [sflag:$0x2] =	stream.indirect_vreg.gather [hbm4b:s1+s5], $0x80, v13, vm0, $0xb8;
	[tilespmem:$0x18980] =	vst v63  }
0xc7: {  	s21 =	simm.s32 $0x8680  }
0xc8: {  	[tilespmem:s21], [sflag:$0x2] =	stream.indirect_vreg.gather [hbm4b:s19+s5], $0x80, v13, vm0, $0xb8;
	[tilespmem:$0x18980] =	vst v63  }
0xc9: {  	s21 =	simm.s32 $0x8E80  }
0xca: {  	[tilespmem:s21], [sflag:$0x2] =	stream.indirect_vreg.gather [hbm4b:s20+s5], $0x80, v13, vm0, $0xb8;
	[tilespmem:$0x18980] =	vst v63  }
0xcb: {  	v13 =	vld [tilespmem:$0x5B0];
	_ =	sdelay $0x4  }
0xcc: {  	v14 =	vshrl.u32 v13, $0x3  }
0xcd: {  	v14 =	vmul.u32 $0x30, v14  }
0xce: {  	v13 =	vand.u32 $0x7, v13  }
0xcf: {  	v13 =	vor.u32 v13, v14  }
0xd0: {  	v14 =	vperm.xlane v13, v10;
	_ =	sdelay $0x1  }
0xd1: {  	v14 =	vadd.s32 v11, v14;
	_ =	sdelay $0x3  }
0xd2: {  	s21 =	simm.s32 $0x9680;
	v13 =	vperm.xlane v13, v12  }
0xd3: {  	[tilespmem:s21], [sflag:$0x2] =	stream.indirect_vreg.gather [hbm4b:s1+s5], $0x80, v14, vm0, $0xb8;
	[tilespmem:$0x18980] =	vst v63  }
0xd4: {  	v13 =	vadd.s32 v11, v13;
	s21 =	simm.s32 $0x9E80  }
0xd5: {  	[tilespmem:s21], [sflag:$0x2] =	stream.indirect_vreg.gather [hbm4b:s19+s5], $0x80, v14, vm0, $0xb8;
	[tilespmem:$0x18980] =	vst v63  }
0xd6: {  	s21 =	simm.s32 $0xA680  }
0xd7: {  	[tilespmem:s21], [sflag:$0x2] =	stream.indirect_vreg.gather [hbm4b:s20+s5], $0x80, v14, vm0, $0xb8;
	[tilespmem:$0x18980] =	vst v63  }
0xd8: {  	s21 =	simm.s32 $0xAE80  }
0xd9: {  	[tilespmem:s21], [sflag:$0x2] =	stream.indirect_vreg.gather [hbm4b:s1+s5], $0x80, v13, vm0, $0xb8;
	[tilespmem:$0x18980] =	vst v63  }
0xda: {  	s21 =	simm.s32 $0xB680  }
0xdb: {  	[tilespmem:s21], [sflag:$0x2] =	stream.indirect_vreg.gather [hbm4b:s19+s5], $0x80, v13, vm0, $0xb8;
	[tilespmem:$0x18980] =	vst v63  }
0xdc: {  	s21 =	simm.s32 $0xBE80  }
0xdd: {  	[tilespmem:s21], [sflag:$0x2] =	stream.indirect_vreg.gather [hbm4b:s20+s5], $0x80, v13, vm0, $0xb8;
	[tilespmem:$0x18980] =	vst v63  }
0xde: {  	v13 =	vld [tilespmem:$0x5C0];
	_ =	sdelay $0x4  }
0xdf: {  	v14 =	vshrl.u32 v13, $0x3  }
0xe0: {  	v14 =	vmul.u32 $0x30, v14  }
0xe1: {  	v13 =	vand.u32 $0x7, v13  }
0xe2: {  	v13 =	vor.u32 v13, v14  }
0xe3: {  	v14 =	vperm.xlane v13, v10;
	_ =	sdelay $0x1  }
0xe4: {  	v14 =	vadd.s32 v11, v14;
	_ =	sdelay $0x3  }
0xe5: {  	v13 =	vperm.xlane v13, v12  }
0xe6: {  	[tilespmem:s14], [sflag:$0x2] =	stream.indirect_vreg.gather [hbm4b:s1+s5], $0x80, v14, vm0, $0xb8;
	[tilespmem:$0x18980] =	vst v63  }
0xe7: {  	s21 =	simm.s32 $0xCE80;
	v13 =	vadd.s32 v11, v13  }
0xe8: {  	[tilespmem:s21], [sflag:$0x2] =	stream.indirect_vreg.gather [hbm4b:s19+s5], $0x80, v14, vm0, $0xb8;
	[tilespmem:$0x18980] =	vst v63  }
0xe9: {  	s21 =	simm.s32 $0xD680  }
0xea: {  	[tilespmem:s21], [sflag:$0x2] =	stream.indirect_vreg.gather [hbm4b:s20+s5], $0x80, v14, vm0, $0xb8;
	[tilespmem:$0x18980] =	vst v63  }
0xeb: {  	s21 =	simm.s32 $0xDE80  }
0xec: {  	[tilespmem:s21], [sflag:$0x2] =	stream.indirect_vreg.gather [hbm4b:s1+s5], $0x80, v13, vm0, $0xb8;
	[tilespmem:$0x18980] =	vst v63  }
0xed: {  	s21 =	simm.s32 $0xE680  }
0xee: {  	[tilespmem:s21], [sflag:$0x2] =	stream.indirect_vreg.gather [hbm4b:s19+s5], $0x80, v13, vm0, $0xb8;
	[tilespmem:$0x18980] =	vst v63  }
0xef: {  	s21 =	simm.s32 $0xEE80  }
0xf0: {  	[tilespmem:s21], [sflag:$0x2] =	stream.indirect_vreg.gather [hbm4b:s20+s5], $0x80, v13, vm0, $0xb8;
	[tilespmem:$0x18980] =	vst v63  }
0xf1: {  	v13 =	vld [tilespmem:$0x5D0];
	_ =	sdelay $0x4  }
0xf2: {  	v14 =	vshrl.u32 v13, $0x3  }
0xf3: {  	v14 =	vmul.u32 $0x30, v14  }
0xf4: {  	v13 =	vand.u32 $0x7, v13  }
0xf5: {  	v13 =	vor.u32 v13, v14  }
0xf6: {  	v14 =	vperm.xlane v13, v10;
	_ =	sdelay $0x1  }
0xf7: {  	v14 =	vadd.s32 v11, v14;
	_ =	sdelay $0x3  }
0xf8: {  	s21 =	simm.s32 $0xF680;
	v13 =	vperm.xlane v13, v12  }
0xf9: {  	[tilespmem:s21], [sflag:$0x2] =	stream.indirect_vreg.gather [hbm4b:s1+s5], $0x80, v14, vm0, $0xb8;
	[tilespmem:$0x18980] =	vst v63  }
0xfa: {  	v13 =	vadd.s32 v11, v13;
	s21 =	simm.s32 $0xFE80  }
0xfb: {  	[tilespmem:s21], [sflag:$0x2] =	stream.indirect_vreg.gather [hbm4b:s19+s5], $0x80, v14, vm0, $0xb8;
	[tilespmem:$0x18980] =	vst v63  }
0xfc: {  	s21 =	simm.s32 $0x10680  }
0xfd: {  	[tilespmem:s21], [sflag:$0x2] =	stream.indirect_vreg.gather [hbm4b:s20+s5], $0x80, v14, vm0, $0xb8;
	[tilespmem:$0x18980] =	vst v63  }
0xfe: {  	s21 =	simm.s32 $0x10E80  }
0xff: {  	[tilespmem:s21], [sflag:$0x2] =	stream.indirect_vreg.gather [hbm4b:s1+s5], $0x80, v13, vm0, $0xb8;
	[tilespmem:$0x18980] =	vst v63  }
0x100: {  	s21 =	simm.s32 $0x11680  }
0x101: {  	[tilespmem:s21], [sflag:$0x2] =	stream.indirect_vreg.gather [hbm4b:s19+s5], $0x80, v13, vm0, $0xb8;
	[tilespmem:$0x18980] =	vst v63  }
0x102: {  	s21 =	simm.s32 $0x11E80  }
0x103: {  	[tilespmem:s21], [sflag:$0x2] =	stream.indirect_vreg.gather [hbm4b:s20+s5], $0x80, v13, vm0, $0xb8;
	[tilespmem:$0x18980] =	vst v63  }
0x104: {  	v13 =	vld [tilespmem:$0x5E0];
	_ =	sdelay $0x4  }
0x105: {  	v14 =	vshrl.u32 v13, $0x3  }
0x106: {  	v14 =	vmul.u32 $0x30, v14  }
0x107: {  	v13 =	vand.u32 $0x7, v13  }
0x108: {  	v13 =	vor.u32 v13, v14  }
0x109: {  	v14 =	vperm.xlane v13, v10;
	_ =	sdelay $0x1  }
0x10a: {  	v14 =	vadd.s32 v11, v14;
	_ =	sdelay $0x3  }
0x10b: {  	s21 =	simm.s32 $0x12680;
	v13 =	vperm.xlane v13, v12  }
0x10c: {  	[tilespmem:s21], [sflag:$0x2] =	stream.indirect_vreg.gather [hbm4b:s1+s5], $0x80, v14, vm0, $0xb8;
	[tilespmem:$0x18980] =	vst v63  }
0x10d: {  	v13 =	vadd.s32 v11, v13;
	s21 =	simm.s32 $0x12E80  }
0x10e: {  	[tilespmem:s21], [sflag:$0x2] =	stream.indirect_vreg.gather [hbm4b:s19+s5], $0x80, v14, vm0, $0xb8;
	[tilespmem:$0x18980] =	vst v63  }
0x10f: {  	s21 =	simm.s32 $0x13680  }
0x110: {  	[tilespmem:s21], [sflag:$0x2] =	stream.indirect_vreg.gather [hbm4b:s20+s5], $0x80, v14, vm0, $0xb8;
	[tilespmem:$0x18980] =	vst v63  }
0x111: {  	s21 =	simm.s32 $0x13E80  }
0x112: {  	[tilespmem:s21], [sflag:$0x2] =	stream.indirect_vreg.gather [hbm4b:s1+s5], $0x80, v13, vm0, $0xb8;
	[tilespmem:$0x18980] =	vst v63  }
0x113: {  	s21 =	simm.s32 $0x14680  }
0x114: {  	[tilespmem:s21], [sflag:$0x2] =	stream.indirect_vreg.gather [hbm4b:s19+s5], $0x80, v13, vm0, $0xb8;
	[tilespmem:$0x18980] =	vst v63  }
0x115: {  	s21 =	simm.s32 $0x14E80  }
0x116: {  	[tilespmem:s21], [sflag:$0x2] =	stream.indirect_vreg.gather [hbm4b:s20+s5], $0x80, v13, vm0, $0xb8;
	[tilespmem:$0x18980] =	vst v63  }
0x117: {  	v13 =	vld [tilespmem:$0x5F0];
	_ =	sdelay $0x4  }
0x118: {  	v14 =	vshrl.u32 v13, $0x3  }
0x119: {  	v14 =	vmul.u32 $0x30, v14  }
0x11a: {  	v13 =	vand.u32 $0x7, v13  }
0x11b: {  	v13 =	vor.u32 v13, v14  }
0x11c: {  	v14 =	vperm.xlane v13, v10;
	_ =	sdelay $0x1  }
0x11d: {  	v14 =	vadd.s32 v11, v14;
	_ =	sdelay $0x3  }
0x11e: {  	s21 =	simm.s32 $0x15680;
	v13 =	vperm.xlane v13, v12  }
0x11f: {  	[tilespmem:s21], [sflag:$0x2] =	stream.indirect_vreg.gather [hbm4b:s1+s5], $0x80, v14, vm0, $0xb8;
	[tilespmem:$0x18980] =	vst v63  }
0x120: {  	v13 =	vadd.s32 v11, v13;
	s21 =	simm.s32 $0x15E80  }
0x121: {  	[tilespmem:s21], [sflag:$0x2] =	stream.indirect_vreg.gather [hbm4b:s19+s5], $0x80, v14, vm0, $0xb8;
	[tilespmem:$0x18980] =	vst v63  }
0x122: {  	s21 =	simm.s32 $0x16680  }
0x123: {  	[tilespmem:s21], [sflag:$0x2] =	stream.indirect_vreg.gather [hbm4b:s20+s5], $0x80, v14, vm0, $0xb8;
	[tilespmem:$0x18980] =	vst v63  }
0x124: {  	s21 =	simm.s32 $0x16E80  }
0x125: {  	[tilespmem:s21], [sflag:$0x2] =	stream.indirect_vreg.gather [hbm4b:s1+s5], $0x80, v13, vm0, $0xb8;
	[tilespmem:$0x18980] =	vst v63  }
0x126: {  	s21 =	simm.s32 $0x17680  }
0x127: {  	[tilespmem:s21], [sflag:$0x2] =	stream.indirect_vreg.gather [hbm4b:s19+s5], $0x80, v13, vm0, $0xb8;
	[tilespmem:$0x18980] =	vst v63  }
0x128: {  	s21 =	simm.s32 $0x17E80  }
0x129: {  	[tilespmem:s21], [sflag:$0x2] =	stream.indirect_vreg.gather [hbm4b:s20+s5], $0x80, v13, vm0, $0xb8;
	[tilespmem:$0x18980] =	vst v63  }
0x12a: {  	_ =	swait.ge [sflag:s18], $0xC000  }
0x12b: {  	[sflag:s18] =	ssyncset.done $0x0  }
0x12c: {  	s0 =	simm.s32 $0x680;
	s21 =	rddreg [dreg:$0x9];
	[sflag:s18] =	ssyncadd.s32 $0xFFFF4000  }
0x12d: {  	[hbm4b:s21+s5] =	stream.linear.scatter [tilespmem:s0], [sflag:$0x3], $0xC000, $0x38;
	[tilespmem:$0x18980] =	vst v63  }
0x12e: {  	_ =	swait.ge [sflag:s12], $0xC000  }
0x12f: {  	[sflag:s12] =	ssyncset.done $0x0  }
0x130: {  	[sflag:s12] =	ssyncadd.s32 $0xFFFF4000  }
0x131: {  	v13 =	vld [tilespmem:$0x600];
	_ =	sdelay $0x4  }
0x132: {  	v14 =	vshrl.u32 v13, $0x3  }
0x133: {  	v14 =	vmul.u32 $0x30, v14  }
0x134: {  	v13 =	vand.u32 $0x7, v13  }
0x135: {  	v13 =	vor.u32 v13, v14  }
0x136: {  	v14 =	vperm.xlane v13, v10;
	_ =	sdelay $0x1  }
0x137: {  	v14 =	vadd.s32 v11, v14;
	_ =	sdelay $0x3  }
0x138: {  	v13 =	vperm.xlane v13, v12  }
0x139: {  	[tilespmem:s0], [sflag:$0x2] =	stream.indirect_vreg.gather [hbm4b:s1+s5], $0x80, v14, vm0, $0xb8;
	[tilespmem:$0x18980] =	vst v63  }
0x13a: {  	v13 =	vadd.s32 v11, v13  }
0x13b: {  	[tilespmem:s13], [sflag:$0x2] =	stream.indirect_vreg.gather [hbm4b:s19+s5], $0x80, v14, vm0, $0xb8;
	[tilespmem:$0x18980] =	vst v63  }
0x13c: {  	_ = 	snop  }
0x13d: {  	[tilespmem:s23], [sflag:$0x2] =	stream.indirect_vreg.gather [hbm4b:s20+s5], $0x80, v14, vm0, $0xb8;
	[tilespmem:$0x18980] =	vst v63  }
0x13e: {  	_ = 	snop  }
0x13f: {  	[tilespmem:s24], [sflag:$0x2] =	stream.indirect_vreg.gather [hbm4b:s1+s5], $0x80, v13, vm0, $0xb8;
	[tilespmem:$0x18980] =	vst v63  }
0x140: {  	_ = 	snop  }
0x141: {  	[tilespmem:s15], [sflag:$0x2] =	stream.indirect_vreg.gather [hbm4b:s19+s5], $0x80, v13, vm0, $0xb8;
	[tilespmem:$0x18980] =	vst v63  }
0x142: {  	_ = 	snop  }
0x143: {  	[tilespmem:s16], [sflag:$0x2] =	stream.indirect_vreg.gather [hbm4b:s20+s5], $0x80, v13, vm0, $0xb8;
	[tilespmem:$0x18980] =	vst v63  }
0x144: {  	v13 =	vld [tilespmem:$0x610];
	_ =	sdelay $0x4  }
0x145: {  	v14 =	vshrl.u32 v13, $0x3  }
0x146: {  	v14 =	vmul.u32 $0x30, v14  }
0x147: {  	v13 =	vand.u32 $0x7, v13  }
0x148: {  	v13 =	vor.u32 v13, v14  }
0x149: {  	v14 =	vperm.xlane v13, v10;
	_ =	sdelay $0x1  }
0x14a: {  	v14 =	vadd.s32 v11, v14;
	_ =	sdelay $0x3  }
0x14b: {  	v13 =	vperm.xlane v13, v12  }
0x14c: {  	[tilespmem:s26], [sflag:$0x2] =	stream.indirect_vreg.gather [hbm4b:s1+s5], $0x80, v14, vm0, $0xb8;
	[tilespmem:$0x18980] =	vst v63  }
0x14d: {  	v13 =	vadd.s32 v11, v13  }
0x14e: {  	[tilespmem:s28], [sflag:$0x2] =	stream.indirect_vreg.gather [hbm4b:s19+s5], $0x80, v14, vm0, $0xb8;
	[tilespmem:$0x18980] =	vst v63  }
0x14f: {  	_ = 	snop  }
0x150: {  	[tilespmem:s30], [sflag:$0x2] =	stream.indirect_vreg.gather [hbm4b:s20+s5], $0x80, v14, vm0, $0xb8;
	[tilespmem:$0x18980] =	vst v63  }
0x151: {  	s13 =	simm.s32 $0x4E80  }
0x152: {  	[tilespmem:s13], [sflag:$0x2] =	stream.indirect_vreg.gather [hbm4b:s1+s5], $0x80, v13, vm0, $0xb8;
	[tilespmem:$0x18980] =	vst v63  }
0x153: {  	s21 =	simm.s32 $0x5680  }
0x154: {  	[tilespmem:s21], [sflag:$0x2] =	stream.indirect_vreg.gather [hbm4b:s19+s5], $0x80, v13, vm0, $0xb8;
	[tilespmem:$0x18980] =	vst v63  }
0x155: {  	_ = 	snop  }
0x156: {  	[tilespmem:s25], [sflag:$0x2] =	stream.indirect_vreg.gather [hbm4b:s20+s5], $0x80, v13, vm0, $0xb8;
	[tilespmem:$0x18980] =	vst v63  }
0x157: {  	v13 =	vld [tilespmem:$0x620];
	_ =	sdelay $0x4  }
0x158: {  	v14 =	vshrl.u32 v13, $0x3  }
0x159: {  	v14 =	vmul.u32 $0x30, v14  }
0x15a: {  	v13 =	vand.u32 $0x7, v13  }
0x15b: {  	v13 =	vor.u32 v13, v14  }
0x15c: {  	v14 =	vperm.xlane v13, v10;
	_ =	sdelay $0x1  }
0x15d: {  	v14 =	vadd.s32 v11, v14;
	_ =	sdelay $0x3  }
0x15e: {  	v13 =	vperm.xlane v13, v12  }
0x15f: {  	[tilespmem:s29], [sflag:$0x2] =	stream.indirect_vreg.gather [hbm4b:s1+s5], $0x80, v14, vm0, $0xb8;
	[tilespmem:$0x18980] =	vst v63  }
0x160: {  	v13 =	vadd.s32 v11, v13  }
0x161: {  	[tilespmem:s4], [sflag:$0x2] =	stream.indirect_vreg.gather [hbm4b:s19+s5], $0x80, v14, vm0, $0xb8;
	[tilespmem:$0x18980] =	vst v63  }
0x162: {  	s23 =	simm.s32 $0x7680  }
0x163: {  	[tilespmem:s23], [sflag:$0x2] =	stream.indirect_vreg.gather [hbm4b:s20+s5], $0x80, v14, vm0, $0xb8;
	[tilespmem:$0x18980] =	vst v63  }
0x164: {  	s13 =	simm.s32 $0x7E80  }
0x165: {  	[tilespmem:s13], [sflag:$0x2] =	stream.indirect_vreg.gather [hbm4b:s1+s5], $0x80, v13, vm0, $0xb8;
	[tilespmem:$0x18980] =	vst v63  }
0x166: {  	s21 =	simm.s32 $0x8680  }
0x167: {  	[tilespmem:s21], [sflag:$0x2] =	stream.indirect_vreg.gather [hbm4b:s19+s5], $0x80, v13, vm0, $0xb8;
	[tilespmem:$0x18980] =	vst v63  }
0x168: {  	s23 =	simm.s32 $0x8E80  }
0x169: {  	[tilespmem:s23], [sflag:$0x2] =	stream.indirect_vreg.gather [hbm4b:s20+s5], $0x80, v13, vm0, $0xb8;
	[tilespmem:$0x18980] =	vst v63  }
0x16a: {  	v13 =	vld [tilespmem:$0x630];
	_ =	sdelay $0x4  }
0x16b: {  	v14 =	vshrl.u32 v13, $0x3  }
0x16c: {  	v14 =	vmul.u32 $0x30, v14  }
0x16d: {  	v13 =	vand.u32 $0x7, v13  }
0x16e: {  	v13 =	vor.u32 v13, v14  }
0x16f: {  	v14 =	vperm.xlane v13, v10;
	_ =	sdelay $0x1  }
0x170: {  	v14 =	vadd.s32 v11, v14;
	_ =	sdelay $0x3  }
0x171: {  	s13 =	simm.s32 $0x9680;
	v13 =	vperm.xlane v13, v12  }
0x172: {  	[tilespmem:s13], [sflag:$0x2] =	stream.indirect_vreg.gather [hbm4b:s1+s5], $0x80, v14, vm0, $0xb8;
	[tilespmem:$0x18980] =	vst v63  }
0x173: {  	s21 =	simm.s32 $0x9E80;
	v13 =	vadd.s32 v11, v13  }
0x174: {  	[tilespmem:s21], [sflag:$0x2] =	stream.indirect_vreg.gather [hbm4b:s19+s5], $0x80, v14, vm0, $0xb8;
	[tilespmem:$0x18980] =	vst v63  }
0x175: {  	s23 =	simm.s32 $0xA680  }
0x176: {  	[tilespmem:s23], [sflag:$0x2] =	stream.indirect_vreg.gather [hbm4b:s20+s5], $0x80, v14, vm0, $0xb8;
	[tilespmem:$0x18980] =	vst v63  }
0x177: {  	s13 =	simm.s32 $0xAE80  }
0x178: {  	[tilespmem:s13], [sflag:$0x2] =	stream.indirect_vreg.gather [hbm4b:s1+s5], $0x80, v13, vm0, $0xb8;
	[tilespmem:$0x18980] =	vst v63  }
0x179: {  	s21 =	simm.s32 $0xB680  }
0x17a: {  	[tilespmem:s21], [sflag:$0x2] =	stream.indirect_vreg.gather [hbm4b:s19+s5], $0x80, v13, vm0, $0xb8;
	[tilespmem:$0x18980] =	vst v63  }
0x17b: {  	s23 =	simm.s32 $0xBE80  }
0x17c: {  	[tilespmem:s23], [sflag:$0x2] =	stream.indirect_vreg.gather [hbm4b:s20+s5], $0x80, v13, vm0, $0xb8;
	[tilespmem:$0x18980] =	vst v63  }
0x17d: {  	_ =	swait.ge [sflag:s18], $0xC000  }
0x17e: {  	[sflag:s18] =	ssyncset.done $0x0  }
0x17f: {  	s4 =	rddreg [dreg:$0xd];
	[sflag:s18] =	ssyncadd.s32 $0xFFFF4000  }
0x180: {  	[hbm4b:s4+s5] =	stream.linear.scatter [tilespmem:s14], [sflag:$0x3], $0xC000, $0x38;
	[tilespmem:$0x18980] =	vst v63  }
0x181: {  	_ =	swait.ge [sflag:s12], $0xC000  }
0x182: {  	[sflag:s12] =	ssyncset.done $0x0  }
0x183: {  	[sflag:s12] =	ssyncadd.s32 $0xFFFF4000  }
0x184: {  	v13 =	vld [tilespmem:$0x640];
	_ =	sdelay $0x4  }
0x185: {  	v14 =	vshrl.u32 v13, $0x3  }
0x186: {  	v14 =	vmul.u32 $0x30, v14  }
0x187: {  	v13 =	vand.u32 $0x7, v13  }
0x188: {  	v13 =	vor.u32 v13, v14  }
0x189: {  	v14 =	vperm.xlane v13, v10;
	_ =	sdelay $0x1  }
0x18a: {  	v14 =	vadd.s32 v11, v14;
	_ =	sdelay $0x3  }
0x18b: {  	v13 =	vperm.xlane v13, v12  }
0x18c: {  	[tilespmem:s14], [sflag:$0x2] =	stream.indirect_vreg.gather [hbm4b:s1+s5], $0x80, v14, vm0, $0xb8;
	[tilespmem:$0x18980] =	vst v63  }
0x18d: {  	s21 =	simm.s32 $0xCE80;
	v13 =	vadd.s32 v11, v13  }
0x18e: {  	[tilespmem:s21], [sflag:$0x2] =	stream.indirect_vreg.gather [hbm4b:s19+s5], $0x80, v14, vm0, $0xb8;
	[tilespmem:$0x18980] =	vst v63  }
0x18f: {  	s23 =	simm.s32 $0xD680  }
0x190: {  	[tilespmem:s23], [sflag:$0x2] =	stream.indirect_vreg.gather [hbm4b:s20+s5], $0x80, v14, vm0, $0xb8;
	[tilespmem:$0x18980] =	vst v63  }
0x191: {  	s13 =	simm.s32 $0xDE80  }
0x192: {  	[tilespmem:s13], [sflag:$0x2] =	stream.indirect_vreg.gather [hbm4b:s1+s5], $0x80, v13, vm0, $0xb8;
	[tilespmem:$0x18980] =	vst v63  }
0x193: {  	s21 =	simm.s32 $0xE680  }
0x194: {  	[tilespmem:s21], [sflag:$0x2] =	stream.indirect_vreg.gather [hbm4b:s19+s5], $0x80, v13, vm0, $0xb8;
	[tilespmem:$0x18980] =	vst v63  }
0x195: {  	s23 =	simm.s32 $0xEE80  }
0x196: {  	[tilespmem:s23], [sflag:$0x2] =	stream.indirect_vreg.gather [hbm4b:s20+s5], $0x80, v13, vm0, $0xb8;
	[tilespmem:$0x18980] =	vst v63  }
0x197: {  	v13 =	vld [tilespmem:$0x650];
	_ =	sdelay $0x4  }
0x198: {  	v14 =	vshrl.u32 v13, $0x3  }
0x199: {  	v14 =	vmul.u32 $0x30, v14  }
0x19a: {  	v13 =	vand.u32 $0x7, v13  }
0x19b: {  	v13 =	vor.u32 v13, v14  }
0x19c: {  	v14 =	vperm.xlane v13, v10;
	_ =	sdelay $0x1  }
0x19d: {  	v14 =	vadd.s32 v11, v14;
	_ =	sdelay $0x3  }
0x19e: {  	s13 =	simm.s32 $0xF680;
	v13 =	vperm.xlane v13, v12  }
0x19f: {  	[tilespmem:s13], [sflag:$0x2] =	stream.indirect_vreg.gather [hbm4b:s1+s5], $0x80, v14, vm0, $0xb8;
	[tilespmem:$0x18980] =	vst v63  }
0x1a0: {  	s21 =	simm.s32 $0xFE80;
	v13 =	vadd.s32 v11, v13  }
0x1a1: {  	[tilespmem:s21], [sflag:$0x2] =	stream.indirect_vreg.gather [hbm4b:s19+s5], $0x80, v14, vm0, $0xb8;
	[tilespmem:$0x18980] =	vst v63  }
0x1a2: {  	s23 =	simm.s32 $0x10680  }
0x1a3: {  	[tilespmem:s23], [sflag:$0x2] =	stream.indirect_vreg.gather [hbm4b:s20+s5], $0x80, v14, vm0, $0xb8;
	[tilespmem:$0x18980] =	vst v63  }
0x1a4: {  	s13 =	simm.s32 $0x10E80  }
0x1a5: {  	[tilespmem:s13], [sflag:$0x2] =	stream.indirect_vreg.gather [hbm4b:s1+s5], $0x80, v13, vm0, $0xb8;
	[tilespmem:$0x18980] =	vst v63  }
0x1a6: {  	s21 =	simm.s32 $0x11680  }
0x1a7: {  	[tilespmem:s21], [sflag:$0x2] =	stream.indirect_vreg.gather [hbm4b:s19+s5], $0x80, v13, vm0, $0xb8;
	[tilespmem:$0x18980] =	vst v63  }
0x1a8: {  	s23 =	simm.s32 $0x11E80  }
0x1a9: {  	[tilespmem:s23], [sflag:$0x2] =	stream.indirect_vreg.gather [hbm4b:s20+s5], $0x80, v13, vm0, $0xb8;
	[tilespmem:$0x18980] =	vst v63  }
0x1aa: {  	v13 =	vld [tilespmem:$0x660];
	_ =	sdelay $0x4  }
0x1ab: {  	v14 =	vshrl.u32 v13, $0x3  }
0x1ac: {  	v14 =	vmul.u32 $0x30, v14  }
0x1ad: {  	v13 =	vand.u32 $0x7, v13  }
0x1ae: {  	v13 =	vor.u32 v13, v14  }
0x1af: {  	v14 =	vperm.xlane v13, v10;
	_ =	sdelay $0x1  }
0x1b0: {  	v14 =	vadd.s32 v11, v14;
	_ =	sdelay $0x3  }
0x1b1: {  	s13 =	simm.s32 $0x12680;
	v13 =	vperm.xlane v13, v12  }
0x1b2: {  	[tilespmem:s13], [sflag:$0x2] =	stream.indirect_vreg.gather [hbm4b:s1+s5], $0x80, v14, vm0, $0xb8;
	[tilespmem:$0x18980] =	vst v63  }
0x1b3: {  	s21 =	simm.s32 $0x12E80;
	v13 =	vadd.s32 v11, v13  }
0x1b4: {  	[tilespmem:s21], [sflag:$0x2] =	stream.indirect_vreg.gather [hbm4b:s19+s5], $0x80, v14, vm0, $0xb8;
	[tilespmem:$0x18980] =	vst v63  }
0x1b5: {  	s23 =	simm.s32 $0x13680  }
0x1b6: {  	[tilespmem:s23], [sflag:$0x2] =	stream.indirect_vreg.gather [hbm4b:s20+s5], $0x80, v14, vm0, $0xb8;
	[tilespmem:$0x18980] =	vst v63  }
0x1b7: {  	s13 =	simm.s32 $0x13E80  }
0x1b8: {  	[tilespmem:s13], [sflag:$0x2] =	stream.indirect_vreg.gather [hbm4b:s1+s5], $0x80, v13, vm0, $0xb8;
	[tilespmem:$0x18980] =	vst v63  }
0x1b9: {  	s21 =	simm.s32 $0x14680  }
0x1ba: {  	[tilespmem:s21], [sflag:$0x2] =	stream.indirect_vreg.gather [hbm4b:s19+s5], $0x80, v13, vm0, $0xb8;
	[tilespmem:$0x18980] =	vst v63  }
0x1bb: {  	s23 =	simm.s32 $0x14E80  }
0x1bc: {  	[tilespmem:s23], [sflag:$0x2] =	stream.indirect_vreg.gather [hbm4b:s20+s5], $0x80, v13, vm0, $0xb8;
	[tilespmem:$0x18980] =	vst v63  }
0x1bd: {  	v13 =	vld [tilespmem:$0x670];
	_ =	sdelay $0x4  }
0x1be: {  	v14 =	vshrl.u32 v13, $0x3  }
0x1bf: {  	v14 =	vmul.u32 $0x30, v14  }
0x1c0: {  	v13 =	vand.u32 $0x7, v13  }
0x1c1: {  	v13 =	vor.u32 v13, v14  }
0x1c2: {  	v14 =	vperm.xlane v13, v10;
	_ =	sdelay $0x1  }
0x1c3: {  	v14 =	vadd.s32 v11, v14;
	_ =	sdelay $0x3  }
0x1c4: {  	s13 =	simm.s32 $0x15680;
	v13 =	vperm.xlane v13, v12  }
0x1c5: {  	[tilespmem:s13], [sflag:$0x2] =	stream.indirect_vreg.gather [hbm4b:s1+s5], $0x80, v14, vm0, $0xb8;
	[tilespmem:$0x18980] =	vst v63  }
0x1c6: {  	s21 =	simm.s32 $0x15E80;
	v13 =	vadd.s32 v11, v13  }
0x1c7: {  	[tilespmem:s21], [sflag:$0x2] =	stream.indirect_vreg.gather [hbm4b:s19+s5], $0x80, v14, vm0, $0xb8;
	[tilespmem:$0x18980] =	vst v63  }
0x1c8: {  	s23 =	simm.s32 $0x16680  }
0x1c9: {  	[tilespmem:s23], [sflag:$0x2] =	stream.indirect_vreg.gather [hbm4b:s20+s5], $0x80, v14, vm0, $0xb8;
	[tilespmem:$0x18980] =	vst v63  }
0x1ca: {  	s13 =	simm.s32 $0x16E80  }
0x1cb: {  	[tilespmem:s13], [sflag:$0x2] =	stream.indirect_vreg.gather [hbm4b:s1+s5], $0x80, v13, vm0, $0xb8;
	[tilespmem:$0x18980] =	vst v63  }
0x1cc: {  	s21 =	simm.s32 $0x17680  }
0x1cd: {  	[tilespmem:s21], [sflag:$0x2] =	stream.indirect_vreg.gather [hbm4b:s19+s5], $0x80, v13, vm0, $0xb8;
	[tilespmem:$0x18980] =	vst v63  }
0x1ce: {  	s23 =	simm.s32 $0x17E80  }
0x1cf: {  	[tilespmem:s23], [sflag:$0x2] =	stream.indirect_vreg.gather [hbm4b:s20+s5], $0x80, v13, vm0, $0xb8;
	[tilespmem:$0x18980] =	vst v63  }
0x1d0: {  	_ =	swait.ge [sflag:s18], $0xC000  }
0x1d1: {  	[sflag:s18] =	ssyncset.done $0x0  }
0x1d2: {  	s13 =	simm.s32 $0x680;
	s4 =	rddreg [dreg:$0xa];
	[sflag:s18] =	ssyncadd.s32 $0xFFFF4000  }
0x1d3: {  	[hbm4b:s4+s5] =	stream.linear.scatter [tilespmem:s13], [sflag:$0x3], $0xC000, $0x38;
	[tilespmem:$0x18980] =	vst v63  }
0x1d4: {  	_ =	swait.ge [sflag:s18], $0xC000  }
0x1d5: {  	[sflag:s18] =	ssyncset.done $0x0  }
0x1d6: {  	s23 =	rddreg [dreg:$0xb];
	[sflag:s18] =	ssyncadd.s32 $0xFFFF4000  }
0x1d7: {  	[hbm4b:s23+s5] =	stream.linear.scatter [tilespmem:s14], [sflag:$0x3], $0xC000, $0x38;
	[tilespmem:$0x18980] =	vst v63  }
0x1d8: {  	_ =	swait.ge [sflag:s12], $0xC000  }
.Ltmp3:
0x1d9: {  	[sflag:s12] =	ssyncset.done $0x0;
	(pc) =	sbr.rel .LBB2_3-.Ltmp3, $4  }
0x1da: {  	[sflag:s12] =	ssyncadd.s32 $0xFFFF4000  }
0x1db: {  	s0 =	simm.s32 $0x300;
	s24 =	simm.s32 $0x80;
	_ =	swait.ge [sflag:s12], $0xC000  }
0x1dc: {  	s26 =	simm.s32 $0x400;
	s28 =	simm.s32 $0x480;
	[sflag:s12] =	ssyncset.done $0x0  }
0x1dd: {  	s30 =	simm.s32 $0x500;
	s4 =	simm.s32 $0x380;
	[sflag:s12] =	ssyncadd.s32 $0xFFFF4000  }
.LBB2_4:
0x1de: {  	_ =	sfence.sel $0x180000  }
0x1df: {  	[bflag:$0x0] =	sbarrier.arrive $0xFFFF  }
0x1e0: {  	_ =	strace $0x90000047  }
0x1e1: {  	s0 =	stileid.u32;
	[bflag:$0x2] =	sbarrier.arrive $0xFFFF  }
0x1e2: {  	p0 =	sne.s32 s0, $0x0;
	s0 =	rddreg [dreg:$0x6]  }
0x1e3: {  	s0 =	sadd.s32 @!p0 $0x100000, s0  }
0x1e4: {  	[sflag:s0] =	ssyncadd.tile.s32 @!p0 $0x1;
	_ =	shalt  }
.Lfunc_end2:
_tile_overlayer_lowered:
.L_overlay_start_2:
0x1e5: {  	(tag) =	ssettag $0x2  }
0x1e6: {  	s0 =	rddreg [dreg:$0x0];
	s2 =	stileid.u32  }
0x1e7: {  	s1 =	rddreg [dreg:$0x1];
	p0 =	sne.s32 s2, $0x0  }
0x1e8: {  	s3 =	rddreg [dreg:$0x2];
	[bflag:$0x3] =	sbarrier.arrive $0xFFFF;
	s2 =	simm.s32 @!p0 $0x1C04  }
0x1e9: {  	[timem:s3], [sflag:s2] =	dma.local @!p0 [hbm:s0], s1  }
0x1ea: {  	s0 =	simm.s32 @!p0 $0x4  }
0x1eb: {  	_ =	swait.ge @!p0 [sflag:s0], s1  }
0x1ec: {  	s1 =	ssub.s32 @!p0 $0x0, s1;
	[sflag:s0] =	ssyncset.done @!p0 $0x0  }
0x1ed: {  	[sflag:s0] =	ssyncadd.s32 @!p0 s1  }
0x1ee: {  	[bflag:$0x3] =	sbarrier.arrive $0xFFFF  }
0x1ef: {  	_ =	shalt  }

// kernel: kernel.9.cloned.1.call-start
scs
__scs_entry_jumppad:
0x0: {  	(pc) =	sbr.rel $0x88, $3  }
0x1: {  	(tag) =	ssettag $0x0;
	lr =	simm.s32 $0x1  }
0x2: {  	[smem:$0x3F9C] =	sst lr;
	_ =	strace $0xD0000000  }
0x3: {  	_ = 	snop  }
0x4: {  	_ = 	snop  }
0x5: {  	_ = 	snop  }
0x6: {  	_ = 	snop  }
0x7: {  	_ = 	snop  }
__scs_overlays_trampoline_lowered:
0x8: {  	[smem:$0x3FAB] =	sst s0  }
0x9: {  	[smem:$0x3FAC] =	sst s1  }
0xa: {  	[smem:$0x3FAD] =	sst s2  }
0xb: {  	[smem:$0x3FAE] =	sst s3  }
0xc: {  	[smem:$0x3FAF] =	sst s4  }
0xd: {  	[smem:$0x3FB0] =	sst s5  }
0xe: {  	[smem:$0x3FB1] =	sst s6  }
0xf: {  	[smem:$0x3FB2] =	sst s7  }
0x10: {  	[smem:$0x3FB3] =	sst s8  }
0x11: {  	[smem:$0x3FB4] =	sst s9;
	s0 =	simm.s32 @!p0 $0x0  }
0x12: {  	s1 =	sld [smem:$0x3F9A];
	s0 =	simm.s32 @p0 $0x1  }
0x13: {  	[smem:$0x3FB5] =	sst s0;
	s0 =	simm.s32 @!p1 $0x0  }
0x14: {  	s2 =	sld [smem:$0x3F99];
	s0 =	simm.s32 @p1 $0x1  }
0x15: {  	[smem:$0x3FB6] =	sst s0;
	s0 =	simm.s32 @!p2 $0x0  }
0x16: {  	s3 =	sld [smem:$0x3FDB];
	s0 =	simm.s32 @p2 $0x1  }
0x17: {  	s4 =	simm.s32 $0x1BF5;
	[smem:$0x3FB8] =	sst s0  }
0x18: {  	s0 =	sld [smem:$0x3F9B];
	_ =	swait.ge [sflag:s4], $0x0  }
0x19: {  	s7 =	sld [smem:$0x3F9C]  }
0x1a: {  	s8 =	sadd.s32 $0xFFFFE003, lr  }
0x1b: {  	s9 =	sadd.s32 $0xFFFFFEF7, lr;
	s5 =	simm.s32 $0xFFFFFFFF;
	p2 =	slt.u32 s8, $0xFFFFF086  }
0x1c: {  	p1 =	slt.u32 s9, $0xF7A;
	s5 =	simm.s32 @!p2 $0x0  }
0x1d: {  	s5 =	simm.s32 @p1 $0x1;
	p0 =	seq.s32 s7, s2  }
0x1e: {  	s7 =	smul.u32 @!p0 $0xF7A, s2;
	p2 =	seq.s32 @!p0 s5, $0x0  }
0x1f: {  	s9 =	smul.u32 $0xF7A, s1;
	s8 =	simm.s32 @!p0 $0x1BF5;
	p2 =	por !p2, p0  }
0x20: {  	[sflag:s8] =	ssyncset.s32 @!p0 $0xFFFFF086;
	s6 =	sadd.s32 @!p0 s3, s7;
	s7 =	simm.s32 @!p0 $0x108  }
0x21: {  	s3 =	sadd.s32 s3, s9;
	s6 =	sadd.s32 @!p0 $0x88, s6;
	s7 =	simm.s32 @p2 $0x1082  }
0x22: {  	[simem:s7], [sflag:s8] =	dma.local @!p0 [hbm:s6], $0xF7A  }
0x23: {  	s9 =	sor.u32 $0xD0000000, s2;
	s6 =	simm.s32 $0x108;
	_ =	swait.ge @!p0 [sflag:s8], $0x0  }
0x24: {  	s3 =	sadd.s32 $0x88, s3;
	s6 =	simm.s32 @!p1 $0x1082;
	[sflag:s4] =	ssyncset.s32 $0xFFFFF086  }
0x25: {  	[simem:s6], [sflag:s4] =	dma.local [hbm:s3], $0xF7A  }
0x26: {  	[smem:$0x3F9C] =	sst s1;
	(tag) =	ssettag s2;
	_ =	strace s9  }
0x27: {  	s1 =	sld [smem:$0x3FAC]  }
0x28: {  	s2 =	sld [smem:$0x3FAD]  }
0x29: {  	s4 =	sld [smem:$0x3FAF]  }
0x2a: {  	p0 =	seq.s32 s5, $0x0;
	s5 =	sld [smem:$0x3FB0]  }
0x2b: {  	s6 =	sld [smem:$0x3FB1]  }
0x2c: {  	s7 =	sld [smem:$0x3FB2]  }
0x2d: {  	s3 =	simm.s32 $0x108;
	s8 =	sld [smem:$0x3FB3]  }
0x2e: {  	s3 =	simm.s32 @!p0 $0x1082;
	s9 =	sld [smem:$0x3FB4]  }
0x2f: {  	lr =	sadd.s32 s0, s3;
	s0 =	sld [smem:$0x3FAB]  }
0x30: {  	s3 =	sld [smem:$0x3FAE]  }
0x31: {  	[smem:$0x3FB7] =	sst s10  }
0x32: {  	s10 =	sld [smem:$0x3FB5];
	_ =	sdelay $0x3  }
0x33: {  	p0 =	seq.s32 s10, $0x1;
	s10 =	sld [smem:$0x3FB7];
	_ =	sdelay $0x3  }
0x34: {  	[smem:$0x3FB7] =	sst s10  }
0x35: {  	s10 =	sld [smem:$0x3FB6];
	_ =	sdelay $0x3  }
0x36: {  	p1 =	seq.s32 s10, $0x1;
	s10 =	sld [smem:$0x3FB7];
	_ =	sdelay $0x3  }
0x37: {  	[smem:$0x3FB7] =	sst s10  }
0x38: {  	s10 =	sld [smem:$0x3FB8]  }
0x39: {  	_ = 	snop;
	(pc) =	sbr.ind lr, $3  }
0x3a: {  	_ = 	snop  }
0x3b: {  	_ = 	snop  }
0x3c: {  	p2 =	seq.s32 s10, $0x1;
	s10 =	sld [smem:$0x3FB7]  }
0x3d: {  	_ =	shalt  }
0x3e: {  	_ =	shalt  }
0x3f: {  	_ =	shalt  }
0x40: {  	_ =	shalt  }
0x41: {  	_ =	shalt  }
0x42: {  	_ =	shalt  }
0x43: {  	_ =	shalt  }
0x44: {  	_ =	shalt  }
0x45: {  	_ =	shalt  }
0x46: {  	_ =	shalt  }
0x47: {  	_ =	shalt  }
0x48: {  	_ =	shalt  }
0x49: {  	_ =	shalt  }
0x4a: {  	_ =	shalt  }
0x4b: {  	_ =	shalt  }
0x4c: {  	_ =	shalt  }
0x4d: {  	_ =	shalt  }
0x4e: {  	_ =	shalt  }
0x4f: {  	_ =	shalt  }
0x50: {  	_ =	shalt  }
0x51: {  	_ =	shalt  }
0x52: {  	_ =	shalt  }
0x53: {  	_ =	shalt  }
0x54: {  	_ =	shalt  }
0x55: {  	_ =	shalt  }
0x56: {  	_ =	shalt  }
0x57: {  	_ =	shalt  }
0x58: {  	_ =	shalt  }
0x59: {  	_ =	shalt  }
0x5a: {  	_ =	shalt  }
0x5b: {  	_ =	shalt  }
0x5c: {  	_ =	shalt  }
0x5d: {  	_ =	shalt  }
0x5e: {  	_ =	shalt  }
0x5f: {  	_ =	shalt  }
0x60: {  	_ =	shalt  }
0x61: {  	_ =	shalt  }
0x62: {  	_ =	shalt  }
0x63: {  	_ =	shalt  }
0x64: {  	_ =	shalt  }
0x65: {  	_ =	shalt  }
0x66: {  	_ =	shalt  }
0x67: {  	_ =	shalt  }
0x68: {  	_ =	shalt  }
0x69: {  	_ =	shalt  }
0x6a: {  	_ =	shalt  }
0x6b: {  	_ =	shalt  }
0x6c: {  	_ =	shalt  }
0x6d: {  	_ =	shalt  }
0x6e: {  	_ =	shalt  }
0x6f: {  	_ =	shalt  }
0x70: {  	_ =	shalt  }
0x71: {  	_ =	shalt  }
0x72: {  	_ =	shalt  }
0x73: {  	_ =	shalt  }
0x74: {  	_ =	shalt  }
0x75: {  	_ =	shalt  }
0x76: {  	_ =	shalt  }
0x77: {  	_ =	shalt  }
0x78: {  	_ =	shalt  }
0x79: {  	_ =	shalt  }
0x7a: {  	_ =	shalt  }
0x7b: {  	_ =	shalt  }
0x7c: {  	_ =	shalt  }
0x7d: {  	_ =	shalt  }
0x7e: {  	_ =	shalt  }
0x7f: {  	_ =	shalt  }
0x80: {  	_ =	shalt  }
0x81: {  	_ =	shalt  }
0x82: {  	_ =	shalt  }
0x83: {  	_ =	shalt  }
0x84: {  	_ =	shalt  }
0x85: {  	_ =	shalt  }
0x86: {  	_ =	shalt  }
0x87: {  	_ =	shalt  }
.Lfunc_end0:
.L_simem_size_0:
called_computation.1_lowered:
.L_overlay_start_0:
0x88: {  	s2 =	sld [smem:$0x3FD9]  }
0x89: {  	s3 =	sld [smem:$0x3FFE];
	_ =	sdelay $0x1  }
0x8a: {  	s1 =	srdreg.scid  }
0x8b: {  	s0 =	sand.u32 $0x1, s1  }
0x8c: {  	s14 =	sshll.u32 s0, $0xA;
	s2 =	sadd.s32 s3, s2  }
0x8d: {  	s2 =	sadd.s32 s2, s14  }
0x8e: {  	[smem:$0x3FC3] =	sst s2  }
0x8f: {  	_ = 	snop  }
0x90: {  	s2 =	sld [smem:$0x3FD0];
	_ =	sdelay $0x2  }
0x91: {  	s15 =	simm.s32 $0xA;
	s4 =	simm.s32 $0x10  }
0x92: {  	[smem:s4], [sflag:s15] =	dma.local [hbm:s2], $0x1  }
0x93: {  	_ =	swait.eq [sflag:s15], $0x1  }
0x94: {  	[sflag:s15] =	ssyncset.done $0x0  }
0x95: {  	[sflag:s15] =	ssyncadd.s32 $0xFFFFFFFF  }
0x96: {  	s16 =	sld [smem:$0x10];
	(tm) =	ssettm $0x1  }
0x97: {  	s17 =	sld [smem:$0x3FFB];
	_ =	sdelay $0x3  }
0x98: {  	_ =	strace s17  }
0x99: {  	s3 =	sld [smem:$0x3FFC];
	_ =	sdelay $0x3  }
0x9a: {  	_ =	strace s3  }
0x9b: {  	s3 =	sld [smem:$0x3FFD];
	_ =	sdelay $0x3  }
0x9c: {  	_ =	strace s3  }
0x9d: {  	_ =	strace $0x8FFFFFFF  }
0x9e: {  	s18 =	sld [smem:$0x3FDB];
	_ =	sdelay $0x1  }
0x9f: {  	s19 =	simm.s32 $_scs_section_size  }
0xa0: {  	s5 =	simm.s32 $_size__tile_overlayer_lowered;
	s6 =	simm.s32 $_tile_overlayer_lowered  }
0xa1: {  	s22 =	simm.s32 $0x1BFF;
	s21 =	sshll.u32 s6, $0x1;
	s3 =	sadd.s32 s19, s18  }
0xa2: {  	s7 =	simm.s32 $0x0;
	s20 =	sshll.u32 s5, $0x1;
	s5 =	sadd.s32 s21, s3  }
0xa3: {  	[timem:s7], [sflag:s22] =	dma.local [hbm:s5], s20  }
0xa4: {  	_ =	swait.ge [sflag:s22], s20  }
0xa5: {  	s4 =	ssub.s32 $0x0, s20;
	[sflag:s22] =	ssyncset.done $0x0  }
0xa6: {  	[sflag:s22] =	ssyncadd.s32 s4;
	_ =	sdelay $0x1  }
0xa7: {  	s23 =	simm.s32 $0x1B8B  }
0xa8: {  	_ =	swait.ge [sflag:s23], $0x1  }
0xa9: {  	[sflag:s23] =	ssyncset.done $0x0  }
0xaa: {  	s25 =	simm.s32 $0x1B8E;
	s24 =	sld [smem:$0x3FFE];
	[sflag:s23] =	ssyncadd.s32 $0xFFFFFFFF  }
0xab: {  	s26 =	simm.s32 $execute0_lowered;
	[smem:$0x3FD2] =	sst s25  }
0xac: {  	s5 =	sshll.u32 s26, $0x1;
	_ =	strace $0x80000049;
	[dreg:$0x1] =	wrdreg $0xFFFFFFFF  }
0xad: {  	s28 =	simm.s32 $_size_execute0_lowered;
	s3 =	sadd.s32 s3, s5;
	[dreg:$0x0] =	wrdreg $0x0  }
0xae: {  	s5 =	sshll.u32 s28, $0x1;
	[dreg:$0x2] =	wrdreg s3  }
0xaf: {  	[dreg:$0x3] =	wrdreg s5  }
0xb0: {  	[dreg:$0x4] =	wrdreg $0xC0  }
0xb1: {  	_ =	task [dreg:s7], $0x5FFFF  }
0xb2: {  	[dreg:$0x1] =	wrdreg $0xFFFFFFFF  }
0xb3: {  	[dreg:$0x0] =	wrdreg $0x60  }
0xb4: {  	[dreg:$0x2] =	wrdreg s24  }
0xb5: {  	[dreg:$0x3] =	wrdreg s16  }
0xb6: {  	[dreg:$0x4] =	wrdreg $0x9  }
0xb7: {  	_ =	task.clear_ibuf [dreg:s7], $0x5FFFF;
	_ =	strace $0x90000049  }
0xb8: {  	s29 =	simm.s32 $0x9;
	_ =	strace $0x8000004B  }
0xb9: {  	_ =	swait.ge [sflag:s29], $0x1  }
0xba: {  	[sflag:s29] =	ssyncadd.s32 $0xFFFFFFFF  }
0xbb: {  	_ =	strace $0x9000004B  }
0xbc: {  	_ =	sfence  }
0xbd: {  	s30 =	sld [smem:$0x0];
	_ =	sdelay $0x2  }
0xbe: {  	s31 =	sshll.u32 s1, $0xD;
	s1 =	sshrl.u32 s1, $0x2  }
0xbf: {  	s3 =	sand.u32 $0x4000, s31;
	s1 =	sadd.s32 s1, s30  }
0xc0: {  	s0 =	sor.u32 s3, s0;
	s1 =	sshll.u32 s1, $0x11  }
0xc1: {  	s0 =	sor.u32 s1, s0  }
0xc2: {  	s0 =	sadd.s32 $0x8F2B, s0  }
0xc3: {  	[sflag:s0] =	ssyncadd.remote.s32 $0x1  }
0xc4: {  	_ =	sfence.sel $0xFFFF  }
0xc5: {  	[dreg:$0x0] =	wrdreg $0xFFFFFFFF;
	(pc) =	sbr.abs _section_cstart, $3  }
0xc6: {  	[dreg:$0x1] =	wrdreg $0xFFFFFFFF  }
0xc7: {  	_ =	task.clear_ibuf [dreg:s7], $0x2FFFF;
	_ =	strace $0x9FFFFFFF  }
0xc8: {  	(tm) =	ssettm $0x7FFFFFFF  }
0xc9: {  	_ =	shalt  }
tec
execute0_lowered:
.L_overlay_start_1:
0x0: {  	(tag) =	ssettag $0x1  }
0x1: {  	s2 =	stileid.u32  }
0x2: {  	p0 =	sgt.u32 s2, $0x7  }
.Ltmp0:
0x3: {  	_ = 	snop;
	(pc) =	sbr.rel @p0 .LBB2_7-.Ltmp0, $4  }
0x4: {  	_ = 	snop  }
0x5: {  	s1 =	rddreg [dreg:$0x0];
	s3 =	simm.s32 $0x0  }
0x6: {  	[smem:$0x7FF] =	sst s3  }
0x7: {  	s0 =	rddreg [dreg:$0x1];
	_ =	strace $0x8000004A  }
0x8: {  	s2 =	srdreg.scid;
	s3 =	stileid.u32  }
0x9: {  	s8 =	sadd.s32 $0x1600, s1;
	s5 =	sadd.s32 $0x1A00, s1;
	s12 =	simm.s32 $0x1  }
0xa: {  	s13 =	simm.s32 $0x100;
	s28 =	simm.s32 $0x12100;
	s29 =	simm.s32 $0x13100  }
0xb: {  	s30 =	simm.s32 $0x13900;
	s31 =	simm.s32 $0x14900;
	s10 =	simm.s32 $0x15100  }
0xc: {  	s11 =	simm.s32 $0x16900;
	s14 =	simm.s32 $0x17900;
	s2 =	sand.u32 $0x1, s2  }
0xd: {  	s15 =	simm.s32 $0x2;
	s3 =	sshll.u32 s3, $0x8;
	s4 =	sshll.u32 s2, $0x7  }
0xe: {  	s16 =	simm.s32 $0x3;
	s17 =	simm.s32 $0x0;
	s6 =	sor.u32 s4, s3  }
0xf: {  	s2 =	ssub.s32 $0x2, s2;
	s3 =	sadd.s32 $0x1800, s1;
	s4 =	sshrl.u32 s6, $0x3  }
0x10: {  	s24 =	sshrl.u32 s2, $0x1;
	s6 =	sshrl.u32 s6, $0x2;
	s7 =	smul.u32 $0x300, s4  }
0x11: {  	s25 =	ssub.s32 s2, s24;
	s24 =	simm.s32 $0x10900;
	s9 =	smul.u32 $0x1800, s4  }
0x12: {  	s2 =	simm.s32 $0x17100;
	s4 =	sadd.s32 $0x1900, s1;
	s1 =	simm.s32 $0x16100  }
0x13: {  	s21 =	sadd.s32 s0, s7;
	s22 =	sshrl.u32 s9, $0x3;
	s7 =	sadd.s32 s8, s6  }
0x14: {  	s8 =	simm.s32 $0x12900;
	s9 =	simm.s32 $0x14100;
	[dreg:$0x3] =	wrdreg s21  }
0x15: {  	s23 =	sadd.s32 s0, s22;
	s26 =	sadd.s32 $0x10, s7;
	s22 =	simm.s32 $0xF900  }
0x16: {  	v2 =	vlaneseq.u32;
	s0 =	sadd.s32 $0x1800, s23;
	[dreg:$0x5] =	wrdreg s26;
	s23 =	simm.s32 $0x10100  }
0x17: {  	vm0 =	vmmov $0xffff;
	v1 =	vshrl.u32 v2, $0x3;
	s26 =	simm.s32 $0x11900;
	[dreg:$0x4] =	wrdreg s0;
	s0 =	smax.u32 s25, $0x1  }
0x18: {  	v0 =	vand.u32 $0x7, v2;
	v2 =	vor.u32 $0x8, v2;
	v1 =	vmul.u32 $0x8, v1;
	s25 =	simm.s32 $0x11100;
	[dreg:$0x6] =	wrdreg s0;
	s0 =	simm.s32 $0x15900  }
.LBB2_2:
0x19: {  	s18 =	simm.s32 $0x0  }
0x1a: {  	[tilespmem:s18], [sflag:$0x1] =	stream.linear.gather [hbm4b:s7+s18], $0x80, $0x38;
	[tilespmem:$0x18100] =	vst v63  }
0x1b: {  	s6 =	rddreg [dreg:$0x5];
	s19 =	simm.s32 $0x80  }
0x1c: {  	[tilespmem:s19], [sflag:$0x1] =	stream.linear.gather [hbm4b:s6+s18], $0x80, $0x38;
	[tilespmem:$0x18100] =	vst v63  }
0x1d: {  	_ =	swait.ge [sflag:s12], $0x80  }
0x1e: {  	[sflag:s12] =	ssyncset.done $0x0  }
0x1f: {  	[sflag:s12] =	ssyncadd.s32 $0xFFFFFF80  }
0x20: {  	_ =	swait.ge [sflag:s12], $0x80  }
0x21: {  	[sflag:s12] =	ssyncset.done $0x0  }
0x22: {  	[sflag:s12] =	ssyncadd.s32 $0xFFFFFF80  }
0x23: {  	v3 =	vld [tilespmem:$0x0];
	_ =	sdelay $0x4  }
0x24: {  	v4 =	vshrl.u32 v3, $0x3  }
0x25: {  	v4 =	vmul.u32 $0x30, v4  }
0x26: {  	v3 =	vand.u32 $0x7, v3  }
0x27: {  	v3 =	vor.u32 v3, v4  }
0x28: {  	v4 =	vperm.xlane v3, v0;
	_ =	sdelay $0x1  }
0x29: {  	v4 =	vadd.s32 v1, v4;
	_ =	sdelay $0x3  }
0x2a: {  	v3 =	vperm.xlane v3, v2  }
0x2b: {  	[tilespmem:s13], [sflag:$0x2] =	stream.indirect_vreg.gather [hbm4b:s3+s18], $0x80, v4, vm0, $0xb8;
	[tilespmem:$0x18100] =	vst v63  }
0x2c: {  	s21 =	simm.s32 $0x900;
	v3 =	vadd.s32 v1, v3  }
0x2d: {  	[tilespmem:s21], [sflag:$0x2] =	stream.indirect_vreg.gather [hbm4b:s4+s18], $0x80, v4, vm0, $0xb8;
	[tilespmem:$0x18100] =	vst v63  }
0x2e: {  	s19 =	simm.s32 $0x1100  }
0x2f: {  	[tilespmem:s19], [sflag:$0x2] =	stream.indirect_vreg.gather [hbm4b:s5+s18], $0x80, v4, vm0, $0xb8;
	[tilespmem:$0x18100] =	vst v63  }
0x30: {  	s20 =	simm.s32 $0x1900  }
0x31: {  	[tilespmem:s20], [sflag:$0x2] =	stream.indirect_vreg.gather [hbm4b:s3+s18], $0x80, v3, vm0, $0xb8;
	[tilespmem:$0x18100] =	vst v63  }
0x32: {  	s21 =	simm.s32 $0x2100  }
0x33: {  	[tilespmem:s21], [sflag:$0x2] =	stream.indirect_vreg.gather [hbm4b:s4+s18], $0x80, v3, vm0, $0xb8;
	[tilespmem:$0x18100] =	vst v63  }
0x34: {  	s19 =	simm.s32 $0x2900  }
0x35: {  	[tilespmem:s19], [sflag:$0x2] =	stream.indirect_vreg.gather [hbm4b:s5+s18], $0x80, v3, vm0, $0xb8;
	[tilespmem:$0x18100] =	vst v63  }
0x36: {  	v3 =	vld [tilespmem:$0x10];
	_ =	sdelay $0x4  }
0x37: {  	v4 =	vshrl.u32 v3, $0x3  }
0x38: {  	v4 =	vmul.u32 $0x30, v4  }
0x39: {  	v3 =	vand.u32 $0x7, v3  }
0x3a: {  	v3 =	vor.u32 v3, v4  }
0x3b: {  	v4 =	vperm.xlane v3, v0;
	_ =	sdelay $0x1  }
0x3c: {  	v4 =	vadd.s32 v1, v4;
	_ =	sdelay $0x3  }
0x3d: {  	s20 =	simm.s32 $0x3100;
	v3 =	vperm.xlane v3, v2  }
0x3e: {  	[tilespmem:s20], [sflag:$0x2] =	stream.indirect_vreg.gather [hbm4b:s3+s18], $0x80, v4, vm0, $0xb8;
	[tilespmem:$0x18100] =	vst v63  }
0x3f: {  	s21 =	simm.s32 $0x3900;
	v3 =	vadd.s32 v1, v3  }
0x40: {  	[tilespmem:s21], [sflag:$0x2] =	stream.indirect_vreg.gather [hbm4b:s4+s18], $0x80, v4, vm0, $0xb8;
	[tilespmem:$0x18100] =	vst v63  }
0x41: {  	s19 =	simm.s32 $0x4100  }
0x42: {  	[tilespmem:s19], [sflag:$0x2] =	stream.indirect_vreg.gather [hbm4b:s5+s18], $0x80, v4, vm0, $0xb8;
	[tilespmem:$0x18100] =	vst v63  }
0x43: {  	s20 =	simm.s32 $0x4900  }
0x44: {  	[tilespmem:s20], [sflag:$0x2] =	stream.indirect_vreg.gather [hbm4b:s3+s18], $0x80, v3, vm0, $0xb8;
	[tilespmem:$0x18100] =	vst v63  }
0x45: {  	s21 =	simm.s32 $0x5100  }
0x46: {  	[tilespmem:s21], [sflag:$0x2] =	stream.indirect_vreg.gather [hbm4b:s4+s18], $0x80, v3, vm0, $0xb8;
	[tilespmem:$0x18100] =	vst v63  }
0x47: {  	s19 =	simm.s32 $0x5900  }
0x48: {  	[tilespmem:s19], [sflag:$0x2] =	stream.indirect_vreg.gather [hbm4b:s5+s18], $0x80, v3, vm0, $0xb8;
	[tilespmem:$0x18100] =	vst v63  }
0x49: {  	v3 =	vld [tilespmem:$0x20];
	_ =	sdelay $0x4  }
0x4a: {  	v4 =	vshrl.u32 v3, $0x3  }
0x4b: {  	v4 =	vmul.u32 $0x30, v4  }
0x4c: {  	v3 =	vand.u32 $0x7, v3  }
0x4d: {  	v3 =	vor.u32 v3, v4  }
0x4e: {  	v4 =	vperm.xlane v3, v0;
	_ =	sdelay $0x1  }
0x4f: {  	v4 =	vadd.s32 v1, v4;
	_ =	sdelay $0x3  }
0x50: {  	s20 =	simm.s32 $0x6100;
	v3 =	vperm.xlane v3, v2  }
0x51: {  	[tilespmem:s20], [sflag:$0x2] =	stream.indirect_vreg.gather [hbm4b:s3+s18], $0x80, v4, vm0, $0xb8;
	[tilespmem:$0x18100] =	vst v63  }
0x52: {  	s21 =	simm.s32 $0x6900;
	v3 =	vadd.s32 v1, v3  }
0x53: {  	[tilespmem:s21], [sflag:$0x2] =	stream.indirect_vreg.gather [hbm4b:s4+s18], $0x80, v4, vm0, $0xb8;
	[tilespmem:$0x18100] =	vst v63  }
0x54: {  	s19 =	simm.s32 $0x7100  }
0x55: {  	[tilespmem:s19], [sflag:$0x2] =	stream.indirect_vreg.gather [hbm4b:s5+s18], $0x80, v4, vm0, $0xb8;
	[tilespmem:$0x18100] =	vst v63  }
0x56: {  	s20 =	simm.s32 $0x7900  }
0x57: {  	[tilespmem:s20], [sflag:$0x2] =	stream.indirect_vreg.gather [hbm4b:s3+s18], $0x80, v3, vm0, $0xb8;
	[tilespmem:$0x18100] =	vst v63  }
0x58: {  	s21 =	simm.s32 $0x8100  }
0x59: {  	[tilespmem:s21], [sflag:$0x2] =	stream.indirect_vreg.gather [hbm4b:s4+s18], $0x80, v3, vm0, $0xb8;
	[tilespmem:$0x18100] =	vst v63  }
0x5a: {  	s19 =	simm.s32 $0x8900  }
0x5b: {  	[tilespmem:s19], [sflag:$0x2] =	stream.indirect_vreg.gather [hbm4b:s5+s18], $0x80, v3, vm0, $0xb8;
	[tilespmem:$0x18100] =	vst v63  }
0x5c: {  	v3 =	vld [tilespmem:$0x30];
	_ =	sdelay $0x4  }
0x5d: {  	v4 =	vshrl.u32 v3, $0x3  }
0x5e: {  	v4 =	vmul.u32 $0x30, v4  }
0x5f: {  	v3 =	vand.u32 $0x7, v3  }
0x60: {  	v3 =	vor.u32 v3, v4  }
0x61: {  	v4 =	vperm.xlane v3, v0;
	_ =	sdelay $0x1  }
0x62: {  	v4 =	vadd.s32 v1, v4;
	_ =	sdelay $0x3  }
0x63: {  	s20 =	simm.s32 $0x9100;
	v3 =	vperm.xlane v3, v2  }
0x64: {  	[tilespmem:s20], [sflag:$0x2] =	stream.indirect_vreg.gather [hbm4b:s3+s18], $0x80, v4, vm0, $0xb8;
	[tilespmem:$0x18100] =	vst v63  }
0x65: {  	s21 =	simm.s32 $0x9900;
	v3 =	vadd.s32 v1, v3  }
0x66: {  	[tilespmem:s21], [sflag:$0x2] =	stream.indirect_vreg.gather [hbm4b:s4+s18], $0x80, v4, vm0, $0xb8;
	[tilespmem:$0x18100] =	vst v63  }
0x67: {  	s19 =	simm.s32 $0xA100  }
0x68: {  	[tilespmem:s19], [sflag:$0x2] =	stream.indirect_vreg.gather [hbm4b:s5+s18], $0x80, v4, vm0, $0xb8;
	[tilespmem:$0x18100] =	vst v63  }
0x69: {  	s20 =	simm.s32 $0xA900  }
0x6a: {  	[tilespmem:s20], [sflag:$0x2] =	stream.indirect_vreg.gather [hbm4b:s3+s18], $0x80, v3, vm0, $0xb8;
	[tilespmem:$0x18100] =	vst v63  }
0x6b: {  	s21 =	simm.s32 $0xB100  }
0x6c: {  	[tilespmem:s21], [sflag:$0x2] =	stream.indirect_vreg.gather [hbm4b:s4+s18], $0x80, v3, vm0, $0xb8;
	[tilespmem:$0x18100] =	vst v63  }
0x6d: {  	s19 =	simm.s32 $0xB900  }
0x6e: {  	[tilespmem:s19], [sflag:$0x2] =	stream.indirect_vreg.gather [hbm4b:s5+s18], $0x80, v3, vm0, $0xb8;
	[tilespmem:$0x18100] =	vst v63  }
0x6f: {  	v3 =	vld [tilespmem:$0x80];
	_ =	sdelay $0x4  }
0x70: {  	v4 =	vshrl.u32 v3, $0x3  }
0x71: {  	v4 =	vmul.u32 $0x30, v4  }
0x72: {  	v3 =	vand.u32 $0x7, v3  }
0x73: {  	v3 =	vor.u32 v3, v4  }
0x74: {  	v4 =	vperm.xlane v3, v0;
	_ =	sdelay $0x1  }
0x75: {  	v4 =	vadd.s32 v1, v4;
	_ =	sdelay $0x3  }
0x76: {  	s20 =	simm.s32 $0xC100;
	v3 =	vperm.xlane v3, v2  }
0x77: {  	[tilespmem:s20], [sflag:$0x2] =	stream.indirect_vreg.gather [hbm4b:s3+s18], $0x80, v4, vm0, $0xb8;
	[tilespmem:$0x18100] =	vst v63  }
0x78: {  	s21 =	simm.s32 $0xC900;
	v3 =	vadd.s32 v1, v3  }
0x79: {  	[tilespmem:s21], [sflag:$0x2] =	stream.indirect_vreg.gather [hbm4b:s4+s18], $0x80, v4, vm0, $0xb8;
	[tilespmem:$0x18100] =	vst v63  }
0x7a: {  	s19 =	simm.s32 $0xD100  }
0x7b: {  	[tilespmem:s19], [sflag:$0x2] =	stream.indirect_vreg.gather [hbm4b:s5+s18], $0x80, v4, vm0, $0xb8;
	[tilespmem:$0x18100] =	vst v63  }
0x7c: {  	s20 =	simm.s32 $0xD900  }
0x7d: {  	[tilespmem:s20], [sflag:$0x2] =	stream.indirect_vreg.gather [hbm4b:s3+s18], $0x80, v3, vm0, $0xb8;
	[tilespmem:$0x18100] =	vst v63  }
0x7e: {  	s21 =	simm.s32 $0xE100  }
0x7f: {  	[tilespmem:s21], [sflag:$0x2] =	stream.indirect_vreg.gather [hbm4b:s4+s18], $0x80, v3, vm0, $0xb8;
	[tilespmem:$0x18100] =	vst v63  }
0x80: {  	s19 =	simm.s32 $0xE900  }
0x81: {  	[tilespmem:s19], [sflag:$0x2] =	stream.indirect_vreg.gather [hbm4b:s5+s18], $0x80, v3, vm0, $0xb8;
	[tilespmem:$0x18100] =	vst v63  }
0x82: {  	v3 =	vld [tilespmem:$0x90];
	_ =	sdelay $0x4  }
0x83: {  	v4 =	vshrl.u32 v3, $0x3  }
0x84: {  	v4 =	vmul.u32 $0x30, v4  }
0x85: {  	v3 =	vand.u32 $0x7, v3  }
0x86: {  	v3 =	vor.u32 v3, v4  }
0x87: {  	v4 =	vperm.xlane v3, v0;
	_ =	sdelay $0x1  }
0x88: {  	v4 =	vadd.s32 v1, v4;
	_ =	sdelay $0x3  }
0x89: {  	s20 =	simm.s32 $0xF100;
	v3 =	vperm.xlane v3, v2  }
0x8a: {  	[tilespmem:s20], [sflag:$0x2] =	stream.indirect_vreg.gather [hbm4b:s3+s18], $0x80, v4, vm0, $0xb8;
	[tilespmem:$0x18100] =	vst v63  }
0x8b: {  	v3 =	vadd.s32 v1, v3  }
0x8c: {  	[tilespmem:s22], [sflag:$0x2] =	stream.indirect_vreg.gather [hbm4b:s4+s18], $0x80, v4, vm0, $0xb8;
	[tilespmem:$0x18100] =	vst v63  }
0x8d: {  	_ = 	snop  }
0x8e: {  	[tilespmem:s23], [sflag:$0x2] =	stream.indirect_vreg.gather [hbm4b:s5+s18], $0x80, v4, vm0, $0xb8;
	[tilespmem:$0x18100] =	vst v63  }
0x8f: {  	_ = 	snop  }
0x90: {  	[tilespmem:s24], [sflag:$0x2] =	stream.indirect_vreg.gather [hbm4b:s3+s18], $0x80, v3, vm0, $0xb8;
	[tilespmem:$0x18100] =	vst v63  }
0x91: {  	_ = 	snop  }
0x92: {  	[tilespmem:s25], [sflag:$0x2] =	stream.indirect_vreg.gather [hbm4b:s4+s18], $0x80, v3, vm0, $0xb8;
	[tilespmem:$0x18100] =	vst v63  }
0x93: {  	_ = 	snop  }
0x94: {  	[tilespmem:s26], [sflag:$0x2] =	stream.indirect_vreg.gather [hbm4b:s5+s18], $0x80, v3, vm0, $0xb8;
	[tilespmem:$0x18100] =	vst v63  }
0x95: {  	v3 =	vld [tilespmem:$0xA0];
	_ =	sdelay $0x4  }
0x96: {  	v4 =	vshrl.u32 v3, $0x3  }
0x97: {  	v4 =	vmul.u32 $0x30, v4  }
0x98: {  	v3 =	vand.u32 $0x7, v3  }
0x99: {  	v3 =	vor.u32 v3, v4  }
0x9a: {  	v4 =	vperm.xlane v3, v0;
	_ =	sdelay $0x1  }
0x9b: {  	v4 =	vadd.s32 v1, v4;
	_ =	sdelay $0x3  }
0x9c: {  	v3 =	vperm.xlane v3, v2  }
0x9d: {  	[tilespmem:s28], [sflag:$0x2] =	stream.indirect_vreg.gather [hbm4b:s3+s18], $0x80, v4, vm0, $0xb8;
	[tilespmem:$0x18100] =	vst v63  }
0x9e: {  	v3 =	vadd.s32 v1, v3  }
0x9f: {  	[tilespmem:s8], [sflag:$0x2] =	stream.indirect_vreg.gather [hbm4b:s4+s18], $0x80, v4, vm0, $0xb8;
	[tilespmem:$0x18100] =	vst v63  }
0xa0: {  	_ = 	snop  }
0xa1: {  	[tilespmem:s29], [sflag:$0x2] =	stream.indirect_vreg.gather [hbm4b:s5+s18], $0x80, v4, vm0, $0xb8;
	[tilespmem:$0x18100] =	vst v63  }
0xa2: {  	_ = 	snop  }
0xa3: {  	[tilespmem:s30], [sflag:$0x2] =	stream.indirect_vreg.gather [hbm4b:s3+s18], $0x80, v3, vm0, $0xb8;
	[tilespmem:$0x18100] =	vst v63  }
0xa4: {  	_ = 	snop  }
0xa5: {  	[tilespmem:s9], [sflag:$0x2] =	stream.indirect_vreg.gather [hbm4b:s4+s18], $0x80, v3, vm0, $0xb8;
	[tilespmem:$0x18100] =	vst v63  }
0xa6: {  	_ = 	snop  }
0xa7: {  	[tilespmem:s31], [sflag:$0x2] =	stream.indirect_vreg.gather [hbm4b:s5+s18], $0x80, v3, vm0, $0xb8;
	[tilespmem:$0x18100] =	vst v63  }
0xa8: {  	v3 =	vld [tilespmem:$0xB0];
	_ =	sdelay $0x4  }
0xa9: {  	v4 =	vshrl.u32 v3, $0x3  }
0xaa: {  	v4 =	vmul.u32 $0x30, v4  }
0xab: {  	v3 =	vand.u32 $0x7, v3  }
0xac: {  	v3 =	vor.u32 v3, v4  }
0xad: {  	v4 =	vperm.xlane v3, v0;
	_ =	sdelay $0x1  }
0xae: {  	v4 =	vadd.s32 v1, v4;
	_ =	sdelay $0x3  }
0xaf: {  	v3 =	vperm.xlane v3, v2  }
0xb0: {  	[tilespmem:s10], [sflag:$0x2] =	stream.indirect_vreg.gather [hbm4b:s3+s18], $0x80, v4, vm0, $0xb8;
	[tilespmem:$0x18100] =	vst v63  }
0xb1: {  	v3 =	vadd.s32 v1, v3  }
0xb2: {  	[tilespmem:s0], [sflag:$0x2] =	stream.indirect_vreg.gather [hbm4b:s4+s18], $0x80, v4, vm0, $0xb8;
	[tilespmem:$0x18100] =	vst v63  }
0xb3: {  	_ = 	snop  }
0xb4: {  	[tilespmem:s1], [sflag:$0x2] =	stream.indirect_vreg.gather [hbm4b:s5+s18], $0x80, v4, vm0, $0xb8;
	[tilespmem:$0x18100] =	vst v63  }
0xb5: {  	_ = 	snop  }
0xb6: {  	[tilespmem:s11], [sflag:$0x2] =	stream.indirect_vreg.gather [hbm4b:s3+s18], $0x80, v3, vm0, $0xb8;
	[tilespmem:$0x18100] =	vst v63  }
0xb7: {  	_ = 	snop  }
0xb8: {  	[tilespmem:s2], [sflag:$0x2] =	stream.indirect_vreg.gather [hbm4b:s4+s18], $0x80, v3, vm0, $0xb8;
	[tilespmem:$0x18100] =	vst v63  }
0xb9: {  	_ = 	snop  }
0xba: {  	[tilespmem:s14], [sflag:$0x2] =	stream.indirect_vreg.gather [hbm4b:s5+s18], $0x80, v3, vm0, $0xb8;
	[tilespmem:$0x18100] =	vst v63  }
0xbb: {  	_ =	swait.ge [sflag:s15], $0xC000  }
0xbc: {  	[sflag:s15] =	ssyncset.done $0x0  }
0xbd: {  	s21 =	simm.s32 $0x0;
	[sflag:s15] =	ssyncadd.s32 $0xFFFF4000  }
0xbe: {  	s19 =	smul.u32 $0x1800, s21;
	_ =	swait.ge [sflag:s15], $0xC000  }
0xbf: {  	s20 =	sand.u32 $0x380, s18;
	[sflag:s15] =	ssyncset.done $0x0  }
0xc0: {  	s19 =	sor.u32 s20, s19;
	[sflag:s15] =	ssyncadd.s32 $0xFFFF4000  }
0xc1: {  	v12 =	vld [tilespmem:s19+$0xC100]  }
0xc2: {  	v13 =	vld [tilespmem:s19+$0xC110]  }
0xc3: {  	v14 =	vld [tilespmem:s19+$0xC120]  }
0xc4: {  	v15 =	vld [tilespmem:s19+$0xC130]  }
0xc5: {  	v16 =	vld [tilespmem:s19+$0xC140]  }
0xc6: {  	v17 =	vld [tilespmem:s19+$0xC150]  }
0xc7: {  	v18 =	vld [tilespmem:s19+$0xC160]  }
0xc8: {  	v19 =	vld [tilespmem:s19+$0xC170]  }
0xc9: {  	v20 =	vld [tilespmem:s19+$0xC500]  }
0xca: {  	v21 =	vld [tilespmem:s19+$0xC510]  }
0xcb: {  	v22 =	vld [tilespmem:s19+$0xC520]  }
0xcc: {  	v23 =	vld [tilespmem:s19+$0xC530]  }
0xcd: {  	v24 =	vld [tilespmem:s19+$0xC540]  }
0xce: {  	v25 =	vld [tilespmem:s19+$0xC550]  }
0xcf: {  	v26 =	vld [tilespmem:s19+$0xC560]  }
0xd0: {  	v27 =	vld [tilespmem:s19+$0xC570]  }
0xd1: {  	v28 =	vld [tilespmem:s19+$0xC900]  }
0xd2: {  	v29 =	vld [tilespmem:s19+$0xC910]  }
0xd3: {  	v30 =	vld [tilespmem:s19+$0xC920]  }
0xd4: {  	v31 =	vld [tilespmem:s19+$0xC930]  }
0xd5: {  	v32 =	vld [tilespmem:s19+$0xC940]  }
0xd6: {  	v33 =	vld [tilespmem:s19+$0xC950]  }
0xd7: {  	v34 =	vld [tilespmem:s19+$0xC960]  }
0xd8: {  	v35 =	vld [tilespmem:s19+$0xC970]  }
0xd9: {  	v36 =	vld [tilespmem:s19+$0xCD00]  }
0xda: {  	v37 =	vld [tilespmem:s19+$0xCD10]  }
0xdb: {  	v38 =	vld [tilespmem:s19+$0xCD20]  }
0xdc: {  	v39 =	vld [tilespmem:s19+$0xCD30]  }
0xdd: {  	v40 =	vld [tilespmem:s19+$0xCD40]  }
0xde: {  	v41 =	vld [tilespmem:s19+$0xCD50]  }
0xdf: {  	v42 =	vld [tilespmem:s19+$0xCD60]  }
0xe0: {  	v43 =	vld [tilespmem:s19+$0xCD70]  }
0xe1: {  	v44 =	vld [tilespmem:s19+$0xD100]  }
0xe2: {  	v45 =	vld [tilespmem:s19+$0xD110]  }
0xe3: {  	v46 =	vld [tilespmem:s19+$0xD120]  }
0xe4: {  	v47 =	vld [tilespmem:s19+$0xD130]  }
0xe5: {  	v48 =	vld [tilespmem:s19+$0xD140]  }
0xe6: {  	v49 =	vld [tilespmem:s19+$0xD150]  }
0xe7: {  	v50 =	vld [tilespmem:s19+$0xD160]  }
0xe8: {  	v11 =	vld [tilespmem:s19+$0xD170]  }
0xe9: {  	v10 =	vld [tilespmem:s19+$0xD500]  }
0xea: {  	v9 =	vld [tilespmem:s19+$0xD510]  }
0xeb: {  	v8 =	vld [tilespmem:s19+$0xD520]  }
0xec: {  	v7 =	vld [tilespmem:s19+$0xD530]  }
0xed: {  	v6 =	vld [tilespmem:s19+$0xD540]  }
0xee: {  	v51 =	vld [tilespmem:s19+$0x100]  }
0xef: {  	v52 =	vld [tilespmem:s19+$0x110]  }
0xf0: {  	v53 =	vld [tilespmem:s19+$0x120]  }
0xf1: {  	v54 =	vld [tilespmem:s19+$0x130]  }
0xf2: {  	v55 =	vld [tilespmem:s19+$0x140]  }
0xf3: {  	v62 =	vld [tilespmem:s19+$0x150];
	v12 =	vadd.f32 v12, v51  }
0xf4: {  	v63 =	vld [tilespmem:s19+$0x160];
	v13 =	vadd.f32 v13, v52  }
0xf5: {  	[tilespmem:s19+$0x100] =	vst v12;
	v12 =	vadd.f32 v14, v53;
	v14 =	vld [tilespmem:s19+$0x170]  }
0xf6: {  	[tilespmem:s19+$0x110] =	vst v13;
	v13 =	vadd.f32 v15, v54;
	v15 =	vld [tilespmem:s19+$0x500]  }
0xf7: {  	[tilespmem:s19+$0x120] =	vst v12;
	v12 =	vadd.f32 v16, v55;
	v16 =	vld [tilespmem:s19+$0x510]  }
0xf8: {  	[tilespmem:s19+$0x130] =	vst v13;
	v13 =	vadd.f32 v17, v62;
	v17 =	vld [tilespmem:s19+$0x520]  }
0xf9: {  	v5 =	vld [tilespmem:s19+$0xD550]  }
0xfa: {  	[tilespmem:s19+$0x140] =	vst v12;
	v12 =	vadd.f32 v18, v63;
	v18 =	vld [tilespmem:s19+$0x570]  }
0xfb: {  	[tilespmem:s19+$0x150] =	vst v13;
	v13 =	vadd.f32 v19, v14;
	v14 =	vld [tilespmem:s19+$0x530]  }
0xfc: {  	[tilespmem:s19+$0x160] =	vst v12;
	v12 =	vadd.f32 v20, v15;
	v15 =	vld [tilespmem:s19+$0x540]  }
0xfd: {  	[tilespmem:s19+$0x170] =	vst v13;
	v13 =	vadd.f32 v21, v16;
	v16 =	vadd.f32 v22, v17;
	v17 =	vld [tilespmem:s19+$0x560]  }
0xfe: {  	[tilespmem:s19+$0x500] =	vst v12;
	v12 =	vld [tilespmem:s19+$0x550]  }
0xff: {  	[tilespmem:s19+$0x510] =	vst v13;
	v13 =	vld [tilespmem:s19+$0x900];
	v18 =	vadd.f32 v27, v18  }
0x100: {  	[tilespmem:s19+$0x520] =	vst v16;
	v16 =	vld [tilespmem:s19+$0x910];
	v14 =	vadd.f32 v23, v14  }
0x101: {  	v4 =	vld [tilespmem:s19+$0xD560];
	v15 =	vadd.f32 v24, v15;
	[tilespmem:s19+$0x570] =	vst v18  }
0x102: {  	[tilespmem:s19+$0x530] =	vst v14;
	v14 =	vld [tilespmem:s19+$0x920];
	v17 =	vadd.f32 v26, v17  }
0x103: {  	v12 =	vadd.f32 v25, v12;
	[tilespmem:s19+$0x540] =	vst v15;
	v15 =	vld [tilespmem:s19+$0x930]  }
0x104: {  	v18 =	vld [tilespmem:s19+$0x970];
	[tilespmem:s19+$0x560] =	vst v17;
	v13 =	vadd.f32 v28, v13  }
0x105: {  	v16 =	vadd.f32 v29, v16;
	[tilespmem:s19+$0x550] =	vst v12;
	v12 =	vld [tilespmem:s19+$0x940]  }
0x106: {  	v17 =	vld [tilespmem:s19+$0x950];
	[tilespmem:s19+$0x900] =	vst v13  }
0x107: {  	[tilespmem:s19+$0x910] =	vst v16;
	v16 =	vld [tilespmem:s19+$0x960];
	v13 =	vadd.f32 v30, v14  }
0x108: {  	v14 =	vld [tilespmem:s19+$0xD00];
	v15 =	vadd.f32 v31, v15  }
0x109: {  	[tilespmem:s19+$0x920] =	vst v13;
	v13 =	vld [tilespmem:s19+$0xD10]  }
0x10a: {  	v12 =	vadd.f32 v32, v12;
	[tilespmem:s19+$0x930] =	vst v15;
	v15 =	vld [tilespmem:s19+$0xD20]  }
0x10b: {  	v3 =	vld [tilespmem:s19+$0xD570];
	v17 =	vadd.f32 v33, v17  }
0x10c: {  	v16 =	vadd.f32 v34, v16;
	[tilespmem:s19+$0x940] =	vst v12;
	v12 =	vld [tilespmem:s19+$0xD30]  }
0x10d: {  	[tilespmem:s19+$0x950] =	vst v17;
	v17 =	vld [tilespmem:s19+$0xD40];
	v14 =	vadd.f32 v36, v14  }
0x10e: {  	v18 =	vadd.f32 v35, v18;
	[tilespmem:s19+$0x960] =	vst v16;
	v16 =	vld [tilespmem:s19+$0xD50]  }
0x10f: {  	v13 =	vadd.f32 v37, v13;
	[tilespmem:s19+$0xD00] =	vst v14;
	v14 =	vadd.f32 v38, v15;
	v15 =	vld [tilespmem:s19+$0xD60]  }
0x110: {  	[tilespmem:s19+$0x970] =	vst v18;
	v18 =	vld [tilespmem:s19+$0xD70]  }
0x111: {  	[tilespmem:s19+$0xD10] =	vst v13;
	v13 =	vld [tilespmem:s19+$0x1100];
	v12 =	vadd.f32 v39, v12  }
0x112: {  	v17 =	vadd.f32 v40, v17;
	[tilespmem:s19+$0xD20] =	vst v14;
	v14 =	vld [tilespmem:s19+$0x1110]  }
0x113: {  	v16 =	vadd.f32 v41, v16;
	[tilespmem:s19+$0xD30] =	vst v12;
	v12 =	vld [tilespmem:s19+$0x1120]  }
0x114: {  	[tilespmem:s19+$0xD40] =	vst v17;
	v17 =	vld [tilespmem:s19+$0x1130];
	v15 =	vadd.f32 v42, v15  }
0x115: {  	v19 =	vld [tilespmem:s19+$0x1140];
	[tilespmem:s19+$0xD50] =	vst v16;
	v16 =	vadd.f32 v43, v18  }
0x116: {  	v18 =	vld [tilespmem:s19+$0x1150];
	v13 =	vadd.f32 v44, v13;
	[tilespmem:s19+$0xD60] =	vst v15  }
0x117: {  	v20 =	vld [tilespmem:s19+$0x1160];
	[tilespmem:s19+$0xD70] =	vst v16;
	v14 =	vadd.f32 v45, v14  }
0x118: {  	v16 =	vld [tilespmem:s19+$0x1170];
	[tilespmem:s19+$0x1100] =	vst v13;
	v12 =	vadd.f32 v46, v12  }
0x119: {  	v15 =	vld [tilespmem:s19+$0x1500];
	v13 =	vadd.f32 v47, v17;
	[tilespmem:s19+$0x1110] =	vst v14  }
0x11a: {  	v14 =	vld [tilespmem:s19+$0x1510];
	[tilespmem:s19+$0x1120] =	vst v12;
	v12 =	vadd.f32 v48, v19  }
0x11b: {  	[tilespmem:s19+$0x1130] =	vst v13;
	v13 =	vld [tilespmem:s19+$0x1520];
	v18 =	vadd.f32 v49, v18  }
0x11c: {  	s20 =	simm.s32 $0x1;
	v17 =	vadd.f32 v50, v20;
	[tilespmem:s19+$0x1140] =	vst v12;
	v12 =	vld [tilespmem:s19+$0x1530]  }
.LBB2_3:
0x11d: {  	s6 =	sshrl.u32 s20, $0x3;
	p0 =	sne.s32 s20, $0x3F;
	[tilespmem:s19+$0x1150] =	vst v18;
	v11 =	vadd.f32 v11, v16;
	v16 =	vld [tilespmem:s19+$0x1540]  }
0x11e: {  	s18 =	sadd.s32 $0x80, s18;
	s6 =	smul.u32 $0x1800, s6;
	[tilespmem:s19+$0x1160] =	vst v17;
	v10 =	vadd.f32 v10, v15;
	v15 =	vld [tilespmem:s19+$0x1550]  }
0x11f: {  	s21 =	sand.u32 $0x380, s18;
	[tilespmem:s19+$0x1170] =	vst v11;
	v9 =	vadd.f32 v9, v14;
	v11 =	vld [tilespmem:s19+$0x1560]  }
0x120: {  	s6 =	sor.u32 s21, s6;
	[tilespmem:s19+$0x1500] =	vst v10;
	v8 =	vadd.f32 v8, v13;
	v10 =	vld [tilespmem:s19+$0x1570]  }
0x121: {  	v39 =	vld [tilespmem:s6+$0xC100];
	[tilespmem:s19+$0x1510] =	vst v9;
	v7 =	vadd.f32 v7, v12  }
0x122: {  	v40 =	vld [tilespmem:s6+$0xC110];
	[tilespmem:s19+$0x1520] =	vst v8;
	v6 =	vadd.f32 v6, v16  }
0x123: {  	v41 =	vld [tilespmem:s6+$0xC120];
	[tilespmem:s19+$0x1530] =	vst v7;
	v5 =	vadd.f32 v5, v15  }
0x124: {  	v42 =	vld [tilespmem:s6+$0xC130];
	[tilespmem:s19+$0x1540] =	vst v6;
	v4 =	vadd.f32 v4, v11  }
0x125: {  	v43 =	vld [tilespmem:s6+$0xC140];
	[tilespmem:s19+$0x1550] =	vst v5;
	v3 =	vadd.f32 v3, v10  }
0x126: {  	v44 =	vld [tilespmem:s6+$0xC150];
	[tilespmem:s19+$0x1560] =	vst v4  }
0x127: {  	v45 =	vld [tilespmem:s6+$0xC160];
	[tilespmem:s19+$0x1570] =	vst v3;
	s19 =	smov.u32 s6  }
0x128: {  	v46 =	vld [tilespmem:s19+$0xC170]  }
0x129: {  	v47 =	vld [tilespmem:s19+$0xC500]  }
0x12a: {  	v48 =	vld [tilespmem:s19+$0xC510]  }
0x12b: {  	v49 =	vld [tilespmem:s19+$0xC520]  }
0x12c: {  	v50 =	vld [tilespmem:s19+$0xC530]  }
0x12d: {  	v38 =	vld [tilespmem:s19+$0xC540]  }
0x12e: {  	v37 =	vld [tilespmem:s19+$0xC550]  }
0x12f: {  	v36 =	vld [tilespmem:s19+$0xC560]  }
0x130: {  	v35 =	vld [tilespmem:s19+$0xC570]  }
0x131: {  	v34 =	vld [tilespmem:s19+$0xC900]  }
0x132: {  	v33 =	vld [tilespmem:s19+$0xC910]  }
0x133: {  	v32 =	vld [tilespmem:s19+$0xC920]  }
0x134: {  	v31 =	vld [tilespmem:s19+$0xC930]  }
0x135: {  	v30 =	vld [tilespmem:s19+$0xC940]  }
0x136: {  	v29 =	vld [tilespmem:s19+$0xC950]  }
0x137: {  	v28 =	vld [tilespmem:s19+$0xC960]  }
0x138: {  	v27 =	vld [tilespmem:s19+$0xC970]  }
0x139: {  	v26 =	vld [tilespmem:s19+$0xCD00]  }
0x13a: {  	v25 =	vld [tilespmem:s19+$0xCD10]  }
0x13b: {  	v24 =	vld [tilespmem:s19+$0xCD20]  }
0x13c: {  	v23 =	vld [tilespmem:s19+$0xCD30]  }
0x13d: {  	v22 =	vld [tilespmem:s19+$0xCD40]  }
0x13e: {  	v21 =	vld [tilespmem:s19+$0xCD50]  }
0x13f: {  	v20 =	vld [tilespmem:s19+$0xCD60]  }
0x140: {  	v19 =	vld [tilespmem:s19+$0xCD70]  }
0x141: {  	v18 =	vld [tilespmem:s19+$0xD100]  }
0x142: {  	v17 =	vld [tilespmem:s19+$0xD110]  }
0x143: {  	v16 =	vld [tilespmem:s19+$0xD120]  }
0x144: {  	v15 =	vld [tilespmem:s19+$0xD130]  }
0x145: {  	v14 =	vld [tilespmem:s19+$0xD140]  }
0x146: {  	v13 =	vld [tilespmem:s19+$0xD150]  }
0x147: {  	v12 =	vld [tilespmem:s19+$0xD160]  }
0x148: {  	v11 =	vld [tilespmem:s19+$0xD170]  }
0x149: {  	v10 =	vld [tilespmem:s19+$0xD500]  }
0x14a: {  	v9 =	vld [tilespmem:s19+$0xD510]  }
0x14b: {  	v8 =	vld [tilespmem:s19+$0xD520]  }
0x14c: {  	v7 =	vld [tilespmem:s19+$0xD530]  }
0x14d: {  	v6 =	vld [tilespmem:s19+$0xD540]  }
0x14e: {  	v5 =	vld [tilespmem:s19+$0xD550]  }
0x14f: {  	v4 =	vld [tilespmem:s19+$0xD560]  }
0x150: {  	v3 =	vld [tilespmem:s19+$0xD570]  }
0x151: {  	v51 =	vld [tilespmem:s19+$0x100]  }
0x152: {  	v52 =	vld [tilespmem:s19+$0x110]  }
0x153: {  	v53 =	vld [tilespmem:s19+$0x120]  }
0x154: {  	v54 =	vld [tilespmem:s19+$0x130]  }
0x155: {  	v55 =	vld [tilespmem:s19+$0x140]  }
0x156: {  	v39 =	vadd.f32 v39, v51;
	v51 =	vld [tilespmem:s19+$0x150]  }
0x157: {  	v40 =	vadd.f32 v40, v52;
	v52 =	vld [tilespmem:s19+$0x160]  }
0x158: {  	[tilespmem:s19+$0x100] =	vst v39;
	v39 =	vadd.f32 v41, v53;
	v41 =	vld [tilespmem:s19+$0x170]  }
0x159: {  	[tilespmem:s19+$0x110] =	vst v40;
	v40 =	vadd.f32 v42, v54;
	v42 =	vld [tilespmem:s19+$0x500]  }
0x15a: {  	[tilespmem:s19+$0x120] =	vst v39;
	v39 =	vadd.f32 v43, v55;
	v43 =	vld [tilespmem:s19+$0x510]  }
0x15b: {  	[tilespmem:s19+$0x130] =	vst v40;
	v40 =	vadd.f32 v44, v51;
	v44 =	vld [tilespmem:s19+$0x520]  }
0x15c: {  	[tilespmem:s19+$0x140] =	vst v39;
	v39 =	vadd.f32 v45, v52;
	v45 =	vld [tilespmem:s19+$0x530]  }
0x15d: {  	[tilespmem:s19+$0x150] =	vst v40;
	v40 =	vadd.f32 v46, v41;
	v41 =	vld [tilespmem:s19+$0x540]  }
0x15e: {  	[tilespmem:s19+$0x160] =	vst v39;
	v39 =	vadd.f32 v47, v42;
	v42 =	vld [tilespmem:s19+$0x550]  }
0x15f: {  	[tilespmem:s19+$0x170] =	vst v40;
	v40 =	vadd.f32 v48, v43;
	v43 =	vld [tilespmem:s19+$0x560]  }
0x160: {  	[tilespmem:s19+$0x500] =	vst v39;
	v39 =	vadd.f32 v49, v44;
	v44 =	vld [tilespmem:s19+$0x570]  }
0x161: {  	[tilespmem:s19+$0x510] =	vst v40;
	v40 =	vadd.f32 v50, v45;
	v45 =	vld [tilespmem:s19+$0x900]  }
0x162: {  	[tilespmem:s19+$0x520] =	vst v39;
	v38 =	vadd.f32 v38, v41;
	v39 =	vld [tilespmem:s19+$0x910]  }
0x163: {  	[tilespmem:s19+$0x530] =	vst v40;
	v37 =	vadd.f32 v37, v42;
	v40 =	vld [tilespmem:s19+$0x920]  }
0x164: {  	[tilespmem:s19+$0x540] =	vst v38;
	v36 =	vadd.f32 v36, v43;
	v38 =	vld [tilespmem:s19+$0x930]  }
0x165: {  	[tilespmem:s19+$0x550] =	vst v37;
	v35 =	vadd.f32 v35, v44;
	v37 =	vld [tilespmem:s19+$0x940]  }
0x166: {  	[tilespmem:s19+$0x560] =	vst v36;
	v34 =	vadd.f32 v34, v45;
	v36 =	vld [tilespmem:s19+$0x950]  }
0x167: {  	[tilespmem:s19+$0x570] =	vst v35;
	v33 =	vadd.f32 v33, v39;
	v35 =	vld [tilespmem:s19+$0x960]  }
0x168: {  	[tilespmem:s19+$0x900] =	vst v34;
	v32 =	vadd.f32 v32, v40;
	v34 =	vld [tilespmem:s19+$0x970]  }
0x169: {  	[tilespmem:s19+$0x910] =	vst v33;
	v31 =	vadd.f32 v31, v38;
	v33 =	vld [tilespmem:s19+$0xD00]  }
0x16a: {  	[tilespmem:s19+$0x920] =	vst v32;
	v30 =	vadd.f32 v30, v37;
	v32 =	vld [tilespmem:s19+$0xD10]  }
0x16b: {  	[tilespmem:s19+$0x930] =	vst v31;
	v29 =	vadd.f32 v29, v36;
	v31 =	vld [tilespmem:s19+$0xD20]  }
0x16c: {  	[tilespmem:s19+$0x940] =	vst v30;
	v28 =	vadd.f32 v28, v35;
	v30 =	vld [tilespmem:s19+$0xD30]  }
0x16d: {  	[tilespmem:s19+$0x950] =	vst v29;
	v27 =	vadd.f32 v27, v34;
	v29 =	vld [tilespmem:s19+$0xD40]  }
0x16e: {  	[tilespmem:s19+$0x960] =	vst v28;
	v26 =	vadd.f32 v26, v33;
	v28 =	vld [tilespmem:s19+$0xD50]  }
0x16f: {  	[tilespmem:s19+$0x970] =	vst v27;
	v25 =	vadd.f32 v25, v32;
	v27 =	vld [tilespmem:s19+$0xD60]  }
0x170: {  	[tilespmem:s19+$0xD00] =	vst v26;
	v24 =	vadd.f32 v24, v31;
	v26 =	vld [tilespmem:s19+$0xD70]  }
0x171: {  	[tilespmem:s19+$0xD10] =	vst v25;
	v23 =	vadd.f32 v23, v30;
	v25 =	vld [tilespmem:s19+$0x1100]  }
0x172: {  	[tilespmem:s19+$0xD20] =	vst v24;
	v22 =	vadd.f32 v22, v29;
	v24 =	vld [tilespmem:s19+$0x1110]  }
0x173: {  	[tilespmem:s19+$0xD30] =	vst v23;
	v21 =	vadd.f32 v21, v28;
	v23 =	vld [tilespmem:s19+$0x1120]  }
0x174: {  	[tilespmem:s19+$0xD40] =	vst v22;
	v20 =	vadd.f32 v20, v27;
	v22 =	vld [tilespmem:s19+$0x1130]  }
0x175: {  	[tilespmem:s19+$0xD50] =	vst v21;
	v19 =	vadd.f32 v19, v26;
	v21 =	vld [tilespmem:s19+$0x1140]  }
0x176: {  	[tilespmem:s19+$0xD60] =	vst v20;
	v18 =	vadd.f32 v18, v25;
	v20 =	vld [tilespmem:s19+$0x1150]  }
0x177: {  	[tilespmem:s19+$0xD70] =	vst v19;
	v17 =	vadd.f32 v17, v24;
	v19 =	vld [tilespmem:s19+$0x1160]  }
.Ltmp1:
0x178: {  	[tilespmem:s19+$0x1100] =	vst v18;
	v18 =	vadd.f32 v16, v23;
	v16 =	vld [tilespmem:s19+$0x1170];
	(pc) =	sbr.rel @p0 .LBB2_3-.Ltmp1, $4  }
0x179: {  	[tilespmem:s19+$0x1110] =	vst v17;
	v17 =	vadd.f32 v15, v22;
	v15 =	vld [tilespmem:s19+$0x1500]  }
0x17a: {  	[tilespmem:s19+$0x1120] =	vst v18;
	v21 =	vadd.f32 v14, v21;
	v14 =	vld [tilespmem:s19+$0x1510]  }
0x17b: {  	[tilespmem:s19+$0x1130] =	vst v17;
	v18 =	vadd.f32 v13, v20;
	v13 =	vld [tilespmem:s19+$0x1520]  }
0x17c: {  	s20 =	sadd.s32 $0x1, s20;
	[tilespmem:s19+$0x1140] =	vst v21;
	v17 =	vadd.f32 v12, v19;
	v12 =	vld [tilespmem:s19+$0x1530]  }
0x17d: {  	[tilespmem:s19+$0x1150] =	vst v18;
	v18 =	vld [tilespmem:s19+$0x1540];
	v11 =	vadd.f32 v11, v16  }
0x17e: {  	v16 =	vld [tilespmem:s19+$0x1550];
	[tilespmem:s19+$0x1160] =	vst v17;
	v10 =	vadd.f32 v10, v15  }
0x17f: {  	[tilespmem:s19+$0x1170] =	vst v11;
	v9 =	vadd.f32 v9, v14;
	v11 =	vld [tilespmem:s19+$0x1560]  }
0x180: {  	[tilespmem:s19+$0x1500] =	vst v10;
	v8 =	vadd.f32 v8, v13;
	v10 =	vld [tilespmem:s19+$0x1570]  }
0x181: {  	[tilespmem:s19+$0x1510] =	vst v9;
	v7 =	vadd.f32 v7, v12  }
0x182: {  	[tilespmem:s19+$0x1520] =	vst v8;
	v6 =	vadd.f32 v6, v18  }
0x183: {  	v5 =	vadd.f32 v5, v16;
	[tilespmem:s19+$0x1530] =	vst v7  }
0x184: {  	[tilespmem:s19+$0x1540] =	vst v6;
	v4 =	vadd.f32 v4, v11  }
0x185: {  	[tilespmem:s19+$0x1550] =	vst v5;
	v3 =	vadd.f32 v3, v10  }
0x186: {  	[tilespmem:s19+$0x1560] =	vst v4  }
0x187: {  	s18 =	simm.s32 $0x0;
	s6 =	rddreg [dreg:$0x3];
	[tilespmem:s19+$0x1570] =	vst v3  }
0x188: {  	[hbm4b:s6+s18] =	stream.linear.scatter [tilespmem:s13], [sflag:$0x3], $0xC000, $0x38;
	[tilespmem:$0x18100] =	vst v63  }
0x189: {  	_ =	swait.ge [sflag:s16], $0xC000  }
0x18a: {  	[sflag:s16] =	ssyncset.done $0x0  }
0x18b: {  	[sflag:s16] =	ssyncadd.s32 $0xFFFF4000  }
0x18c: {  	v3 =	vld [tilespmem:$0x40];
	_ =	sdelay $0x4  }
0x18d: {  	v4 =	vshrl.u32 v3, $0x3  }
0x18e: {  	v4 =	vmul.u32 $0x30, v4  }
0x18f: {  	v3 =	vand.u32 $0x7, v3  }
0x190: {  	v3 =	vor.u32 v3, v4  }
0x191: {  	v4 =	vperm.xlane v3, v0;
	_ =	sdelay $0x1  }
0x192: {  	v4 =	vadd.s32 v1, v4;
	_ =	sdelay $0x3  }
0x193: {  	v3 =	vperm.xlane v3, v2  }
0x194: {  	[tilespmem:s13], [sflag:$0x2] =	stream.indirect_vreg.gather [hbm4b:s3+s18], $0x80, v4, vm0, $0xb8;
	[tilespmem:$0x18100] =	vst v63  }
0x195: {  	s20 =	simm.s32 $0x900;
	v3 =	vadd.s32 v1, v3  }
0x196: {  	[tilespmem:s20], [sflag:$0x2] =	stream.indirect_vreg.gather [hbm4b:s4+s18], $0x80, v4, vm0, $0xb8;
	[tilespmem:$0x18100] =	vst v63  }
0x197: {  	s21 =	simm.s32 $0x1100  }
0x198: {  	[tilespmem:s21], [sflag:$0x2] =	stream.indirect_vreg.gather [hbm4b:s5+s18], $0x80, v4, vm0, $0xb8;
	[tilespmem:$0x18100] =	vst v63  }
0x199: {  	s19 =	simm.s32 $0x1900  }
0x19a: {  	[tilespmem:s19], [sflag:$0x2] =	stream.indirect_vreg.gather [hbm4b:s3+s18], $0x80, v3, vm0, $0xb8;
	[tilespmem:$0x18100] =	vst v63  }
0x19b: {  	s20 =	simm.s32 $0x2100  }
0x19c: {  	[tilespmem:s20], [sflag:$0x2] =	stream.indirect_vreg.gather [hbm4b:s4+s18], $0x80, v3, vm0, $0xb8;
	[tilespmem:$0x18100] =	vst v63  }
0x19d: {  	s21 =	simm.s32 $0x2900  }
0x19e: {  	[tilespmem:s21], [sflag:$0x2] =	stream.indirect_vreg.gather [hbm4b:s5+s18], $0x80, v3, vm0, $0xb8;
	[tilespmem:$0x18100] =	vst v63  }
0x19f: {  	v3 =	vld [tilespmem:$0x50];
	_ =	sdelay $0x4  }
0x1a0: {  	v4 =	vshrl.u32 v3, $0x3  }
0x1a1: {  	v4 =	vmul.u32 $0x30, v4  }
0x1a2: {  	v3 =	vand.u32 $0x7, v3  }
0x1a3: {  	v3 =	vor.u32 v3, v4  }
0x1a4: {  	v4 =	vperm.xlane v3, v0;
	_ =	sdelay $0x1  }
0x1a5: {  	v4 =	vadd.s32 v1, v4;
	_ =	sdelay $0x3  }
0x1a6: {  	s19 =	simm.s32 $0x3100;
	v3 =	vperm.xlane v3, v2  }
0x1a7: {  	[tilespmem:s19], [sflag:$0x2] =	stream.indirect_vreg.gather [hbm4b:s3+s18], $0x80, v4, vm0, $0xb8;
	[tilespmem:$0x18100] =	vst v63  }
0x1a8: {  	s20 =	simm.s32 $0x3900;
	v3 =	vadd.s32 v1, v3  }
0x1a9: {  	[tilespmem:s20], [sflag:$0x2] =	stream.indirect_vreg.gather [hbm4b:s4+s18], $0x80, v4, vm0, $0xb8;
	[tilespmem:$0x18100] =	vst v63  }
0x1aa: {  	s21 =	simm.s32 $0x4100  }
0x1ab: {  	[tilespmem:s21], [sflag:$0x2] =	stream.indirect_vreg.gather [hbm4b:s5+s18], $0x80, v4, vm0, $0xb8;
	[tilespmem:$0x18100] =	vst v63  }
0x1ac: {  	s19 =	simm.s32 $0x4900  }
0x1ad: {  	[tilespmem:s19], [sflag:$0x2] =	stream.indirect_vreg.gather [hbm4b:s3+s18], $0x80, v3, vm0, $0xb8;
	[tilespmem:$0x18100] =	vst v63  }
0x1ae: {  	s20 =	simm.s32 $0x5100  }
0x1af: {  	[tilespmem:s20], [sflag:$0x2] =	stream.indirect_vreg.gather [hbm4b:s4+s18], $0x80, v3, vm0, $0xb8;
	[tilespmem:$0x18100] =	vst v63  }
0x1b0: {  	s21 =	simm.s32 $0x5900  }
0x1b1: {  	[tilespmem:s21], [sflag:$0x2] =	stream.indirect_vreg.gather [hbm4b:s5+s18], $0x80, v3, vm0, $0xb8;
	[tilespmem:$0x18100] =	vst v63  }
0x1b2: {  	v3 =	vld [tilespmem:$0x60];
	_ =	sdelay $0x4  }
0x1b3: {  	v4 =	vshrl.u32 v3, $0x3  }
0x1b4: {  	v4 =	vmul.u32 $0x30, v4  }
0x1b5: {  	v3 =	vand.u32 $0x7, v3  }
0x1b6: {  	v3 =	vor.u32 v3, v4  }
0x1b7: {  	v4 =	vperm.xlane v3, v0;
	_ =	sdelay $0x1  }
0x1b8: {  	v4 =	vadd.s32 v1, v4;
	_ =	sdelay $0x3  }
0x1b9: {  	s19 =	simm.s32 $0x6100;
	v3 =	vperm.xlane v3, v2  }
0x1ba: {  	[tilespmem:s19], [sflag:$0x2] =	stream.indirect_vreg.gather [hbm4b:s3+s18], $0x80, v4, vm0, $0xb8;
	[tilespmem:$0x18100] =	vst v63  }
0x1bb: {  	s20 =	simm.s32 $0x6900;
	v3 =	vadd.s32 v1, v3  }
0x1bc: {  	[tilespmem:s20], [sflag:$0x2] =	stream.indirect_vreg.gather [hbm4b:s4+s18], $0x80, v4, vm0, $0xb8;
	[tilespmem:$0x18100] =	vst v63  }
0x1bd: {  	s21 =	simm.s32 $0x7100  }
0x1be: {  	[tilespmem:s21], [sflag:$0x2] =	stream.indirect_vreg.gather [hbm4b:s5+s18], $0x80, v4, vm0, $0xb8;
	[tilespmem:$0x18100] =	vst v63  }
0x1bf: {  	s19 =	simm.s32 $0x7900  }
0x1c0: {  	[tilespmem:s19], [sflag:$0x2] =	stream.indirect_vreg.gather [hbm4b:s3+s18], $0x80, v3, vm0, $0xb8;
	[tilespmem:$0x18100] =	vst v63  }
0x1c1: {  	s20 =	simm.s32 $0x8100  }
0x1c2: {  	[tilespmem:s20], [sflag:$0x2] =	stream.indirect_vreg.gather [hbm4b:s4+s18], $0x80, v3, vm0, $0xb8;
	[tilespmem:$0x18100] =	vst v63  }
0x1c3: {  	s21 =	simm.s32 $0x8900  }
0x1c4: {  	[tilespmem:s21], [sflag:$0x2] =	stream.indirect_vreg.gather [hbm4b:s5+s18], $0x80, v3, vm0, $0xb8;
	[tilespmem:$0x18100] =	vst v63  }
0x1c5: {  	v3 =	vld [tilespmem:$0x70];
	_ =	sdelay $0x4  }
0x1c6: {  	v4 =	vshrl.u32 v3, $0x3  }
0x1c7: {  	v4 =	vmul.u32 $0x30, v4  }
0x1c8: {  	v3 =	vand.u32 $0x7, v3  }
0x1c9: {  	v3 =	vor.u32 v3, v4  }
0x1ca: {  	v4 =	vperm.xlane v3, v0;
	_ =	sdelay $0x1  }
0x1cb: {  	v4 =	vadd.s32 v1, v4;
	_ =	sdelay $0x3  }
0x1cc: {  	s19 =	simm.s32 $0x9100;
	v3 =	vperm.xlane v3, v2  }
0x1cd: {  	[tilespmem:s19], [sflag:$0x2] =	stream.indirect_vreg.gather [hbm4b:s3+s18], $0x80, v4, vm0, $0xb8;
	[tilespmem:$0x18100] =	vst v63  }
0x1ce: {  	s20 =	simm.s32 $0x9900;
	v3 =	vadd.s32 v1, v3  }
0x1cf: {  	[tilespmem:s20], [sflag:$0x2] =	stream.indirect_vreg.gather [hbm4b:s4+s18], $0x80, v4, vm0, $0xb8;
	[tilespmem:$0x18100] =	vst v63  }
0x1d0: {  	s21 =	simm.s32 $0xA100  }
0x1d1: {  	[tilespmem:s21], [sflag:$0x2] =	stream.indirect_vreg.gather [hbm4b:s5+s18], $0x80, v4, vm0, $0xb8;
	[tilespmem:$0x18100] =	vst v63  }
0x1d2: {  	s19 =	simm.s32 $0xA900  }
0x1d3: {  	[tilespmem:s19], [sflag:$0x2] =	stream.indirect_vreg.gather [hbm4b:s3+s18], $0x80, v3, vm0, $0xb8;
	[tilespmem:$0x18100] =	vst v63  }
0x1d4: {  	s20 =	simm.s32 $0xB100  }
0x1d5: {  	[tilespmem:s20], [sflag:$0x2] =	stream.indirect_vreg.gather [hbm4b:s4+s18], $0x80, v3, vm0, $0xb8;
	[tilespmem:$0x18100] =	vst v63  }
0x1d6: {  	s21 =	simm.s32 $0xB900  }
0x1d7: {  	[tilespmem:s21], [sflag:$0x2] =	stream.indirect_vreg.gather [hbm4b:s5+s18], $0x80, v3, vm0, $0xb8;
	[tilespmem:$0x18100] =	vst v63  }
0x1d8: {  	v3 =	vld [tilespmem:$0xC0];
	_ =	sdelay $0x4  }
0x1d9: {  	v4 =	vshrl.u32 v3, $0x3  }
0x1da: {  	v4 =	vmul.u32 $0x30, v4  }
0x1db: {  	v3 =	vand.u32 $0x7, v3  }
0x1dc: {  	v3 =	vor.u32 v3, v4  }
0x1dd: {  	v4 =	vperm.xlane v3, v0;
	_ =	sdelay $0x1  }
0x1de: {  	v4 =	vadd.s32 v1, v4;
	_ =	sdelay $0x3  }
0x1df: {  	s19 =	simm.s32 $0xC100;
	v3 =	vperm.xlane v3, v2  }
0x1e0: {  	[tilespmem:s19], [sflag:$0x2] =	stream.indirect_vreg.gather [hbm4b:s3+s18], $0x80, v4, vm0, $0xb8;
	[tilespmem:$0x18100] =	vst v63  }
0x1e1: {  	s20 =	simm.s32 $0xC900;
	v3 =	vadd.s32 v1, v3  }
0x1e2: {  	[tilespmem:s20], [sflag:$0x2] =	stream.indirect_vreg.gather [hbm4b:s4+s18], $0x80, v4, vm0, $0xb8;
	[tilespmem:$0x18100] =	vst v63  }
0x1e3: {  	s21 =	simm.s32 $0xD100  }
0x1e4: {  	[tilespmem:s21], [sflag:$0x2] =	stream.indirect_vreg.gather [hbm4b:s5+s18], $0x80, v4, vm0, $0xb8;
	[tilespmem:$0x18100] =	vst v63  }
0x1e5: {  	s19 =	simm.s32 $0xD900  }
0x1e6: {  	[tilespmem:s19], [sflag:$0x2] =	stream.indirect_vreg.gather [hbm4b:s3+s18], $0x80, v3, vm0, $0xb8;
	[tilespmem:$0x18100] =	vst v63  }
0x1e7: {  	s20 =	simm.s32 $0xE100  }
0x1e8: {  	[tilespmem:s20], [sflag:$0x2] =	stream.indirect_vreg.gather [hbm4b:s4+s18], $0x80, v3, vm0, $0xb8;
	[tilespmem:$0x18100] =	vst v63  }
0x1e9: {  	s21 =	simm.s32 $0xE900  }
0x1ea: {  	[tilespmem:s21], [sflag:$0x2] =	stream.indirect_vreg.gather [hbm4b:s5+s18], $0x80, v3, vm0, $0xb8;
	[tilespmem:$0x18100] =	vst v63  }
0x1eb: {  	v3 =	vld [tilespmem:$0xD0];
	_ =	sdelay $0x4  }
0x1ec: {  	v4 =	vshrl.u32 v3, $0x3  }
0x1ed: {  	v4 =	vmul.u32 $0x30, v4  }
0x1ee: {  	v3 =	vand.u32 $0x7, v3  }
0x1ef: {  	v3 =	vor.u32 v3, v4  }
0x1f0: {  	v4 =	vperm.xlane v3, v0;
	_ =	sdelay $0x1  }
0x1f1: {  	v4 =	vadd.s32 v1, v4;
	_ =	sdelay $0x3  }
0x1f2: {  	s19 =	simm.s32 $0xF100;
	v3 =	vperm.xlane v3, v2  }
0x1f3: {  	[tilespmem:s19], [sflag:$0x2] =	stream.indirect_vreg.gather [hbm4b:s3+s18], $0x80, v4, vm0, $0xb8;
	[tilespmem:$0x18100] =	vst v63  }
0x1f4: {  	v3 =	vadd.s32 v1, v3  }
0x1f5: {  	[tilespmem:s22], [sflag:$0x2] =	stream.indirect_vreg.gather [hbm4b:s4+s18], $0x80, v4, vm0, $0xb8;
	[tilespmem:$0x18100] =	vst v63  }
0x1f6: {  	_ = 	snop  }
0x1f7: {  	[tilespmem:s23], [sflag:$0x2] =	stream.indirect_vreg.gather [hbm4b:s5+s18], $0x80, v4, vm0, $0xb8;
	[tilespmem:$0x18100] =	vst v63  }
0x1f8: {  	_ = 	snop  }
0x1f9: {  	[tilespmem:s24], [sflag:$0x2] =	stream.indirect_vreg.gather [hbm4b:s3+s18], $0x80, v3, vm0, $0xb8;
	[tilespmem:$0x18100] =	vst v63  }
0x1fa: {  	_ = 	snop  }
0x1fb: {  	[tilespmem:s25], [sflag:$0x2] =	stream.indirect_vreg.gather [hbm4b:s4+s18], $0x80, v3, vm0, $0xb8;
	[tilespmem:$0x18100] =	vst v63  }
0x1fc: {  	_ = 	snop  }
0x1fd: {  	[tilespmem:s26], [sflag:$0x2] =	stream.indirect_vreg.gather [hbm4b:s5+s18], $0x80, v3, vm0, $0xb8;
	[tilespmem:$0x18100] =	vst v63  }
0x1fe: {  	v3 =	vld [tilespmem:$0xE0];
	_ =	sdelay $0x4  }
0x1ff: {  	v4 =	vshrl.u32 v3, $0x3  }
0x200: {  	v4 =	vmul.u32 $0x30, v4  }
0x201: {  	v3 =	vand.u32 $0x7, v3  }
0x202: {  	v3 =	vor.u32 v3, v4  }
0x203: {  	v4 =	vperm.xlane v3, v0;
	_ =	sdelay $0x1  }
0x204: {  	v4 =	vadd.s32 v1, v4;
	_ =	sdelay $0x3  }
0x205: {  	v3 =	vperm.xlane v3, v2  }
0x206: {  	[tilespmem:s28], [sflag:$0x2] =	stream.indirect_vreg.gather [hbm4b:s3+s18], $0x80, v4, vm0, $0xb8;
	[tilespmem:$0x18100] =	vst v63  }
0x207: {  	v3 =	vadd.s32 v1, v3  }
0x208: {  	[tilespmem:s8], [sflag:$0x2] =	stream.indirect_vreg.gather [hbm4b:s4+s18], $0x80, v4, vm0, $0xb8;
	[tilespmem:$0x18100] =	vst v63  }
0x209: {  	_ = 	snop  }
0x20a: {  	[tilespmem:s29], [sflag:$0x2] =	stream.indirect_vreg.gather [hbm4b:s5+s18], $0x80, v4, vm0, $0xb8;
	[tilespmem:$0x18100] =	vst v63  }
0x20b: {  	_ = 	snop  }
0x20c: {  	[tilespmem:s30], [sflag:$0x2] =	stream.indirect_vreg.gather [hbm4b:s3+s18], $0x80, v3, vm0, $0xb8;
	[tilespmem:$0x18100] =	vst v63  }
0x20d: {  	_ = 	snop  }
0x20e: {  	[tilespmem:s9], [sflag:$0x2] =	stream.indirect_vreg.gather [hbm4b:s4+s18], $0x80, v3, vm0, $0xb8;
	[tilespmem:$0x18100] =	vst v63  }
0x20f: {  	_ = 	snop  }
0x210: {  	[tilespmem:s31], [sflag:$0x2] =	stream.indirect_vreg.gather [hbm4b:s5+s18], $0x80, v3, vm0, $0xb8;
	[tilespmem:$0x18100] =	vst v63  }
0x211: {  	v3 =	vld [tilespmem:$0xF0];
	_ =	sdelay $0x4  }
0x212: {  	v4 =	vshrl.u32 v3, $0x3  }
0x213: {  	v4 =	vmul.u32 $0x30, v4  }
0x214: {  	v3 =	vand.u32 $0x7, v3  }
0x215: {  	v3 =	vor.u32 v3, v4  }
0x216: {  	v4 =	vperm.xlane v3, v0;
	_ =	sdelay $0x1  }
0x217: {  	v4 =	vadd.s32 v1, v4;
	_ =	sdelay $0x3  }
0x218: {  	v3 =	vperm.xlane v3, v2  }
0x219: {  	[tilespmem:s10], [sflag:$0x2] =	stream.indirect_vreg.gather [hbm4b:s3+s18], $0x80, v4, vm0, $0xb8;
	[tilespmem:$0x18100] =	vst v63  }
0x21a: {  	v3 =	vadd.s32 v1, v3  }
0x21b: {  	[tilespmem:s0], [sflag:$0x2] =	stream.indirect_vreg.gather [hbm4b:s4+s18], $0x80, v4, vm0, $0xb8;
	[tilespmem:$0x18100] =	vst v63  }
0x21c: {  	_ = 	snop  }
0x21d: {  	[tilespmem:s1], [sflag:$0x2] =	stream.indirect_vreg.gather [hbm4b:s5+s18], $0x80, v4, vm0, $0xb8;
	[tilespmem:$0x18100] =	vst v63  }
0x21e: {  	_ = 	snop  }
0x21f: {  	[tilespmem:s11], [sflag:$0x2] =	stream.indirect_vreg.gather [hbm4b:s3+s18], $0x80, v3, vm0, $0xb8;
	[tilespmem:$0x18100] =	vst v63  }
0x220: {  	_ = 	snop  }
0x221: {  	[tilespmem:s2], [sflag:$0x2] =	stream.indirect_vreg.gather [hbm4b:s4+s18], $0x80, v3, vm0, $0xb8;
	[tilespmem:$0x18100] =	vst v63  }
0x222: {  	_ = 	snop  }
0x223: {  	[tilespmem:s14], [sflag:$0x2] =	stream.indirect_vreg.gather [hbm4b:s5+s18], $0x80, v3, vm0, $0xb8;
	[tilespmem:$0x18100] =	vst v63  }
0x224: {  	_ =	swait.ge [sflag:s15], $0xC000  }
0x225: {  	[sflag:s15] =	ssyncset.done $0x0  }
0x226: {  	s20 =	simm.s32 $0x0;
	[sflag:s15] =	ssyncadd.s32 $0xFFFF4000  }
0x227: {  	s6 =	smul.u32 $0x1800, s20;
	_ =	swait.ge [sflag:s15], $0xC000  }
0x228: {  	s21 =	sand.u32 $0x380, s18;
	[sflag:s15] =	ssyncset.done $0x0  }
0x229: {  	s19 =	sor.u32 s21, s6;
	[sflag:s15] =	ssyncadd.s32 $0xFFFF4000  }
0x22a: {  	v12 =	vld [tilespmem:s19+$0xC100]  }
0x22b: {  	v13 =	vld [tilespmem:s19+$0xC110]  }
0x22c: {  	v14 =	vld [tilespmem:s19+$0xC120]  }
0x22d: {  	v15 =	vld [tilespmem:s19+$0xC130]  }
0x22e: {  	v16 =	vld [tilespmem:s19+$0xC140]  }
0x22f: {  	v17 =	vld [tilespmem:s19+$0xC150]  }
0x230: {  	v18 =	vld [tilespmem:s19+$0xC160]  }
0x231: {  	v19 =	vld [tilespmem:s19+$0xC170]  }
0x232: {  	v20 =	vld [tilespmem:s19+$0xC500]  }
0x233: {  	v21 =	vld [tilespmem:s19+$0xC510]  }
0x234: {  	v22 =	vld [tilespmem:s19+$0xC520]  }
0x235: {  	v23 =	vld [tilespmem:s19+$0xC530]  }
0x236: {  	v24 =	vld [tilespmem:s19+$0xC540]  }
0x237: {  	v25 =	vld [tilespmem:s19+$0xC550]  }
0x238: {  	v26 =	vld [tilespmem:s19+$0xC560]  }
0x239: {  	v27 =	vld [tilespmem:s19+$0xC570]  }
0x23a: {  	v28 =	vld [tilespmem:s19+$0xC900]  }
0x23b: {  	v29 =	vld [tilespmem:s19+$0xC910]  }
0x23c: {  	v30 =	vld [tilespmem:s19+$0xC920]  }
0x23d: {  	v31 =	vld [tilespmem:s19+$0xC930]  }
0x23e: {  	v32 =	vld [tilespmem:s19+$0xC940]  }
0x23f: {  	v33 =	vld [tilespmem:s19+$0xC950]  }
0x240: {  	v34 =	vld [tilespmem:s19+$0xC960]  }
0x241: {  	v35 =	vld [tilespmem:s19+$0xC970]  }
0x242: {  	v36 =	vld [tilespmem:s19+$0xCD00]  }
0x243: {  	v37 =	vld [tilespmem:s19+$0xCD10]  }
0x244: {  	v38 =	vld [tilespmem:s19+$0xCD20]  }
0x245: {  	v39 =	vld [tilespmem:s19+$0xCD30]  }
0x246: {  	v40 =	vld [tilespmem:s19+$0xCD40]  }
0x247: {  	v41 =	vld [tilespmem:s19+$0xCD50]  }
0x248: {  	v42 =	vld [tilespmem:s19+$0xCD60]  }
0x249: {  	v43 =	vld [tilespmem:s19+$0xCD70]  }
0x24a: {  	v44 =	vld [tilespmem:s19+$0xD100]  }
0x24b: {  	v45 =	vld [tilespmem:s19+$0xD110]  }
0x24c: {  	v46 =	vld [tilespmem:s19+$0xD120]  }
0x24d: {  	v47 =	vld [tilespmem:s19+$0xD130]  }
0x24e: {  	v48 =	vld [tilespmem:s19+$0xD140]  }
0x24f: {  	v49 =	vld [tilespmem:s19+$0xD150]  }
0x250: {  	v50 =	vld [tilespmem:s19+$0xD160]  }
0x251: {  	v11 =	vld [tilespmem:s19+$0xD170]  }
0x252: {  	v10 =	vld [tilespmem:s19+$0xD500]  }
0x253: {  	v9 =	vld [tilespmem:s19+$0xD510]  }
0x254: {  	v8 =	vld [tilespmem:s19+$0xD520]  }
0x255: {  	v7 =	vld [tilespmem:s19+$0xD530]  }
0x256: {  	v6 =	vld [tilespmem:s19+$0xD540]  }
0x257: {  	v51 =	vld [tilespmem:s19+$0x100]  }
0x258: {  	v52 =	vld [tilespmem:s19+$0x110]  }
0x259: {  	v53 =	vld [tilespmem:s19+$0x120]  }
0x25a: {  	v54 =	vld [tilespmem:s19+$0x130]  }
0x25b: {  	v55 =	vld [tilespmem:s19+$0x140]  }
0x25c: {  	v62 =	vld [tilespmem:s19+$0x150];
	v12 =	vadd.f32 v12, v51  }
0x25d: {  	v63 =	vld [tilespmem:s19+$0x160];
	v13 =	vadd.f32 v13, v52  }
0x25e: {  	[tilespmem:s19+$0x100] =	vst v12;
	v12 =	vadd.f32 v14, v53;
	v14 =	vld [tilespmem:s19+$0x170]  }
0x25f: {  	[tilespmem:s19+$0x110] =	vst v13;
	v13 =	vadd.f32 v15, v54;
	v15 =	vld [tilespmem:s19+$0x500]  }
0x260: {  	[tilespmem:s19+$0x120] =	vst v12;
	v12 =	vadd.f32 v16, v55;
	v16 =	vld [tilespmem:s19+$0x510]  }
0x261: {  	[tilespmem:s19+$0x130] =	vst v13;
	v13 =	vadd.f32 v17, v62;
	v17 =	vld [tilespmem:s19+$0x520]  }
0x262: {  	v5 =	vld [tilespmem:s19+$0xD550]  }
0x263: {  	[tilespmem:s19+$0x140] =	vst v12;
	v12 =	vadd.f32 v18, v63;
	v18 =	vld [tilespmem:s19+$0x570]  }
0x264: {  	[tilespmem:s19+$0x150] =	vst v13;
	v13 =	vadd.f32 v19, v14;
	v14 =	vld [tilespmem:s19+$0x530]  }
0x265: {  	[tilespmem:s19+$0x160] =	vst v12;
	v12 =	vadd.f32 v20, v15;
	v15 =	vld [tilespmem:s19+$0x540]  }
0x266: {  	[tilespmem:s19+$0x170] =	vst v13;
	v13 =	vadd.f32 v21, v16;
	v16 =	vadd.f32 v22, v17;
	v17 =	vld [tilespmem:s19+$0x560]  }
0x267: {  	[tilespmem:s19+$0x500] =	vst v12;
	v12 =	vld [tilespmem:s19+$0x550]  }
0x268: {  	[tilespmem:s19+$0x510] =	vst v13;
	v13 =	vld [tilespmem:s19+$0x900];
	v18 =	vadd.f32 v27, v18  }
0x269: {  	[tilespmem:s19+$0x520] =	vst v16;
	v16 =	vld [tilespmem:s19+$0x910];
	v14 =	vadd.f32 v23, v14  }
0x26a: {  	v4 =	vld [tilespmem:s19+$0xD560];
	v15 =	vadd.f32 v24, v15;
	[tilespmem:s19+$0x570] =	vst v18  }
0x26b: {  	[tilespmem:s19+$0x530] =	vst v14;
	v14 =	vld [tilespmem:s19+$0x920];
	v17 =	vadd.f32 v26, v17  }
0x26c: {  	v12 =	vadd.f32 v25, v12;
	[tilespmem:s19+$0x540] =	vst v15;
	v15 =	vld [tilespmem:s19+$0x930]  }
0x26d: {  	v18 =	vld [tilespmem:s19+$0x970];
	[tilespmem:s19+$0x560] =	vst v17;
	v13 =	vadd.f32 v28, v13  }
0x26e: {  	v16 =	vadd.f32 v29, v16;
	[tilespmem:s19+$0x550] =	vst v12;
	v12 =	vld [tilespmem:s19+$0x940]  }
0x26f: {  	v17 =	vld [tilespmem:s19+$0x950];
	[tilespmem:s19+$0x900] =	vst v13  }
0x270: {  	[tilespmem:s19+$0x910] =	vst v16;
	v16 =	vld [tilespmem:s19+$0x960];
	v13 =	vadd.f32 v30, v14  }
0x271: {  	v14 =	vld [tilespmem:s19+$0xD00];
	v15 =	vadd.f32 v31, v15  }
0x272: {  	[tilespmem:s19+$0x920] =	vst v13;
	v13 =	vld [tilespmem:s19+$0xD10]  }
0x273: {  	v12 =	vadd.f32 v32, v12;
	[tilespmem:s19+$0x930] =	vst v15;
	v15 =	vld [tilespmem:s19+$0xD20]  }
0x274: {  	v3 =	vld [tilespmem:s19+$0xD570];
	v17 =	vadd.f32 v33, v17  }
0x275: {  	v16 =	vadd.f32 v34, v16;
	[tilespmem:s19+$0x940] =	vst v12;
	v12 =	vld [tilespmem:s19+$0xD30]  }
0x276: {  	[tilespmem:s19+$0x950] =	vst v17;
	v17 =	vld [tilespmem:s19+$0xD40];
	v14 =	vadd.f32 v36, v14  }
0x277: {  	v18 =	vadd.f32 v35, v18;
	[tilespmem:s19+$0x960] =	vst v16;
	v16 =	vld [tilespmem:s19+$0xD50]  }
0x278: {  	v13 =	vadd.f32 v37, v13;
	[tilespmem:s19+$0xD00] =	vst v14;
	v14 =	vadd.f32 v38, v15;
	v15 =	vld [tilespmem:s19+$0xD60]  }
0x279: {  	[tilespmem:s19+$0x970] =	vst v18;
	v18 =	vld [tilespmem:s19+$0xD70]  }
0x27a: {  	[tilespmem:s19+$0xD10] =	vst v13;
	v13 =	vld [tilespmem:s19+$0x1100];
	v12 =	vadd.f32 v39, v12  }
0x27b: {  	v17 =	vadd.f32 v40, v17;
	[tilespmem:s19+$0xD20] =	vst v14;
	v14 =	vld [tilespmem:s19+$0x1110]  }
0x27c: {  	v16 =	vadd.f32 v41, v16;
	[tilespmem:s19+$0xD30] =	vst v12;
	v12 =	vld [tilespmem:s19+$0x1120]  }
0x27d: {  	[tilespmem:s19+$0xD40] =	vst v17;
	v17 =	vld [tilespmem:s19+$0x1130];
	v15 =	vadd.f32 v42, v15  }
0x27e: {  	v19 =	vld [tilespmem:s19+$0x1140];
	[tilespmem:s19+$0xD50] =	vst v16;
	v16 =	vadd.f32 v43, v18  }
0x27f: {  	v18 =	vld [tilespmem:s19+$0x1150];
	v13 =	vadd.f32 v44, v13;
	[tilespmem:s19+$0xD60] =	vst v15  }
0x280: {  	v20 =	vld [tilespmem:s19+$0x1160];
	[tilespmem:s19+$0xD70] =	vst v16;
	v14 =	vadd.f32 v45, v14  }
0x281: {  	v16 =	vld [tilespmem:s19+$0x1170];
	[tilespmem:s19+$0x1100] =	vst v13;
	v12 =	vadd.f32 v46, v12  }
0x282: {  	v15 =	vld [tilespmem:s19+$0x1500];
	v13 =	vadd.f32 v47, v17;
	[tilespmem:s19+$0x1110] =	vst v14  }
0x283: {  	v14 =	vld [tilespmem:s19+$0x1510];
	[tilespmem:s19+$0x1120] =	vst v12;
	v12 =	vadd.f32 v48, v19  }
0x284: {  	[tilespmem:s19+$0x1130] =	vst v13;
	v13 =	vld [tilespmem:s19+$0x1520];
	v18 =	vadd.f32 v49, v18  }
0x285: {  	s20 =	simm.s32 $0x1;
	v17 =	vadd.f32 v50, v20;
	[tilespmem:s19+$0x1140] =	vst v12;
	v12 =	vld [tilespmem:s19+$0x1530]  }
.LBB2_5:
0x286: {  	s6 =	sshrl.u32 s20, $0x3;
	p0 =	sne.s32 s20, $0x3F;
	[tilespmem:s19+$0x1150] =	vst v18;
	v11 =	vadd.f32 v11, v16;
	v16 =	vld [tilespmem:s19+$0x1540]  }
0x287: {  	s18 =	sadd.s32 $0x80, s18;
	s6 =	smul.u32 $0x1800, s6;
	[tilespmem:s19+$0x1160] =	vst v17;
	v10 =	vadd.f32 v10, v15;
	v15 =	vld [tilespmem:s19+$0x1550]  }
0x288: {  	s21 =	sand.u32 $0x380, s18;
	[tilespmem:s19+$0x1170] =	vst v11;
	v9 =	vadd.f32 v9, v14;
	v11 =	vld [tilespmem:s19+$0x1560]  }
0x289: {  	s6 =	sor.u32 s21, s6;
	[tilespmem:s19+$0x1500] =	vst v10;
	v8 =	vadd.f32 v8, v13;
	v10 =	vld [tilespmem:s19+$0x1570]  }
0x28a: {  	v39 =	vld [tilespmem:s6+$0xC100];
	[tilespmem:s19+$0x1510] =	vst v9;
	v7 =	vadd.f32 v7, v12  }
0x28b: {  	v40 =	vld [tilespmem:s6+$0xC110];
	[tilespmem:s19+$0x1520] =	vst v8;
	v6 =	vadd.f32 v6, v16  }
0x28c: {  	v41 =	vld [tilespmem:s6+$0xC120];
	[tilespmem:s19+$0x1530] =	vst v7;
	v5 =	vadd.f32 v5, v15  }
0x28d: {  	v42 =	vld [tilespmem:s6+$0xC130];
	[tilespmem:s19+$0x1540] =	vst v6;
	v4 =	vadd.f32 v4, v11  }
0x28e: {  	v43 =	vld [tilespmem:s6+$0xC140];
	[tilespmem:s19+$0x1550] =	vst v5;
	v3 =	vadd.f32 v3, v10  }
0x28f: {  	v44 =	vld [tilespmem:s6+$0xC150];
	[tilespmem:s19+$0x1560] =	vst v4  }
0x290: {  	v45 =	vld [tilespmem:s6+$0xC160];
	[tilespmem:s19+$0x1570] =	vst v3;
	s19 =	smov.u32 s6  }
0x291: {  	v46 =	vld [tilespmem:s19+$0xC170]  }
0x292: {  	v47 =	vld [tilespmem:s19+$0xC500]  }
0x293: {  	v48 =	vld [tilespmem:s19+$0xC510]  }
0x294: {  	v49 =	vld [tilespmem:s19+$0xC520]  }
0x295: {  	v50 =	vld [tilespmem:s19+$0xC530]  }
0x296: {  	v38 =	vld [tilespmem:s19+$0xC540]  }
0x297: {  	v37 =	vld [tilespmem:s19+$0xC550]  }
0x298: {  	v36 =	vld [tilespmem:s19+$0xC560]  }
0x299: {  	v35 =	vld [tilespmem:s19+$0xC570]  }
0x29a: {  	v34 =	vld [tilespmem:s19+$0xC900]  }
0x29b: {  	v33 =	vld [tilespmem:s19+$0xC910]  }
0x29c: {  	v32 =	vld [tilespmem:s19+$0xC920]  }
0x29d: {  	v31 =	vld [tilespmem:s19+$0xC930]  }
0x29e: {  	v30 =	vld [tilespmem:s19+$0xC940]  }
0x29f: {  	v29 =	vld [tilespmem:s19+$0xC950]  }
0x2a0: {  	v28 =	vld [tilespmem:s19+$0xC960]  }
0x2a1: {  	v27 =	vld [tilespmem:s19+$0xC970]  }
0x2a2: {  	v26 =	vld [tilespmem:s19+$0xCD00]  }
0x2a3: {  	v25 =	vld [tilespmem:s19+$0xCD10]  }
0x2a4: {  	v24 =	vld [tilespmem:s19+$0xCD20]  }
0x2a5: {  	v23 =	vld [tilespmem:s19+$0xCD30]  }
0x2a6: {  	v22 =	vld [tilespmem:s19+$0xCD40]  }
0x2a7: {  	v21 =	vld [tilespmem:s19+$0xCD50]  }
0x2a8: {  	v20 =	vld [tilespmem:s19+$0xCD60]  }
0x2a9: {  	v19 =	vld [tilespmem:s19+$0xCD70]  }
0x2aa: {  	v18 =	vld [tilespmem:s19+$0xD100]  }
0x2ab: {  	v17 =	vld [tilespmem:s19+$0xD110]  }
0x2ac: {  	v16 =	vld [tilespmem:s19+$0xD120]  }
0x2ad: {  	v15 =	vld [tilespmem:s19+$0xD130]  }
0x2ae: {  	v14 =	vld [tilespmem:s19+$0xD140]  }
0x2af: {  	v13 =	vld [tilespmem:s19+$0xD150]  }
0x2b0: {  	v12 =	vld [tilespmem:s19+$0xD160]  }
0x2b1: {  	v11 =	vld [tilespmem:s19+$0xD170]  }
0x2b2: {  	v10 =	vld [tilespmem:s19+$0xD500]  }
0x2b3: {  	v9 =	vld [tilespmem:s19+$0xD510]  }
0x2b4: {  	v8 =	vld [tilespmem:s19+$0xD520]  }
0x2b5: {  	v7 =	vld [tilespmem:s19+$0xD530]  }
0x2b6: {  	v6 =	vld [tilespmem:s19+$0xD540]  }
0x2b7: {  	v5 =	vld [tilespmem:s19+$0xD550]  }
0x2b8: {  	v4 =	vld [tilespmem:s19+$0xD560]  }
0x2b9: {  	v3 =	vld [tilespmem:s19+$0xD570]  }
0x2ba: {  	v51 =	vld [tilespmem:s19+$0x100]  }
0x2bb: {  	v52 =	vld [tilespmem:s19+$0x110]  }
0x2bc: {  	v53 =	vld [tilespmem:s19+$0x120]  }
0x2bd: {  	v54 =	vld [tilespmem:s19+$0x130]  }
0x2be: {  	v55 =	vld [tilespmem:s19+$0x140]  }
0x2bf: {  	v39 =	vadd.f32 v39, v51;
	v51 =	vld [tilespmem:s19+$0x150]  }
0x2c0: {  	v40 =	vadd.f32 v40, v52;
	v52 =	vld [tilespmem:s19+$0x160]  }
0x2c1: {  	[tilespmem:s19+$0x100] =	vst v39;
	v39 =	vadd.f32 v41, v53;
	v41 =	vld [tilespmem:s19+$0x170]  }
0x2c2: {  	[tilespmem:s19+$0x110] =	vst v40;
	v40 =	vadd.f32 v42, v54;
	v42 =	vld [tilespmem:s19+$0x500]  }
0x2c3: {  	[tilespmem:s19+$0x120] =	vst v39;
	v39 =	vadd.f32 v43, v55;
	v43 =	vld [tilespmem:s19+$0x510]  }
0x2c4: {  	[tilespmem:s19+$0x130] =	vst v40;
	v40 =	vadd.f32 v44, v51;
	v44 =	vld [tilespmem:s19+$0x520]  }
0x2c5: {  	[tilespmem:s19+$0x140] =	vst v39;
	v39 =	vadd.f32 v45, v52;
	v45 =	vld [tilespmem:s19+$0x530]  }
0x2c6: {  	[tilespmem:s19+$0x150] =	vst v40;
	v40 =	vadd.f32 v46, v41;
	v41 =	vld [tilespmem:s19+$0x540]  }
0x2c7: {  	[tilespmem:s19+$0x160] =	vst v39;
	v39 =	vadd.f32 v47, v42;
	v42 =	vld [tilespmem:s19+$0x550]  }
0x2c8: {  	[tilespmem:s19+$0x170] =	vst v40;
	v40 =	vadd.f32 v48, v43;
	v43 =	vld [tilespmem:s19+$0x560]  }
0x2c9: {  	[tilespmem:s19+$0x500] =	vst v39;
	v39 =	vadd.f32 v49, v44;
	v44 =	vld [tilespmem:s19+$0x570]  }
0x2ca: {  	[tilespmem:s19+$0x510] =	vst v40;
	v40 =	vadd.f32 v50, v45;
	v45 =	vld [tilespmem:s19+$0x900]  }
0x2cb: {  	[tilespmem:s19+$0x520] =	vst v39;
	v38 =	vadd.f32 v38, v41;
	v39 =	vld [tilespmem:s19+$0x910]  }
0x2cc: {  	[tilespmem:s19+$0x530] =	vst v40;
	v37 =	vadd.f32 v37, v42;
	v40 =	vld [tilespmem:s19+$0x920]  }
0x2cd: {  	[tilespmem:s19+$0x540] =	vst v38;
	v36 =	vadd.f32 v36, v43;
	v38 =	vld [tilespmem:s19+$0x930]  }
0x2ce: {  	[tilespmem:s19+$0x550] =	vst v37;
	v35 =	vadd.f32 v35, v44;
	v37 =	vld [tilespmem:s19+$0x940]  }
0x2cf: {  	[tilespmem:s19+$0x560] =	vst v36;
	v34 =	vadd.f32 v34, v45;
	v36 =	vld [tilespmem:s19+$0x950]  }
0x2d0: {  	[tilespmem:s19+$0x570] =	vst v35;
	v33 =	vadd.f32 v33, v39;
	v35 =	vld [tilespmem:s19+$0x960]  }
0x2d1: {  	[tilespmem:s19+$0x900] =	vst v34;
	v32 =	vadd.f32 v32, v40;
	v34 =	vld [tilespmem:s19+$0x970]  }
0x2d2: {  	[tilespmem:s19+$0x910] =	vst v33;
	v31 =	vadd.f32 v31, v38;
	v33 =	vld [tilespmem:s19+$0xD00]  }
0x2d3: {  	[tilespmem:s19+$0x920] =	vst v32;
	v30 =	vadd.f32 v30, v37;
	v32 =	vld [tilespmem:s19+$0xD10]  }
0x2d4: {  	[tilespmem:s19+$0x930] =	vst v31;
	v29 =	vadd.f32 v29, v36;
	v31 =	vld [tilespmem:s19+$0xD20]  }
0x2d5: {  	[tilespmem:s19+$0x940] =	vst v30;
	v28 =	vadd.f32 v28, v35;
	v30 =	vld [tilespmem:s19+$0xD30]  }
0x2d6: {  	[tilespmem:s19+$0x950] =	vst v29;
	v27 =	vadd.f32 v27, v34;
	v29 =	vld [tilespmem:s19+$0xD40]  }
0x2d7: {  	[tilespmem:s19+$0x960] =	vst v28;
	v26 =	vadd.f32 v26, v33;
	v28 =	vld [tilespmem:s19+$0xD50]  }
0x2d8: {  	[tilespmem:s19+$0x970] =	vst v27;
	v25 =	vadd.f32 v25, v32;
	v27 =	vld [tilespmem:s19+$0xD60]  }
0x2d9: {  	[tilespmem:s19+$0xD00] =	vst v26;
	v24 =	vadd.f32 v24, v31;
	v26 =	vld [tilespmem:s19+$0xD70]  }
0x2da: {  	[tilespmem:s19+$0xD10] =	vst v25;
	v23 =	vadd.f32 v23, v30;
	v25 =	vld [tilespmem:s19+$0x1100]  }
0x2db: {  	[tilespmem:s19+$0xD20] =	vst v24;
	v22 =	vadd.f32 v22, v29;
	v24 =	vld [tilespmem:s19+$0x1110]  }
0x2dc: {  	[tilespmem:s19+$0xD30] =	vst v23;
	v21 =	vadd.f32 v21, v28;
	v23 =	vld [tilespmem:s19+$0x1120]  }
0x2dd: {  	[tilespmem:s19+$0xD40] =	vst v22;
	v20 =	vadd.f32 v20, v27;
	v22 =	vld [tilespmem:s19+$0x1130]  }
0x2de: {  	[tilespmem:s19+$0xD50] =	vst v21;
	v19 =	vadd.f32 v19, v26;
	v21 =	vld [tilespmem:s19+$0x1140]  }
0x2df: {  	[tilespmem:s19+$0xD60] =	vst v20;
	v18 =	vadd.f32 v18, v25;
	v20 =	vld [tilespmem:s19+$0x1150]  }
0x2e0: {  	[tilespmem:s19+$0xD70] =	vst v19;
	v17 =	vadd.f32 v17, v24;
	v19 =	vld [tilespmem:s19+$0x1160]  }
.Ltmp2:
0x2e1: {  	[tilespmem:s19+$0x1100] =	vst v18;
	v18 =	vadd.f32 v16, v23;
	v16 =	vld [tilespmem:s19+$0x1170];
	(pc) =	sbr.rel @p0 .LBB2_5-.Ltmp2, $4  }
0x2e2: {  	[tilespmem:s19+$0x1110] =	vst v17;
	v17 =	vadd.f32 v15, v22;
	v15 =	vld [tilespmem:s19+$0x1500]  }
0x2e3: {  	[tilespmem:s19+$0x1120] =	vst v18;
	v21 =	vadd.f32 v14, v21;
	v14 =	vld [tilespmem:s19+$0x1510]  }
0x2e4: {  	[tilespmem:s19+$0x1130] =	vst v17;
	v18 =	vadd.f32 v13, v20;
	v13 =	vld [tilespmem:s19+$0x1520]  }
0x2e5: {  	s20 =	sadd.s32 $0x1, s20;
	[tilespmem:s19+$0x1140] =	vst v21;
	v17 =	vadd.f32 v12, v19;
	v12 =	vld [tilespmem:s19+$0x1530]  }
0x2e6: {  	[tilespmem:s19+$0x1150] =	vst v18;
	v60 =	vld [tilespmem:s19+$0x1540];
	v11 =	vadd.f32 v11, v16  }
0x2e7: {  	v61 =	vld [tilespmem:s19+$0x1550];
	[tilespmem:s19+$0x1160] =	vst v17;
	v10 =	vadd.f32 v10, v15  }
0x2e8: {  	v62 =	vld [tilespmem:s19+$0x1560];
	[tilespmem:s19+$0x1170] =	vst v11;
	v9 =	vadd.f32 v9, v14  }
0x2e9: {  	v63 =	vld [tilespmem:s19+$0x1570];
	[tilespmem:s19+$0x1500] =	vst v10;
	v8 =	vadd.f32 v8, v13  }
0x2ea: {  	[tilespmem:s19+$0x1510] =	vst v9;
	v7 =	vadd.f32 v7, v12  }
0x2eb: {  	[tilespmem:s19+$0x1520] =	vst v8;
	v6 =	vadd.f32 v6, v60  }
0x2ec: {  	v5 =	vadd.f32 v5, v61;
	[tilespmem:s19+$0x1530] =	vst v7  }
0x2ed: {  	v4 =	vadd.f32 v4, v62;
	[tilespmem:s19+$0x1540] =	vst v6  }
0x2ee: {  	v3 =	vadd.f32 v3, v63;
	[tilespmem:s19+$0x1550] =	vst v5  }
0x2ef: {  	[tilespmem:s19+$0x1560] =	vst v4  }
0x2f0: {  	s6 =	simm.s32 $0x0;
	s18 =	rddreg [dreg:$0x4];
	[tilespmem:s19+$0x1570] =	vst v3  }
0x2f1: {  	[hbm4b:s18+s6] =	stream.linear.scatter [tilespmem:s13], [sflag:$0x3], $0xC000, $0x38;
	[tilespmem:$0x18100] =	vst v63  }
0x2f2: {  	_ =	swait.ge [sflag:s16], $0xC000  }
0x2f3: {  	s17 =	sadd.s32 $0x1, s17;
	s21 =	rddreg [dreg:$0x6]  }
0x2f4: {  	p0 =	sne.s32 s17, s21  }
.Ltmp3:
0x2f5: {  	_ = 	snop;
	(pc) =	sbr.rel @p0 .LBB2_2-.Ltmp3, $3  }
0x2f6: {  	_ =	sdelay $0x1  }
0x2f7: {  	[sflag:s16] =	ssyncset.done $0x0  }
0x2f8: {  	[sflag:s16] =	ssyncadd.s32 $0xFFFF4000  }
.LBB2_7:
0x2f9: {  	_ =	sfence.sel $0x180000  }
0x2fa: {  	[bflag:$0x0] =	sbarrier.arrive $0xFFFF  }
0x2fb: {  	_ =	strace $0x9000004A  }
0x2fc: {  	s0 =	stileid.u32;
	[bflag:$0x2] =	sbarrier.arrive $0xFFFF  }
0x2fd: {  	p0 =	sne.s32 s0, $0x0;
	s0 =	rddreg [dreg:$0x2]  }
0x2fe: {  	s0 =	sadd.s32 @!p0 $0x100000, s0  }
0x2ff: {  	[sflag:s0] =	ssyncadd.tile.s32 @!p0 $0x1;
	_ =	shalt  }
.Lfunc_end2:
_tile_overlayer_lowered:
.L_overlay_start_2:
0x300: {  	(tag) =	ssettag $0x2  }
0x301: {  	s0 =	rddreg [dreg:$0x0];
	s2 =	stileid.u32  }
0x302: {  	s1 =	rddreg [dreg:$0x1];
	p0 =	sne.s32 s2, $0x0  }
0x303: {  	s3 =	rddreg [dreg:$0x2];
	[bflag:$0x3] =	sbarrier.arrive $0xFFFF;
	s2 =	simm.s32 @!p0 $0x1C03  }
0x304: {  	[timem:s3], [sflag:s2] =	dma.local @!p0 [hbm:s0], s1  }
0x305: {  	s0 =	simm.s32 @!p0 $0x3  }
0x306: {  	_ =	swait.ge @!p0 [sflag:s0], s1  }
0x307: {  	s1 =	ssub.s32 @!p0 $0x0, s1;
	[sflag:s0] =	ssyncset.done @!p0 $0x0  }
0x308: {  	[sflag:s0] =	ssyncadd.s32 @!p0 s1  }
0x309: {  	[bflag:$0x3] =	sbarrier.arrive $0xFFFF  }
0x30a: {  	_ =	shalt  }

</sc_bundles>
